<compile_context>
chip_gen: v7x
topology: tpu7x:2x2x1
jax: 0.10.2.dev20260603
libtpu: 0.0.44.dev20260713+nightly
codegen_flags: <defaults>
</compile_context>

<pallas_src>
import functools
import jax
import jax.numpy as jnp
from jax import lax
from jax.experimental import pallas as pl
from jax.experimental.pallas import tpu as pltpu
from jax.experimental.pallas import tpu_sc as plsc

_NC, _NS = 2, 16
_NW = _NC * _NS
_CH = 8
_NPH = 3


def kernel(x, pos_table):
    B, S, D = x.shape
    pos = pos_table[:S]
    rows_per_w = S // _NW
    n_ch = rows_per_w // _CH
    n_main = (n_ch // _NPH) * _NPH
    mesh = plsc.VectorSubcoreMesh(core_axis_name="c", subcore_axis_name="s")

    @functools.partial(
        pl.kernel,
        out_type=jax.ShapeDtypeStruct((B, S, D), x.dtype),
        mesh=mesh,
        scratch_types=(
            [pltpu.VMEM((_CH, D), jnp.float32) for _ in range(_NPH)]
            + [pltpu.VMEM((B, _CH, D), jnp.float32) for _ in range(_NPH)]
            + [pltpu.SemaphoreType.DMA] * (3 * _NPH)
        ),
    )
    def sc_add(x_hbm, pos_hbm, out_hbm, *bufs):
        pb = bufs[0:_NPH]
        xb = bufs[_NPH:2 * _NPH]
        ps = bufs[2 * _NPH:3 * _NPH]
        xs = bufs[3 * _NPH:4 * _NPH]
        osm = bufs[4 * _NPH:5 * _NPH]
        wid = lax.axis_index("s") * _NC + lax.axis_index("c")
        s0 = wid * rows_per_w

        def fire_inputs(k, p):
            srow = s0 + k * _CH
            pltpu.async_copy(pos_hbm.at[pl.ds(srow, _CH)], pb[p], ps[p])
            pltpu.async_copy(x_hbm.at[:, pl.ds(srow, _CH)], xb[p], xs[p])

        def drain(sem, dst, src):
            pltpu.make_async_copy(src, dst, sem).wait()

        def drain_outs(p):
            drain(osm[p], xb[p], x_hbm.at[:, pl.ds(0, _CH)])

        def do_step(k, p, static_k=None):
            np1 = (p + 1) % _NPH

            def _drain_prev():
                drain_outs(np1)

            def _fire_next():
                fire_inputs(k + 1, np1)

            if static_k is None:
                pl.when(k >= _NPH - 1)(_drain_prev)
                pl.when(k + 1 < n_ch)(_fire_next)
            else:
                if static_k >= _NPH - 1:
                    _drain_prev()
                if static_k + 1 < n_ch:
                    _fire_next()

            drain(ps[p], pb[p], pos_hbm.at[pl.ds(0, _CH)])
            drain(xs[p], xb[p], x_hbm.at[:, pl.ds(0, _CH)])

            @plsc.parallel_loop(0, D // 16)
            def col(c):
                sl = pl.ds(c * 16, 16)
                for r in range(_CH):
                    pv = pb[p][r, sl]
                    for b in range(B):
                        xb[p][b, r, sl] = xb[p][b, r, sl] + pv

            srow = s0 + k * _CH
            pltpu.async_copy(xb[p], out_hbm.at[:, pl.ds(srow, _CH)], osm[p])

        fire_inputs(0, 0)

        def step(kk, carry):
            for j in range(_NPH):
                do_step(_NPH * kk + j, j)
            return carry

        lax.fori_loop(0, n_main // _NPH, step, 0)
        for k in range(n_main, n_ch):
            do_step(k, k % _NPH, static_k=k)
        for k in range(max(n_ch - (_NPH - 1), 0), n_ch):
            drain_outs(k % _NPH)

    return sc_add(x, pos)

# --- scband reference (transcript-rebuilt; emitter-appended) ---
"""Pipeline reference for scband-learned-positional-encoding1-d-14508399526755 (READ-ONLY COPY).

The authoritative reference and input builder live on the scoring server;
editing this copy changes nothing except your own understanding.
"""

import jax, jax.numpy as jnp
import numpy as np

MAX_SEQ = 8192
D_MODEL = 1024
B, S = 4, 8192

def setup_inputs(seed: int = 0) -> dict:
    key = jax.random.key(seed)
    kx, kw = jax.random.split(key)
    x = jax.random.normal(kx, (B, S, D_MODEL), dtype=jnp.float32)
    # nn.Embedding default init: N(0, 1)
    pos_table = jax.random.normal(kw, (MAX_SEQ, D_MODEL), dtype=jnp.float32)
    return {"x": x, "pos_table": pos_table}

def reference(x, pos_table):
    batch_size, seq_length, _ = x.shape
    positions = jnp.arange(0, seq_length)[None, :]  # [1, S]
    position_embeddings = jnp.take(pos_table, positions, axis=0)  # [1, S, d_model]
    return x + position_embeddings

if __name__ == "__main__":
    import jax
    _d = setup_inputs()
    print(jax.jit(kernel)(*tuple(_d.values())))

</pallas_src>

<mosaic_0001>
#map = affine_map<(d0, d1) -> (0, 0, 0)>
#map1 = affine_map<(d0, d1) -> (0, 0)>
module attributes {stable_mosaic.version = 14 : i64} {
  func.func @sc_add(%arg0: i32, %arg1: i32, %arg2: memref<4x8192x1024xf32, #tpu.memory_space<hbm>>, %arg3: memref<8192x1024xf32, #tpu.memory_space<hbm>>, %arg4: memref<4x8192x1024xf32, #tpu.memory_space<hbm>>, %arg5: memref<8x1024xf32, #tpu.memory_space<vmem>>, %arg6: memref<8x1024xf32, #tpu.memory_space<vmem>>, %arg7: memref<8x1024xf32, #tpu.memory_space<vmem>>, %arg8: memref<4x8x1024xf32, #tpu.memory_space<vmem>>, %arg9: memref<4x8x1024xf32, #tpu.memory_space<vmem>>, %arg10: memref<4x8x1024xf32, #tpu.memory_space<vmem>>, %arg11: memref<!tpu.dma_semaphore, #tpu.memory_space<semaphore_mem>>, %arg12: memref<!tpu.dma_semaphore, #tpu.memory_space<semaphore_mem>>, %arg13: memref<!tpu.dma_semaphore, #tpu.memory_space<semaphore_mem>>, %arg14: memref<!tpu.dma_semaphore, #tpu.memory_space<semaphore_mem>>, %arg15: memref<!tpu.dma_semaphore, #tpu.memory_space<semaphore_mem>>, %arg16: memref<!tpu.dma_semaphore, #tpu.memory_space<semaphore_mem>>, %arg17: memref<!tpu.dma_semaphore, #tpu.memory_space<semaphore_mem>>, %arg18: memref<!tpu.dma_semaphore, #tpu.memory_space<semaphore_mem>>, %arg19: memref<!tpu.dma_semaphore, #tpu.memory_space<semaphore_mem>>) attributes {dimension_semantics = [#tpu.dimension_semantics<core_parallel>, #tpu.dimension_semantics<subcore_parallel>], iteration_bounds = array<i64: 2, 16>, scalar_prefetch = 0 : i64, scratch_operands = 15 : i64, tpu.core_type = #tpu.core_type<sc_vector_subcore>, window_params = [{transform_indices = #map}, {transform_indices = #map1}, {transform_indices = #map}]} {
    %mul3A = arith.constant 2 : i32
    %mul3A_0 = arith.muli %arg1, %mul3A : i32
    %add3A = arith.addi %mul3A_0, %arg0 : i32
    %mul3A_1 = arith.constant 256 : i32
    %mul3A_2 = arith.muli %add3A, %mul3A_1 : i32
    %add3A_3 = arith.constant 0 : i32
    %add3A_4 = arith.addi %mul3A_2, %add3A_3 : i32
    %dma_start3A = arith.constant 0 : i32
    %dma_start3A_5 = tpu.memref_slice %arg3[%add3A_4, %dma_start3A] : memref<8192x1024xf32, #tpu.memory_space<hbm>> -> memref<8x1024xf32, #tpu.memory_space<hbm>>
    %dma_start3A_6 = arith.constant 0 : i32
    %dma_start3A_7 = tpu.memref_slice %arg3[%add3A_4, %dma_start3A_6] : memref<8192x1024xf32, #tpu.memory_space<hbm>> -> memref<8x1024xf32, #tpu.memory_space<hbm>>
    tpu.enqueue_dma source(%dma_start3A_7 : memref<8x1024xf32, #tpu.memory_space<hbm>>) target(%arg5 : memref<8x1024xf32, #tpu.memory_space<vmem>>) target_semaphore(%arg11 : memref<!tpu.dma_semaphore, #tpu.memory_space<semaphore_mem>>)
    %dma_start3A_8 = arith.constant 0 : i32
    %dma_start3A_9 = arith.constant 0 : i32
    %dma_start3A_10 = tpu.memref_slice %arg2[%dma_start3A_8, %add3A_4, %dma_start3A_9] : memref<4x8192x1024xf32, #tpu.memory_space<hbm>> -> memref<4x8x1024xf32, #tpu.memory_space<hbm>>
    %dma_start3A_11 = arith.constant 0 : i32
    %dma_start3A_12 = arith.constant 0 : i32
    %dma_start3A_13 = tpu.memref_slice %arg2[%dma_start3A_11, %add3A_4, %dma_start3A_12] : memref<4x8192x1024xf32, #tpu.memory_space<hbm>> -> memref<4x8x1024xf32, #tpu.memory_space<hbm>>
    tpu.enqueue_dma source(%dma_start3A_13 : memref<4x8x1024xf32, #tpu.memory_space<hbm>>) target(%arg8 : memref<4x8x1024xf32, #tpu.memory_space<vmem>>) target_semaphore(%arg14 : memref<!tpu.dma_semaphore, #tpu.memory_space<semaphore_mem>>)
    %scan3A = arith.constant 0 : i32
    %scan3A_14 = arith.constant 0 : i32
    %scan3A_15 = arith.constant 10 : i32
    %scan3A_16 = arith.addi %scan3A_14, %scan3A_15 : i32
    %scan3A_17 = arith.constant 1 : i32
    scf.for %scan3A_111 = %scan3A_14 to %scan3A_16 step %scan3A_17  : i32 {
      %mul3A_112 = arith.constant 3 : i32
      %mul3A_113 = arith.muli %mul3A_112, %scan3A_111 : i32
      %add3A_114 = arith.constant 0 : i32
      %add3A_115 = arith.addi %mul3A_113, %add3A_114 : i32
      %ge3A = arith.constant 2 : i32
      %ge3A_116 = arith.cmpi sge, %add3A_115, %ge3A : i32
      %convert_element_type3A = arith.extui %ge3A_116 : i1 to i32
      %cond3A = arith.constant 0 : i32
      %cond3A_117 = arith.cmpi ne, %convert_element_type3A, %cond3A : i32
      scf.if %cond3A_117 {
        %dma_wait3A_234 = arith.constant 0 : i32
        %dma_wait3A_235 = arith.constant 0 : i32
        %dma_wait3A_236 = arith.constant 0 : i32
        %dma_wait3A_237 = tpu.memref_slice %arg2[%dma_wait3A_234, %dma_wait3A_235, %dma_wait3A_236] : memref<4x8192x1024xf32, #tpu.memory_space<hbm>> -> memref<4x8x1024xf32, #tpu.memory_space<hbm>>
        %dma_wait3A_238 = arith.constant 0 : i32
        %dma_wait3A_239 = arith.constant 0 : i32
        %dma_wait3A_240 = arith.constant 0 : i32
        %dma_wait3A_241 = tpu.memref_slice %arg2[%dma_wait3A_238, %dma_wait3A_239, %dma_wait3A_240] : memref<4x8192x1024xf32, #tpu.memory_space<hbm>> -> memref<4x8x1024xf32, #tpu.memory_space<hbm>>
        tpu.wait_dma2 semaphore(%arg18 : memref<!tpu.dma_semaphore, #tpu.memory_space<semaphore_mem>>) src(%dma_wait3A_241 : memref<4x8x1024xf32, #tpu.memory_space<hbm>>) dst(%arg9 : memref<4x8x1024xf32, #tpu.memory_space<vmem>>)
      } else {
      }
      %add3A_118 = arith.constant 1 : i32
      %add3A_119 = arith.addi %add3A_115, %add3A_118 : i32
      %lt3A = arith.constant 32 : i32
      %lt3A_120 = arith.cmpi slt, %add3A_119, %lt3A : i32
      %convert_element_type3A_121 = arith.extui %lt3A_120 : i1 to i32
      %cond3A_122 = arith.constant 0 : i32
      %cond3A_123 = arith.cmpi ne, %convert_element_type3A_121, %cond3A_122 : i32
      scf.if %cond3A_123 {
        %add3A_234 = arith.constant 1 : i32
        %add3A_235 = arith.addi %add3A_115, %add3A_234 : i32
        %mul3A_236 = arith.constant 8 : i32
        %mul3A_237 = arith.muli %add3A_235, %mul3A_236 : i32
        %add3A_238 = arith.addi %mul3A_2, %mul3A_237 : i32
        %dma_start3A_239 = arith.constant 0 : i32
        %dma_start3A_240 = tpu.memref_slice %arg3[%add3A_238, %dma_start3A_239] : memref<8192x1024xf32, #tpu.memory_space<hbm>> -> memref<8x1024xf32, #tpu.memory_space<hbm>>
        %dma_start3A_241 = arith.constant 0 : i32
        %dma_start3A_242 = tpu.memref_slice %arg3[%add3A_238, %dma_start3A_241] : memref<8192x1024xf32, #tpu.memory_space<hbm>> -> memref<8x1024xf32, #tpu.memory_space<hbm>>
        tpu.enqueue_dma source(%dma_start3A_242 : memref<8x1024xf32, #tpu.memory_space<hbm>>) target(%arg6 : memref<8x1024xf32, #tpu.memory_space<vmem>>) target_semaphore(%arg12 : memref<!tpu.dma_semaphore, #tpu.memory_space<semaphore_mem>>)
        %dma_start3A_243 = arith.constant 0 : i32
        %dma_start3A_244 = arith.constant 0 : i32
        %dma_start3A_245 = tpu.memref_slice %arg2[%dma_start3A_243, %add3A_238, %dma_start3A_244] : memref<4x8192x1024xf32, #tpu.memory_space<hbm>> -> memref<4x8x1024xf32, #tpu.memory_space<hbm>>
        %dma_start3A_246 = arith.constant 0 : i32
        %dma_start3A_247 = arith.constant 0 : i32
        %dma_start3A_248 = tpu.memref_slice %arg2[%dma_start3A_246, %add3A_238, %dma_start3A_247] : memref<4x8192x1024xf32, #tpu.memory_space<hbm>> -> memref<4x8x1024xf32, #tpu.memory_space<hbm>>
        tpu.enqueue_dma source(%dma_start3A_248 : memref<4x8x1024xf32, #tpu.memory_space<hbm>>) target(%arg9 : memref<4x8x1024xf32, #tpu.memory_space<vmem>>) target_semaphore(%arg15 : memref<!tpu.dma_semaphore, #tpu.memory_space<semaphore_mem>>)
      } else {
      }
      %dma_wait3A_124 = arith.constant 0 : i32
      %dma_wait3A_125 = arith.constant 0 : i32
      %dma_wait3A_126 = tpu.memref_slice %arg3[%dma_wait3A_124, %dma_wait3A_125] : memref<8192x1024xf32, #tpu.memory_space<hbm>> -> memref<8x1024xf32, #tpu.memory_space<hbm>>
      %dma_wait3A_127 = arith.constant 0 : i32
      %dma_wait3A_128 = arith.constant 0 : i32
      %dma_wait3A_129 = tpu.memref_slice %arg3[%dma_wait3A_127, %dma_wait3A_128] : memref<8192x1024xf32, #tpu.memory_space<hbm>> -> memref<8x1024xf32, #tpu.memory_space<hbm>>
      tpu.wait_dma2 semaphore(%arg11 : memref<!tpu.dma_semaphore, #tpu.memory_space<semaphore_mem>>) src(%dma_wait3A_129 : memref<8x1024xf32, #tpu.memory_space<hbm>>) dst(%arg5 : memref<8x1024xf32, #tpu.memory_space<vmem>>)
      %dma_wait3A_130 = arith.constant 0 : i32
      %dma_wait3A_131 = arith.constant 0 : i32
      %dma_wait3A_132 = arith.constant 0 : i32
      %dma_wait3A_133 = tpu.memref_slice %arg2[%dma_wait3A_130, %dma_wait3A_131, %dma_wait3A_132] : memref<4x8192x1024xf32, #tpu.memory_space<hbm>> -> memref<4x8x1024xf32, #tpu.memory_space<hbm>>
      %dma_wait3A_134 = arith.constant 0 : i32
      %dma_wait3A_135 = arith.constant 0 : i32
      %dma_wait3A_136 = arith.constant 0 : i32
      %dma_wait3A_137 = tpu.memref_slice %arg2[%dma_wait3A_134, %dma_wait3A_135, %dma_wait3A_136] : memref<4x8192x1024xf32, #tpu.memory_space<hbm>> -> memref<4x8x1024xf32, #tpu.memory_space<hbm>>
      tpu.wait_dma2 semaphore(%arg14 : memref<!tpu.dma_semaphore, #tpu.memory_space<semaphore_mem>>) src(%dma_wait3A_137 : memref<4x8x1024xf32, #tpu.memory_space<hbm>>) dst(%arg8 : memref<4x8x1024xf32, #tpu.memory_space<vmem>>)
      %parallel_loop3A_138 = arith.constant 0 : i32
      %parallel_loop3A_139 = arith.constant 64 : i32
      %parallel_loop3A_140 = arith.constant 1 : i32
      scf.for %parallel_loop3A_234 = %parallel_loop3A_138 to %parallel_loop3A_139 step %parallel_loop3A_140  : i32 {
        %parallel_loop3A_235 = arith.constant 16 : i32
        %parallel_loop3A_236 = arith.muli %parallel_loop3A_234, %parallel_loop3A_235 : i32
        %parallel_loop3A_237 = arith.constant 0 : i32
        %parallel_loop3A_238 = arith.index_cast %parallel_loop3A_237 : i32 to index
        %parallel_loop3A_239 = arith.index_cast %parallel_loop3A_236 : i32 to index
        %parallel_loop3A_240 = tpu.vector_load %arg5[%parallel_loop3A_238, %parallel_loop3A_239] {strides = array<i32>} : memref<8x1024xf32, #tpu.memory_space<vmem>>, vector<1x16xf32>,
        %parallel_loop3A_241 = vector.shape_cast %parallel_loop3A_240 : vector<1x16xf32> to vector<16xf32>
        %parallel_loop3A_242 = arith.constant 0 : i32
        %parallel_loop3A_243 = arith.constant 0 : i32
        %parallel_loop3A_244 = arith.index_cast %parallel_loop3A_242 : i32 to index
        %parallel_loop3A_245 = arith.index_cast %parallel_loop3A_243 : i32 to index
        %parallel_loop3A_246 = arith.index_cast %parallel_loop3A_236 : i32 to index
        %parallel_loop3A_247 = tpu.vector_load %arg8[%parallel_loop3A_244, %parallel_loop3A_245, %parallel_loop3A_246] {strides = array<i32>} : memref<4x8x1024xf32, #tpu.memory_space<vmem>>, vector<1x1x16xf32>,
        %parallel_loop3A_248 = vector.shape_cast %parallel_loop3A_247 : vector<1x1x16xf32> to vector<16xf32>
        %parallel_loop3A_249 = arith.addf %parallel_loop3A_248, %parallel_loop3A_241 : vector<16xf32>
        %parallel_loop3A_250 = arith.constant 0 : i32
        %parallel_loop3A_251 = arith.constant 0 : i32
        %parallel_loop3A_252 = arith.index_cast %parallel_loop3A_250 : i32 to index
        %parallel_loop3A_253 = arith.index_cast %parallel_loop3A_251 : i32 to index
        %parallel_loop3A_254 = arith.index_cast %parallel_loop3A_236 : i32 to index
        %parallel_loop3A_255 = tpu.vector_load %arg8[%parallel_loop3A_252, %parallel_loop3A_253, %parallel_loop3A_254] {strides = array<i32>} : memref<4x8x1024xf32, #tpu.memory_space<vmem>>, vector<1x1x16xf32>,
        %parallel_loop3A_256 = vector.shape_cast %parallel_loop3A_255 : vector<1x1x16xf32> to vector<16xf32>
        %parallel_loop3A_257 = vector.shape_cast %parallel_loop3A_249 : vector<16xf32> to vector<1x1x16xf32>
        tpu.vector_store %arg8[%parallel_loop3A_252, %parallel_loop3A_253, %parallel_loop3A_254], %parallel_loop3A_257 {strides = array<i32>} : memref<4x8x1024xf32, #tpu.memory_space<vmem>>, vector<1x1x16xf32>,
        %parallel_loop3A_258 = arith.constant 1 : i32
        %parallel_loop3A_259 = arith.constant 0 : i32
        %parallel_loop3A_260 = arith.index_cast %parallel_loop3A_258 : i32 to index
        %parallel_loop3A_261 = arith.index_cast %parallel_loop3A_259 : i32 to index
        %parallel_loop3A_262 = arith.index_cast %parallel_loop3A_236 : i32 to index
        %parallel_loop3A_263 = tpu.vector_load %arg8[%parallel_loop3A_260, %parallel_loop3A_261, %parallel_loop3A_262] {strides = array<i32>} : memref<4x8x1024xf32, #tpu.memory_space<vmem>>, vector<1x1x16xf32>,
        %parallel_loop3A_264 = vector.shape_cast %parallel_loop3A_263 : vector<1x1x16xf32> to vector<16xf32>
        %parallel_loop3A_265 = arith.addf %parallel_loop3A_264, %parallel_loop3A_241 : vector<16xf32>
        %parallel_loop3A_266 = arith.constant 1 : i32
        %parallel_loop3A_267 = arith.constant 0 : i32
        %parallel_loop3A_268 = arith.index_cast %parallel_loop3A_266 : i32 to index
        %parallel_loop3A_269 = arith.index_cast %parallel_loop3A_267 : i32 to index
        %parallel_loop3A_270 = arith.index_cast %parallel_loop3A_236 : i32 to index
        %parallel_loop3A_271 = tpu.vector_load %arg8[%parallel_loop3A_268, %parallel_loop3A_269, %parallel_loop3A_270] {strides = array<i32>} : memref<4x8x1024xf32, #tpu.memory_space<vmem>>, vector<1x1x16xf32>,
        %parallel_loop3A_272 = vector.shape_cast %parallel_loop3A_271 : vector<1x1x16xf32> to vector<16xf32>
        %parallel_loop3A_273 = vector.shape_cast %parallel_loop3A_265 : vector<16xf32> to vector<1x1x16xf32>
        tpu.vector_store %arg8[%parallel_loop3A_268, %parallel_loop3A_269, %parallel_loop3A_270], %parallel_loop3A_273 {strides = array<i32>} : memref<4x8x1024xf32, #tpu.memory_space<vmem>>, vector<1x1x16xf32>,
        %parallel_loop3A_274 = arith.constant 2 : i32
        %parallel_loop3A_275 = arith.constant 0 : i32
        %parallel_loop3A_276 = arith.index_cast %parallel_loop3A_274 : i32 to index
        %parallel_loop3A_277 = arith.index_cast %parallel_loop3A_275 : i32 to index
        %parallel_loop3A_278 = arith.index_cast %parallel_loop3A_236 : i32 to index
        %parallel_loop3A_279 = tpu.vector_load %arg8[%parallel_loop3A_276, %parallel_loop3A_277, %parallel_loop3A_278] {strides = array<i32>} : memref<4x8x1024xf32, #tpu.memory_space<vmem>>, vector<1x1x16xf32>,
        %parallel_loop3A_280 = vector.shape_cast %parallel_loop3A_279 : vector<1x1x16xf32> to vector<16xf32>
        %parallel_loop3A_281 = arith.addf %parallel_loop3A_280, %parallel_loop3A_241 : vector<16xf32>
        %parallel_loop3A_282 = arith.constant 2 : i32
        %parallel_loop3A_283 = arith.constant 0 : i32
        %parallel_loop3A_284 = arith.index_cast %parallel_loop3A_282 : i32 to index
        %parallel_loop3A_285 = arith.index_cast %parallel_loop3A_283 : i32 to index
        %parallel_loop3A_286 = arith.index_cast %parallel_loop3A_236 : i32 to index
        %parallel_loop3A_287 = tpu.vector_load %arg8[%parallel_loop3A_284, %parallel_loop3A_285, %parallel_loop3A_286] {strides = array<i32>} : memref<4x8x1024xf32, #tpu.memory_space<vmem>>, vector<1x1x16xf32>,
        %parallel_loop3A_288 = vector.shape_cast %parallel_loop3A_287 : vector<1x1x16xf32> to vector<16xf32>
        %parallel_loop3A_289 = vector.shape_cast %parallel_loop3A_281 : vector<16xf32> to vector<1x1x16xf32>
        tpu.vector_store %arg8[%parallel_loop3A_284, %parallel_loop3A_285, %parallel_loop3A_286], %parallel_loop3A_289 {strides = array<i32>} : memref<4x8x1024xf32, #tpu.memory_space<vmem>>, vector<1x1x16xf32>,
        %parallel_loop3A_290 = arith.constant 3 : i32
        %parallel_loop3A_291 = arith.constant 0 : i32
        %parallel_loop3A_292 = arith.index_cast %parallel_loop3A_290 : i32 to index
        %parallel_loop3A_293 = arith.index_cast %parallel_loop3A_291 : i32 to index
        %parallel_loop3A_294 = arith.index_cast %parallel_loop3A_236 : i32 to index
        %parallel_loop3A_295 = tpu.vector_load %arg8[%parallel_loop3A_292, %parallel_loop3A_293, %parallel_loop3A_294] {strides = array<i32>} : memref<4x8x1024xf32, #tpu.memory_space<vmem>>, vector<1x1x16xf32>,
        %parallel_loop3A_296 = vector.shape_cast %parallel_loop3A_295 : vector<1x1x16xf32> to vector<16xf32>
        %parallel_loop3A_297 = arith.addf %parallel_loop3A_296, %parallel_loop3A_241 : vector<16xf32>
        %parallel_loop3A_298 = arith.constant 3 : i32
        %parallel_loop3A_299 = arith.constant 0 : i32
        %parallel_loop3A_300 = arith.index_cast %parallel_loop3A_298 : i32 to index
        %parallel_loop3A_301 = arith.index_cast %parallel_loop3A_299 : i32 to index
        %parallel_loop3A_302 = arith.index_cast %parallel_loop3A_236 : i32 to index
        %parallel_loop3A_303 = tpu.vector_load %arg8[%parallel_loop3A_300, %parallel_loop3A_301, %parallel_loop3A_302] {strides = array<i32>} : memref<4x8x1024xf32, #tpu.memory_space<vmem>>, vector<1x1x16xf32>,
        %parallel_loop3A_304 = vector.shape_cast %parallel_loop3A_303 : vector<1x1x16xf32> to vector<16xf32>
        %parallel_loop3A_305 = vector.shape_cast %parallel_loop3A_297 : vector<16xf32> to vector<1x1x16xf32>
        tpu.vector_store %arg8[%parallel_loop3A_300, %parallel_loop3A_301, %parallel_loop3A_302], %parallel_loop3A_305 {strides = array<i32>} : memref<4x8x1024xf32, #tpu.memory_space<vmem>>, vector<1x1x16xf32>,
        %parallel_loop3A_306 = arith.constant 1 : i32
        %parallel_loop3A_307 = arith.index_cast %parallel_loop3A_306 : i32 to index
        %parallel_loop3A_308 = arith.index_cast %parallel_loop3A_236 : i32 to index
        %parallel_loop3A_309 = tpu.vector_load %arg5[%parallel_loop3A_307, %parallel_loop3A_308] {strides = array<i32>} : memref<8x1024xf32, #tpu.memory_space<vmem>>, vector<1x16xf32>,
        %parallel_loop3A_310 = vector.shape_cast %parallel_loop3A_309 : vector<1x16xf32> to vector<16xf32>
        %parallel_loop3A_311 = arith.constant 0 : i32
        %parallel_loop3A_312 = arith.constant 1 : i32
        %parallel_loop3A_313 = arith.index_cast %parallel_loop3A_311 : i32 to index
        %parallel_loop3A_314 = arith.index_cast %parallel_loop3A_312 : i32 to index
        %parallel_loop3A_315 = arith.index_cast %parallel_loop3A_236 : i32 to index
        %parallel_loop3A_316 = tpu.vector_load %arg8[%parallel_loop3A_313, %parallel_loop3A_314, %parallel_loop3A_315] {strides = array<i32>} : memref<4x8x1024xf32, #tpu.memory_space<vmem>>, vector<1x1x16xf32>,
        %parallel_loop3A_317 = vector.shape_cast %parallel_loop3A_316 : vector<1x1x16xf32> to vector<16xf32>
        %parallel_loop3A_318 = arith.addf %parallel_loop3A_317, %parallel_loop3A_310 : vector<16xf32>
        %parallel_loop3A_319 = arith.constant 0 : i32
        %parallel_loop3A_320 = arith.constant 1 : i32
        %parallel_loop3A_321 = arith.index_cast %parallel_loop3A_319 : i32 to index
        %parallel_loop3A_322 = arith.index_cast %parallel_loop3A_320 : i32 to index
        %parallel_loop3A_323 = arith.index_cast %parallel_loop3A_236 : i32 to index
        %parallel_loop3A_324 = tpu.vector_load %arg8[%parallel_loop3A_321, %parallel_loop3A_322, %parallel_loop3A_323] {strides = array<i32>} : memref<4x8x1024xf32, #tpu.memory_space<vmem>>, vector<1x1x16xf32>,
        %parallel_loop3A_325 = vector.shape_cast %parallel_loop3A_324 : vector<1x1x16xf32> to vector<16xf32>
        %parallel_loop3A_326 = vector.shape_cast %parallel_loop3A_318 : vector<16xf32> to vector<1x1x16xf32>
        tpu.vector_store %arg8[%parallel_loop3A_321, %parallel_loop3A_322, %parallel_loop3A_323], %parallel_loop3A_326 {strides = array<i32>} : memref<4x8x1024xf32, #tpu.memory_space<vmem>>, vector<1x1x16xf32>,
        %parallel_loop3A_327 = arith.constant 1 : i32
        %parallel_loop3A_328 = arith.constant 1 : i32
        %parallel_loop3A_329 = arith.index_cast %parallel_loop3A_327 : i32 to index
        %parallel_loop3A_330 = arith.index_cast %parallel_loop3A_328 : i32 to index
        %parallel_loop3A_331 = arith.index_cast %parallel_loop3A_236 : i32 to index
        %parallel_loop3A_332 = tpu.vector_load %arg8[%parallel_loop3A_329, %parallel_loop3A_330, %parallel_loop3A_331] {strides = array<i32>} : memref<4x8x1024xf32, #tpu.memory_space<vmem>>, vector<1x1x16xf32>,
        %parallel_loop3A_333 = vector.shape_cast %parallel_loop3A_332 : vector<1x1x16xf32> to vector<16xf32>
        %parallel_loop3A_334 = arith.addf %parallel_loop3A_333, %parallel_loop3A_310 : vector<16xf32>
        %parallel_loop3A_335 = arith.constant 1 : i32
        %parallel_loop3A_336 = arith.constant 1 : i32
        %parallel_loop3A_337 = arith.index_cast %parallel_loop3A_335 : i32 to index
        %parallel_loop3A_338 = arith.index_cast %parallel_loop3A_336 : i32 to index
        %parallel_loop3A_339 = arith.index_cast %parallel_loop3A_236 : i32 to index
        %parallel_loop3A_340 = tpu.vector_load %arg8[%parallel_loop3A_337, %parallel_loop3A_338, %parallel_loop3A_339] {strides = array<i32>} : memref<4x8x1024xf32, #tpu.memory_space<vmem>>, vector<1x1x16xf32>,
        %parallel_loop3A_341 = vector.shape_cast %parallel_loop3A_340 : vector<1x1x16xf32> to vector<16xf32>
        %parallel_loop3A_342 = vector.shape_cast %parallel_loop3A_334 : vector<16xf32> to vector<1x1x16xf32>
        tpu.vector_store %arg8[%parallel_loop3A_337, %parallel_loop3A_338, %parallel_loop3A_339], %parallel_loop3A_342 {strides = array<i32>} : memref<4x8x1024xf32, #tpu.memory_space<vmem>>, vector<1x1x16xf32>,
        %parallel_loop3A_343 = arith.constant 2 : i32
        %parallel_loop3A_344 = arith.constant 1 : i32
        %parallel_loop3A_345 = arith.index_cast %parallel_loop3A_343 : i32 to index
        %parallel_loop3A_346 = arith.index_cast %parallel_loop3A_344 : i32 to index
        %parallel_loop3A_347 = arith.index_cast %parallel_loop3A_236 : i32 to index
        %parallel_loop3A_348 = tpu.vector_load %arg8[%parallel_loop3A_345, %parallel_loop3A_346, %parallel_loop3A_347] {strides = array<i32>} : memref<4x8x1024xf32, #tpu.memory_space<vmem>>, vector<1x1x16xf32>,
        %parallel_loop3A_349 = vector.shape_cast %parallel_loop3A_348 : vector<1x1x16xf32> to vector<16xf32>
        %parallel_loop3A_350 = arith.addf %parallel_loop3A_349, %parallel_loop3A_310 : vector<16xf32>
        %parallel_loop3A_351 = arith.constant 2 : i32
        %parallel_loop3A_352 = arith.constant 1 : i32
        %parallel_loop3A_353 = arith.index_cast %parallel_loop3A_351 : i32 to index
        %parallel_loop3A_354 = arith.index_cast %parallel_loop3A_352 : i32 to index
        %parallel_loop3A_355 = arith.index_cast %parallel_loop3A_236 : i32 to index
        %parallel_loop3A_356 = tpu.vector_load %arg8[%parallel_loop3A_353, %parallel_loop3A_354, %parallel_loop3A_355] {strides = array<i32>} : memref<4x8x1024xf32, #tpu.memory_space<vmem>>, vector<1x1x16xf32>,
        %parallel_loop3A_357 = vector.shape_cast %parallel_loop3A_356 : vector<1x1x16xf32> to vector<16xf32>
        %parallel_loop3A_358 = vector.shape_cast %parallel_loop3A_350 : vector<16xf32> to vector<1x1x16xf32>
        tpu.vector_store %arg8[%parallel_loop3A_353, %parallel_loop3A_354, %parallel_loop3A_355], %parallel_loop3A_358 {strides = array<i32>} : memref<4x8x1024xf32, #tpu.memory_space<vmem>>, vector<1x1x16xf32>,
        %parallel_loop3A_359 = arith.constant 3 : i32
        %parallel_loop3A_360 = arith.constant 1 : i32
        %parallel_loop3A_361 = arith.index_cast %parallel_loop3A_359 : i32 to index
        %parallel_loop3A_362 = arith.index_cast %parallel_loop3A_360 : i32 to index
        %parallel_loop3A_363 = arith.index_cast %parallel_loop3A_236 : i32 to index
        %parallel_loop3A_364 = tpu.vector_load %arg8[%parallel_loop3A_361, %parallel_loop3A_362, %parallel_loop3A_363] {strides = array<i32>} : memref<4x8x1024xf32, #tpu.memory_space<vmem>>, vector<1x1x16xf32>,
        %parallel_loop3A_365 = vector.shape_cast %parallel_loop3A_364 : vector<1x1x16xf32> to vector<16xf32>
        %parallel_loop3A_366 = arith.addf %parallel_loop3A_365, %parallel_loop3A_310 : vector<16xf32>
        %parallel_loop3A_367 = arith.constant 3 : i32
        %parallel_loop3A_368 = arith.constant 1 : i32
        %parallel_loop3A_369 = arith.index_cast %parallel_loop3A_367 : i32 to index
        %parallel_loop3A_370 = arith.index_cast %parallel_loop3A_368 : i32 to index
        %parallel_loop3A_371 = arith.index_cast %parallel_loop3A_236 : i32 to index
        %parallel_loop3A_372 = tpu.vector_load %arg8[%parallel_loop3A_369, %parallel_loop3A_370, %parallel_loop3A_371] {strides = array<i32>} : memref<4x8x1024xf32, #tpu.memory_space<vmem>>, vector<1x1x16xf32>,
        %parallel_loop3A_373 = vector.shape_cast %parallel_loop3A_372 : vector<1x1x16xf32> to vector<16xf32>
        %parallel_loop3A_374 = vector.shape_cast %parallel_loop3A_366 : vector<16xf32> to vector<1x1x16xf32>
        tpu.vector_store %arg8[%parallel_loop3A_369, %parallel_loop3A_370, %parallel_loop3A_371], %parallel_loop3A_374 {strides = array<i32>} : memref<4x8x1024xf32, #tpu.memory_space<vmem>>, vector<1x1x16xf32>,
        %parallel_loop3A_375 = arith.constant 2 : i32
        %parallel_loop3A_376 = arith.index_cast %parallel_loop3A_375 : i32 to index
        %parallel_loop3A_377 = arith.index_cast %parallel_loop3A_236 : i32 to index
        %parallel_loop3A_378 = tpu.vector_load %arg5[%parallel_loop3A_376, %parallel_loop3A_377] {strides = array<i32>} : memref<8x1024xf32, #tpu.memory_space<vmem>>, vector<1x16xf32>,
        %parallel_loop3A_379 = vector.shape_cast %parallel_loop3A_378 : vector<1x16xf32> to vector<16xf32>
        %parallel_loop3A_380 = arith.constant 0 : i32
        %parallel_loop3A_381 = arith.constant 2 : i32
        %parallel_loop3A_382 = arith.index_cast %parallel_loop3A_380 : i32 to index
        %parallel_loop3A_383 = arith.index_cast %parallel_loop3A_381 : i32 to index
        %parallel_loop3A_384 = arith.index_cast %parallel_loop3A_236 : i32 to index
        %parallel_loop3A_385 = tpu.vector_load %arg8[%parallel_loop3A_382, %parallel_loop3A_383, %parallel_loop3A_384] {strides = array<i32>} : memref<4x8x1024xf32, #tpu.memory_space<vmem>>, vector<1x1x16xf32>,
        %parallel_loop3A_386 = vector.shape_cast %parallel_loop3A_385 : vector<1x1x16xf32> to vector<16xf32>
        %parallel_loop3A_387 = arith.addf %parallel_loop3A_386, %parallel_loop3A_379 : vector<16xf32>
        %parallel_loop3A_388 = arith.constant 0 : i32
        %parallel_loop3A_389 = arith.constant 2 : i32
        %parallel_loop3A_390 = arith.index_cast %parallel_loop3A_388 : i32 to index
        %parallel_loop3A_391 = arith.index_cast %parallel_loop3A_389 : i32 to index
        %parallel_loop3A_392 = arith.index_cast %parallel_loop3A_236 : i32 to index
        %parallel_loop3A_393 = tpu.vector_load %arg8[%parallel_loop3A_390, %parallel_loop3A_391, %parallel_loop3A_392] {strides = array<i32>} : memref<4x8x1024xf32, #tpu.memory_space<vmem>>, vector<1x1x16xf32>,
        %parallel_loop3A_394 = vector.shape_cast %parallel_loop3A_393 : vector<1x1x16xf32> to vector<16xf32>
        %parallel_loop3A_395 = vector.shape_cast %parallel_loop3A_387 : vector<16xf32> to vector<1x1x16xf32>
        tpu.vector_store %arg8[%parallel_loop3A_390, %parallel_loop3A_391, %parallel_loop3A_392], %parallel_loop3A_395 {strides = array<i32>} : memref<4x8x1024xf32, #tpu.memory_space<vmem>>, vector<1x1x16xf32>,
        %parallel_loop3A_396 = arith.constant 1 : i32
        %parallel_loop3A_397 = arith.constant 2 : i32
        %parallel_loop3A_398 = arith.index_cast %parallel_loop3A_396 : i32 to index
        %parallel_loop3A_399 = arith.index_cast %parallel_loop3A_397 : i32 to index
        %parallel_loop3A_400 = arith.index_cast %parallel_loop3A_236 : i32 to index
        %parallel_loop3A_401 = tpu.vector_load %arg8[%parallel_loop3A_398, %parallel_loop3A_399, %parallel_loop3A_400] {strides = array<i32>} : memref<4x8x1024xf32, #tpu.memory_space<vmem>>, vector<1x1x16xf32>,
        %parallel_loop3A_402 = vector.shape_cast %parallel_loop3A_401 : vector<1x1x16xf32> to vector<16xf32>
        %parallel_loop3A_403 = arith.addf %parallel_loop3A_402, %parallel_loop3A_379 : vector<16xf32>
        %parallel_loop3A_404 = arith.constant 1 : i32
        %parallel_loop3A_405 = arith.constant 2 : i32
        %parallel_loop3A_406 = arith.index_cast %parallel_loop3A_404 : i32 to index
        %parallel_loop3A_407 = arith.index_cast %parallel_loop3A_405 : i32 to index
        %parallel_loop3A_408 = arith.index_cast %parallel_loop3A_236 : i32 to index
        %parallel_loop3A_409 = tpu.vector_load %arg8[%parallel_loop3A_406, %parallel_loop3A_407, %parallel_loop3A_408] {strides = array<i32>} : memref<4x8x1024xf32, #tpu.memory_space<vmem>>, vector<1x1x16xf32>,
        %parallel_loop3A_410 = vector.shape_cast %parallel_loop3A_409 : vector<1x1x16xf32> to vector<16xf32>
        %parallel_loop3A_411 = vector.shape_cast %parallel_loop3A_403 : vector<16xf32> to vector<1x1x16xf32>
        tpu.vector_store %arg8[%parallel_loop3A_406, %parallel_loop3A_407, %parallel_loop3A_408], %parallel_loop3A_411 {strides = array<i32>} : memref<4x8x1024xf32, #tpu.memory_space<vmem>>, vector<1x1x16xf32>,
        %parallel_loop3A_412 = arith.constant 2 : i32
        %parallel_loop3A_413 = arith.constant 2 : i32
        %parallel_loop3A_414 = arith.index_cast %parallel_loop3A_412 : i32 to index
        %parallel_loop3A_415 = arith.index_cast %parallel_loop3A_413 : i32 to index
        %parallel_loop3A_416 = arith.index_cast %parallel_loop3A_236 : i32 to index
        %parallel_loop3A_417 = tpu.vector_load %arg8[%parallel_loop3A_414, %parallel_loop3A_415, %parallel_loop3A_416] {strides = array<i32>} : memref<4x8x1024xf32, #tpu.memory_space<vmem>>, vector<1x1x16xf32>,
        %parallel_loop3A_418 = vector.shape_cast %parallel_loop3A_417 : vector<1x1x16xf32> to vector<16xf32>
        %parallel_loop3A_419 = arith.addf %parallel_loop3A_418, %parallel_loop3A_379 : vector<16xf32>
        %parallel_loop3A_420 = arith.constant 2 : i32
        %parallel_loop3A_421 = arith.constant 2 : i32
        %parallel_loop3A_422 = arith.index_cast %parallel_loop3A_420 : i32 to index
        %parallel_loop3A_423 = arith.index_cast %parallel_loop3A_421 : i32 to index
        %parallel_loop3A_424 = arith.index_cast %parallel_loop3A_236 : i32 to index
        %parallel_loop3A_425 = tpu.vector_load %arg8[%parallel_loop3A_422, %parallel_loop3A_423, %parallel_loop3A_424] {strides = array<i32>} : memref<4x8x1024xf32, #tpu.memory_space<vmem>>, vector<1x1x16xf32>,
        %parallel_loop3A_426 = vector.shape_cast %parallel_loop3A_425 : vector<1x1x16xf32> to vector<16xf32>
        %parallel_loop3A_427 = vector.shape_cast %parallel_loop3A_419 : vector<16xf32> to vector<1x1x16xf32>
        tpu.vector_store %arg8[%parallel_loop3A_422, %parallel_loop3A_423, %parallel_loop3A_424], %parallel_loop3A_427 {strides = array<i32>} : memref<4x8x1024xf32, #tpu.memory_space<vmem>>, vector<1x1x16xf32>,
        %parallel_loop3A_428 = arith.constant 3 : i32
        %parallel_loop3A_429 = arith.constant 2 : i32
        %parallel_loop3A_430 = arith.index_cast %parallel_loop3A_428 : i32 to index
        %parallel_loop3A_431 = arith.index_cast %parallel_loop3A_429 : i32 to index
        %parallel_loop3A_432 = arith.index_cast %parallel_loop3A_236 : i32 to index
        %parallel_loop3A_433 = tpu.vector_load %arg8[%parallel_loop3A_430, %parallel_loop3A_431, %parallel_loop3A_432] {strides = array<i32>} : memref<4x8x1024xf32, #tpu.memory_space<vmem>>, vector<1x1x16xf32>,
        %parallel_loop3A_434 = vector.shape_cast %parallel_loop3A_433 : vector<1x1x16xf32> to vector<16xf32>
        %parallel_loop3A_435 = arith.addf %parallel_loop3A_434, %parallel_loop3A_379 : vector<16xf32>
        %parallel_loop3A_436 = arith.constant 3 : i32
        %parallel_loop3A_437 = arith.constant 2 : i32
        %parallel_loop3A_438 = arith.index_cast %parallel_loop3A_436 : i32 to index
        %parallel_loop3A_439 = arith.index_cast %parallel_loop3A_437 : i32 to index
        %parallel_loop3A_440 = arith.index_cast %parallel_loop3A_236 : i32 to index
        %parallel_loop3A_441 = tpu.vector_load %arg8[%parallel_loop3A_438, %parallel_loop3A_439, %parallel_loop3A_440] {strides = array<i32>} : memref<4x8x1024xf32, #tpu.memory_space<vmem>>, vector<1x1x16xf32>,
        %parallel_loop3A_442 = vector.shape_cast %parallel_loop3A_441 : vector<1x1x16xf32> to vector<16xf32>
        %parallel_loop3A_443 = vector.shape_cast %parallel_loop3A_435 : vector<16xf32> to vector<1x1x16xf32>
        tpu.vector_store %arg8[%parallel_loop3A_438, %parallel_loop3A_439, %parallel_loop3A_440], %parallel_loop3A_443 {strides = array<i32>} : memref<4x8x1024xf32, #tpu.memory_space<vmem>>, vector<1x1x16xf32>,
        %parallel_loop3A_444 = arith.constant 3 : i32
        %parallel_loop3A_445 = arith.index_cast %parallel_loop3A_444 : i32 to index
        %parallel_loop3A_446 = arith.index_cast %parallel_loop3A_236 : i32 to index
        %parallel_loop3A_447 = tpu.vector_load %arg5[%parallel_loop3A_445, %parallel_loop3A_446] {strides = array<i32>} : memref<8x1024xf32, #tpu.memory_space<vmem>>, vector<1x16xf32>,
        %parallel_loop3A_448 = vector.shape_cast %parallel_loop3A_447 : vector<1x16xf32> to vector<16xf32>
        %parallel_loop3A_449 = arith.constant 0 : i32
        %parallel_loop3A_450 = arith.constant 3 : i32
        %parallel_loop3A_451 = arith.index_cast %parallel_loop3A_449 : i32 to index
        %parallel_loop3A_452 = arith.index_cast %parallel_loop3A_450 : i32 to index
        %parallel_loop3A_453 = arith.index_cast %parallel_loop3A_236 : i32 to index
        %parallel_loop3A_454 = tpu.vector_load %arg8[%parallel_loop3A_451, %parallel_loop3A_452, %parallel_loop3A_453] {strides = array<i32>} : memref<4x8x1024xf32, #tpu.memory_space<vmem>>, vector<1x1x16xf32>,
        %parallel_loop3A_455 = vector.shape_cast %parallel_loop3A_454 : vector<1x1x16xf32> to vector<16xf32>
        %parallel_loop3A_456 = arith.addf %parallel_loop3A_455, %parallel_loop3A_448 : vector<16xf32>
        %parallel_loop3A_457 = arith.constant 0 : i32
        %parallel_loop3A_458 = arith.constant 3 : i32
        %parallel_loop3A_459 = arith.index_cast %parallel_loop3A_457 : i32 to index
        %parallel_loop3A_460 = arith.index_cast %parallel_loop3A_458 : i32 to index
        %parallel_loop3A_461 = arith.index_cast %parallel_loop3A_236 : i32 to index
        %parallel_loop3A_462 = tpu.vector_load %arg8[%parallel_loop3A_459, %parallel_loop3A_460, %parallel_loop3A_461] {strides = array<i32>} : memref<4x8x1024xf32, #tpu.memory_space<vmem>>, vector<1x1x16xf32>,
        %parallel_loop3A_463 = vector.shape_cast %parallel_loop3A_462 : vector<1x1x16xf32> to vector<16xf32>
        %parallel_loop3A_464 = vector.shape_cast %parallel_loop3A_456 : vector<16xf32> to vector<1x1x16xf32>
        tpu.vector_store %arg8[%parallel_loop3A_459, %parallel_loop3A_460, %parallel_loop3A_461], %parallel_loop3A_464 {strides = array<i32>} : memref<4x8x1024xf32, #tpu.memory_space<vmem>>, vector<1x1x16xf32>,
        %parallel_loop3A_465 = arith.constant 1 : i32
        %parallel_loop3A_466 = arith.constant 3 : i32
        %parallel_loop3A_467 = arith.index_cast %parallel_loop3A_465 : i32 to index
        %parallel_loop3A_468 = arith.index_cast %parallel_loop3A_466 : i32 to index
        %parallel_loop3A_469 = arith.index_cast %parallel_loop3A_236 : i32 to index
        %parallel_loop3A_470 = tpu.vector_load %arg8[%parallel_loop3A_467, %parallel_loop3A_468, %parallel_loop3A_469] {strides = array<i32>} : memref<4x8x1024xf32, #tpu.memory_space<vmem>>, vector<1x1x16xf32>,
        %parallel_loop3A_471 = vector.shape_cast %parallel_loop3A_470 : vector<1x1x16xf32> to vector<16xf32>
        %parallel_loop3A_472 = arith.addf %parallel_loop3A_471, %parallel_loop3A_448 : vector<16xf32>
        %parallel_loop3A_473 = arith.constant 1 : i32
        %parallel_loop3A_474 = arith.constant 3 : i32
        %parallel_loop3A_475 = arith.index_cast %parallel_loop3A_473 : i32 to index
        %parallel_loop3A_476 = arith.index_cast %parallel_loop3A_474 : i32 to index
        %parallel_loop3A_477 = arith.index_cast %parallel_loop3A_236 : i32 to index
        %parallel_loop3A_478 = tpu.vector_load %arg8[%parallel_loop3A_475, %parallel_loop3A_476, %parallel_loop3A_477] {strides = array<i32>} : memref<4x8x1024xf32, #tpu.memory_space<vmem>>, vector<1x1x16xf32>,
        %parallel_loop3A_479 = vector.shape_cast %parallel_loop3A_478 : vector<1x1x16xf32> to vector<16xf32>
        %parallel_loop3A_480 = vector.shape_cast %parallel_loop3A_472 : vector<16xf32> to vector<1x1x16xf32>
        tpu.vector_store %arg8[%parallel_loop3A_475, %parallel_loop3A_476, %parallel_loop3A_477], %parallel_loop3A_480 {strides = array<i32>} : memref<4x8x1024xf32, #tpu.memory_space<vmem>>, vector<1x1x16xf32>,
        %parallel_loop3A_481 = arith.constant 2 : i32
        %parallel_loop3A_482 = arith.constant 3 : i32
        %parallel_loop3A_483 = arith.index_cast %parallel_loop3A_481 : i32 to index
        %parallel_loop3A_484 = arith.index_cast %parallel_loop3A_482 : i32 to index
        %parallel_loop3A_485 = arith.index_cast %parallel_loop3A_236 : i32 to index
        %parallel_loop3A_486 = tpu.vector_load %arg8[%parallel_loop3A_483, %parallel_loop3A_484, %parallel_loop3A_485] {strides = array<i32>} : memref<4x8x1024xf32, #tpu.memory_space<vmem>>, vector<1x1x16xf32>,
        %parallel_loop3A_487 = vector.shape_cast %parallel_loop3A_486 : vector<1x1x16xf32> to vector<16xf32>
        %parallel_loop3A_488 = arith.addf %parallel_loop3A_487, %parallel_loop3A_448 : vector<16xf32>
        %parallel_loop3A_489 = arith.constant 2 : i32
        %parallel_loop3A_490 = arith.constant 3 : i32
        %parallel_loop3A_491 = arith.index_cast %parallel_loop3A_489 : i32 to index
        %parallel_loop3A_492 = arith.index_cast %parallel_loop3A_490 : i32 to index
        %parallel_loop3A_493 = arith.index_cast %parallel_loop3A_236 : i32 to index
        %parallel_loop3A_494 = tpu.vector_load %arg8[%parallel_loop3A_491, %parallel_loop3A_492, %parallel_loop3A_493] {strides = array<i32>} : memref<4x8x1024xf32, #tpu.memory_space<vmem>>, vector<1x1x16xf32>,
        %parallel_loop3A_495 = vector.shape_cast %parallel_loop3A_494 : vector<1x1x16xf32> to vector<16xf32>
        %parallel_loop3A_496 = vector.shape_cast %parallel_loop3A_488 : vector<16xf32> to vector<1x1x16xf32>
        tpu.vector_store %arg8[%parallel_loop3A_491, %parallel_loop3A_492, %parallel_loop3A_493], %parallel_loop3A_496 {strides = array<i32>} : memref<4x8x1024xf32, #tpu.memory_space<vmem>>, vector<1x1x16xf32>,
        %parallel_loop3A_497 = arith.constant 3 : i32
        %parallel_loop3A_498 = arith.constant 3 : i32
        %parallel_loop3A_499 = arith.index_cast %parallel_loop3A_497 : i32 to index
        %parallel_loop3A_500 = arith.index_cast %parallel_loop3A_498 : i32 to index
        %parallel_loop3A_501 = arith.index_cast %parallel_loop3A_236 : i32 to index
        %parallel_loop3A_502 = tpu.vector_load %arg8[%parallel_loop3A_499, %parallel_loop3A_500, %parallel_loop3A_501] {strides = array<i32>} : memref<4x8x1024xf32, #tpu.memory_space<vmem>>, vector<1x1x16xf32>,
        %parallel_loop3A_503 = vector.shape_cast %parallel_loop3A_502 : vector<1x1x16xf32> to vector<16xf32>
        %parallel_loop3A_504 = arith.addf %parallel_loop3A_503, %parallel_loop3A_448 : vector<16xf32>
        %parallel_loop3A_505 = arith.constant 3 : i32
        %parallel_loop3A_506 = arith.constant 3 : i32
        %parallel_loop3A_507 = arith.index_cast %parallel_loop3A_505 : i32 to index
        %parallel_loop3A_508 = arith.index_cast %parallel_loop3A_506 : i32 to index
        %parallel_loop3A_509 = arith.index_cast %parallel_loop3A_236 : i32 to index
        %parallel_loop3A_510 = tpu.vector_load %arg8[%parallel_loop3A_507, %parallel_loop3A_508, %parallel_loop3A_509] {strides = array<i32>} : memref<4x8x1024xf32, #tpu.memory_space<vmem>>, vector<1x1x16xf32>,
        %parallel_loop3A_511 = vector.shape_cast %parallel_loop3A_510 : vector<1x1x16xf32> to vector<16xf32>
        %parallel_loop3A_512 = vector.shape_cast %parallel_loop3A_504 : vector<16xf32> to vector<1x1x16xf32>
        tpu.vector_store %arg8[%parallel_loop3A_507, %parallel_loop3A_508, %parallel_loop3A_509], %parallel_loop3A_512 {strides = array<i32>} : memref<4x8x1024xf32, #tpu.memory_space<vmem>>, vector<1x1x16xf32>,
        %parallel_loop3A_513 = arith.constant 4 : i32
        %parallel_loop3A_514 = arith.index_cast %parallel_loop3A_513 : i32 to index
        %parallel_loop3A_515 = arith.index_cast %parallel_loop3A_236 : i32 to index
        %parallel_loop3A_516 = tpu.vector_load %arg5[%parallel_loop3A_514, %parallel_loop3A_515] {strides = array<i32>} : memref<8x1024xf32, #tpu.memory_space<vmem>>, vector<1x16xf32>,
        %parallel_loop3A_517 = vector.shape_cast %parallel_loop3A_516 : vector<1x16xf32> to vector<16xf32>
        %parallel_loop3A_518 = arith.constant 0 : i32
        %parallel_loop3A_519 = arith.constant 4 : i32
        %parallel_loop3A_520 = arith.index_cast %parallel_loop3A_518 : i32 to index
        %parallel_loop3A_521 = arith.index_cast %parallel_loop3A_519 : i32 to index
        %parallel_loop3A_522 = arith.index_cast %parallel_loop3A_236 : i32 to index
        %parallel_loop3A_523 = tpu.vector_load %arg8[%parallel_loop3A_520, %parallel_loop3A_521, %parallel_loop3A_522] {strides = array<i32>} : memref<4x8x1024xf32, #tpu.memory_space<vmem>>, vector<1x1x16xf32>,
        %parallel_loop3A_524 = vector.shape_cast %parallel_loop3A_523 : vector<1x1x16xf32> to vector<16xf32>
        %parallel_loop3A_525 = arith.addf %parallel_loop3A_524, %parallel_loop3A_517 : vector<16xf32>
        %parallel_loop3A_526 = arith.constant 0 : i32
        %parallel_loop3A_527 = arith.constant 4 : i32
        %parallel_loop3A_528 = arith.index_cast %parallel_loop3A_526 : i32 to index
        %parallel_loop3A_529 = arith.index_cast %parallel_loop3A_527 : i32 to index
        %parallel_loop3A_530 = arith.index_cast %parallel_loop3A_236 : i32 to index
        %parallel_loop3A_531 = tpu.vector_load %arg8[%parallel_loop3A_528, %parallel_loop3A_529, %parallel_loop3A_530] {strides = array<i32>} : memref<4x8x1024xf32, #tpu.memory_space<vmem>>, vector<1x1x16xf32>,
        %parallel_loop3A_532 = vector.shape_cast %parallel_loop3A_531 : vector<1x1x16xf32> to vector<16xf32>
        %parallel_loop3A_533 = vector.shape_cast %parallel_loop3A_525 : vector<16xf32> to vector<1x1x16xf32>
        tpu.vector_store %arg8[%parallel_loop3A_528, %parallel_loop3A_529, %parallel_loop3A_530], %parallel_loop3A_533 {strides = array<i32>} : memref<4x8x1024xf32, #tpu.memory_space<vmem>>, vector<1x1x16xf32>,
        %parallel_loop3A_534 = arith.constant 1 : i32
        %parallel_loop3A_535 = arith.constant 4 : i32
        %parallel_loop3A_536 = arith.index_cast %parallel_loop3A_534 : i32 to index
        %parallel_loop3A_537 = arith.index_cast %parallel_loop3A_535 : i32 to index
        %parallel_loop3A_538 = arith.index_cast %parallel_loop3A_236 : i32 to index
        %parallel_loop3A_539 = tpu.vector_load %arg8[%parallel_loop3A_536, %parallel_loop3A_537, %parallel_loop3A_538] {strides = array<i32>} : memref<4x8x1024xf32, #tpu.memory_space<vmem>>, vector<1x1x16xf32>,
        %parallel_loop3A_540 = vector.shape_cast %parallel_loop3A_539 : vector<1x1x16xf32> to vector<16xf32>
        %parallel_loop3A_541 = arith.addf %parallel_loop3A_540, %parallel_loop3A_517 : vector<16xf32>
        %parallel_loop3A_542 = arith.constant 1 : i32
        %parallel_loop3A_543 = arith.constant 4 : i32
        %parallel_loop3A_544 = arith.index_cast %parallel_loop3A_542 : i32 to index
        %parallel_loop3A_545 = arith.index_cast %parallel_loop3A_543 : i32 to index
        %parallel_loop3A_546 = arith.index_cast %parallel_loop3A_236 : i32 to index
        %parallel_loop3A_547 = tpu.vector_load %arg8[%parallel_loop3A_544, %parallel_loop3A_545, %parallel_loop3A_546] {strides = array<i32>} : memref<4x8x1024xf32, #tpu.memory_space<vmem>>, vector<1x1x16xf32>,
        %parallel_loop3A_548 = vector.shape_cast %parallel_loop3A_547 : vector<1x1x16xf32> to vector<16xf32>
        %parallel_loop3A_549 = vector.shape_cast %parallel_loop3A_541 : vector<16xf32> to vector<1x1x16xf32>
        tpu.vector_store %arg8[%parallel_loop3A_544, %parallel_loop3A_545, %parallel_loop3A_546], %parallel_loop3A_549 {strides = array<i32>} : memref<4x8x1024xf32, #tpu.memory_space<vmem>>, vector<1x1x16xf32>,
        %parallel_loop3A_550 = arith.constant 2 : i32
        %parallel_loop3A_551 = arith.constant 4 : i32
        %parallel_loop3A_552 = arith.index_cast %parallel_loop3A_550 : i32 to index
        %parallel_loop3A_553 = arith.index_cast %parallel_loop3A_551 : i32 to index
        %parallel_loop3A_554 = arith.index_cast %parallel_loop3A_236 : i32 to index
        %parallel_loop3A_555 = tpu.vector_load %arg8[%parallel_loop3A_552, %parallel_loop3A_553, %parallel_loop3A_554] {strides = array<i32>} : memref<4x8x1024xf32, #tpu.memory_space<vmem>>, vector<1x1x16xf32>,
        %parallel_loop3A_556 = vector.shape_cast %parallel_loop3A_555 : vector<1x1x16xf32> to vector<16xf32>
        %parallel_loop3A_557 = arith.addf %parallel_loop3A_556, %parallel_loop3A_517 : vector<16xf32>
        %parallel_loop3A_558 = arith.constant 2 : i32
        %parallel_loop3A_559 = arith.constant 4 : i32
        %parallel_loop3A_560 = arith.index_cast %parallel_loop3A_558 : i32 to index
        %parallel_loop3A_561 = arith.index_cast %parallel_loop3A_559 : i32 to index
        %parallel_loop3A_562 = arith.index_cast %parallel_loop3A_236 : i32 to index
        %parallel_loop3A_563 = tpu.vector_load %arg8[%parallel_loop3A_560, %parallel_loop3A_561, %parallel_loop3A_562] {strides = array<i32>} : memref<4x8x1024xf32, #tpu.memory_space<vmem>>, vector<1x1x16xf32>,
        %parallel_loop3A_564 = vector.shape_cast %parallel_loop3A_563 : vector<1x1x16xf32> to vector<16xf32>
        %parallel_loop3A_565 = vector.shape_cast %parallel_loop3A_557 : vector<16xf32> to vector<1x1x16xf32>
        tpu.vector_store %arg8[%parallel_loop3A_560, %parallel_loop3A_561, %parallel_loop3A_562], %parallel_loop3A_565 {strides = array<i32>} : memref<4x8x1024xf32, #tpu.memory_space<vmem>>, vector<1x1x16xf32>,
        %parallel_loop3A_566 = arith.constant 3 : i32
        %parallel_loop3A_567 = arith.constant 4 : i32
        %parallel_loop3A_568 = arith.index_cast %parallel_loop3A_566 : i32 to index
        %parallel_loop3A_569 = arith.index_cast %parallel_loop3A_567 : i32 to index
        %parallel_loop3A_570 = arith.index_cast %parallel_loop3A_236 : i32 to index
        %parallel_loop3A_571 = tpu.vector_load %arg8[%parallel_loop3A_568, %parallel_loop3A_569, %parallel_loop3A_570] {strides = array<i32>} : memref<4x8x1024xf32, #tpu.memory_space<vmem>>, vector<1x1x16xf32>,
        %parallel_loop3A_572 = vector.shape_cast %parallel_loop3A_571 : vector<1x1x16xf32> to vector<16xf32>
        %parallel_loop3A_573 = arith.addf %parallel_loop3A_572, %parallel_loop3A_517 : vector<16xf32>
        %parallel_loop3A_574 = arith.constant 3 : i32
        %parallel_loop3A_575 = arith.constant 4 : i32
        %parallel_loop3A_576 = arith.index_cast %parallel_loop3A_574 : i32 to index
        %parallel_loop3A_577 = arith.index_cast %parallel_loop3A_575 : i32 to index
        %parallel_loop3A_578 = arith.index_cast %parallel_loop3A_236 : i32 to index
        %parallel_loop3A_579 = tpu.vector_load %arg8[%parallel_loop3A_576, %parallel_loop3A_577, %parallel_loop3A_578] {strides = array<i32>} : memref<4x8x1024xf32, #tpu.memory_space<vmem>>, vector<1x1x16xf32>,
        %parallel_loop3A_580 = vector.shape_cast %parallel_loop3A_579 : vector<1x1x16xf32> to vector<16xf32>
        %parallel_loop3A_581 = vector.shape_cast %parallel_loop3A_573 : vector<16xf32> to vector<1x1x16xf32>
        tpu.vector_store %arg8[%parallel_loop3A_576, %parallel_loop3A_577, %parallel_loop3A_578], %parallel_loop3A_581 {strides = array<i32>} : memref<4x8x1024xf32, #tpu.memory_space<vmem>>, vector<1x1x16xf32>,
        %parallel_loop3A_582 = arith.constant 5 : i32
        %parallel_loop3A_583 = arith.index_cast %parallel_loop3A_582 : i32 to index
        %parallel_loop3A_584 = arith.index_cast %parallel_loop3A_236 : i32 to index
        %parallel_loop3A_585 = tpu.vector_load %arg5[%parallel_loop3A_583, %parallel_loop3A_584] {strides = array<i32>} : memref<8x1024xf32, #tpu.memory_space<vmem>>, vector<1x16xf32>,
        %parallel_loop3A_586 = vector.shape_cast %parallel_loop3A_585 : vector<1x16xf32> to vector<16xf32>
        %parallel_loop3A_587 = arith.constant 0 : i32
        %parallel_loop3A_588 = arith.constant 5 : i32
        %parallel_loop3A_589 = arith.index_cast %parallel_loop3A_587 : i32 to index
        %parallel_loop3A_590 = arith.index_cast %parallel_loop3A_588 : i32 to index
        %parallel_loop3A_591 = arith.index_cast %parallel_loop3A_236 : i32 to index
        %parallel_loop3A_592 = tpu.vector_load %arg8[%parallel_loop3A_589, %parallel_loop3A_590, %parallel_loop3A_591] {strides = array<i32>} : memref<4x8x1024xf32, #tpu.memory_space<vmem>>, vector<1x1x16xf32>,
        %parallel_loop3A_593 = vector.shape_cast %parallel_loop3A_592 : vector<1x1x16xf32> to vector<16xf32>
        %parallel_loop3A_594 = arith.addf %parallel_loop3A_593, %parallel_loop3A_586 : vector<16xf32>
        %parallel_loop3A_595 = arith.constant 0 : i32
        %parallel_loop3A_596 = arith.constant 5 : i32
        %parallel_loop3A_597 = arith.index_cast %parallel_loop3A_595 : i32 to index
        %parallel_loop3A_598 = arith.index_cast %parallel_loop3A_596 : i32 to index
        %parallel_loop3A_599 = arith.index_cast %parallel_loop3A_236 : i32 to index
        %parallel_loop3A_600 = tpu.vector_load %arg8[%parallel_loop3A_597, %parallel_loop3A_598, %parallel_loop3A_599] {strides = array<i32>} : memref<4x8x1024xf32, #tpu.memory_space<vmem>>, vector<1x1x16xf32>,
        %parallel_loop3A_601 = vector.shape_cast %parallel_loop3A_600 : vector<1x1x16xf32> to vector<16xf32>
        %parallel_loop3A_602 = vector.shape_cast %parallel_loop3A_594 : vector<16xf32> to vector<1x1x16xf32>
        tpu.vector_store %arg8[%parallel_loop3A_597, %parallel_loop3A_598, %parallel_loop3A_599], %parallel_loop3A_602 {strides = array<i32>} : memref<4x8x1024xf32, #tpu.memory_space<vmem>>, vector<1x1x16xf32>,
        %parallel_loop3A_603 = arith.constant 1 : i32
        %parallel_loop3A_604 = arith.constant 5 : i32
        %parallel_loop3A_605 = arith.index_cast %parallel_loop3A_603 : i32 to index
        %parallel_loop3A_606 = arith.index_cast %parallel_loop3A_604 : i32 to index
        %parallel_loop3A_607 = arith.index_cast %parallel_loop3A_236 : i32 to index
        %parallel_loop3A_608 = tpu.vector_load %arg8[%parallel_loop3A_605, %parallel_loop3A_606, %parallel_loop3A_607] {strides = array<i32>} : memref<4x8x1024xf32, #tpu.memory_space<vmem>>, vector<1x1x16xf32>,
        %parallel_loop3A_609 = vector.shape_cast %parallel_loop3A_608 : vector<1x1x16xf32> to vector<16xf32>
        %parallel_loop3A_610 = arith.addf %parallel_loop3A_609, %parallel_loop3A_586 : vector<16xf32>
        %parallel_loop3A_611 = arith.constant 1 : i32
        %parallel_loop3A_612 = arith.constant 5 : i32
        %parallel_loop3A_613 = arith.index_cast %parallel_loop3A_611 : i32 to index
        %parallel_loop3A_614 = arith.index_cast %parallel_loop3A_612 : i32 to index
        %parallel_loop3A_615 = arith.index_cast %parallel_loop3A_236 : i32 to index
        %parallel_loop3A_616 = tpu.vector_load %arg8[%parallel_loop3A_613, %parallel_loop3A_614, %parallel_loop3A_615] {strides = array<i32>} : memref<4x8x1024xf32, #tpu.memory_space<vmem>>, vector<1x1x16xf32>,
        %parallel_loop3A_617 = vector.shape_cast %parallel_loop3A_616 : vector<1x1x16xf32> to vector<16xf32>
        %parallel_loop3A_618 = vector.shape_cast %parallel_loop3A_610 : vector<16xf32> to vector<1x1x16xf32>
        tpu.vector_store %arg8[%parallel_loop3A_613, %parallel_loop3A_614, %parallel_loop3A_615], %parallel_loop3A_618 {strides = array<i32>} : memref<4x8x1024xf32, #tpu.memory_space<vmem>>, vector<1x1x16xf32>,
        %parallel_loop3A_619 = arith.constant 2 : i32
        %parallel_loop3A_620 = arith.constant 5 : i32
        %parallel_loop3A_621 = arith.index_cast %parallel_loop3A_619 : i32 to index
        %parallel_loop3A_622 = arith.index_cast %parallel_loop3A_620 : i32 to index
        %parallel_loop3A_623 = arith.index_cast %parallel_loop3A_236 : i32 to index
        %parallel_loop3A_624 = tpu.vector_load %arg8[%parallel_loop3A_621, %parallel_loop3A_622, %parallel_loop3A_623] {strides = array<i32>} : memref<4x8x1024xf32, #tpu.memory_space<vmem>>, vector<1x1x16xf32>,
        %parallel_loop3A_625 = vector.shape_cast %parallel_loop3A_624 : vector<1x1x16xf32> to vector<16xf32>
        %parallel_loop3A_626 = arith.addf %parallel_loop3A_625, %parallel_loop3A_586 : vector<16xf32>
        %parallel_loop3A_627 = arith.constant 2 : i32
        %parallel_loop3A_628 = arith.constant 5 : i32
        %parallel_loop3A_629 = arith.index_cast %parallel_loop3A_627 : i32 to index
        %parallel_loop3A_630 = arith.index_cast %parallel_loop3A_628 : i32 to index
        %parallel_loop3A_631 = arith.index_cast %parallel_loop3A_236 : i32 to index
        %parallel_loop3A_632 = tpu.vector_load %arg8[%parallel_loop3A_629, %parallel_loop3A_630, %parallel_loop3A_631] {strides = array<i32>} : memref<4x8x1024xf32, #tpu.memory_space<vmem>>, vector<1x1x16xf32>,
        %parallel_loop3A_633 = vector.shape_cast %parallel_loop3A_632 : vector<1x1x16xf32> to vector<16xf32>
        %parallel_loop3A_634 = vector.shape_cast %parallel_loop3A_626 : vector<16xf32> to vector<1x1x16xf32>
        tpu.vector_store %arg8[%parallel_loop3A_629, %parallel_loop3A_630, %parallel_loop3A_631], %parallel_loop3A_634 {strides = array<i32>} : memref<4x8x1024xf32, #tpu.memory_space<vmem>>, vector<1x1x16xf32>,
        %parallel_loop3A_635 = arith.constant 3 : i32
        %parallel_loop3A_636 = arith.constant 5 : i32
        %parallel_loop3A_637 = arith.index_cast %parallel_loop3A_635 : i32 to index
        %parallel_loop3A_638 = arith.index_cast %parallel_loop3A_636 : i32 to index
        %parallel_loop3A_639 = arith.index_cast %parallel_loop3A_236 : i32 to index
        %parallel_loop3A_640 = tpu.vector_load %arg8[%parallel_loop3A_637, %parallel_loop3A_638, %parallel_loop3A_639] {strides = array<i32>} : memref<4x8x1024xf32, #tpu.memory_space<vmem>>, vector<1x1x16xf32>,
        %parallel_loop3A_641 = vector.shape_cast %parallel_loop3A_640 : vector<1x1x16xf32> to vector<16xf32>
        %parallel_loop3A_642 = arith.addf %parallel_loop3A_641, %parallel_loop3A_586 : vector<16xf32>
        %parallel_loop3A_643 = arith.constant 3 : i32
        %parallel_loop3A_644 = arith.constant 5 : i32
        %parallel_loop3A_645 = arith.index_cast %parallel_loop3A_643 : i32 to index
        %parallel_loop3A_646 = arith.index_cast %parallel_loop3A_644 : i32 to index
        %parallel_loop3A_647 = arith.index_cast %parallel_loop3A_236 : i32 to index
        %parallel_loop3A_648 = tpu.vector_load %arg8[%parallel_loop3A_645, %parallel_loop3A_646, %parallel_loop3A_647] {strides = array<i32>} : memref<4x8x1024xf32, #tpu.memory_space<vmem>>, vector<1x1x16xf32>,
        %parallel_loop3A_649 = vector.shape_cast %parallel_loop3A_648 : vector<1x1x16xf32> to vector<16xf32>
        %parallel_loop3A_650 = vector.shape_cast %parallel_loop3A_642 : vector<16xf32> to vector<1x1x16xf32>
        tpu.vector_store %arg8[%parallel_loop3A_645, %parallel_loop3A_646, %parallel_loop3A_647], %parallel_loop3A_650 {strides = array<i32>} : memref<4x8x1024xf32, #tpu.memory_space<vmem>>, vector<1x1x16xf32>,
        %parallel_loop3A_651 = arith.constant 6 : i32
        %parallel_loop3A_652 = arith.index_cast %parallel_loop3A_651 : i32 to index
        %parallel_loop3A_653 = arith.index_cast %parallel_loop3A_236 : i32 to index
        %parallel_loop3A_654 = tpu.vector_load %arg5[%parallel_loop3A_652, %parallel_loop3A_653] {strides = array<i32>} : memref<8x1024xf32, #tpu.memory_space<vmem>>, vector<1x16xf32>,
        %parallel_loop3A_655 = vector.shape_cast %parallel_loop3A_654 : vector<1x16xf32> to vector<16xf32>
        %parallel_loop3A_656 = arith.constant 0 : i32
        %parallel_loop3A_657 = arith.constant 6 : i32
        %parallel_loop3A_658 = arith.index_cast %parallel_loop3A_656 : i32 to index
        %parallel_loop3A_659 = arith.index_cast %parallel_loop3A_657 : i32 to index
        %parallel_loop3A_660 = arith.index_cast %parallel_loop3A_236 : i32 to index
        %parallel_loop3A_661 = tpu.vector_load %arg8[%parallel_loop3A_658, %parallel_loop3A_659, %parallel_loop3A_660] {strides = array<i32>} : memref<4x8x1024xf32, #tpu.memory_space<vmem>>, vector<1x1x16xf32>,
        %parallel_loop3A_662 = vector.shape_cast %parallel_loop3A_661 : vector<1x1x16xf32> to vector<16xf32>
        %parallel_loop3A_663 = arith.addf %parallel_loop3A_662, %parallel_loop3A_655 : vector<16xf32>
        %parallel_loop3A_664 = arith.constant 0 : i32
        %parallel_loop3A_665 = arith.constant 6 : i32
        %parallel_loop3A_666 = arith.index_cast %parallel_loop3A_664 : i32 to index
        %parallel_loop3A_667 = arith.index_cast %parallel_loop3A_665 : i32 to index
        %parallel_loop3A_668 = arith.index_cast %parallel_loop3A_236 : i32 to index
        %parallel_loop3A_669 = tpu.vector_load %arg8[%parallel_loop3A_666, %parallel_loop3A_667, %parallel_loop3A_668] {strides = array<i32>} : memref<4x8x1024xf32, #tpu.memory_space<vmem>>, vector<1x1x16xf32>,
        %parallel_loop3A_670 = vector.shape_cast %parallel_loop3A_669 : vector<1x1x16xf32> to vector<16xf32>
        %parallel_loop3A_671 = vector.shape_cast %parallel_loop3A_663 : vector<16xf32> to vector<1x1x16xf32>
        tpu.vector_store %arg8[%parallel_loop3A_666, %parallel_loop3A_667, %parallel_loop3A_668], %parallel_loop3A_671 {strides = array<i32>} : memref<4x8x1024xf32, #tpu.memory_space<vmem>>, vector<1x1x16xf32>,
        %parallel_loop3A_672 = arith.constant 1 : i32
        %parallel_loop3A_673 = arith.constant 6 : i32
        %parallel_loop3A_674 = arith.index_cast %parallel_loop3A_672 : i32 to index
        %parallel_loop3A_675 = arith.index_cast %parallel_loop3A_673 : i32 to index
        %parallel_loop3A_676 = arith.index_cast %parallel_loop3A_236 : i32 to index
        %parallel_loop3A_677 = tpu.vector_load %arg8[%parallel_loop3A_674, %parallel_loop3A_675, %parallel_loop3A_676] {strides = array<i32>} : memref<4x8x1024xf32, #tpu.memory_space<vmem>>, vector<1x1x16xf32>,
        %parallel_loop3A_678 = vector.shape_cast %parallel_loop3A_677 : vector<1x1x16xf32> to vector<16xf32>
        %parallel_loop3A_679 = arith.addf %parallel_loop3A_678, %parallel_loop3A_655 : vector<16xf32>
        %parallel_loop3A_680 = arith.constant 1 : i32
        %parallel_loop3A_681 = arith.constant 6 : i32
        %parallel_loop3A_682 = arith.index_cast %parallel_loop3A_680 : i32 to index
        %parallel_loop3A_683 = arith.index_cast %parallel_loop3A_681 : i32 to index
        %parallel_loop3A_684 = arith.index_cast %parallel_loop3A_236 : i32 to index
        %parallel_loop3A_685 = tpu.vector_load %arg8[%parallel_loop3A_682, %parallel_loop3A_683, %parallel_loop3A_684] {strides = array<i32>} : memref<4x8x1024xf32, #tpu.memory_space<vmem>>, vector<1x1x16xf32>,
        %parallel_loop3A_686 = vector.shape_cast %parallel_loop3A_685 : vector<1x1x16xf32> to vector<16xf32>
        %parallel_loop3A_687 = vector.shape_cast %parallel_loop3A_679 : vector<16xf32> to vector<1x1x16xf32>
        tpu.vector_store %arg8[%parallel_loop3A_682, %parallel_loop3A_683, %parallel_loop3A_684], %parallel_loop3A_687 {strides = array<i32>} : memref<4x8x1024xf32, #tpu.memory_space<vmem>>, vector<1x1x16xf32>,
        %parallel_loop3A_688 = arith.constant 2 : i32
        %parallel_loop3A_689 = arith.constant 6 : i32
        %parallel_loop3A_690 = arith.index_cast %parallel_loop3A_688 : i32 to index
        %parallel_loop3A_691 = arith.index_cast %parallel_loop3A_689 : i32 to index
        %parallel_loop3A_692 = arith.index_cast %parallel_loop3A_236 : i32 to index
        %parallel_loop3A_693 = tpu.vector_load %arg8[%parallel_loop3A_690, %parallel_loop3A_691, %parallel_loop3A_692] {strides = array<i32>} : memref<4x8x1024xf32, #tpu.memory_space<vmem>>, vector<1x1x16xf32>,
        %parallel_loop3A_694 = vector.shape_cast %parallel_loop3A_693 : vector<1x1x16xf32> to vector<16xf32>
        %parallel_loop3A_695 = arith.addf %parallel_loop3A_694, %parallel_loop3A_655 : vector<16xf32>
        %parallel_loop3A_696 = arith.constant 2 : i32
        %parallel_loop3A_697 = arith.constant 6 : i32
        %parallel_loop3A_698 = arith.index_cast %parallel_loop3A_696 : i32 to index
        %parallel_loop3A_699 = arith.index_cast %parallel_loop3A_697 : i32 to index
        %parallel_loop3A_700 = arith.index_cast %parallel_loop3A_236 : i32 to index
        %parallel_loop3A_701 = tpu.vector_load %arg8[%parallel_loop3A_698, %parallel_loop3A_699, %parallel_loop3A_700] {strides = array<i32>} : memref<4x8x1024xf32, #tpu.memory_space<vmem>>, vector<1x1x16xf32>,
        %parallel_loop3A_702 = vector.shape_cast %parallel_loop3A_701 : vector<1x1x16xf32> to vector<16xf32>
        %parallel_loop3A_703 = vector.shape_cast %parallel_loop3A_695 : vector<16xf32> to vector<1x1x16xf32>
        tpu.vector_store %arg8[%parallel_loop3A_698, %parallel_loop3A_699, %parallel_loop3A_700], %parallel_loop3A_703 {strides = array<i32>} : memref<4x8x1024xf32, #tpu.memory_space<vmem>>, vector<1x1x16xf32>,
        %parallel_loop3A_704 = arith.constant 3 : i32
        %parallel_loop3A_705 = arith.constant 6 : i32
        %parallel_loop3A_706 = arith.index_cast %parallel_loop3A_704 : i32 to index
        %parallel_loop3A_707 = arith.index_cast %parallel_loop3A_705 : i32 to index
        %parallel_loop3A_708 = arith.index_cast %parallel_loop3A_236 : i32 to index
        %parallel_loop3A_709 = tpu.vector_load %arg8[%parallel_loop3A_706, %parallel_loop3A_707, %parallel_loop3A_708] {strides = array<i32>} : memref<4x8x1024xf32, #tpu.memory_space<vmem>>, vector<1x1x16xf32>,
        %parallel_loop3A_710 = vector.shape_cast %parallel_loop3A_709 : vector<1x1x16xf32> to vector<16xf32>
        %parallel_loop3A_711 = arith.addf %parallel_loop3A_710, %parallel_loop3A_655 : vector<16xf32>
        %parallel_loop3A_712 = arith.constant 3 : i32
        %parallel_loop3A_713 = arith.constant 6 : i32
        %parallel_loop3A_714 = arith.index_cast %parallel_loop3A_712 : i32 to index
        %parallel_loop3A_715 = arith.index_cast %parallel_loop3A_713 : i32 to index
        %parallel_loop3A_716 = arith.index_cast %parallel_loop3A_236 : i32 to index
        %parallel_loop3A_717 = tpu.vector_load %arg8[%parallel_loop3A_714, %parallel_loop3A_715, %parallel_loop3A_716] {strides = array<i32>} : memref<4x8x1024xf32, #tpu.memory_space<vmem>>, vector<1x1x16xf32>,
        %parallel_loop3A_718 = vector.shape_cast %parallel_loop3A_717 : vector<1x1x16xf32> to vector<16xf32>
        %parallel_loop3A_719 = vector.shape_cast %parallel_loop3A_711 : vector<16xf32> to vector<1x1x16xf32>
        tpu.vector_store %arg8[%parallel_loop3A_714, %parallel_loop3A_715, %parallel_loop3A_716], %parallel_loop3A_719 {strides = array<i32>} : memref<4x8x1024xf32, #tpu.memory_space<vmem>>, vector<1x1x16xf32>,
        %parallel_loop3A_720 = arith.constant 7 : i32
        %parallel_loop3A_721 = arith.index_cast %parallel_loop3A_720 : i32 to index
        %parallel_loop3A_722 = arith.index_cast %parallel_loop3A_236 : i32 to index
        %parallel_loop3A_723 = tpu.vector_load %arg5[%parallel_loop3A_721, %parallel_loop3A_722] {strides = array<i32>} : memref<8x1024xf32, #tpu.memory_space<vmem>>, vector<1x16xf32>,
        %parallel_loop3A_724 = vector.shape_cast %parallel_loop3A_723 : vector<1x16xf32> to vector<16xf32>
        %parallel_loop3A_725 = arith.constant 0 : i32
        %parallel_loop3A_726 = arith.constant 7 : i32
        %parallel_loop3A_727 = arith.index_cast %parallel_loop3A_725 : i32 to index
        %parallel_loop3A_728 = arith.index_cast %parallel_loop3A_726 : i32 to index
        %parallel_loop3A_729 = arith.index_cast %parallel_loop3A_236 : i32 to index
        %parallel_loop3A_730 = tpu.vector_load %arg8[%parallel_loop3A_727, %parallel_loop3A_728, %parallel_loop3A_729] {strides = array<i32>} : memref<4x8x1024xf32, #tpu.memory_space<vmem>>, vector<1x1x16xf32>,
        %parallel_loop3A_731 = vector.shape_cast %parallel_loop3A_730 : vector<1x1x16xf32> to vector<16xf32>
        %parallel_loop3A_732 = arith.addf %parallel_loop3A_731, %parallel_loop3A_724 : vector<16xf32>
        %parallel_loop3A_733 = arith.constant 0 : i32
        %parallel_loop3A_734 = arith.constant 7 : i32
        %parallel_loop3A_735 = arith.index_cast %parallel_loop3A_733 : i32 to index
        %parallel_loop3A_736 = arith.index_cast %parallel_loop3A_734 : i32 to index
        %parallel_loop3A_737 = arith.index_cast %parallel_loop3A_236 : i32 to index
        %parallel_loop3A_738 = tpu.vector_load %arg8[%parallel_loop3A_735, %parallel_loop3A_736, %parallel_loop3A_737] {strides = array<i32>} : memref<4x8x1024xf32, #tpu.memory_space<vmem>>, vector<1x1x16xf32>,
        %parallel_loop3A_739 = vector.shape_cast %parallel_loop3A_738 : vector<1x1x16xf32> to vector<16xf32>
        %parallel_loop3A_740 = vector.shape_cast %parallel_loop3A_732 : vector<16xf32> to vector<1x1x16xf32>
        tpu.vector_store %arg8[%parallel_loop3A_735, %parallel_loop3A_736, %parallel_loop3A_737], %parallel_loop3A_740 {strides = array<i32>} : memref<4x8x1024xf32, #tpu.memory_space<vmem>>, vector<1x1x16xf32>,
        %parallel_loop3A_741 = arith.constant 1 : i32
        %parallel_loop3A_742 = arith.constant 7 : i32
        %parallel_loop3A_743 = arith.index_cast %parallel_loop3A_741 : i32 to index
        %parallel_loop3A_744 = arith.index_cast %parallel_loop3A_742 : i32 to index
        %parallel_loop3A_745 = arith.index_cast %parallel_loop3A_236 : i32 to index
        %parallel_loop3A_746 = tpu.vector_load %arg8[%parallel_loop3A_743, %parallel_loop3A_744, %parallel_loop3A_745] {strides = array<i32>} : memref<4x8x1024xf32, #tpu.memory_space<vmem>>, vector<1x1x16xf32>,
        %parallel_loop3A_747 = vector.shape_cast %parallel_loop3A_746 : vector<1x1x16xf32> to vector<16xf32>
        %parallel_loop3A_748 = arith.addf %parallel_loop3A_747, %parallel_loop3A_724 : vector<16xf32>
        %parallel_loop3A_749 = arith.constant 1 : i32
        %parallel_loop3A_750 = arith.constant 7 : i32
        %parallel_loop3A_751 = arith.index_cast %parallel_loop3A_749 : i32 to index
        %parallel_loop3A_752 = arith.index_cast %parallel_loop3A_750 : i32 to index
        %parallel_loop3A_753 = arith.index_cast %parallel_loop3A_236 : i32 to index
        %parallel_loop3A_754 = tpu.vector_load %arg8[%parallel_loop3A_751, %parallel_loop3A_752, %parallel_loop3A_753] {strides = array<i32>} : memref<4x8x1024xf32, #tpu.memory_space<vmem>>, vector<1x1x16xf32>,
        %parallel_loop3A_755 = vector.shape_cast %parallel_loop3A_754 : vector<1x1x16xf32> to vector<16xf32>
        %parallel_loop3A_756 = vector.shape_cast %parallel_loop3A_748 : vector<16xf32> to vector<1x1x16xf32>
        tpu.vector_store %arg8[%parallel_loop3A_751, %parallel_loop3A_752, %parallel_loop3A_753], %parallel_loop3A_756 {strides = array<i32>} : memref<4x8x1024xf32, #tpu.memory_space<vmem>>, vector<1x1x16xf32>,
        %parallel_loop3A_757 = arith.constant 2 : i32
        %parallel_loop3A_758 = arith.constant 7 : i32
        %parallel_loop3A_759 = arith.index_cast %parallel_loop3A_757 : i32 to index
        %parallel_loop3A_760 = arith.index_cast %parallel_loop3A_758 : i32 to index
        %parallel_loop3A_761 = arith.index_cast %parallel_loop3A_236 : i32 to index
        %parallel_loop3A_762 = tpu.vector_load %arg8[%parallel_loop3A_759, %parallel_loop3A_760, %parallel_loop3A_761] {strides = array<i32>} : memref<4x8x1024xf32, #tpu.memory_space<vmem>>, vector<1x1x16xf32>,
        %parallel_loop3A_763 = vector.shape_cast %parallel_loop3A_762 : vector<1x1x16xf32> to vector<16xf32>
        %parallel_loop3A_764 = arith.addf %parallel_loop3A_763, %parallel_loop3A_724 : vector<16xf32>
        %parallel_loop3A_765 = arith.constant 2 : i32
        %parallel_loop3A_766 = arith.constant 7 : i32
        %parallel_loop3A_767 = arith.index_cast %parallel_loop3A_765 : i32 to index
        %parallel_loop3A_768 = arith.index_cast %parallel_loop3A_766 : i32 to index
        %parallel_loop3A_769 = arith.index_cast %parallel_loop3A_236 : i32 to index
        %parallel_loop3A_770 = tpu.vector_load %arg8[%parallel_loop3A_767, %parallel_loop3A_768, %parallel_loop3A_769] {strides = array<i32>} : memref<4x8x1024xf32, #tpu.memory_space<vmem>>, vector<1x1x16xf32>,
        %parallel_loop3A_771 = vector.shape_cast %parallel_loop3A_770 : vector<1x1x16xf32> to vector<16xf32>
        %parallel_loop3A_772 = vector.shape_cast %parallel_loop3A_764 : vector<16xf32> to vector<1x1x16xf32>
        tpu.vector_store %arg8[%parallel_loop3A_767, %parallel_loop3A_768, %parallel_loop3A_769], %parallel_loop3A_772 {strides = array<i32>} : memref<4x8x1024xf32, #tpu.memory_space<vmem>>, vector<1x1x16xf32>,
        %parallel_loop3A_773 = arith.constant 3 : i32
        %parallel_loop3A_774 = arith.constant 7 : i32
        %parallel_loop3A_775 = arith.index_cast %parallel_loop3A_773 : i32 to index
        %parallel_loop3A_776 = arith.index_cast %parallel_loop3A_774 : i32 to index
        %parallel_loop3A_777 = arith.index_cast %parallel_loop3A_236 : i32 to index
        %parallel_loop3A_778 = tpu.vector_load %arg8[%parallel_loop3A_775, %parallel_loop3A_776, %parallel_loop3A_777] {strides = array<i32>} : memref<4x8x1024xf32, #tpu.memory_space<vmem>>, vector<1x1x16xf32>,
        %parallel_loop3A_779 = vector.shape_cast %parallel_loop3A_778 : vector<1x1x16xf32> to vector<16xf32>
        %parallel_loop3A_780 = arith.addf %parallel_loop3A_779, %parallel_loop3A_724 : vector<16xf32>
        %parallel_loop3A_781 = arith.constant 3 : i32
        %parallel_loop3A_782 = arith.constant 7 : i32
        %parallel_loop3A_783 = arith.index_cast %parallel_loop3A_781 : i32 to index
        %parallel_loop3A_784 = arith.index_cast %parallel_loop3A_782 : i32 to index
        %parallel_loop3A_785 = arith.index_cast %parallel_loop3A_236 : i32 to index
        %parallel_loop3A_786 = tpu.vector_load %arg8[%parallel_loop3A_783, %parallel_loop3A_784, %parallel_loop3A_785] {strides = array<i32>} : memref<4x8x1024xf32, #tpu.memory_space<vmem>>, vector<1x1x16xf32>,
        %parallel_loop3A_787 = vector.shape_cast %parallel_loop3A_786 : vector<1x1x16xf32> to vector<16xf32>
        %parallel_loop3A_788 = vector.shape_cast %parallel_loop3A_780 : vector<16xf32> to vector<1x1x16xf32>
        tpu.vector_store %arg8[%parallel_loop3A_783, %parallel_loop3A_784, %parallel_loop3A_785], %parallel_loop3A_788 {strides = array<i32>} : memref<4x8x1024xf32, #tpu.memory_space<vmem>>, vector<1x1x16xf32>,
      } {sc.loop_unroll_factor = 1 : i64, sc.parallel_access}
      %mul3A_141 = arith.constant 8 : i32
      %mul3A_142 = arith.muli %add3A_115, %mul3A_141 : i32
      %add3A_143 = arith.addi %mul3A_2, %mul3A_142 : i32
      %dma_start3A_144 = arith.constant 0 : i32
      %dma_start3A_145 = arith.constant 0 : i32
      %dma_start3A_146 = tpu.memref_slice %arg4[%dma_start3A_144, %add3A_143, %dma_start3A_145] : memref<4x8192x1024xf32, #tpu.memory_space<hbm>> -> memref<4x8x1024xf32, #tpu.memory_space<hbm>>
      %dma_start3A_147 = arith.constant 0 : i32
      %dma_start3A_148 = arith.constant 0 : i32
      %dma_start3A_149 = tpu.memref_slice %arg4[%dma_start3A_147, %add3A_143, %dma_start3A_148] : memref<4x8192x1024xf32, #tpu.memory_space<hbm>> -> memref<4x8x1024xf32, #tpu.memory_space<hbm>>
      tpu.enqueue_dma source(%arg8 : memref<4x8x1024xf32, #tpu.memory_space<vmem>>) target(%dma_start3A_149 : memref<4x8x1024xf32, #tpu.memory_space<hbm>>) target_semaphore(%arg17 : memref<!tpu.dma_semaphore, #tpu.memory_space<semaphore_mem>>)
      %mul3A_150 = arith.constant 3 : i32
      %mul3A_151 = arith.muli %mul3A_150, %scan3A_111 : i32
      %add3A_152 = arith.constant 1 : i32
      %add3A_153 = arith.addi %mul3A_151, %add3A_152 : i32
      %ge3A_154 = arith.constant 2 : i32
      %ge3A_155 = arith.cmpi sge, %add3A_153, %ge3A_154 : i32
      %convert_element_type3A_156 = arith.extui %ge3A_155 : i1 to i32
      %cond3A_157 = arith.constant 0 : i32
      %cond3A_158 = arith.cmpi ne, %convert_element_type3A_156, %cond3A_157 : i32
      scf.if %cond3A_158 {
        %dma_wait3A_234 = arith.constant 0 : i32
        %dma_wait3A_235 = arith.constant 0 : i32
        %dma_wait3A_236 = arith.constant 0 : i32
        %dma_wait3A_237 = tpu.memref_slice %arg2[%dma_wait3A_234, %dma_wait3A_235, %dma_wait3A_236] : memref<4x8192x1024xf32, #tpu.memory_space<hbm>> -> memref<4x8x1024xf32, #tpu.memory_space<hbm>>
        %dma_wait3A_238 = arith.constant 0 : i32
        %dma_wait3A_239 = arith.constant 0 : i32
        %dma_wait3A_240 = arith.constant 0 : i32
        %dma_wait3A_241 = tpu.memref_slice %arg2[%dma_wait3A_238, %dma_wait3A_239, %dma_wait3A_240] : memref<4x8192x1024xf32, #tpu.memory_space<hbm>> -> memref<4x8x1024xf32, #tpu.memory_space<hbm>>
        tpu.wait_dma2 semaphore(%arg19 : memref<!tpu.dma_semaphore, #tpu.memory_space<semaphore_mem>>) src(%dma_wait3A_241 : memref<4x8x1024xf32, #tpu.memory_space<hbm>>) dst(%arg10 : memref<4x8x1024xf32, #tpu.memory_space<vmem>>)
      } else {
      }
      %add3A_159 = arith.constant 1 : i32
      %add3A_160 = arith.addi %add3A_153, %add3A_159 : i32
      %lt3A_161 = arith.constant 32 : i32
      %lt3A_162 = arith.cmpi slt, %add3A_160, %lt3A_161 : i32
      %convert_element_type3A_163 = arith.extui %lt3A_162 : i1 to i32
      %cond3A_164 = arith.constant 0 : i32
      %cond3A_165 = arith.cmpi ne, %convert_element_type3A_163, %cond3A_164 : i32
      scf.if %cond3A_165 {
        %add3A_234 = arith.constant 1 : i32
        %add3A_235 = arith.addi %add3A_153, %add3A_234 : i32
        %mul3A_236 = arith.constant 8 : i32
        %mul3A_237 = arith.muli %add3A_235, %mul3A_236 : i32
        %add3A_238 = arith.addi %mul3A_2, %mul3A_237 : i32
        %dma_start3A_239 = arith.constant 0 : i32
        %dma_start3A_240 = tpu.memref_slice %arg3[%add3A_238, %dma_start3A_239] : memref<8192x1024xf32, #tpu.memory_space<hbm>> -> memref<8x1024xf32, #tpu.memory_space<hbm>>
        %dma_start3A_241 = arith.constant 0 : i32
        %dma_start3A_242 = tpu.memref_slice %arg3[%add3A_238, %dma_start3A_241] : memref<8192x1024xf32, #tpu.memory_space<hbm>> -> memref<8x1024xf32, #tpu.memory_space<hbm>>
        tpu.enqueue_dma source(%dma_start3A_242 : memref<8x1024xf32, #tpu.memory_space<hbm>>) target(%arg7 : memref<8x1024xf32, #tpu.memory_space<vmem>>) target_semaphore(%arg13 : memref<!tpu.dma_semaphore, #tpu.memory_space<semaphore_mem>>)
        %dma_start3A_243 = arith.constant 0 : i32
        %dma_start3A_244 = arith.constant 0 : i32
        %dma_start3A_245 = tpu.memref_slice %arg2[%dma_start3A_243, %add3A_238, %dma_start3A_244] : memref<4x8192x1024xf32, #tpu.memory_space<hbm>> -> memref<4x8x1024xf32, #tpu.memory_space<hbm>>
        %dma_start3A_246 = arith.constant 0 : i32
        %dma_start3A_247 = arith.constant 0 : i32
        %dma_start3A_248 = tpu.memref_slice %arg2[%dma_start3A_246, %add3A_238, %dma_start3A_247] : memref<4x8192x1024xf32, #tpu.memory_space<hbm>> -> memref<4x8x1024xf32, #tpu.memory_space<hbm>>
        tpu.enqueue_dma source(%dma_start3A_248 : memref<4x8x1024xf32, #tpu.memory_space<hbm>>) target(%arg10 : memref<4x8x1024xf32, #tpu.memory_space<vmem>>) target_semaphore(%arg16 : memref<!tpu.dma_semaphore, #tpu.memory_space<semaphore_mem>>)
      } else {
      }
      %dma_wait3A_166 = arith.constant 0 : i32
      %dma_wait3A_167 = arith.constant 0 : i32
      %dma_wait3A_168 = tpu.memref_slice %arg3[%dma_wait3A_166, %dma_wait3A_167] : memref<8192x1024xf32, #tpu.memory_space<hbm>> -> memref<8x1024xf32, #tpu.memory_space<hbm>>
      %dma_wait3A_169 = arith.constant 0 : i32
      %dma_wait3A_170 = arith.constant 0 : i32
      %dma_wait3A_171 = tpu.memref_slice %arg3[%dma_wait3A_169, %dma_wait3A_170] : memref<8192x1024xf32, #tpu.memory_space<hbm>> -> memref<8x1024xf32, #tpu.memory_space<hbm>>
      tpu.wait_dma2 semaphore(%arg12 : memref<!tpu.dma_semaphore, #tpu.memory_space<semaphore_mem>>) src(%dma_wait3A_171 : memref<8x1024xf32, #tpu.memory_space<hbm>>) dst(%arg6 : memref<8x1024xf32, #tpu.memory_space<vmem>>)
      %dma_wait3A_172 = arith.constant 0 : i32
      %dma_wait3A_173 = arith.constant 0 : i32
      %dma_wait3A_174 = arith.constant 0 : i32
      %dma_wait3A_175 = tpu.memref_slice %arg2[%dma_wait3A_172, %dma_wait3A_173, %dma_wait3A_174] : memref<4x8192x1024xf32, #tpu.memory_space<hbm>> -> memref<4x8x1024xf32, #tpu.memory_space<hbm>>
      %dma_wait3A_176 = arith.constant 0 : i32
      %dma_wait3A_177 = arith.constant 0 : i32
      %dma_wait3A_178 = arith.constant 0 : i32
      %dma_wait3A_179 = tpu.memref_slice %arg2[%dma_wait3A_176, %dma_wait3A_177, %dma_wait3A_178] : memref<4x8192x1024xf32, #tpu.memory_space<hbm>> -> memref<4x8x1024xf32, #tpu.memory_space<hbm>>
      tpu.wait_dma2 semaphore(%arg15 : memref<!tpu.dma_semaphore, #tpu.memory_space<semaphore_mem>>) src(%dma_wait3A_179 : memref<4x8x1024xf32, #tpu.memory_space<hbm>>) dst(%arg9 : memref<4x8x1024xf32, #tpu.memory_space<vmem>>)
      %parallel_loop3A_180 = arith.constant 0 : i32
      %parallel_loop3A_181 = arith.constant 64 : i32
      %parallel_loop3A_182 = arith.constant 1 : i32
      scf.for %parallel_loop3A_234 = %parallel_loop3A_180 to %parallel_loop3A_181 step %parallel_loop3A_182  : i32 {
        %parallel_loop3A_235 = arith.constant 16 : i32
        %parallel_loop3A_236 = arith.muli %parallel_loop3A_234, %parallel_loop3A_235 : i32
        %parallel_loop3A_237 = arith.constant 0 : i32
        %parallel_loop3A_238 = arith.index_cast %parallel_loop3A_237 : i32 to index
        %parallel_loop3A_239 = arith.index_cast %parallel_loop3A_236 : i32 to index
        %parallel_loop3A_240 = tpu.vector_load %arg6[%parallel_loop3A_238, %parallel_loop3A_239] {strides = array<i32>} : memref<8x1024xf32, #tpu.memory_space<vmem>>, vector<1x16xf32>,
        %parallel_loop3A_241 = vector.shape_cast %parallel_loop3A_240 : vector<1x16xf32> to vector<16xf32>
        %parallel_loop3A_242 = arith.constant 0 : i32
        %parallel_loop3A_243 = arith.constant 0 : i32
        %parallel_loop3A_244 = arith.index_cast %parallel_loop3A_242 : i32 to index
        %parallel_loop3A_245 = arith.index_cast %parallel_loop3A_243 : i32 to index
        %parallel_loop3A_246 = arith.index_cast %parallel_loop3A_236 : i32 to index
        %parallel_loop3A_247 = tpu.vector_load %arg9[%parallel_loop3A_244, %parallel_loop3A_245, %parallel_loop3A_246] {strides = array<i32>} : memref<4x8x1024xf32, #tpu.memory_space<vmem>>, vector<1x1x16xf32>,
        %parallel_loop3A_248 = vector.shape_cast %parallel_loop3A_247 : vector<1x1x16xf32> to vector<16xf32>
        %parallel_loop3A_249 = arith.addf %parallel_loop3A_248, %parallel_loop3A_241 : vector<16xf32>
        %parallel_loop3A_250 = arith.constant 0 : i32
        %parallel_loop3A_251 = arith.constant 0 : i32
        %parallel_loop3A_252 = arith.index_cast %parallel_loop3A_250 : i32 to index
        %parallel_loop3A_253 = arith.index_cast %parallel_loop3A_251 : i32 to index
        %parallel_loop3A_254 = arith.index_cast %parallel_loop3A_236 : i32 to index
        %parallel_loop3A_255 = tpu.vector_load %arg9[%parallel_loop3A_252, %parallel_loop3A_253, %parallel_loop3A_254] {strides = array<i32>} : memref<4x8x1024xf32, #tpu.memory_space<vmem>>, vector<1x1x16xf32>,
        %parallel_loop3A_256 = vector.shape_cast %parallel_loop3A_255 : vector<1x1x16xf32> to vector<16xf32>
        %parallel_loop3A_257 = vector.shape_cast %parallel_loop3A_249 : vector<16xf32> to vector<1x1x16xf32>
        tpu.vector_store %arg9[%parallel_loop3A_252, %parallel_loop3A_253, %parallel_loop3A_254], %parallel_loop3A_257 {strides = array<i32>} : memref<4x8x1024xf32, #tpu.memory_space<vmem>>, vector<1x1x16xf32>,
        %parallel_loop3A_258 = arith.constant 1 : i32
        %parallel_loop3A_259 = arith.constant 0 : i32
        %parallel_loop3A_260 = arith.index_cast %parallel_loop3A_258 : i32 to index
        %parallel_loop3A_261 = arith.index_cast %parallel_loop3A_259 : i32 to index
        %parallel_loop3A_262 = arith.index_cast %parallel_loop3A_236 : i32 to index
        %parallel_loop3A_263 = tpu.vector_load %arg9[%parallel_loop3A_260, %parallel_loop3A_261, %parallel_loop3A_262] {strides = array<i32>} : memref<4x8x1024xf32, #tpu.memory_space<vmem>>, vector<1x1x16xf32>,
        %parallel_loop3A_264 = vector.shape_cast %parallel_loop3A_263 : vector<1x1x16xf32> to vector<16xf32>
        %parallel_loop3A_265 = arith.addf %parallel_loop3A_264, %parallel_loop3A_241 : vector<16xf32>
        %parallel_loop3A_266 = arith.constant 1 : i32
        %parallel_loop3A_267 = arith.constant 0 : i32
        %parallel_loop3A_268 = arith.index_cast %parallel_loop3A_266 : i32 to index
        %parallel_loop3A_269 = arith.index_cast %parallel_loop3A_267 : i32 to index
        %parallel_loop3A_270 = arith.index_cast %parallel_loop3A_236 : i32 to index
        %parallel_loop3A_271 = tpu.vector_load %arg9[%parallel_loop3A_268, %parallel_loop3A_269, %parallel_loop3A_270] {strides = array<i32>} : memref<4x8x1024xf32, #tpu.memory_space<vmem>>, vector<1x1x16xf32>,
        %parallel_loop3A_272 = vector.shape_cast %parallel_loop3A_271 : vector<1x1x16xf32> to vector<16xf32>
        %parallel_loop3A_273 = vector.shape_cast %parallel_loop3A_265 : vector<16xf32> to vector<1x1x16xf32>
        tpu.vector_store %arg9[%parallel_loop3A_268, %parallel_loop3A_269, %parallel_loop3A_270], %parallel_loop3A_273 {strides = array<i32>} : memref<4x8x1024xf32, #tpu.memory_space<vmem>>, vector<1x1x16xf32>,
        %parallel_loop3A_274 = arith.constant 2 : i32
        %parallel_loop3A_275 = arith.constant 0 : i32
        %parallel_loop3A_276 = arith.index_cast %parallel_loop3A_274 : i32 to index
        %parallel_loop3A_277 = arith.index_cast %parallel_loop3A_275 : i32 to index
        %parallel_loop3A_278 = arith.index_cast %parallel_loop3A_236 : i32 to index
        %parallel_loop3A_279 = tpu.vector_load %arg9[%parallel_loop3A_276, %parallel_loop3A_277, %parallel_loop3A_278] {strides = array<i32>} : memref<4x8x1024xf32, #tpu.memory_space<vmem>>, vector<1x1x16xf32>,
        %parallel_loop3A_280 = vector.shape_cast %parallel_loop3A_279 : vector<1x1x16xf32> to vector<16xf32>
        %parallel_loop3A_281 = arith.addf %parallel_loop3A_280, %parallel_loop3A_241 : vector<16xf32>
        %parallel_loop3A_282 = arith.constant 2 : i32
        %parallel_loop3A_283 = arith.constant 0 : i32
        %parallel_loop3A_284 = arith.index_cast %parallel_loop3A_282 : i32 to index
        %parallel_loop3A_285 = arith.index_cast %parallel_loop3A_283 : i32 to index
        %parallel_loop3A_286 = arith.index_cast %parallel_loop3A_236 : i32 to index
        %parallel_loop3A_287 = tpu.vector_load %arg9[%parallel_loop3A_284, %parallel_loop3A_285, %parallel_loop3A_286] {strides = array<i32>} : memref<4x8x1024xf32, #tpu.memory_space<vmem>>, vector<1x1x16xf32>,
        %parallel_loop3A_288 = vector.shape_cast %parallel_loop3A_287 : vector<1x1x16xf32> to vector<16xf32>
        %parallel_loop3A_289 = vector.shape_cast %parallel_loop3A_281 : vector<16xf32> to vector<1x1x16xf32>
        tpu.vector_store %arg9[%parallel_loop3A_284, %parallel_loop3A_285, %parallel_loop3A_286], %parallel_loop3A_289 {strides = array<i32>} : memref<4x8x1024xf32, #tpu.memory_space<vmem>>, vector<1x1x16xf32>,
        %parallel_loop3A_290 = arith.constant 3 : i32
        %parallel_loop3A_291 = arith.constant 0 : i32
        %parallel_loop3A_292 = arith.index_cast %parallel_loop3A_290 : i32 to index
        %parallel_loop3A_293 = arith.index_cast %parallel_loop3A_291 : i32 to index
        %parallel_loop3A_294 = arith.index_cast %parallel_loop3A_236 : i32 to index
        %parallel_loop3A_295 = tpu.vector_load %arg9[%parallel_loop3A_292, %parallel_loop3A_293, %parallel_loop3A_294] {strides = array<i32>} : memref<4x8x1024xf32, #tpu.memory_space<vmem>>, vector<1x1x16xf32>,
        %parallel_loop3A_296 = vector.shape_cast %parallel_loop3A_295 : vector<1x1x16xf32> to vector<16xf32>
        %parallel_loop3A_297 = arith.addf %parallel_loop3A_296, %parallel_loop3A_241 : vector<16xf32>
        %parallel_loop3A_298 = arith.constant 3 : i32
        %parallel_loop3A_299 = arith.constant 0 : i32
        %parallel_loop3A_300 = arith.index_cast %parallel_loop3A_298 : i32 to index
        %parallel_loop3A_301 = arith.index_cast %parallel_loop3A_299 : i32 to index
        %parallel_loop3A_302 = arith.index_cast %parallel_loop3A_236 : i32 to index
        %parallel_loop3A_303 = tpu.vector_load %arg9[%parallel_loop3A_300, %parallel_loop3A_301, %parallel_loop3A_302] {strides = array<i32>} : memref<4x8x1024xf32, #tpu.memory_space<vmem>>, vector<1x1x16xf32>,
        %parallel_loop3A_304 = vector.shape_cast %parallel_loop3A_303 : vector<1x1x16xf32> to vector<16xf32>
        %parallel_loop3A_305 = vector.shape_cast %parallel_loop3A_297 : vector<16xf32> to vector<1x1x16xf32>
        tpu.vector_store %arg9[%parallel_loop3A_300, %parallel_loop3A_301, %parallel_loop3A_302], %parallel_loop3A_305 {strides = array<i32>} : memref<4x8x1024xf32, #tpu.memory_space<vmem>>, vector<1x1x16xf32>,
        %parallel_loop3A_306 = arith.constant 1 : i32
        %parallel_loop3A_307 = arith.index_cast %parallel_loop3A_306 : i32 to index
        %parallel_loop3A_308 = arith.index_cast %parallel_loop3A_236 : i32 to index
        %parallel_loop3A_309 = tpu.vector_load %arg6[%parallel_loop3A_307, %parallel_loop3A_308] {strides = array<i32>} : memref<8x1024xf32, #tpu.memory_space<vmem>>, vector<1x16xf32>,
        %parallel_loop3A_310 = vector.shape_cast %parallel_loop3A_309 : vector<1x16xf32> to vector<16xf32>
        %parallel_loop3A_311 = arith.constant 0 : i32
        %parallel_loop3A_312 = arith.constant 1 : i32
        %parallel_loop3A_313 = arith.index_cast %parallel_loop3A_311 : i32 to index
        %parallel_loop3A_314 = arith.index_cast %parallel_loop3A_312 : i32 to index
        %parallel_loop3A_315 = arith.index_cast %parallel_loop3A_236 : i32 to index
        %parallel_loop3A_316 = tpu.vector_load %arg9[%parallel_loop3A_313, %parallel_loop3A_314, %parallel_loop3A_315] {strides = array<i32>} : memref<4x8x1024xf32, #tpu.memory_space<vmem>>, vector<1x1x16xf32>,
        %parallel_loop3A_317 = vector.shape_cast %parallel_loop3A_316 : vector<1x1x16xf32> to vector<16xf32>
        %parallel_loop3A_318 = arith.addf %parallel_loop3A_317, %parallel_loop3A_310 : vector<16xf32>
        %parallel_loop3A_319 = arith.constant 0 : i32
        %parallel_loop3A_320 = arith.constant 1 : i32
        %parallel_loop3A_321 = arith.index_cast %parallel_loop3A_319 : i32 to index
        %parallel_loop3A_322 = arith.index_cast %parallel_loop3A_320 : i32 to index
        %parallel_loop3A_323 = arith.index_cast %parallel_loop3A_236 : i32 to index
        %parallel_loop3A_324 = tpu.vector_load %arg9[%parallel_loop3A_321, %parallel_loop3A_322, %parallel_loop3A_323] {strides = array<i32>} : memref<4x8x1024xf32, #tpu.memory_space<vmem>>, vector<1x1x16xf32>,
        %parallel_loop3A_325 = vector.shape_cast %parallel_loop3A_324 : vector<1x1x16xf32> to vector<16xf32>
        %parallel_loop3A_326 = vector.shape_cast %parallel_loop3A_318 : vector<16xf32> to vector<1x1x16xf32>
        tpu.vector_store %arg9[%parallel_loop3A_321, %parallel_loop3A_322, %parallel_loop3A_323], %parallel_loop3A_326 {strides = array<i32>} : memref<4x8x1024xf32, #tpu.memory_space<vmem>>, vector<1x1x16xf32>,
        %parallel_loop3A_327 = arith.constant 1 : i32
        %parallel_loop3A_328 = arith.constant 1 : i32
        %parallel_loop3A_329 = arith.index_cast %parallel_loop3A_327 : i32 to index
        %parallel_loop3A_330 = arith.index_cast %parallel_loop3A_328 : i32 to index
        %parallel_loop3A_331 = arith.index_cast %parallel_loop3A_236 : i32 to index
        %parallel_loop3A_332 = tpu.vector_load %arg9[%parallel_loop3A_329, %parallel_loop3A_330, %parallel_loop3A_331] {strides = array<i32>} : memref<4x8x1024xf32, #tpu.memory_space<vmem>>, vector<1x1x16xf32>,
        %parallel_loop3A_333 = vector.shape_cast %parallel_loop3A_332 : vector<1x1x16xf32> to vector<16xf32>
        %parallel_loop3A_334 = arith.addf %parallel_loop3A_333, %parallel_loop3A_310 : vector<16xf32>
        %parallel_loop3A_335 = arith.constant 1 : i32
        %parallel_loop3A_336 = arith.constant 1 : i32
        %parallel_loop3A_337 = arith.index_cast %parallel_loop3A_335 : i32 to index
        %parallel_loop3A_338 = arith.index_cast %parallel_loop3A_336 : i32 to index
        %parallel_loop3A_339 = arith.index_cast %parallel_loop3A_236 : i32 to index
        %parallel_loop3A_340 = tpu.vector_load %arg9[%parallel_loop3A_337, %parallel_loop3A_338, %parallel_loop3A_339] {strides = array<i32>} : memref<4x8x1024xf32, #tpu.memory_space<vmem>>, vector<1x1x16xf32>,
        %parallel_loop3A_341 = vector.shape_cast %parallel_loop3A_340 : vector<1x1x16xf32> to vector<16xf32>
        %parallel_loop3A_342 = vector.shape_cast %parallel_loop3A_334 : vector<16xf32> to vector<1x1x16xf32>
        tpu.vector_store %arg9[%parallel_loop3A_337, %parallel_loop3A_338, %parallel_loop3A_339], %parallel_loop3A_342 {strides = array<i32>} : memref<4x8x1024xf32, #tpu.memory_space<vmem>>, vector<1x1x16xf32>,
        %parallel_loop3A_343 = arith.constant 2 : i32
        %parallel_loop3A_344 = arith.constant 1 : i32
        %parallel_loop3A_345 = arith.index_cast %parallel_loop3A_343 : i32 to index
        %parallel_loop3A_346 = arith.index_cast %parallel_loop3A_344 : i32 to index
        %parallel_loop3A_347 = arith.index_cast %parallel_loop3A_236 : i32 to index
        %parallel_loop3A_348 = tpu.vector_load %arg9[%parallel_loop3A_345, %parallel_loop3A_346, %parallel_loop3A_347] {strides = array<i32>} : memref<4x8x1024xf32, #tpu.memory_space<vmem>>, vector<1x1x16xf32>,
        %parallel_loop3A_349 = vector.shape_cast %parallel_loop3A_348 : vector<1x1x16xf32> to vector<16xf32>
        %parallel_loop3A_350 = arith.addf %parallel_loop3A_349, %parallel_loop3A_310 : vector<16xf32>
        %parallel_loop3A_351 = arith.constant 2 : i32
        %parallel_loop3A_352 = arith.constant 1 : i32
        %parallel_loop3A_353 = arith.index_cast %parallel_loop3A_351 : i32 to index
        %parallel_loop3A_354 = arith.index_cast %parallel_loop3A_352 : i32 to index
        %parallel_loop3A_355 = arith.index_cast %parallel_loop3A_236 : i32 to index
        %parallel_loop3A_356 = tpu.vector_load %arg9[%parallel_loop3A_353, %parallel_loop3A_354, %parallel_loop3A_355] {strides = array<i32>} : memref<4x8x1024xf32, #tpu.memory_space<vmem>>, vector<1x1x16xf32>,
        %parallel_loop3A_357 = vector.shape_cast %parallel_loop3A_356 : vector<1x1x16xf32> to vector<16xf32>
        %parallel_loop3A_358 = vector.shape_cast %parallel_loop3A_350 : vector<16xf32> to vector<1x1x16xf32>
        tpu.vector_store %arg9[%parallel_loop3A_353, %parallel_loop3A_354, %parallel_loop3A_355], %parallel_loop3A_358 {strides = array<i32>} : memref<4x8x1024xf32, #tpu.memory_space<vmem>>, vector<1x1x16xf32>,
        %parallel_loop3A_359 = arith.constant 3 : i32
        %parallel_loop3A_360 = arith.constant 1 : i32
        %parallel_loop3A_361 = arith.index_cast %parallel_loop3A_359 : i32 to index
        %parallel_loop3A_362 = arith.index_cast %parallel_loop3A_360 : i32 to index
        %parallel_loop3A_363 = arith.index_cast %parallel_loop3A_236 : i32 to index
        %parallel_loop3A_364 = tpu.vector_load %arg9[%parallel_loop3A_361, %parallel_loop3A_362, %parallel_loop3A_363] {strides = array<i32>} : memref<4x8x1024xf32, #tpu.memory_space<vmem>>, vector<1x1x16xf32>,
        %parallel_loop3A_365 = vector.shape_cast %parallel_loop3A_364 : vector<1x1x16xf32> to vector<16xf32>
        %parallel_loop3A_366 = arith.addf %parallel_loop3A_365, %parallel_loop3A_310 : vector<16xf32>
        %parallel_loop3A_367 = arith.constant 3 : i32
        %parallel_loop3A_368 = arith.constant 1 : i32
        %parallel_loop3A_369 = arith.index_cast %parallel_loop3A_367 : i32 to index
        %parallel_loop3A_370 = arith.index_cast %parallel_loop3A_368 : i32 to index
        %parallel_loop3A_371 = arith.index_cast %parallel_loop3A_236 : i32 to index
        %parallel_loop3A_372 = tpu.vector_load %arg9[%parallel_loop3A_369, %parallel_loop3A_370, %parallel_loop3A_371] {strides = array<i32>} : memref<4x8x1024xf32, #tpu.memory_space<vmem>>, vector<1x1x16xf32>,
        %parallel_loop3A_373 = vector.shape_cast %parallel_loop3A_372 : vector<1x1x16xf32> to vector<16xf32>
        %parallel_loop3A_374 = vector.shape_cast %parallel_loop3A_366 : vector<16xf32> to vector<1x1x16xf32>
        tpu.vector_store %arg9[%parallel_loop3A_369, %parallel_loop3A_370, %parallel_loop3A_371], %parallel_loop3A_374 {strides = array<i32>} : memref<4x8x1024xf32, #tpu.memory_space<vmem>>, vector<1x1x16xf32>,
        %parallel_loop3A_375 = arith.constant 2 : i32
        %parallel_loop3A_376 = arith.index_cast %parallel_loop3A_375 : i32 to index
        %parallel_loop3A_377 = arith.index_cast %parallel_loop3A_236 : i32 to index
        %parallel_loop3A_378 = tpu.vector_load %arg6[%parallel_loop3A_376, %parallel_loop3A_377] {strides = array<i32>} : memref<8x1024xf32, #tpu.memory_space<vmem>>, vector<1x16xf32>,
        %parallel_loop3A_379 = vector.shape_cast %parallel_loop3A_378 : vector<1x16xf32> to vector<16xf32>
        %parallel_loop3A_380 = arith.constant 0 : i32
        %parallel_loop3A_381 = arith.constant 2 : i32
        %parallel_loop3A_382 = arith.index_cast %parallel_loop3A_380 : i32 to index
        %parallel_loop3A_383 = arith.index_cast %parallel_loop3A_381 : i32 to index
        %parallel_loop3A_384 = arith.index_cast %parallel_loop3A_236 : i32 to index
        %parallel_loop3A_385 = tpu.vector_load %arg9[%parallel_loop3A_382, %parallel_loop3A_383, %parallel_loop3A_384] {strides = array<i32>} : memref<4x8x1024xf32, #tpu.memory_space<vmem>>, vector<1x1x16xf32>,
        %parallel_loop3A_386 = vector.shape_cast %parallel_loop3A_385 : vector<1x1x16xf32> to vector<16xf32>
        %parallel_loop3A_387 = arith.addf %parallel_loop3A_386, %parallel_loop3A_379 : vector<16xf32>
        %parallel_loop3A_388 = arith.constant 0 : i32
        %parallel_loop3A_389 = arith.constant 2 : i32
        %parallel_loop3A_390 = arith.index_cast %parallel_loop3A_388 : i32 to index
        %parallel_loop3A_391 = arith.index_cast %parallel_loop3A_389 : i32 to index
        %parallel_loop3A_392 = arith.index_cast %parallel_loop3A_236 : i32 to index
        %parallel_loop3A_393 = tpu.vector_load %arg9[%parallel_loop3A_390, %parallel_loop3A_391, %parallel_loop3A_392] {strides = array<i32>} : memref<4x8x1024xf32, #tpu.memory_space<vmem>>, vector<1x1x16xf32>,
        %parallel_loop3A_394 = vector.shape_cast %parallel_loop3A_393 : vector<1x1x16xf32> to vector<16xf32>
        %parallel_loop3A_395 = vector.shape_cast %parallel_loop3A_387 : vector<16xf32> to vector<1x1x16xf32>
        tpu.vector_store %arg9[%parallel_loop3A_390, %parallel_loop3A_391, %parallel_loop3A_392], %parallel_loop3A_395 {strides = array<i32>} : memref<4x8x1024xf32, #tpu.memory_space<vmem>>, vector<1x1x16xf32>,
        %parallel_loop3A_396 = arith.constant 1 : i32
        %parallel_loop3A_397 = arith.constant 2 : i32
        %parallel_loop3A_398 = arith.index_cast %parallel_loop3A_396 : i32 to index
        %parallel_loop3A_399 = arith.index_cast %parallel_loop3A_397 : i32 to index
        %parallel_loop3A_400 = arith.index_cast %parallel_loop3A_236 : i32 to index
        %parallel_loop3A_401 = tpu.vector_load %arg9[%parallel_loop3A_398, %parallel_loop3A_399, %parallel_loop3A_400] {strides = array<i32>} : memref<4x8x1024xf32, #tpu.memory_space<vmem>>, vector<1x1x16xf32>,
        %parallel_loop3A_402 = vector.shape_cast %parallel_loop3A_401 : vector<1x1x16xf32> to vector<16xf32>
        %parallel_loop3A_403 = arith.addf %parallel_loop3A_402, %parallel_loop3A_379 : vector<16xf32>
        %parallel_loop3A_404 = arith.constant 1 : i32
        %parallel_loop3A_405 = arith.constant 2 : i32
        %parallel_loop3A_406 = arith.index_cast %parallel_loop3A_404 : i32 to index
        %parallel_loop3A_407 = arith.index_cast %parallel_loop3A_405 : i32 to index
        %parallel_loop3A_408 = arith.index_cast %parallel_loop3A_236 : i32 to index
        %parallel_loop3A_409 = tpu.vector_load %arg9[%parallel_loop3A_406, %parallel_loop3A_407, %parallel_loop3A_408] {strides = array<i32>} : memref<4x8x1024xf32, #tpu.memory_space<vmem>>, vector<1x1x16xf32>,
        %parallel_loop3A_410 = vector.shape_cast %parallel_loop3A_409 : vector<1x1x16xf32> to vector<16xf32>
        %parallel_loop3A_411 = vector.shape_cast %parallel_loop3A_403 : vector<16xf32> to vector<1x1x16xf32>
        tpu.vector_store %arg9[%parallel_loop3A_406, %parallel_loop3A_407, %parallel_loop3A_408], %parallel_loop3A_411 {strides = array<i32>} : memref<4x8x1024xf32, #tpu.memory_space<vmem>>, vector<1x1x16xf32>,
        %parallel_loop3A_412 = arith.constant 2 : i32
        %parallel_loop3A_413 = arith.constant 2 : i32
        %parallel_loop3A_414 = arith.index_cast %parallel_loop3A_412 : i32 to index
        %parallel_loop3A_415 = arith.index_cast %parallel_loop3A_413 : i32 to index
        %parallel_loop3A_416 = arith.index_cast %parallel_loop3A_236 : i32 to index
        %parallel_loop3A_417 = tpu.vector_load %arg9[%parallel_loop3A_414, %parallel_loop3A_415, %parallel_loop3A_416] {strides = array<i32>} : memref<4x8x1024xf32, #tpu.memory_space<vmem>>, vector<1x1x16xf32>,
        %parallel_loop3A_418 = vector.shape_cast %parallel_loop3A_417 : vector<1x1x16xf32> to vector<16xf32>
        %parallel_loop3A_419 = arith.addf %parallel_loop3A_418, %parallel_loop3A_379 : vector<16xf32>
        %parallel_loop3A_420 = arith.constant 2 : i32
        %parallel_loop3A_421 = arith.constant 2 : i32
        %parallel_loop3A_422 = arith.index_cast %parallel_loop3A_420 : i32 to index
        %parallel_loop3A_423 = arith.index_cast %parallel_loop3A_421 : i32 to index
        %parallel_loop3A_424 = arith.index_cast %parallel_loop3A_236 : i32 to index
        %parallel_loop3A_425 = tpu.vector_load %arg9[%parallel_loop3A_422, %parallel_loop3A_423, %parallel_loop3A_424] {strides = array<i32>} : memref<4x8x1024xf32, #tpu.memory_space<vmem>>, vector<1x1x16xf32>,
        %parallel_loop3A_426 = vector.shape_cast %parallel_loop3A_425 : vector<1x1x16xf32> to vector<16xf32>
        %parallel_loop3A_427 = vector.shape_cast %parallel_loop3A_419 : vector<16xf32> to vector<1x1x16xf32>
        tpu.vector_store %arg9[%parallel_loop3A_422, %parallel_loop3A_423, %parallel_loop3A_424], %parallel_loop3A_427 {strides = array<i32>} : memref<4x8x1024xf32, #tpu.memory_space<vmem>>, vector<1x1x16xf32>,
        %parallel_loop3A_428 = arith.constant 3 : i32
        %parallel_loop3A_429 = arith.constant 2 : i32
        %parallel_loop3A_430 = arith.index_cast %parallel_loop3A_428 : i32 to index
        %parallel_loop3A_431 = arith.index_cast %parallel_loop3A_429 : i32 to index
        %parallel_loop3A_432 = arith.index_cast %parallel_loop3A_236 : i32 to index
        %parallel_loop3A_433 = tpu.vector_load %arg9[%parallel_loop3A_430, %parallel_loop3A_431, %parallel_loop3A_432] {strides = array<i32>} : memref<4x8x1024xf32, #tpu.memory_space<vmem>>, vector<1x1x16xf32>,
        %parallel_loop3A_434 = vector.shape_cast %parallel_loop3A_433 : vector<1x1x16xf32> to vector<16xf32>
        %parallel_loop3A_435 = arith.addf %parallel_loop3A_434, %parallel_loop3A_379 : vector<16xf32>
        %parallel_loop3A_436 = arith.constant 3 : i32
        %parallel_loop3A_437 = arith.constant 2 : i32
        %parallel_loop3A_438 = arith.index_cast %parallel_loop3A_436 : i32 to index
        %parallel_loop3A_439 = arith.index_cast %parallel_loop3A_437 : i32 to index
        %parallel_loop3A_440 = arith.index_cast %parallel_loop3A_236 : i32 to index
        %parallel_loop3A_441 = tpu.vector_load %arg9[%parallel_loop3A_438, %parallel_loop3A_439, %parallel_loop3A_440] {strides = array<i32>} : memref<4x8x1024xf32, #tpu.memory_space<vmem>>, vector<1x1x16xf32>,
        %parallel_loop3A_442 = vector.shape_cast %parallel_loop3A_441 : vector<1x1x16xf32> to vector<16xf32>
        %parallel_loop3A_443 = vector.shape_cast %parallel_loop3A_435 : vector<16xf32> to vector<1x1x16xf32>
        tpu.vector_store %arg9[%parallel_loop3A_438, %parallel_loop3A_439, %parallel_loop3A_440], %parallel_loop3A_443 {strides = array<i32>} : memref<4x8x1024xf32, #tpu.memory_space<vmem>>, vector<1x1x16xf32>,
        %parallel_loop3A_444 = arith.constant 3 : i32
        %parallel_loop3A_445 = arith.index_cast %parallel_loop3A_444 : i32 to index
        %parallel_loop3A_446 = arith.index_cast %parallel_loop3A_236 : i32 to index
        %parallel_loop3A_447 = tpu.vector_load %arg6[%parallel_loop3A_445, %parallel_loop3A_446] {strides = array<i32>} : memref<8x1024xf32, #tpu.memory_space<vmem>>, vector<1x16xf32>,
        %parallel_loop3A_448 = vector.shape_cast %parallel_loop3A_447 : vector<1x16xf32> to vector<16xf32>
        %parallel_loop3A_449 = arith.constant 0 : i32
        %parallel_loop3A_450 = arith.constant 3 : i32
        %parallel_loop3A_451 = arith.index_cast %parallel_loop3A_449 : i32 to index
        %parallel_loop3A_452 = arith.index_cast %parallel_loop3A_450 : i32 to index
        %parallel_loop3A_453 = arith.index_cast %parallel_loop3A_236 : i32 to index
        %parallel_loop3A_454 = tpu.vector_load %arg9[%parallel_loop3A_451, %parallel_loop3A_452, %parallel_loop3A_453] {strides = array<i32>} : memref<4x8x1024xf32, #tpu.memory_space<vmem>>, vector<1x1x16xf32>,
        %parallel_loop3A_455 = vector.shape_cast %parallel_loop3A_454 : vector<1x1x16xf32> to vector<16xf32>
        %parallel_loop3A_456 = arith.addf %parallel_loop3A_455, %parallel_loop3A_448 : vector<16xf32>
        %parallel_loop3A_457 = arith.constant 0 : i32
        %parallel_loop3A_458 = arith.constant 3 : i32
        %parallel_loop3A_459 = arith.index_cast %parallel_loop3A_457 : i32 to index
        %parallel_loop3A_460 = arith.index_cast %parallel_loop3A_458 : i32 to index
        %parallel_loop3A_461 = arith.index_cast %parallel_loop3A_236 : i32 to index
        %parallel_loop3A_462 = tpu.vector_load %arg9[%parallel_loop3A_459, %parallel_loop3A_460, %parallel_loop3A_461] {strides = array<i32>} : memref<4x8x1024xf32, #tpu.memory_space<vmem>>, vector<1x1x16xf32>,
        %parallel_loop3A_463 = vector.shape_cast %parallel_loop3A_462 : vector<1x1x16xf32> to vector<16xf32>
        %parallel_loop3A_464 = vector.shape_cast %parallel_loop3A_456 : vector<16xf32> to vector<1x1x16xf32>
        tpu.vector_store %arg9[%parallel_loop3A_459, %parallel_loop3A_460, %parallel_loop3A_461], %parallel_loop3A_464 {strides = array<i32>} : memref<4x8x1024xf32, #tpu.memory_space<vmem>>, vector<1x1x16xf32>,
        %parallel_loop3A_465 = arith.constant 1 : i32
        %parallel_loop3A_466 = arith.constant 3 : i32
        %parallel_loop3A_467 = arith.index_cast %parallel_loop3A_465 : i32 to index
        %parallel_loop3A_468 = arith.index_cast %parallel_loop3A_466 : i32 to index
        %parallel_loop3A_469 = arith.index_cast %parallel_loop3A_236 : i32 to index
        %parallel_loop3A_470 = tpu.vector_load %arg9[%parallel_loop3A_467, %parallel_loop3A_468, %parallel_loop3A_469] {strides = array<i32>} : memref<4x8x1024xf32, #tpu.memory_space<vmem>>, vector<1x1x16xf32>,
        %parallel_loop3A_471 = vector.shape_cast %parallel_loop3A_470 : vector<1x1x16xf32> to vector<16xf32>
        %parallel_loop3A_472 = arith.addf %parallel_loop3A_471, %parallel_loop3A_448 : vector<16xf32>
        %parallel_loop3A_473 = arith.constant 1 : i32
        %parallel_loop3A_474 = arith.constant 3 : i32
        %parallel_loop3A_475 = arith.index_cast %parallel_loop3A_473 : i32 to index
        %parallel_loop3A_476 = arith.index_cast %parallel_loop3A_474 : i32 to index
        %parallel_loop3A_477 = arith.index_cast %parallel_loop3A_236 : i32 to index
        %parallel_loop3A_478 = tpu.vector_load %arg9[%parallel_loop3A_475, %parallel_loop3A_476, %parallel_loop3A_477] {strides = array<i32>} : memref<4x8x1024xf32, #tpu.memory_space<vmem>>, vector<1x1x16xf32>,
        %parallel_loop3A_479 = vector.shape_cast %parallel_loop3A_478 : vector<1x1x16xf32> to vector<16xf32>
        %parallel_loop3A_480 = vector.shape_cast %parallel_loop3A_472 : vector<16xf32> to vector<1x1x16xf32>
        tpu.vector_store %arg9[%parallel_loop3A_475, %parallel_loop3A_476, %parallel_loop3A_477], %parallel_loop3A_480 {strides = array<i32>} : memref<4x8x1024xf32, #tpu.memory_space<vmem>>, vector<1x1x16xf32>,
        %parallel_loop3A_481 = arith.constant 2 : i32
        %parallel_loop3A_482 = arith.constant 3 : i32
        %parallel_loop3A_483 = arith.index_cast %parallel_loop3A_481 : i32 to index
        %parallel_loop3A_484 = arith.index_cast %parallel_loop3A_482 : i32 to index
        %parallel_loop3A_485 = arith.index_cast %parallel_loop3A_236 : i32 to index
        %parallel_loop3A_486 = tpu.vector_load %arg9[%parallel_loop3A_483, %parallel_loop3A_484, %parallel_loop3A_485] {strides = array<i32>} : memref<4x8x1024xf32, #tpu.memory_space<vmem>>, vector<1x1x16xf32>,
        %parallel_loop3A_487 = vector.shape_cast %parallel_loop3A_486 : vector<1x1x16xf32> to vector<16xf32>
        %parallel_loop3A_488 = arith.addf %parallel_loop3A_487, %parallel_loop3A_448 : vector<16xf32>
        %parallel_loop3A_489 = arith.constant 2 : i32
        %parallel_loop3A_490 = arith.constant 3 : i32
        %parallel_loop3A_491 = arith.index_cast %parallel_loop3A_489 : i32 to index
        %parallel_loop3A_492 = arith.index_cast %parallel_loop3A_490 : i32 to index
        %parallel_loop3A_493 = arith.index_cast %parallel_loop3A_236 : i32 to index
        %parallel_loop3A_494 = tpu.vector_load %arg9[%parallel_loop3A_491, %parallel_loop3A_492, %parallel_loop3A_493] {strides = array<i32>} : memref<4x8x1024xf32, #tpu.memory_space<vmem>>, vector<1x1x16xf32>,
        %parallel_loop3A_495 = vector.shape_cast %parallel_loop3A_494 : vector<1x1x16xf32> to vector<16xf32>
        %parallel_loop3A_496 = vector.shape_cast %parallel_loop3A_488 : vector<16xf32> to vector<1x1x16xf32>
        tpu.vector_store %arg9[%parallel_loop3A_491, %parallel_loop3A_492, %parallel_loop3A_493], %parallel_loop3A_496 {strides = array<i32>} : memref<4x8x1024xf32, #tpu.memory_space<vmem>>, vector<1x1x16xf32>,
        %parallel_loop3A_497 = arith.constant 3 : i32
        %parallel_loop3A_498 = arith.constant 3 : i32
        %parallel_loop3A_499 = arith.index_cast %parallel_loop3A_497 : i32 to index
        %parallel_loop3A_500 = arith.index_cast %parallel_loop3A_498 : i32 to index
        %parallel_loop3A_501 = arith.index_cast %parallel_loop3A_236 : i32 to index
        %parallel_loop3A_502 = tpu.vector_load %arg9[%parallel_loop3A_499, %parallel_loop3A_500, %parallel_loop3A_501] {strides = array<i32>} : memref<4x8x1024xf32, #tpu.memory_space<vmem>>, vector<1x1x16xf32>,
        %parallel_loop3A_503 = vector.shape_cast %parallel_loop3A_502 : vector<1x1x16xf32> to vector<16xf32>
        %parallel_loop3A_504 = arith.addf %parallel_loop3A_503, %parallel_loop3A_448 : vector<16xf32>
        %parallel_loop3A_505 = arith.constant 3 : i32
        %parallel_loop3A_506 = arith.constant 3 : i32
        %parallel_loop3A_507 = arith.index_cast %parallel_loop3A_505 : i32 to index
        %parallel_loop3A_508 = arith.index_cast %parallel_loop3A_506 : i32 to index
        %parallel_loop3A_509 = arith.index_cast %parallel_loop3A_236 : i32 to index
        %parallel_loop3A_510 = tpu.vector_load %arg9[%parallel_loop3A_507, %parallel_loop3A_508, %parallel_loop3A_509] {strides = array<i32>} : memref<4x8x1024xf32, #tpu.memory_space<vmem>>, vector<1x1x16xf32>,
        %parallel_loop3A_511 = vector.shape_cast %parallel_loop3A_510 : vector<1x1x16xf32> to vector<16xf32>
        %parallel_loop3A_512 = vector.shape_cast %parallel_loop3A_504 : vector<16xf32> to vector<1x1x16xf32>
        tpu.vector_store %arg9[%parallel_loop3A_507, %parallel_loop3A_508, %parallel_loop3A_509], %parallel_loop3A_512 {strides = array<i32>} : memref<4x8x1024xf32, #tpu.memory_space<vmem>>, vector<1x1x16xf32>,
        %parallel_loop3A_513 = arith.constant 4 : i32
        %parallel_loop3A_514 = arith.index_cast %parallel_loop3A_513 : i32 to index
        %parallel_loop3A_515 = arith.index_cast %parallel_loop3A_236 : i32 to index
        %parallel_loop3A_516 = tpu.vector_load %arg6[%parallel_loop3A_514, %parallel_loop3A_515] {strides = array<i32>} : memref<8x1024xf32, #tpu.memory_space<vmem>>, vector<1x16xf32>,
        %parallel_loop3A_517 = vector.shape_cast %parallel_loop3A_516 : vector<1x16xf32> to vector<16xf32>
        %parallel_loop3A_518 = arith.constant 0 : i32
        %parallel_loop3A_519 = arith.constant 4 : i32
        %parallel_loop3A_520 = arith.index_cast %parallel_loop3A_518 : i32 to index
        %parallel_loop3A_521 = arith.index_cast %parallel_loop3A_519 : i32 to index
        %parallel_loop3A_522 = arith.index_cast %parallel_loop3A_236 : i32 to index
        %parallel_loop3A_523 = tpu.vector_load %arg9[%parallel_loop3A_520, %parallel_loop3A_521, %parallel_loop3A_522] {strides = array<i32>} : memref<4x8x1024xf32, #tpu.memory_space<vmem>>, vector<1x1x16xf32>,
        %parallel_loop3A_524 = vector.shape_cast %parallel_loop3A_523 : vector<1x1x16xf32> to vector<16xf32>
        %parallel_loop3A_525 = arith.addf %parallel_loop3A_524, %parallel_loop3A_517 : vector<16xf32>
        %parallel_loop3A_526 = arith.constant 0 : i32
        %parallel_loop3A_527 = arith.constant 4 : i32
        %parallel_loop3A_528 = arith.index_cast %parallel_loop3A_526 : i32 to index
        %parallel_loop3A_529 = arith.index_cast %parallel_loop3A_527 : i32 to index
        %parallel_loop3A_530 = arith.index_cast %parallel_loop3A_236 : i32 to index
        %parallel_loop3A_531 = tpu.vector_load %arg9[%parallel_loop3A_528, %parallel_loop3A_529, %parallel_loop3A_530] {strides = array<i32>} : memref<4x8x1024xf32, #tpu.memory_space<vmem>>, vector<1x1x16xf32>,
        %parallel_loop3A_532 = vector.shape_cast %parallel_loop3A_531 : vector<1x1x16xf32> to vector<16xf32>
        %parallel_loop3A_533 = vector.shape_cast %parallel_loop3A_525 : vector<16xf32> to vector<1x1x16xf32>
        tpu.vector_store %arg9[%parallel_loop3A_528, %parallel_loop3A_529, %parallel_loop3A_530], %parallel_loop3A_533 {strides = array<i32>} : memref<4x8x1024xf32, #tpu.memory_space<vmem>>, vector<1x1x16xf32>,
        %parallel_loop3A_534 = arith.constant 1 : i32
        %parallel_loop3A_535 = arith.constant 4 : i32
        %parallel_loop3A_536 = arith.index_cast %parallel_loop3A_534 : i32 to index
        %parallel_loop3A_537 = arith.index_cast %parallel_loop3A_535 : i32 to index
        %parallel_loop3A_538 = arith.index_cast %parallel_loop3A_236 : i32 to index
        %parallel_loop3A_539 = tpu.vector_load %arg9[%parallel_loop3A_536, %parallel_loop3A_537, %parallel_loop3A_538] {strides = array<i32>} : memref<4x8x1024xf32, #tpu.memory_space<vmem>>, vector<1x1x16xf32>,
        %parallel_loop3A_540 = vector.shape_cast %parallel_loop3A_539 : vector<1x1x16xf32> to vector<16xf32>
        %parallel_loop3A_541 = arith.addf %parallel_loop3A_540, %parallel_loop3A_517 : vector<16xf32>
        %parallel_loop3A_542 = arith.constant 1 : i32
        %parallel_loop3A_543 = arith.constant 4 : i32
        %parallel_loop3A_544 = arith.index_cast %parallel_loop3A_542 : i32 to index
        %parallel_loop3A_545 = arith.index_cast %parallel_loop3A_543 : i32 to index
        %parallel_loop3A_546 = arith.index_cast %parallel_loop3A_236 : i32 to index
        %parallel_loop3A_547 = tpu.vector_load %arg9[%parallel_loop3A_544, %parallel_loop3A_545, %parallel_loop3A_546] {strides = array<i32>} : memref<4x8x1024xf32, #tpu.memory_space<vmem>>, vector<1x1x16xf32>,
        %parallel_loop3A_548 = vector.shape_cast %parallel_loop3A_547 : vector<1x1x16xf32> to vector<16xf32>
        %parallel_loop3A_549 = vector.shape_cast %parallel_loop3A_541 : vector<16xf32> to vector<1x1x16xf32>
        tpu.vector_store %arg9[%parallel_loop3A_544, %parallel_loop3A_545, %parallel_loop3A_546], %parallel_loop3A_549 {strides = array<i32>} : memref<4x8x1024xf32, #tpu.memory_space<vmem>>, vector<1x1x16xf32>,
        %parallel_loop3A_550 = arith.constant 2 : i32
        %parallel_loop3A_551 = arith.constant 4 : i32
        %parallel_loop3A_552 = arith.index_cast %parallel_loop3A_550 : i32 to index
        %parallel_loop3A_553 = arith.index_cast %parallel_loop3A_551 : i32 to index
        %parallel_loop3A_554 = arith.index_cast %parallel_loop3A_236 : i32 to index
        %parallel_loop3A_555 = tpu.vector_load %arg9[%parallel_loop3A_552, %parallel_loop3A_553, %parallel_loop3A_554] {strides = array<i32>} : memref<4x8x1024xf32, #tpu.memory_space<vmem>>, vector<1x1x16xf32>,
        %parallel_loop3A_556 = vector.shape_cast %parallel_loop3A_555 : vector<1x1x16xf32> to vector<16xf32>
        %parallel_loop3A_557 = arith.addf %parallel_loop3A_556, %parallel_loop3A_517 : vector<16xf32>
        %parallel_loop3A_558 = arith.constant 2 : i32
        %parallel_loop3A_559 = arith.constant 4 : i32
        %parallel_loop3A_560 = arith.index_cast %parallel_loop3A_558 : i32 to index
        %parallel_loop3A_561 = arith.index_cast %parallel_loop3A_559 : i32 to index
        %parallel_loop3A_562 = arith.index_cast %parallel_loop3A_236 : i32 to index
        %parallel_loop3A_563 = tpu.vector_load %arg9[%parallel_loop3A_560, %parallel_loop3A_561, %parallel_loop3A_562] {strides = array<i32>} : memref<4x8x1024xf32, #tpu.memory_space<vmem>>, vector<1x1x16xf32>,
        %parallel_loop3A_564 = vector.shape_cast %parallel_loop3A_563 : vector<1x1x16xf32> to vector<16xf32>
        %parallel_loop3A_565 = vector.shape_cast %parallel_loop3A_557 : vector<16xf32> to vector<1x1x16xf32>
        tpu.vector_store %arg9[%parallel_loop3A_560, %parallel_loop3A_561, %parallel_loop3A_562], %parallel_loop3A_565 {strides = array<i32>} : memref<4x8x1024xf32, #tpu.memory_space<vmem>>, vector<1x1x16xf32>,
        %parallel_loop3A_566 = arith.constant 3 : i32
        %parallel_loop3A_567 = arith.constant 4 : i32
        %parallel_loop3A_568 = arith.index_cast %parallel_loop3A_566 : i32 to index
        %parallel_loop3A_569 = arith.index_cast %parallel_loop3A_567 : i32 to index
        %parallel_loop3A_570 = arith.index_cast %parallel_loop3A_236 : i32 to index
        %parallel_loop3A_571 = tpu.vector_load %arg9[%parallel_loop3A_568, %parallel_loop3A_569, %parallel_loop3A_570] {strides = array<i32>} : memref<4x8x1024xf32, #tpu.memory_space<vmem>>, vector<1x1x16xf32>,
        %parallel_loop3A_572 = vector.shape_cast %parallel_loop3A_571 : vector<1x1x16xf32> to vector<16xf32>
        %parallel_loop3A_573 = arith.addf %parallel_loop3A_572, %parallel_loop3A_517 : vector<16xf32>
        %parallel_loop3A_574 = arith.constant 3 : i32
        %parallel_loop3A_575 = arith.constant 4 : i32
        %parallel_loop3A_576 = arith.index_cast %parallel_loop3A_574 : i32 to index
        %parallel_loop3A_577 = arith.index_cast %parallel_loop3A_575 : i32 to index
        %parallel_loop3A_578 = arith.index_cast %parallel_loop3A_236 : i32 to index
        %parallel_loop3A_579 = tpu.vector_load %arg9[%parallel_loop3A_576, %parallel_loop3A_577, %parallel_loop3A_578] {strides = array<i32>} : memref<4x8x1024xf32, #tpu.memory_space<vmem>>, vector<1x1x16xf32>,
        %parallel_loop3A_580 = vector.shape_cast %parallel_loop3A_579 : vector<1x1x16xf32> to vector<16xf32>
        %parallel_loop3A_581 = vector.shape_cast %parallel_loop3A_573 : vector<16xf32> to vector<1x1x16xf32>
        tpu.vector_store %arg9[%parallel_loop3A_576, %parallel_loop3A_577, %parallel_loop3A_578], %parallel_loop3A_581 {strides = array<i32>} : memref<4x8x1024xf32, #tpu.memory_space<vmem>>, vector<1x1x16xf32>,
        %parallel_loop3A_582 = arith.constant 5 : i32
        %parallel_loop3A_583 = arith.index_cast %parallel_loop3A_582 : i32 to index
        %parallel_loop3A_584 = arith.index_cast %parallel_loop3A_236 : i32 to index
        %parallel_loop3A_585 = tpu.vector_load %arg6[%parallel_loop3A_583, %parallel_loop3A_584] {strides = array<i32>} : memref<8x1024xf32, #tpu.memory_space<vmem>>, vector<1x16xf32>,
        %parallel_loop3A_586 = vector.shape_cast %parallel_loop3A_585 : vector<1x16xf32> to vector<16xf32>
        %parallel_loop3A_587 = arith.constant 0 : i32
        %parallel_loop3A_588 = arith.constant 5 : i32
        %parallel_loop3A_589 = arith.index_cast %parallel_loop3A_587 : i32 to index
        %parallel_loop3A_590 = arith.index_cast %parallel_loop3A_588 : i32 to index
        %parallel_loop3A_591 = arith.index_cast %parallel_loop3A_236 : i32 to index
        %parallel_loop3A_592 = tpu.vector_load %arg9[%parallel_loop3A_589, %parallel_loop3A_590, %parallel_loop3A_591] {strides = array<i32>} : memref<4x8x1024xf32, #tpu.memory_space<vmem>>, vector<1x1x16xf32>,
        %parallel_loop3A_593 = vector.shape_cast %parallel_loop3A_592 : vector<1x1x16xf32> to vector<16xf32>
        %parallel_loop3A_594 = arith.addf %parallel_loop3A_593, %parallel_loop3A_586 : vector<16xf32>
        %parallel_loop3A_595 = arith.constant 0 : i32
        %parallel_loop3A_596 = arith.constant 5 : i32
        %parallel_loop3A_597 = arith.index_cast %parallel_loop3A_595 : i32 to index
        %parallel_loop3A_598 = arith.index_cast %parallel_loop3A_596 : i32 to index
        %parallel_loop3A_599 = arith.index_cast %parallel_loop3A_236 : i32 to index
        %parallel_loop3A_600 = tpu.vector_load %arg9[%parallel_loop3A_597, %parallel_loop3A_598, %parallel_loop3A_599] {strides = array<i32>} : memref<4x8x1024xf32, #tpu.memory_space<vmem>>, vector<1x1x16xf32>,
        %parallel_loop3A_601 = vector.shape_cast %parallel_loop3A_600 : vector<1x1x16xf32> to vector<16xf32>
        %parallel_loop3A_602 = vector.shape_cast %parallel_loop3A_594 : vector<16xf32> to vector<1x1x16xf32>
        tpu.vector_store %arg9[%parallel_loop3A_597, %parallel_loop3A_598, %parallel_loop3A_599], %parallel_loop3A_602 {strides = array<i32>} : memref<4x8x1024xf32, #tpu.memory_space<vmem>>, vector<1x1x16xf32>,
        %parallel_loop3A_603 = arith.constant 1 : i32
        %parallel_loop3A_604 = arith.constant 5 : i32
        %parallel_loop3A_605 = arith.index_cast %parallel_loop3A_603 : i32 to index
        %parallel_loop3A_606 = arith.index_cast %parallel_loop3A_604 : i32 to index
        %parallel_loop3A_607 = arith.index_cast %parallel_loop3A_236 : i32 to index
        %parallel_loop3A_608 = tpu.vector_load %arg9[%parallel_loop3A_605, %parallel_loop3A_606, %parallel_loop3A_607] {strides = array<i32>} : memref<4x8x1024xf32, #tpu.memory_space<vmem>>, vector<1x1x16xf32>,
        %parallel_loop3A_609 = vector.shape_cast %parallel_loop3A_608 : vector<1x1x16xf32> to vector<16xf32>
        %parallel_loop3A_610 = arith.addf %parallel_loop3A_609, %parallel_loop3A_586 : vector<16xf32>
        %parallel_loop3A_611 = arith.constant 1 : i32
        %parallel_loop3A_612 = arith.constant 5 : i32
        %parallel_loop3A_613 = arith.index_cast %parallel_loop3A_611 : i32 to index
        %parallel_loop3A_614 = arith.index_cast %parallel_loop3A_612 : i32 to index
        %parallel_loop3A_615 = arith.index_cast %parallel_loop3A_236 : i32 to index
        %parallel_loop3A_616 = tpu.vector_load %arg9[%parallel_loop3A_613, %parallel_loop3A_614, %parallel_loop3A_615] {strides = array<i32>} : memref<4x8x1024xf32, #tpu.memory_space<vmem>>, vector<1x1x16xf32>,
        %parallel_loop3A_617 = vector.shape_cast %parallel_loop3A_616 : vector<1x1x16xf32> to vector<16xf32>
        %parallel_loop3A_618 = vector.shape_cast %parallel_loop3A_610 : vector<16xf32> to vector<1x1x16xf32>
        tpu.vector_store %arg9[%parallel_loop3A_613, %parallel_loop3A_614, %parallel_loop3A_615], %parallel_loop3A_618 {strides = array<i32>} : memref<4x8x1024xf32, #tpu.memory_space<vmem>>, vector<1x1x16xf32>,
        %parallel_loop3A_619 = arith.constant 2 : i32
        %parallel_loop3A_620 = arith.constant 5 : i32
        %parallel_loop3A_621 = arith.index_cast %parallel_loop3A_619 : i32 to index
        %parallel_loop3A_622 = arith.index_cast %parallel_loop3A_620 : i32 to index
        %parallel_loop3A_623 = arith.index_cast %parallel_loop3A_236 : i32 to index
        %parallel_loop3A_624 = tpu.vector_load %arg9[%parallel_loop3A_621, %parallel_loop3A_622, %parallel_loop3A_623] {strides = array<i32>} : memref<4x8x1024xf32, #tpu.memory_space<vmem>>, vector<1x1x16xf32>,
        %parallel_loop3A_625 = vector.shape_cast %parallel_loop3A_624 : vector<1x1x16xf32> to vector<16xf32>
        %parallel_loop3A_626 = arith.addf %parallel_loop3A_625, %parallel_loop3A_586 : vector<16xf32>
        %parallel_loop3A_627 = arith.constant 2 : i32
        %parallel_loop3A_628 = arith.constant 5 : i32
        %parallel_loop3A_629 = arith.index_cast %parallel_loop3A_627 : i32 to index
        %parallel_loop3A_630 = arith.index_cast %parallel_loop3A_628 : i32 to index
        %parallel_loop3A_631 = arith.index_cast %parallel_loop3A_236 : i32 to index
        %parallel_loop3A_632 = tpu.vector_load %arg9[%parallel_loop3A_629, %parallel_loop3A_630, %parallel_loop3A_631] {strides = array<i32>} : memref<4x8x1024xf32, #tpu.memory_space<vmem>>, vector<1x1x16xf32>,
        %parallel_loop3A_633 = vector.shape_cast %parallel_loop3A_632 : vector<1x1x16xf32> to vector<16xf32>
        %parallel_loop3A_634 = vector.shape_cast %parallel_loop3A_626 : vector<16xf32> to vector<1x1x16xf32>
        tpu.vector_store %arg9[%parallel_loop3A_629, %parallel_loop3A_630, %parallel_loop3A_631], %parallel_loop3A_634 {strides = array<i32>} : memref<4x8x1024xf32, #tpu.memory_space<vmem>>, vector<1x1x16xf32>,
        %parallel_loop3A_635 = arith.constant 3 : i32
        %parallel_loop3A_636 = arith.constant 5 : i32
        %parallel_loop3A_637 = arith.index_cast %parallel_loop3A_635 : i32 to index
        %parallel_loop3A_638 = arith.index_cast %parallel_loop3A_636 : i32 to index
        %parallel_loop3A_639 = arith.index_cast %parallel_loop3A_236 : i32 to index
        %parallel_loop3A_640 = tpu.vector_load %arg9[%parallel_loop3A_637, %parallel_loop3A_638, %parallel_loop3A_639] {strides = array<i32>} : memref<4x8x1024xf32, #tpu.memory_space<vmem>>, vector<1x1x16xf32>,
        %parallel_loop3A_641 = vector.shape_cast %parallel_loop3A_640 : vector<1x1x16xf32> to vector<16xf32>
        %parallel_loop3A_642 = arith.addf %parallel_loop3A_641, %parallel_loop3A_586 : vector<16xf32>
        %parallel_loop3A_643 = arith.constant 3 : i32
        %parallel_loop3A_644 = arith.constant 5 : i32
        %parallel_loop3A_645 = arith.index_cast %parallel_loop3A_643 : i32 to index
        %parallel_loop3A_646 = arith.index_cast %parallel_loop3A_644 : i32 to index
        %parallel_loop3A_647 = arith.index_cast %parallel_loop3A_236 : i32 to index
        %parallel_loop3A_648 = tpu.vector_load %arg9[%parallel_loop3A_645, %parallel_loop3A_646, %parallel_loop3A_647] {strides = array<i32>} : memref<4x8x1024xf32, #tpu.memory_space<vmem>>, vector<1x1x16xf32>,
        %parallel_loop3A_649 = vector.shape_cast %parallel_loop3A_648 : vector<1x1x16xf32> to vector<16xf32>
        %parallel_loop3A_650 = vector.shape_cast %parallel_loop3A_642 : vector<16xf32> to vector<1x1x16xf32>
        tpu.vector_store %arg9[%parallel_loop3A_645, %parallel_loop3A_646, %parallel_loop3A_647], %parallel_loop3A_650 {strides = array<i32>} : memref<4x8x1024xf32, #tpu.memory_space<vmem>>, vector<1x1x16xf32>,
        %parallel_loop3A_651 = arith.constant 6 : i32
        %parallel_loop3A_652 = arith.index_cast %parallel_loop3A_651 : i32 to index
        %parallel_loop3A_653 = arith.index_cast %parallel_loop3A_236 : i32 to index
        %parallel_loop3A_654 = tpu.vector_load %arg6[%parallel_loop3A_652, %parallel_loop3A_653] {strides = array<i32>} : memref<8x1024xf32, #tpu.memory_space<vmem>>, vector<1x16xf32>,
        %parallel_loop3A_655 = vector.shape_cast %parallel_loop3A_654 : vector<1x16xf32> to vector<16xf32>
        %parallel_loop3A_656 = arith.constant 0 : i32
        %parallel_loop3A_657 = arith.constant 6 : i32
        %parallel_loop3A_658 = arith.index_cast %parallel_loop3A_656 : i32 to index
        %parallel_loop3A_659 = arith.index_cast %parallel_loop3A_657 : i32 to index
        %parallel_loop3A_660 = arith.index_cast %parallel_loop3A_236 : i32 to index
        %parallel_loop3A_661 = tpu.vector_load %arg9[%parallel_loop3A_658, %parallel_loop3A_659, %parallel_loop3A_660] {strides = array<i32>} : memref<4x8x1024xf32, #tpu.memory_space<vmem>>, vector<1x1x16xf32>,
        %parallel_loop3A_662 = vector.shape_cast %parallel_loop3A_661 : vector<1x1x16xf32> to vector<16xf32>
        %parallel_loop3A_663 = arith.addf %parallel_loop3A_662, %parallel_loop3A_655 : vector<16xf32>
        %parallel_loop3A_664 = arith.constant 0 : i32
        %parallel_loop3A_665 = arith.constant 6 : i32
        %parallel_loop3A_666 = arith.index_cast %parallel_loop3A_664 : i32 to index
        %parallel_loop3A_667 = arith.index_cast %parallel_loop3A_665 : i32 to index
        %parallel_loop3A_668 = arith.index_cast %parallel_loop3A_236 : i32 to index
        %parallel_loop3A_669 = tpu.vector_load %arg9[%parallel_loop3A_666, %parallel_loop3A_667, %parallel_loop3A_668] {strides = array<i32>} : memref<4x8x1024xf32, #tpu.memory_space<vmem>>, vector<1x1x16xf32>,
        %parallel_loop3A_670 = vector.shape_cast %parallel_loop3A_669 : vector<1x1x16xf32> to vector<16xf32>
        %parallel_loop3A_671 = vector.shape_cast %parallel_loop3A_663 : vector<16xf32> to vector<1x1x16xf32>
        tpu.vector_store %arg9[%parallel_loop3A_666, %parallel_loop3A_667, %parallel_loop3A_668], %parallel_loop3A_671 {strides = array<i32>} : memref<4x8x1024xf32, #tpu.memory_space<vmem>>, vector<1x1x16xf32>,
        %parallel_loop3A_672 = arith.constant 1 : i32
        %parallel_loop3A_673 = arith.constant 6 : i32
        %parallel_loop3A_674 = arith.index_cast %parallel_loop3A_672 : i32 to index
        %parallel_loop3A_675 = arith.index_cast %parallel_loop3A_673 : i32 to index
        %parallel_loop3A_676 = arith.index_cast %parallel_loop3A_236 : i32 to index
        %parallel_loop3A_677 = tpu.vector_load %arg9[%parallel_loop3A_674, %parallel_loop3A_675, %parallel_loop3A_676] {strides = array<i32>} : memref<4x8x1024xf32, #tpu.memory_space<vmem>>, vector<1x1x16xf32>,
        %parallel_loop3A_678 = vector.shape_cast %parallel_loop3A_677 : vector<1x1x16xf32> to vector<16xf32>
        %parallel_loop3A_679 = arith.addf %parallel_loop3A_678, %parallel_loop3A_655 : vector<16xf32>
        %parallel_loop3A_680 = arith.constant 1 : i32
        %parallel_loop3A_681 = arith.constant 6 : i32
        %parallel_loop3A_682 = arith.index_cast %parallel_loop3A_680 : i32 to index
        %parallel_loop3A_683 = arith.index_cast %parallel_loop3A_681 : i32 to index
        %parallel_loop3A_684 = arith.index_cast %parallel_loop3A_236 : i32 to index
        %parallel_loop3A_685 = tpu.vector_load %arg9[%parallel_loop3A_682, %parallel_loop3A_683, %parallel_loop3A_684] {strides = array<i32>} : memref<4x8x1024xf32, #tpu.memory_space<vmem>>, vector<1x1x16xf32>,
        %parallel_loop3A_686 = vector.shape_cast %parallel_loop3A_685 : vector<1x1x16xf32> to vector<16xf32>
        %parallel_loop3A_687 = vector.shape_cast %parallel_loop3A_679 : vector<16xf32> to vector<1x1x16xf32>
        tpu.vector_store %arg9[%parallel_loop3A_682, %parallel_loop3A_683, %parallel_loop3A_684], %parallel_loop3A_687 {strides = array<i32>} : memref<4x8x1024xf32, #tpu.memory_space<vmem>>, vector<1x1x16xf32>,
        %parallel_loop3A_688 = arith.constant 2 : i32
        %parallel_loop3A_689 = arith.constant 6 : i32
        %parallel_loop3A_690 = arith.index_cast %parallel_loop3A_688 : i32 to index
        %parallel_loop3A_691 = arith.index_cast %parallel_loop3A_689 : i32 to index
        %parallel_loop3A_692 = arith.index_cast %parallel_loop3A_236 : i32 to index
        %parallel_loop3A_693 = tpu.vector_load %arg9[%parallel_loop3A_690, %parallel_loop3A_691, %parallel_loop3A_692] {strides = array<i32>} : memref<4x8x1024xf32, #tpu.memory_space<vmem>>, vector<1x1x16xf32>,
        %parallel_loop3A_694 = vector.shape_cast %parallel_loop3A_693 : vector<1x1x16xf32> to vector<16xf32>
        %parallel_loop3A_695 = arith.addf %parallel_loop3A_694, %parallel_loop3A_655 : vector<16xf32>
        %parallel_loop3A_696 = arith.constant 2 : i32
        %parallel_loop3A_697 = arith.constant 6 : i32
        %parallel_loop3A_698 = arith.index_cast %parallel_loop3A_696 : i32 to index
        %parallel_loop3A_699 = arith.index_cast %parallel_loop3A_697 : i32 to index
        %parallel_loop3A_700 = arith.index_cast %parallel_loop3A_236 : i32 to index
        %parallel_loop3A_701 = tpu.vector_load %arg9[%parallel_loop3A_698, %parallel_loop3A_699, %parallel_loop3A_700] {strides = array<i32>} : memref<4x8x1024xf32, #tpu.memory_space<vmem>>, vector<1x1x16xf32>,
        %parallel_loop3A_702 = vector.shape_cast %parallel_loop3A_701 : vector<1x1x16xf32> to vector<16xf32>
        %parallel_loop3A_703 = vector.shape_cast %parallel_loop3A_695 : vector<16xf32> to vector<1x1x16xf32>
        tpu.vector_store %arg9[%parallel_loop3A_698, %parallel_loop3A_699, %parallel_loop3A_700], %parallel_loop3A_703 {strides = array<i32>} : memref<4x8x1024xf32, #tpu.memory_space<vmem>>, vector<1x1x16xf32>,
        %parallel_loop3A_704 = arith.constant 3 : i32
        %parallel_loop3A_705 = arith.constant 6 : i32
        %parallel_loop3A_706 = arith.index_cast %parallel_loop3A_704 : i32 to index
        %parallel_loop3A_707 = arith.index_cast %parallel_loop3A_705 : i32 to index
        %parallel_loop3A_708 = arith.index_cast %parallel_loop3A_236 : i32 to index
        %parallel_loop3A_709 = tpu.vector_load %arg9[%parallel_loop3A_706, %parallel_loop3A_707, %parallel_loop3A_708] {strides = array<i32>} : memref<4x8x1024xf32, #tpu.memory_space<vmem>>, vector<1x1x16xf32>,
        %parallel_loop3A_710 = vector.shape_cast %parallel_loop3A_709 : vector<1x1x16xf32> to vector<16xf32>
        %parallel_loop3A_711 = arith.addf %parallel_loop3A_710, %parallel_loop3A_655 : vector<16xf32>
        %parallel_loop3A_712 = arith.constant 3 : i32
        %parallel_loop3A_713 = arith.constant 6 : i32
        %parallel_loop3A_714 = arith.index_cast %parallel_loop3A_712 : i32 to index
        %parallel_loop3A_715 = arith.index_cast %parallel_loop3A_713 : i32 to index
        %parallel_loop3A_716 = arith.index_cast %parallel_loop3A_236 : i32 to index
        %parallel_loop3A_717 = tpu.vector_load %arg9[%parallel_loop3A_714, %parallel_loop3A_715, %parallel_loop3A_716] {strides = array<i32>} : memref<4x8x1024xf32, #tpu.memory_space<vmem>>, vector<1x1x16xf32>,
        %parallel_loop3A_718 = vector.shape_cast %parallel_loop3A_717 : vector<1x1x16xf32> to vector<16xf32>
        %parallel_loop3A_719 = vector.shape_cast %parallel_loop3A_711 : vector<16xf32> to vector<1x1x16xf32>
        tpu.vector_store %arg9[%parallel_loop3A_714, %parallel_loop3A_715, %parallel_loop3A_716], %parallel_loop3A_719 {strides = array<i32>} : memref<4x8x1024xf32, #tpu.memory_space<vmem>>, vector<1x1x16xf32>,
        %parallel_loop3A_720 = arith.constant 7 : i32
        %parallel_loop3A_721 = arith.index_cast %parallel_loop3A_720 : i32 to index
        %parallel_loop3A_722 = arith.index_cast %parallel_loop3A_236 : i32 to index
        %parallel_loop3A_723 = tpu.vector_load %arg6[%parallel_loop3A_721, %parallel_loop3A_722] {strides = array<i32>} : memref<8x1024xf32, #tpu.memory_space<vmem>>, vector<1x16xf32>,
        %parallel_loop3A_724 = vector.shape_cast %parallel_loop3A_723 : vector<1x16xf32> to vector<16xf32>
        %parallel_loop3A_725 = arith.constant 0 : i32
        %parallel_loop3A_726 = arith.constant 7 : i32
        %parallel_loop3A_727 = arith.index_cast %parallel_loop3A_725 : i32 to index
        %parallel_loop3A_728 = arith.index_cast %parallel_loop3A_726 : i32 to index
        %parallel_loop3A_729 = arith.index_cast %parallel_loop3A_236 : i32 to index
        %parallel_loop3A_730 = tpu.vector_load %arg9[%parallel_loop3A_727, %parallel_loop3A_728, %parallel_loop3A_729] {strides = array<i32>} : memref<4x8x1024xf32, #tpu.memory_space<vmem>>, vector<1x1x16xf32>,
        %parallel_loop3A_731 = vector.shape_cast %parallel_loop3A_730 : vector<1x1x16xf32> to vector<16xf32>
        %parallel_loop3A_732 = arith.addf %parallel_loop3A_731, %parallel_loop3A_724 : vector<16xf32>
        %parallel_loop3A_733 = arith.constant 0 : i32
        %parallel_loop3A_734 = arith.constant 7 : i32
        %parallel_loop3A_735 = arith.index_cast %parallel_loop3A_733 : i32 to index
        %parallel_loop3A_736 = arith.index_cast %parallel_loop3A_734 : i32 to index
        %parallel_loop3A_737 = arith.index_cast %parallel_loop3A_236 : i32 to index
        %parallel_loop3A_738 = tpu.vector_load %arg9[%parallel_loop3A_735, %parallel_loop3A_736, %parallel_loop3A_737] {strides = array<i32>} : memref<4x8x1024xf32, #tpu.memory_space<vmem>>, vector<1x1x16xf32>,
        %parallel_loop3A_739 = vector.shape_cast %parallel_loop3A_738 : vector<1x1x16xf32> to vector<16xf32>
        %parallel_loop3A_740 = vector.shape_cast %parallel_loop3A_732 : vector<16xf32> to vector<1x1x16xf32>
        tpu.vector_store %arg9[%parallel_loop3A_735, %parallel_loop3A_736, %parallel_loop3A_737], %parallel_loop3A_740 {strides = array<i32>} : memref<4x8x1024xf32, #tpu.memory_space<vmem>>, vector<1x1x16xf32>,
        %parallel_loop3A_741 = arith.constant 1 : i32
        %parallel_loop3A_742 = arith.constant 7 : i32
        %parallel_loop3A_743 = arith.index_cast %parallel_loop3A_741 : i32 to index
        %parallel_loop3A_744 = arith.index_cast %parallel_loop3A_742 : i32 to index
        %parallel_loop3A_745 = arith.index_cast %parallel_loop3A_236 : i32 to index
        %parallel_loop3A_746 = tpu.vector_load %arg9[%parallel_loop3A_743, %parallel_loop3A_744, %parallel_loop3A_745] {strides = array<i32>} : memref<4x8x1024xf32, #tpu.memory_space<vmem>>, vector<1x1x16xf32>,
        %parallel_loop3A_747 = vector.shape_cast %parallel_loop3A_746 : vector<1x1x16xf32> to vector<16xf32>
        %parallel_loop3A_748 = arith.addf %parallel_loop3A_747, %parallel_loop3A_724 : vector<16xf32>
        %parallel_loop3A_749 = arith.constant 1 : i32
        %parallel_loop3A_750 = arith.constant 7 : i32
        %parallel_loop3A_751 = arith.index_cast %parallel_loop3A_749 : i32 to index
        %parallel_loop3A_752 = arith.index_cast %parallel_loop3A_750 : i32 to index
        %parallel_loop3A_753 = arith.index_cast %parallel_loop3A_236 : i32 to index
        %parallel_loop3A_754 = tpu.vector_load %arg9[%parallel_loop3A_751, %parallel_loop3A_752, %parallel_loop3A_753] {strides = array<i32>} : memref<4x8x1024xf32, #tpu.memory_space<vmem>>, vector<1x1x16xf32>,
        %parallel_loop3A_755 = vector.shape_cast %parallel_loop3A_754 : vector<1x1x16xf32> to vector<16xf32>
        %parallel_loop3A_756 = vector.shape_cast %parallel_loop3A_748 : vector<16xf32> to vector<1x1x16xf32>
        tpu.vector_store %arg9[%parallel_loop3A_751, %parallel_loop3A_752, %parallel_loop3A_753], %parallel_loop3A_756 {strides = array<i32>} : memref<4x8x1024xf32, #tpu.memory_space<vmem>>, vector<1x1x16xf32>,
        %parallel_loop3A_757 = arith.constant 2 : i32
        %parallel_loop3A_758 = arith.constant 7 : i32
        %parallel_loop3A_759 = arith.index_cast %parallel_loop3A_757 : i32 to index
        %parallel_loop3A_760 = arith.index_cast %parallel_loop3A_758 : i32 to index
        %parallel_loop3A_761 = arith.index_cast %parallel_loop3A_236 : i32 to index
        %parallel_loop3A_762 = tpu.vector_load %arg9[%parallel_loop3A_759, %parallel_loop3A_760, %parallel_loop3A_761] {strides = array<i32>} : memref<4x8x1024xf32, #tpu.memory_space<vmem>>, vector<1x1x16xf32>,
        %parallel_loop3A_763 = vector.shape_cast %parallel_loop3A_762 : vector<1x1x16xf32> to vector<16xf32>
        %parallel_loop3A_764 = arith.addf %parallel_loop3A_763, %parallel_loop3A_724 : vector<16xf32>
        %parallel_loop3A_765 = arith.constant 2 : i32
        %parallel_loop3A_766 = arith.constant 7 : i32
        %parallel_loop3A_767 = arith.index_cast %parallel_loop3A_765 : i32 to index
        %parallel_loop3A_768 = arith.index_cast %parallel_loop3A_766 : i32 to index
        %parallel_loop3A_769 = arith.index_cast %parallel_loop3A_236 : i32 to index
        %parallel_loop3A_770 = tpu.vector_load %arg9[%parallel_loop3A_767, %parallel_loop3A_768, %parallel_loop3A_769] {strides = array<i32>} : memref<4x8x1024xf32, #tpu.memory_space<vmem>>, vector<1x1x16xf32>,
        %parallel_loop3A_771 = vector.shape_cast %parallel_loop3A_770 : vector<1x1x16xf32> to vector<16xf32>
        %parallel_loop3A_772 = vector.shape_cast %parallel_loop3A_764 : vector<16xf32> to vector<1x1x16xf32>
        tpu.vector_store %arg9[%parallel_loop3A_767, %parallel_loop3A_768, %parallel_loop3A_769], %parallel_loop3A_772 {strides = array<i32>} : memref<4x8x1024xf32, #tpu.memory_space<vmem>>, vector<1x1x16xf32>,
        %parallel_loop3A_773 = arith.constant 3 : i32
        %parallel_loop3A_774 = arith.constant 7 : i32
        %parallel_loop3A_775 = arith.index_cast %parallel_loop3A_773 : i32 to index
        %parallel_loop3A_776 = arith.index_cast %parallel_loop3A_774 : i32 to index
        %parallel_loop3A_777 = arith.index_cast %parallel_loop3A_236 : i32 to index
        %parallel_loop3A_778 = tpu.vector_load %arg9[%parallel_loop3A_775, %parallel_loop3A_776, %parallel_loop3A_777] {strides = array<i32>} : memref<4x8x1024xf32, #tpu.memory_space<vmem>>, vector<1x1x16xf32>,
        %parallel_loop3A_779 = vector.shape_cast %parallel_loop3A_778 : vector<1x1x16xf32> to vector<16xf32>
        %parallel_loop3A_780 = arith.addf %parallel_loop3A_779, %parallel_loop3A_724 : vector<16xf32>
        %parallel_loop3A_781 = arith.constant 3 : i32
        %parallel_loop3A_782 = arith.constant 7 : i32
        %parallel_loop3A_783 = arith.index_cast %parallel_loop3A_781 : i32 to index
        %parallel_loop3A_784 = arith.index_cast %parallel_loop3A_782 : i32 to index
        %parallel_loop3A_785 = arith.index_cast %parallel_loop3A_236 : i32 to index
        %parallel_loop3A_786 = tpu.vector_load %arg9[%parallel_loop3A_783, %parallel_loop3A_784, %parallel_loop3A_785] {strides = array<i32>} : memref<4x8x1024xf32, #tpu.memory_space<vmem>>, vector<1x1x16xf32>,
        %parallel_loop3A_787 = vector.shape_cast %parallel_loop3A_786 : vector<1x1x16xf32> to vector<16xf32>
        %parallel_loop3A_788 = vector.shape_cast %parallel_loop3A_780 : vector<16xf32> to vector<1x1x16xf32>
        tpu.vector_store %arg9[%parallel_loop3A_783, %parallel_loop3A_784, %parallel_loop3A_785], %parallel_loop3A_788 {strides = array<i32>} : memref<4x8x1024xf32, #tpu.memory_space<vmem>>, vector<1x1x16xf32>,
      } {sc.loop_unroll_factor = 1 : i64, sc.parallel_access}
      %mul3A_183 = arith.constant 8 : i32
      %mul3A_184 = arith.muli %add3A_153, %mul3A_183 : i32
      %add3A_185 = arith.addi %mul3A_2, %mul3A_184 : i32
      %dma_start3A_186 = arith.constant 0 : i32
      %dma_start3A_187 = arith.constant 0 : i32
      %dma_start3A_188 = tpu.memref_slice %arg4[%dma_start3A_186, %add3A_185, %dma_start3A_187] : memref<4x8192x1024xf32, #tpu.memory_space<hbm>> -> memref<4x8x1024xf32, #tpu.memory_space<hbm>>
      %dma_start3A_189 = arith.constant 0 : i32
      %dma_start3A_190 = arith.constant 0 : i32
      %dma_start3A_191 = tpu.memref_slice %arg4[%dma_start3A_189, %add3A_185, %dma_start3A_190] : memref<4x8192x1024xf32, #tpu.memory_space<hbm>> -> memref<4x8x1024xf32, #tpu.memory_space<hbm>>
      tpu.enqueue_dma source(%arg9 : memref<4x8x1024xf32, #tpu.memory_space<vmem>>) target(%dma_start3A_191 : memref<4x8x1024xf32, #tpu.memory_space<hbm>>) target_semaphore(%arg18 : memref<!tpu.dma_semaphore, #tpu.memory_space<semaphore_mem>>)
      %mul3A_192 = arith.constant 3 : i32
      %mul3A_193 = arith.muli %mul3A_192, %scan3A_111 : i32
      %add3A_194 = arith.constant 2 : i32
      %add3A_195 = arith.addi %mul3A_193, %add3A_194 : i32
      %ge3A_196 = arith.constant 2 : i32
      %ge3A_197 = arith.cmpi sge, %add3A_195, %ge3A_196 : i32
      %convert_element_type3A_198 = arith.extui %ge3A_197 : i1 to i32
      %cond3A_199 = arith.constant 0 : i32
      %cond3A_200 = arith.cmpi ne, %convert_element_type3A_198, %cond3A_199 : i32
      scf.if %cond3A_200 {
        %dma_wait3A_234 = arith.constant 0 : i32
        %dma_wait3A_235 = arith.constant 0 : i32
        %dma_wait3A_236 = arith.constant 0 : i32
        %dma_wait3A_237 = tpu.memref_slice %arg2[%dma_wait3A_234, %dma_wait3A_235, %dma_wait3A_236] : memref<4x8192x1024xf32, #tpu.memory_space<hbm>> -> memref<4x8x1024xf32, #tpu.memory_space<hbm>>
        %dma_wait3A_238 = arith.constant 0 : i32
        %dma_wait3A_239 = arith.constant 0 : i32
        %dma_wait3A_240 = arith.constant 0 : i32
        %dma_wait3A_241 = tpu.memref_slice %arg2[%dma_wait3A_238, %dma_wait3A_239, %dma_wait3A_240] : memref<4x8192x1024xf32, #tpu.memory_space<hbm>> -> memref<4x8x1024xf32, #tpu.memory_space<hbm>>
        tpu.wait_dma2 semaphore(%arg17 : memref<!tpu.dma_semaphore, #tpu.memory_space<semaphore_mem>>) src(%dma_wait3A_241 : memref<4x8x1024xf32, #tpu.memory_space<hbm>>) dst(%arg8 : memref<4x8x1024xf32, #tpu.memory_space<vmem>>)
      } else {
      }
      %add3A_201 = arith.constant 1 : i32
      %add3A_202 = arith.addi %add3A_195, %add3A_201 : i32
      %lt3A_203 = arith.constant 32 : i32
      %lt3A_204 = arith.cmpi slt, %add3A_202, %lt3A_203 : i32
      %convert_element_type3A_205 = arith.extui %lt3A_204 : i1 to i32
      %cond3A_206 = arith.constant 0 : i32
      %cond3A_207 = arith.cmpi ne, %convert_element_type3A_205, %cond3A_206 : i32
      scf.if %cond3A_207 {
        %add3A_234 = arith.constant 1 : i32
        %add3A_235 = arith.addi %add3A_195, %add3A_234 : i32
        %mul3A_236 = arith.constant 8 : i32
        %mul3A_237 = arith.muli %add3A_235, %mul3A_236 : i32
        %add3A_238 = arith.addi %mul3A_2, %mul3A_237 : i32
        %dma_start3A_239 = arith.constant 0 : i32
        %dma_start3A_240 = tpu.memref_slice %arg3[%add3A_238, %dma_start3A_239] : memref<8192x1024xf32, #tpu.memory_space<hbm>> -> memref<8x1024xf32, #tpu.memory_space<hbm>>
        %dma_start3A_241 = arith.constant 0 : i32
        %dma_start3A_242 = tpu.memref_slice %arg3[%add3A_238, %dma_start3A_241] : memref<8192x1024xf32, #tpu.memory_space<hbm>> -> memref<8x1024xf32, #tpu.memory_space<hbm>>
        tpu.enqueue_dma source(%dma_start3A_242 : memref<8x1024xf32, #tpu.memory_space<hbm>>) target(%arg5 : memref<8x1024xf32, #tpu.memory_space<vmem>>) target_semaphore(%arg11 : memref<!tpu.dma_semaphore, #tpu.memory_space<semaphore_mem>>)
        %dma_start3A_243 = arith.constant 0 : i32
        %dma_start3A_244 = arith.constant 0 : i32
        %dma_start3A_245 = tpu.memref_slice %arg2[%dma_start3A_243, %add3A_238, %dma_start3A_244] : memref<4x8192x1024xf32, #tpu.memory_space<hbm>> -> memref<4x8x1024xf32, #tpu.memory_space<hbm>>
        %dma_start3A_246 = arith.constant 0 : i32
        %dma_start3A_247 = arith.constant 0 : i32
        %dma_start3A_248 = tpu.memref_slice %arg2[%dma_start3A_246, %add3A_238, %dma_start3A_247] : memref<4x8192x1024xf32, #tpu.memory_space<hbm>> -> memref<4x8x1024xf32, #tpu.memory_space<hbm>>
        tpu.enqueue_dma source(%dma_start3A_248 : memref<4x8x1024xf32, #tpu.memory_space<hbm>>) target(%arg8 : memref<4x8x1024xf32, #tpu.memory_space<vmem>>) target_semaphore(%arg14 : memref<!tpu.dma_semaphore, #tpu.memory_space<semaphore_mem>>)
      } else {
      }
      %dma_wait3A_208 = arith.constant 0 : i32
      %dma_wait3A_209 = arith.constant 0 : i32
      %dma_wait3A_210 = tpu.memref_slice %arg3[%dma_wait3A_208, %dma_wait3A_209] : memref<8192x1024xf32, #tpu.memory_space<hbm>> -> memref<8x1024xf32, #tpu.memory_space<hbm>>
      %dma_wait3A_211 = arith.constant 0 : i32
      %dma_wait3A_212 = arith.constant 0 : i32
      %dma_wait3A_213 = tpu.memref_slice %arg3[%dma_wait3A_211, %dma_wait3A_212] : memref<8192x1024xf32, #tpu.memory_space<hbm>> -> memref<8x1024xf32, #tpu.memory_space<hbm>>
      tpu.wait_dma2 semaphore(%arg13 : memref<!tpu.dma_semaphore, #tpu.memory_space<semaphore_mem>>) src(%dma_wait3A_213 : memref<8x1024xf32, #tpu.memory_space<hbm>>) dst(%arg7 : memref<8x1024xf32, #tpu.memory_space<vmem>>)
      %dma_wait3A_214 = arith.constant 0 : i32
      %dma_wait3A_215 = arith.constant 0 : i32
      %dma_wait3A_216 = arith.constant 0 : i32
      %dma_wait3A_217 = tpu.memref_slice %arg2[%dma_wait3A_214, %dma_wait3A_215, %dma_wait3A_216] : memref<4x8192x1024xf32, #tpu.memory_space<hbm>> -> memref<4x8x1024xf32, #tpu.memory_space<hbm>>
      %dma_wait3A_218 = arith.constant 0 : i32
      %dma_wait3A_219 = arith.constant 0 : i32
      %dma_wait3A_220 = arith.constant 0 : i32
      %dma_wait3A_221 = tpu.memref_slice %arg2[%dma_wait3A_218, %dma_wait3A_219, %dma_wait3A_220] : memref<4x8192x1024xf32, #tpu.memory_space<hbm>> -> memref<4x8x1024xf32, #tpu.memory_space<hbm>>
      tpu.wait_dma2 semaphore(%arg16 : memref<!tpu.dma_semaphore, #tpu.memory_space<semaphore_mem>>) src(%dma_wait3A_221 : memref<4x8x1024xf32, #tpu.memory_space<hbm>>) dst(%arg10 : memref<4x8x1024xf32, #tpu.memory_space<vmem>>)
      %parallel_loop3A_222 = arith.constant 0 : i32
      %parallel_loop3A_223 = arith.constant 64 : i32
      %parallel_loop3A_224 = arith.constant 1 : i32
      scf.for %parallel_loop3A_234 = %parallel_loop3A_222 to %parallel_loop3A_223 step %parallel_loop3A_224  : i32 {
        %parallel_loop3A_235 = arith.constant 16 : i32
        %parallel_loop3A_236 = arith.muli %parallel_loop3A_234, %parallel_loop3A_235 : i32
        %parallel_loop3A_237 = arith.constant 0 : i32
        %parallel_loop3A_238 = arith.index_cast %parallel_loop3A_237 : i32 to index
        %parallel_loop3A_239 = arith.index_cast %parallel_loop3A_236 : i32 to index
        %parallel_loop3A_240 = tpu.vector_load %arg7[%parallel_loop3A_238, %parallel_loop3A_239] {strides = array<i32>} : memref<8x1024xf32, #tpu.memory_space<vmem>>, vector<1x16xf32>,
        %parallel_loop3A_241 = vector.shape_cast %parallel_loop3A_240 : vector<1x16xf32> to vector<16xf32>
        %parallel_loop3A_242 = arith.constant 0 : i32
        %parallel_loop3A_243 = arith.constant 0 : i32
        %parallel_loop3A_244 = arith.index_cast %parallel_loop3A_242 : i32 to index
        %parallel_loop3A_245 = arith.index_cast %parallel_loop3A_243 : i32 to index
        %parallel_loop3A_246 = arith.index_cast %parallel_loop3A_236 : i32 to index
        %parallel_loop3A_247 = tpu.vector_load %arg10[%parallel_loop3A_244, %parallel_loop3A_245, %parallel_loop3A_246] {strides = array<i32>} : memref<4x8x1024xf32, #tpu.memory_space<vmem>>, vector<1x1x16xf32>,
        %parallel_loop3A_248 = vector.shape_cast %parallel_loop3A_247 : vector<1x1x16xf32> to vector<16xf32>
        %parallel_loop3A_249 = arith.addf %parallel_loop3A_248, %parallel_loop3A_241 : vector<16xf32>
        %parallel_loop3A_250 = arith.constant 0 : i32
        %parallel_loop3A_251 = arith.constant 0 : i32
        %parallel_loop3A_252 = arith.index_cast %parallel_loop3A_250 : i32 to index
        %parallel_loop3A_253 = arith.index_cast %parallel_loop3A_251 : i32 to index
        %parallel_loop3A_254 = arith.index_cast %parallel_loop3A_236 : i32 to index
        %parallel_loop3A_255 = tpu.vector_load %arg10[%parallel_loop3A_252, %parallel_loop3A_253, %parallel_loop3A_254] {strides = array<i32>} : memref<4x8x1024xf32, #tpu.memory_space<vmem>>, vector<1x1x16xf32>,
        %parallel_loop3A_256 = vector.shape_cast %parallel_loop3A_255 : vector<1x1x16xf32> to vector<16xf32>
        %parallel_loop3A_257 = vector.shape_cast %parallel_loop3A_249 : vector<16xf32> to vector<1x1x16xf32>
        tpu.vector_store %arg10[%parallel_loop3A_252, %parallel_loop3A_253, %parallel_loop3A_254], %parallel_loop3A_257 {strides = array<i32>} : memref<4x8x1024xf32, #tpu.memory_space<vmem>>, vector<1x1x16xf32>,
        %parallel_loop3A_258 = arith.constant 1 : i32
        %parallel_loop3A_259 = arith.constant 0 : i32
        %parallel_loop3A_260 = arith.index_cast %parallel_loop3A_258 : i32 to index
        %parallel_loop3A_261 = arith.index_cast %parallel_loop3A_259 : i32 to index
        %parallel_loop3A_262 = arith.index_cast %parallel_loop3A_236 : i32 to index
        %parallel_loop3A_263 = tpu.vector_load %arg10[%parallel_loop3A_260, %parallel_loop3A_261, %parallel_loop3A_262] {strides = array<i32>} : memref<4x8x1024xf32, #tpu.memory_space<vmem>>, vector<1x1x16xf32>,
        %parallel_loop3A_264 = vector.shape_cast %parallel_loop3A_263 : vector<1x1x16xf32> to vector<16xf32>
        %parallel_loop3A_265 = arith.addf %parallel_loop3A_264, %parallel_loop3A_241 : vector<16xf32>
        %parallel_loop3A_266 = arith.constant 1 : i32
        %parallel_loop3A_267 = arith.constant 0 : i32
        %parallel_loop3A_268 = arith.index_cast %parallel_loop3A_266 : i32 to index
        %parallel_loop3A_269 = arith.index_cast %parallel_loop3A_267 : i32 to index
        %parallel_loop3A_270 = arith.index_cast %parallel_loop3A_236 : i32 to index
        %parallel_loop3A_271 = tpu.vector_load %arg10[%parallel_loop3A_268, %parallel_loop3A_269, %parallel_loop3A_270] {strides = array<i32>} : memref<4x8x1024xf32, #tpu.memory_space<vmem>>, vector<1x1x16xf32>,
        %parallel_loop3A_272 = vector.shape_cast %parallel_loop3A_271 : vector<1x1x16xf32> to vector<16xf32>
        %parallel_loop3A_273 = vector.shape_cast %parallel_loop3A_265 : vector<16xf32> to vector<1x1x16xf32>
        tpu.vector_store %arg10[%parallel_loop3A_268, %parallel_loop3A_269, %parallel_loop3A_270], %parallel_loop3A_273 {strides = array<i32>} : memref<4x8x1024xf32, #tpu.memory_space<vmem>>, vector<1x1x16xf32>,
        %parallel_loop3A_274 = arith.constant 2 : i32
        %parallel_loop3A_275 = arith.constant 0 : i32
        %parallel_loop3A_276 = arith.index_cast %parallel_loop3A_274 : i32 to index
        %parallel_loop3A_277 = arith.index_cast %parallel_loop3A_275 : i32 to index
        %parallel_loop3A_278 = arith.index_cast %parallel_loop3A_236 : i32 to index
        %parallel_loop3A_279 = tpu.vector_load %arg10[%parallel_loop3A_276, %parallel_loop3A_277, %parallel_loop3A_278] {strides = array<i32>} : memref<4x8x1024xf32, #tpu.memory_space<vmem>>, vector<1x1x16xf32>,
        %parallel_loop3A_280 = vector.shape_cast %parallel_loop3A_279 : vector<1x1x16xf32> to vector<16xf32>
        %parallel_loop3A_281 = arith.addf %parallel_loop3A_280, %parallel_loop3A_241 : vector<16xf32>
        %parallel_loop3A_282 = arith.constant 2 : i32
        %parallel_loop3A_283 = arith.constant 0 : i32
        %parallel_loop3A_284 = arith.index_cast %parallel_loop3A_282 : i32 to index
        %parallel_loop3A_285 = arith.index_cast %parallel_loop3A_283 : i32 to index
        %parallel_loop3A_286 = arith.index_cast %parallel_loop3A_236 : i32 to index
        %parallel_loop3A_287 = tpu.vector_load %arg10[%parallel_loop3A_284, %parallel_loop3A_285, %parallel_loop3A_286] {strides = array<i32>} : memref<4x8x1024xf32, #tpu.memory_space<vmem>>, vector<1x1x16xf32>,
        %parallel_loop3A_288 = vector.shape_cast %parallel_loop3A_287 : vector<1x1x16xf32> to vector<16xf32>
        %parallel_loop3A_289 = vector.shape_cast %parallel_loop3A_281 : vector<16xf32> to vector<1x1x16xf32>
        tpu.vector_store %arg10[%parallel_loop3A_284, %parallel_loop3A_285, %parallel_loop3A_286], %parallel_loop3A_289 {strides = array<i32>} : memref<4x8x1024xf32, #tpu.memory_space<vmem>>, vector<1x1x16xf32>,
        %parallel_loop3A_290 = arith.constant 3 : i32
        %parallel_loop3A_291 = arith.constant 0 : i32
        %parallel_loop3A_292 = arith.index_cast %parallel_loop3A_290 : i32 to index
        %parallel_loop3A_293 = arith.index_cast %parallel_loop3A_291 : i32 to index
        %parallel_loop3A_294 = arith.index_cast %parallel_loop3A_236 : i32 to index
        %parallel_loop3A_295 = tpu.vector_load %arg10[%parallel_loop3A_292, %parallel_loop3A_293, %parallel_loop3A_294] {strides = array<i32>} : memref<4x8x1024xf32, #tpu.memory_space<vmem>>, vector<1x1x16xf32>,
        %parallel_loop3A_296 = vector.shape_cast %parallel_loop3A_295 : vector<1x1x16xf32> to vector<16xf32>
        %parallel_loop3A_297 = arith.addf %parallel_loop3A_296, %parallel_loop3A_241 : vector<16xf32>
        %parallel_loop3A_298 = arith.constant 3 : i32
        %parallel_loop3A_299 = arith.constant 0 : i32
        %parallel_loop3A_300 = arith.index_cast %parallel_loop3A_298 : i32 to index
        %parallel_loop3A_301 = arith.index_cast %parallel_loop3A_299 : i32 to index
        %parallel_loop3A_302 = arith.index_cast %parallel_loop3A_236 : i32 to index
        %parallel_loop3A_303 = tpu.vector_load %arg10[%parallel_loop3A_300, %parallel_loop3A_301, %parallel_loop3A_302] {strides = array<i32>} : memref<4x8x1024xf32, #tpu.memory_space<vmem>>, vector<1x1x16xf32>,
        %parallel_loop3A_304 = vector.shape_cast %parallel_loop3A_303 : vector<1x1x16xf32> to vector<16xf32>
        %parallel_loop3A_305 = vector.shape_cast %parallel_loop3A_297 : vector<16xf32> to vector<1x1x16xf32>
        tpu.vector_store %arg10[%parallel_loop3A_300, %parallel_loop3A_301, %parallel_loop3A_302], %parallel_loop3A_305 {strides = array<i32>} : memref<4x8x1024xf32, #tpu.memory_space<vmem>>, vector<1x1x16xf32>,
        %parallel_loop3A_306 = arith.constant 1 : i32
        %parallel_loop3A_307 = arith.index_cast %parallel_loop3A_306 : i32 to index
        %parallel_loop3A_308 = arith.index_cast %parallel_loop3A_236 : i32 to index
        %parallel_loop3A_309 = tpu.vector_load %arg7[%parallel_loop3A_307, %parallel_loop3A_308] {strides = array<i32>} : memref<8x1024xf32, #tpu.memory_space<vmem>>, vector<1x16xf32>,
        %parallel_loop3A_310 = vector.shape_cast %parallel_loop3A_309 : vector<1x16xf32> to vector<16xf32>
        %parallel_loop3A_311 = arith.constant 0 : i32
        %parallel_loop3A_312 = arith.constant 1 : i32
        %parallel_loop3A_313 = arith.index_cast %parallel_loop3A_311 : i32 to index
        %parallel_loop3A_314 = arith.index_cast %parallel_loop3A_312 : i32 to index
        %parallel_loop3A_315 = arith.index_cast %parallel_loop3A_236 : i32 to index
        %parallel_loop3A_316 = tpu.vector_load %arg10[%parallel_loop3A_313, %parallel_loop3A_314, %parallel_loop3A_315] {strides = array<i32>} : memref<4x8x1024xf32, #tpu.memory_space<vmem>>, vector<1x1x16xf32>,
        %parallel_loop3A_317 = vector.shape_cast %parallel_loop3A_316 : vector<1x1x16xf32> to vector<16xf32>
        %parallel_loop3A_318 = arith.addf %parallel_loop3A_317, %parallel_loop3A_310 : vector<16xf32>
        %parallel_loop3A_319 = arith.constant 0 : i32
        %parallel_loop3A_320 = arith.constant 1 : i32
        %parallel_loop3A_321 = arith.index_cast %parallel_loop3A_319 : i32 to index
        %parallel_loop3A_322 = arith.index_cast %parallel_loop3A_320 : i32 to index
        %parallel_loop3A_323 = arith.index_cast %parallel_loop3A_236 : i32 to index
        %parallel_loop3A_324 = tpu.vector_load %arg10[%parallel_loop3A_321, %parallel_loop3A_322, %parallel_loop3A_323] {strides = array<i32>} : memref<4x8x1024xf32, #tpu.memory_space<vmem>>, vector<1x1x16xf32>,
        %parallel_loop3A_325 = vector.shape_cast %parallel_loop3A_324 : vector<1x1x16xf32> to vector<16xf32>
        %parallel_loop3A_326 = vector.shape_cast %parallel_loop3A_318 : vector<16xf32> to vector<1x1x16xf32>
        tpu.vector_store %arg10[%parallel_loop3A_321, %parallel_loop3A_322, %parallel_loop3A_323], %parallel_loop3A_326 {strides = array<i32>} : memref<4x8x1024xf32, #tpu.memory_space<vmem>>, vector<1x1x16xf32>,
        %parallel_loop3A_327 = arith.constant 1 : i32
        %parallel_loop3A_328 = arith.constant 1 : i32
        %parallel_loop3A_329 = arith.index_cast %parallel_loop3A_327 : i32 to index
        %parallel_loop3A_330 = arith.index_cast %parallel_loop3A_328 : i32 to index
        %parallel_loop3A_331 = arith.index_cast %parallel_loop3A_236 : i32 to index
        %parallel_loop3A_332 = tpu.vector_load %arg10[%parallel_loop3A_329, %parallel_loop3A_330, %parallel_loop3A_331] {strides = array<i32>} : memref<4x8x1024xf32, #tpu.memory_space<vmem>>, vector<1x1x16xf32>,
        %parallel_loop3A_333 = vector.shape_cast %parallel_loop3A_332 : vector<1x1x16xf32> to vector<16xf32>
        %parallel_loop3A_334 = arith.addf %parallel_loop3A_333, %parallel_loop3A_310 : vector<16xf32>
        %parallel_loop3A_335 = arith.constant 1 : i32
        %parallel_loop3A_336 = arith.constant 1 : i32
        %parallel_loop3A_337 = arith.index_cast %parallel_loop3A_335 : i32 to index
        %parallel_loop3A_338 = arith.index_cast %parallel_loop3A_336 : i32 to index
        %parallel_loop3A_339 = arith.index_cast %parallel_loop3A_236 : i32 to index
        %parallel_loop3A_340 = tpu.vector_load %arg10[%parallel_loop3A_337, %parallel_loop3A_338, %parallel_loop3A_339] {strides = array<i32>} : memref<4x8x1024xf32, #tpu.memory_space<vmem>>, vector<1x1x16xf32>,
        %parallel_loop3A_341 = vector.shape_cast %parallel_loop3A_340 : vector<1x1x16xf32> to vector<16xf32>
        %parallel_loop3A_342 = vector.shape_cast %parallel_loop3A_334 : vector<16xf32> to vector<1x1x16xf32>
        tpu.vector_store %arg10[%parallel_loop3A_337, %parallel_loop3A_338, %parallel_loop3A_339], %parallel_loop3A_342 {strides = array<i32>} : memref<4x8x1024xf32, #tpu.memory_space<vmem>>, vector<1x1x16xf32>,
        %parallel_loop3A_343 = arith.constant 2 : i32
        %parallel_loop3A_344 = arith.constant 1 : i32
        %parallel_loop3A_345 = arith.index_cast %parallel_loop3A_343 : i32 to index
        %parallel_loop3A_346 = arith.index_cast %parallel_loop3A_344 : i32 to index
        %parallel_loop3A_347 = arith.index_cast %parallel_loop3A_236 : i32 to index
        %parallel_loop3A_348 = tpu.vector_load %arg10[%parallel_loop3A_345, %parallel_loop3A_346, %parallel_loop3A_347] {strides = array<i32>} : memref<4x8x1024xf32, #tpu.memory_space<vmem>>, vector<1x1x16xf32>,
        %parallel_loop3A_349 = vector.shape_cast %parallel_loop3A_348 : vector<1x1x16xf32> to vector<16xf32>
        %parallel_loop3A_350 = arith.addf %parallel_loop3A_349, %parallel_loop3A_310 : vector<16xf32>
        %parallel_loop3A_351 = arith.constant 2 : i32
        %parallel_loop3A_352 = arith.constant 1 : i32
        %parallel_loop3A_353 = arith.index_cast %parallel_loop3A_351 : i32 to index
        %parallel_loop3A_354 = arith.index_cast %parallel_loop3A_352 : i32 to index
        %parallel_loop3A_355 = arith.index_cast %parallel_loop3A_236 : i32 to index
        %parallel_loop3A_356 = tpu.vector_load %arg10[%parallel_loop3A_353, %parallel_loop3A_354, %parallel_loop3A_355] {strides = array<i32>} : memref<4x8x1024xf32, #tpu.memory_space<vmem>>, vector<1x1x16xf32>,
        %parallel_loop3A_357 = vector.shape_cast %parallel_loop3A_356 : vector<1x1x16xf32> to vector<16xf32>
        %parallel_loop3A_358 = vector.shape_cast %parallel_loop3A_350 : vector<16xf32> to vector<1x1x16xf32>
        tpu.vector_store %arg10[%parallel_loop3A_353, %parallel_loop3A_354, %parallel_loop3A_355], %parallel_loop3A_358 {strides = array<i32>} : memref<4x8x1024xf32, #tpu.memory_space<vmem>>, vector<1x1x16xf32>,
        %parallel_loop3A_359 = arith.constant 3 : i32
        %parallel_loop3A_360 = arith.constant 1 : i32
        %parallel_loop3A_361 = arith.index_cast %parallel_loop3A_359 : i32 to index
        %parallel_loop3A_362 = arith.index_cast %parallel_loop3A_360 : i32 to index
        %parallel_loop3A_363 = arith.index_cast %parallel_loop3A_236 : i32 to index
        %parallel_loop3A_364 = tpu.vector_load %arg10[%parallel_loop3A_361, %parallel_loop3A_362, %parallel_loop3A_363] {strides = array<i32>} : memref<4x8x1024xf32, #tpu.memory_space<vmem>>, vector<1x1x16xf32>,
        %parallel_loop3A_365 = vector.shape_cast %parallel_loop3A_364 : vector<1x1x16xf32> to vector<16xf32>
        %parallel_loop3A_366 = arith.addf %parallel_loop3A_365, %parallel_loop3A_310 : vector<16xf32>
        %parallel_loop3A_367 = arith.constant 3 : i32
        %parallel_loop3A_368 = arith.constant 1 : i32
        %parallel_loop3A_369 = arith.index_cast %parallel_loop3A_367 : i32 to index
        %parallel_loop3A_370 = arith.index_cast %parallel_loop3A_368 : i32 to index
        %parallel_loop3A_371 = arith.index_cast %parallel_loop3A_236 : i32 to index
        %parallel_loop3A_372 = tpu.vector_load %arg10[%parallel_loop3A_369, %parallel_loop3A_370, %parallel_loop3A_371] {strides = array<i32>} : memref<4x8x1024xf32, #tpu.memory_space<vmem>>, vector<1x1x16xf32>,
        %parallel_loop3A_373 = vector.shape_cast %parallel_loop3A_372 : vector<1x1x16xf32> to vector<16xf32>
        %parallel_loop3A_374 = vector.shape_cast %parallel_loop3A_366 : vector<16xf32> to vector<1x1x16xf32>
        tpu.vector_store %arg10[%parallel_loop3A_369, %parallel_loop3A_370, %parallel_loop3A_371], %parallel_loop3A_374 {strides = array<i32>} : memref<4x8x1024xf32, #tpu.memory_space<vmem>>, vector<1x1x16xf32>,
        %parallel_loop3A_375 = arith.constant 2 : i32
        %parallel_loop3A_376 = arith.index_cast %parallel_loop3A_375 : i32 to index
        %parallel_loop3A_377 = arith.index_cast %parallel_loop3A_236 : i32 to index
        %parallel_loop3A_378 = tpu.vector_load %arg7[%parallel_loop3A_376, %parallel_loop3A_377] {strides = array<i32>} : memref<8x1024xf32, #tpu.memory_space<vmem>>, vector<1x16xf32>,
        %parallel_loop3A_379 = vector.shape_cast %parallel_loop3A_378 : vector<1x16xf32> to vector<16xf32>
        %parallel_loop3A_380 = arith.constant 0 : i32
        %parallel_loop3A_381 = arith.constant 2 : i32
        %parallel_loop3A_382 = arith.index_cast %parallel_loop3A_380 : i32 to index
        %parallel_loop3A_383 = arith.index_cast %parallel_loop3A_381 : i32 to index
        %parallel_loop3A_384 = arith.index_cast %parallel_loop3A_236 : i32 to index
        %parallel_loop3A_385 = tpu.vector_load %arg10[%parallel_loop3A_382, %parallel_loop3A_383, %parallel_loop3A_384] {strides = array<i32>} : memref<4x8x1024xf32, #tpu.memory_space<vmem>>, vector<1x1x16xf32>,
        %parallel_loop3A_386 = vector.shape_cast %parallel_loop3A_385 : vector<1x1x16xf32> to vector<16xf32>
        %parallel_loop3A_387 = arith.addf %parallel_loop3A_386, %parallel_loop3A_379 : vector<16xf32>
        %parallel_loop3A_388 = arith.constant 0 : i32
        %parallel_loop3A_389 = arith.constant 2 : i32
        %parallel_loop3A_390 = arith.index_cast %parallel_loop3A_388 : i32 to index
        %parallel_loop3A_391 = arith.index_cast %parallel_loop3A_389 : i32 to index
        %parallel_loop3A_392 = arith.index_cast %parallel_loop3A_236 : i32 to index
        %parallel_loop3A_393 = tpu.vector_load %arg10[%parallel_loop3A_390, %parallel_loop3A_391, %parallel_loop3A_392] {strides = array<i32>} : memref<4x8x1024xf32, #tpu.memory_space<vmem>>, vector<1x1x16xf32>,
        %parallel_loop3A_394 = vector.shape_cast %parallel_loop3A_393 : vector<1x1x16xf32> to vector<16xf32>
        %parallel_loop3A_395 = vector.shape_cast %parallel_loop3A_387 : vector<16xf32> to vector<1x1x16xf32>
        tpu.vector_store %arg10[%parallel_loop3A_390, %parallel_loop3A_391, %parallel_loop3A_392], %parallel_loop3A_395 {strides = array<i32>} : memref<4x8x1024xf32, #tpu.memory_space<vmem>>, vector<1x1x16xf32>,
        %parallel_loop3A_396 = arith.constant 1 : i32
        %parallel_loop3A_397 = arith.constant 2 : i32
        %parallel_loop3A_398 = arith.index_cast %parallel_loop3A_396 : i32 to index
        %parallel_loop3A_399 = arith.index_cast %parallel_loop3A_397 : i32 to index
        %parallel_loop3A_400 = arith.index_cast %parallel_loop3A_236 : i32 to index
        %parallel_loop3A_401 = tpu.vector_load %arg10[%parallel_loop3A_398, %parallel_loop3A_399, %parallel_loop3A_400] {strides = array<i32>} : memref<4x8x1024xf32, #tpu.memory_space<vmem>>, vector<1x1x16xf32>,
        %parallel_loop3A_402 = vector.shape_cast %parallel_loop3A_401 : vector<1x1x16xf32> to vector<16xf32>
        %parallel_loop3A_403 = arith.addf %parallel_loop3A_402, %parallel_loop3A_379 : vector<16xf32>
        %parallel_loop3A_404 = arith.constant 1 : i32
        %parallel_loop3A_405 = arith.constant 2 : i32
        %parallel_loop3A_406 = arith.index_cast %parallel_loop3A_404 : i32 to index
        %parallel_loop3A_407 = arith.index_cast %parallel_loop3A_405 : i32 to index
        %parallel_loop3A_408 = arith.index_cast %parallel_loop3A_236 : i32 to index
        %parallel_loop3A_409 = tpu.vector_load %arg10[%parallel_loop3A_406, %parallel_loop3A_407, %parallel_loop3A_408] {strides = array<i32>} : memref<4x8x1024xf32, #tpu.memory_space<vmem>>, vector<1x1x16xf32>,
        %parallel_loop3A_410 = vector.shape_cast %parallel_loop3A_409 : vector<1x1x16xf32> to vector<16xf32>
        %parallel_loop3A_411 = vector.shape_cast %parallel_loop3A_403 : vector<16xf32> to vector<1x1x16xf32>
        tpu.vector_store %arg10[%parallel_loop3A_406, %parallel_loop3A_407, %parallel_loop3A_408], %parallel_loop3A_411 {strides = array<i32>} : memref<4x8x1024xf32, #tpu.memory_space<vmem>>, vector<1x1x16xf32>,
        %parallel_loop3A_412 = arith.constant 2 : i32
        %parallel_loop3A_413 = arith.constant 2 : i32
        %parallel_loop3A_414 = arith.index_cast %parallel_loop3A_412 : i32 to index
        %parallel_loop3A_415 = arith.index_cast %parallel_loop3A_413 : i32 to index
        %parallel_loop3A_416 = arith.index_cast %parallel_loop3A_236 : i32 to index
        %parallel_loop3A_417 = tpu.vector_load %arg10[%parallel_loop3A_414, %parallel_loop3A_415, %parallel_loop3A_416] {strides = array<i32>} : memref<4x8x1024xf32, #tpu.memory_space<vmem>>, vector<1x1x16xf32>,
        %parallel_loop3A_418 = vector.shape_cast %parallel_loop3A_417 : vector<1x1x16xf32> to vector<16xf32>
        %parallel_loop3A_419 = arith.addf %parallel_loop3A_418, %parallel_loop3A_379 : vector<16xf32>
        %parallel_loop3A_420 = arith.constant 2 : i32
        %parallel_loop3A_421 = arith.constant 2 : i32
        %parallel_loop3A_422 = arith.index_cast %parallel_loop3A_420 : i32 to index
        %parallel_loop3A_423 = arith.index_cast %parallel_loop3A_421 : i32 to index
        %parallel_loop3A_424 = arith.index_cast %parallel_loop3A_236 : i32 to index
        %parallel_loop3A_425 = tpu.vector_load %arg10[%parallel_loop3A_422, %parallel_loop3A_423, %parallel_loop3A_424] {strides = array<i32>} : memref<4x8x1024xf32, #tpu.memory_space<vmem>>, vector<1x1x16xf32>,
        %parallel_loop3A_426 = vector.shape_cast %parallel_loop3A_425 : vector<1x1x16xf32> to vector<16xf32>
        %parallel_loop3A_427 = vector.shape_cast %parallel_loop3A_419 : vector<16xf32> to vector<1x1x16xf32>
        tpu.vector_store %arg10[%parallel_loop3A_422, %parallel_loop3A_423, %parallel_loop3A_424], %parallel_loop3A_427 {strides = array<i32>} : memref<4x8x1024xf32, #tpu.memory_space<vmem>>, vector<1x1x16xf32>,
        %parallel_loop3A_428 = arith.constant 3 : i32
        %parallel_loop3A_429 = arith.constant 2 : i32
        %parallel_loop3A_430 = arith.index_cast %parallel_loop3A_428 : i32 to index
        %parallel_loop3A_431 = arith.index_cast %parallel_loop3A_429 : i32 to index
        %parallel_loop3A_432 = arith.index_cast %parallel_loop3A_236 : i32 to index
        %parallel_loop3A_433 = tpu.vector_load %arg10[%parallel_loop3A_430, %parallel_loop3A_431, %parallel_loop3A_432] {strides = array<i32>} : memref<4x8x1024xf32, #tpu.memory_space<vmem>>, vector<1x1x16xf32>,
        %parallel_loop3A_434 = vector.shape_cast %parallel_loop3A_433 : vector<1x1x16xf32> to vector<16xf32>
        %parallel_loop3A_435 = arith.addf %parallel_loop3A_434, %parallel_loop3A_379 : vector<16xf32>
        %parallel_loop3A_436 = arith.constant 3 : i32
        %parallel_loop3A_437 = arith.constant 2 : i32
        %parallel_loop3A_438 = arith.index_cast %parallel_loop3A_436 : i32 to index
        %parallel_loop3A_439 = arith.index_cast %parallel_loop3A_437 : i32 to index
        %parallel_loop3A_440 = arith.index_cast %parallel_loop3A_236 : i32 to index
        %parallel_loop3A_441 = tpu.vector_load %arg10[%parallel_loop3A_438, %parallel_loop3A_439, %parallel_loop3A_440] {strides = array<i32>} : memref<4x8x1024xf32, #tpu.memory_space<vmem>>, vector<1x1x16xf32>,
        %parallel_loop3A_442 = vector.shape_cast %parallel_loop3A_441 : vector<1x1x16xf32> to vector<16xf32>
        %parallel_loop3A_443 = vector.shape_cast %parallel_loop3A_435 : vector<16xf32> to vector<1x1x16xf32>
        tpu.vector_store %arg10[%parallel_loop3A_438, %parallel_loop3A_439, %parallel_loop3A_440], %parallel_loop3A_443 {strides = array<i32>} : memref<4x8x1024xf32, #tpu.memory_space<vmem>>, vector<1x1x16xf32>,
        %parallel_loop3A_444 = arith.constant 3 : i32
        %parallel_loop3A_445 = arith.index_cast %parallel_loop3A_444 : i32 to index
        %parallel_loop3A_446 = arith.index_cast %parallel_loop3A_236 : i32 to index
        %parallel_loop3A_447 = tpu.vector_load %arg7[%parallel_loop3A_445, %parallel_loop3A_446] {strides = array<i32>} : memref<8x1024xf32, #tpu.memory_space<vmem>>, vector<1x16xf32>,
        %parallel_loop3A_448 = vector.shape_cast %parallel_loop3A_447 : vector<1x16xf32> to vector<16xf32>
        %parallel_loop3A_449 = arith.constant 0 : i32
        %parallel_loop3A_450 = arith.constant 3 : i32
        %parallel_loop3A_451 = arith.index_cast %parallel_loop3A_449 : i32 to index
        %parallel_loop3A_452 = arith.index_cast %parallel_loop3A_450 : i32 to index
        %parallel_loop3A_453 = arith.index_cast %parallel_loop3A_236 : i32 to index
        %parallel_loop3A_454 = tpu.vector_load %arg10[%parallel_loop3A_451, %parallel_loop3A_452, %parallel_loop3A_453] {strides = array<i32>} : memref<4x8x1024xf32, #tpu.memory_space<vmem>>, vector<1x1x16xf32>,
        %parallel_loop3A_455 = vector.shape_cast %parallel_loop3A_454 : vector<1x1x16xf32> to vector<16xf32>
        %parallel_loop3A_456 = arith.addf %parallel_loop3A_455, %parallel_loop3A_448 : vector<16xf32>
        %parallel_loop3A_457 = arith.constant 0 : i32
        %parallel_loop3A_458 = arith.constant 3 : i32
        %parallel_loop3A_459 = arith.index_cast %parallel_loop3A_457 : i32 to index
        %parallel_loop3A_460 = arith.index_cast %parallel_loop3A_458 : i32 to index
        %parallel_loop3A_461 = arith.index_cast %parallel_loop3A_236 : i32 to index
        %parallel_loop3A_462 = tpu.vector_load %arg10[%parallel_loop3A_459, %parallel_loop3A_460, %parallel_loop3A_461] {strides = array<i32>} : memref<4x8x1024xf32, #tpu.memory_space<vmem>>, vector<1x1x16xf32>,
        %parallel_loop3A_463 = vector.shape_cast %parallel_loop3A_462 : vector<1x1x16xf32> to vector<16xf32>
        %parallel_loop3A_464 = vector.shape_cast %parallel_loop3A_456 : vector<16xf32> to vector<1x1x16xf32>
        tpu.vector_store %arg10[%parallel_loop3A_459, %parallel_loop3A_460, %parallel_loop3A_461], %parallel_loop3A_464 {strides = array<i32>} : memref<4x8x1024xf32, #tpu.memory_space<vmem>>, vector<1x1x16xf32>,
        %parallel_loop3A_465 = arith.constant 1 : i32
        %parallel_loop3A_466 = arith.constant 3 : i32
        %parallel_loop3A_467 = arith.index_cast %parallel_loop3A_465 : i32 to index
        %parallel_loop3A_468 = arith.index_cast %parallel_loop3A_466 : i32 to index
        %parallel_loop3A_469 = arith.index_cast %parallel_loop3A_236 : i32 to index
        %parallel_loop3A_470 = tpu.vector_load %arg10[%parallel_loop3A_467, %parallel_loop3A_468, %parallel_loop3A_469] {strides = array<i32>} : memref<4x8x1024xf32, #tpu.memory_space<vmem>>, vector<1x1x16xf32>,
        %parallel_loop3A_471 = vector.shape_cast %parallel_loop3A_470 : vector<1x1x16xf32> to vector<16xf32>
        %parallel_loop3A_472 = arith.addf %parallel_loop3A_471, %parallel_loop3A_448 : vector<16xf32>
        %parallel_loop3A_473 = arith.constant 1 : i32
        %parallel_loop3A_474 = arith.constant 3 : i32
        %parallel_loop3A_475 = arith.index_cast %parallel_loop3A_473 : i32 to index
        %parallel_loop3A_476 = arith.index_cast %parallel_loop3A_474 : i32 to index
        %parallel_loop3A_477 = arith.index_cast %parallel_loop3A_236 : i32 to index
        %parallel_loop3A_478 = tpu.vector_load %arg10[%parallel_loop3A_475, %parallel_loop3A_476, %parallel_loop3A_477] {strides = array<i32>} : memref<4x8x1024xf32, #tpu.memory_space<vmem>>, vector<1x1x16xf32>,
        %parallel_loop3A_479 = vector.shape_cast %parallel_loop3A_478 : vector<1x1x16xf32> to vector<16xf32>
        %parallel_loop3A_480 = vector.shape_cast %parallel_loop3A_472 : vector<16xf32> to vector<1x1x16xf32>
        tpu.vector_store %arg10[%parallel_loop3A_475, %parallel_loop3A_476, %parallel_loop3A_477], %parallel_loop3A_480 {strides = array<i32>} : memref<4x8x1024xf32, #tpu.memory_space<vmem>>, vector<1x1x16xf32>,
        %parallel_loop3A_481 = arith.constant 2 : i32
        %parallel_loop3A_482 = arith.constant 3 : i32
        %parallel_loop3A_483 = arith.index_cast %parallel_loop3A_481 : i32 to index
        %parallel_loop3A_484 = arith.index_cast %parallel_loop3A_482 : i32 to index
        %parallel_loop3A_485 = arith.index_cast %parallel_loop3A_236 : i32 to index
        %parallel_loop3A_486 = tpu.vector_load %arg10[%parallel_loop3A_483, %parallel_loop3A_484, %parallel_loop3A_485] {strides = array<i32>} : memref<4x8x1024xf32, #tpu.memory_space<vmem>>, vector<1x1x16xf32>,
        %parallel_loop3A_487 = vector.shape_cast %parallel_loop3A_486 : vector<1x1x16xf32> to vector<16xf32>
        %parallel_loop3A_488 = arith.addf %parallel_loop3A_487, %parallel_loop3A_448 : vector<16xf32>
        %parallel_loop3A_489 = arith.constant 2 : i32
        %parallel_loop3A_490 = arith.constant 3 : i32
        %parallel_loop3A_491 = arith.index_cast %parallel_loop3A_489 : i32 to index
        %parallel_loop3A_492 = arith.index_cast %parallel_loop3A_490 : i32 to index
        %parallel_loop3A_493 = arith.index_cast %parallel_loop3A_236 : i32 to index
        %parallel_loop3A_494 = tpu.vector_load %arg10[%parallel_loop3A_491, %parallel_loop3A_492, %parallel_loop3A_493] {strides = array<i32>} : memref<4x8x1024xf32, #tpu.memory_space<vmem>>, vector<1x1x16xf32>,
        %parallel_loop3A_495 = vector.shape_cast %parallel_loop3A_494 : vector<1x1x16xf32> to vector<16xf32>
        %parallel_loop3A_496 = vector.shape_cast %parallel_loop3A_488 : vector<16xf32> to vector<1x1x16xf32>
        tpu.vector_store %arg10[%parallel_loop3A_491, %parallel_loop3A_492, %parallel_loop3A_493], %parallel_loop3A_496 {strides = array<i32>} : memref<4x8x1024xf32, #tpu.memory_space<vmem>>, vector<1x1x16xf32>,
        %parallel_loop3A_497 = arith.constant 3 : i32
        %parallel_loop3A_498 = arith.constant 3 : i32
        %parallel_loop3A_499 = arith.index_cast %parallel_loop3A_497 : i32 to index
        %parallel_loop3A_500 = arith.index_cast %parallel_loop3A_498 : i32 to index
        %parallel_loop3A_501 = arith.index_cast %parallel_loop3A_236 : i32 to index
        %parallel_loop3A_502 = tpu.vector_load %arg10[%parallel_loop3A_499, %parallel_loop3A_500, %parallel_loop3A_501] {strides = array<i32>} : memref<4x8x1024xf32, #tpu.memory_space<vmem>>, vector<1x1x16xf32>,
        %parallel_loop3A_503 = vector.shape_cast %parallel_loop3A_502 : vector<1x1x16xf32> to vector<16xf32>
        %parallel_loop3A_504 = arith.addf %parallel_loop3A_503, %parallel_loop3A_448 : vector<16xf32>
        %parallel_loop3A_505 = arith.constant 3 : i32
        %parallel_loop3A_506 = arith.constant 3 : i32
        %parallel_loop3A_507 = arith.index_cast %parallel_loop3A_505 : i32 to index
        %parallel_loop3A_508 = arith.index_cast %parallel_loop3A_506 : i32 to index
        %parallel_loop3A_509 = arith.index_cast %parallel_loop3A_236 : i32 to index
        %parallel_loop3A_510 = tpu.vector_load %arg10[%parallel_loop3A_507, %parallel_loop3A_508, %parallel_loop3A_509] {strides = array<i32>} : memref<4x8x1024xf32, #tpu.memory_space<vmem>>, vector<1x1x16xf32>,
        %parallel_loop3A_511 = vector.shape_cast %parallel_loop3A_510 : vector<1x1x16xf32> to vector<16xf32>
        %parallel_loop3A_512 = vector.shape_cast %parallel_loop3A_504 : vector<16xf32> to vector<1x1x16xf32>
        tpu.vector_store %arg10[%parallel_loop3A_507, %parallel_loop3A_508, %parallel_loop3A_509], %parallel_loop3A_512 {strides = array<i32>} : memref<4x8x1024xf32, #tpu.memory_space<vmem>>, vector<1x1x16xf32>,
        %parallel_loop3A_513 = arith.constant 4 : i32
        %parallel_loop3A_514 = arith.index_cast %parallel_loop3A_513 : i32 to index
        %parallel_loop3A_515 = arith.index_cast %parallel_loop3A_236 : i32 to index
        %parallel_loop3A_516 = tpu.vector_load %arg7[%parallel_loop3A_514, %parallel_loop3A_515] {strides = array<i32>} : memref<8x1024xf32, #tpu.memory_space<vmem>>, vector<1x16xf32>,
        %parallel_loop3A_517 = vector.shape_cast %parallel_loop3A_516 : vector<1x16xf32> to vector<16xf32>
        %parallel_loop3A_518 = arith.constant 0 : i32
        %parallel_loop3A_519 = arith.constant 4 : i32
        %parallel_loop3A_520 = arith.index_cast %parallel_loop3A_518 : i32 to index
        %parallel_loop3A_521 = arith.index_cast %parallel_loop3A_519 : i32 to index
        %parallel_loop3A_522 = arith.index_cast %parallel_loop3A_236 : i32 to index
        %parallel_loop3A_523 = tpu.vector_load %arg10[%parallel_loop3A_520, %parallel_loop3A_521, %parallel_loop3A_522] {strides = array<i32>} : memref<4x8x1024xf32, #tpu.memory_space<vmem>>, vector<1x1x16xf32>,
        %parallel_loop3A_524 = vector.shape_cast %parallel_loop3A_523 : vector<1x1x16xf32> to vector<16xf32>
        %parallel_loop3A_525 = arith.addf %parallel_loop3A_524, %parallel_loop3A_517 : vector<16xf32>
        %parallel_loop3A_526 = arith.constant 0 : i32
        %parallel_loop3A_527 = arith.constant 4 : i32
        %parallel_loop3A_528 = arith.index_cast %parallel_loop3A_526 : i32 to index
        %parallel_loop3A_529 = arith.index_cast %parallel_loop3A_527 : i32 to index
        %parallel_loop3A_530 = arith.index_cast %parallel_loop3A_236 : i32 to index
        %parallel_loop3A_531 = tpu.vector_load %arg10[%parallel_loop3A_528, %parallel_loop3A_529, %parallel_loop3A_530] {strides = array<i32>} : memref<4x8x1024xf32, #tpu.memory_space<vmem>>, vector<1x1x16xf32>,
        %parallel_loop3A_532 = vector.shape_cast %parallel_loop3A_531 : vector<1x1x16xf32> to vector<16xf32>
        %parallel_loop3A_533 = vector.shape_cast %parallel_loop3A_525 : vector<16xf32> to vector<1x1x16xf32>
        tpu.vector_store %arg10[%parallel_loop3A_528, %parallel_loop3A_529, %parallel_loop3A_530], %parallel_loop3A_533 {strides = array<i32>} : memref<4x8x1024xf32, #tpu.memory_space<vmem>>, vector<1x1x16xf32>,
        %parallel_loop3A_534 = arith.constant 1 : i32
        %parallel_loop3A_535 = arith.constant 4 : i32
        %parallel_loop3A_536 = arith.index_cast %parallel_loop3A_534 : i32 to index
        %parallel_loop3A_537 = arith.index_cast %parallel_loop3A_535 : i32 to index
        %parallel_loop3A_538 = arith.index_cast %parallel_loop3A_236 : i32 to index
        %parallel_loop3A_539 = tpu.vector_load %arg10[%parallel_loop3A_536, %parallel_loop3A_537, %parallel_loop3A_538] {strides = array<i32>} : memref<4x8x1024xf32, #tpu.memory_space<vmem>>, vector<1x1x16xf32>,
        %parallel_loop3A_540 = vector.shape_cast %parallel_loop3A_539 : vector<1x1x16xf32> to vector<16xf32>
        %parallel_loop3A_541 = arith.addf %parallel_loop3A_540, %parallel_loop3A_517 : vector<16xf32>
        %parallel_loop3A_542 = arith.constant 1 : i32
        %parallel_loop3A_543 = arith.constant 4 : i32
        %parallel_loop3A_544 = arith.index_cast %parallel_loop3A_542 : i32 to index
        %parallel_loop3A_545 = arith.index_cast %parallel_loop3A_543 : i32 to index
        %parallel_loop3A_546 = arith.index_cast %parallel_loop3A_236 : i32 to index
        %parallel_loop3A_547 = tpu.vector_load %arg10[%parallel_loop3A_544, %parallel_loop3A_545, %parallel_loop3A_546] {strides = array<i32>} : memref<4x8x1024xf32, #tpu.memory_space<vmem>>, vector<1x1x16xf32>,
        %parallel_loop3A_548 = vector.shape_cast %parallel_loop3A_547 : vector<1x1x16xf32> to vector<16xf32>
        %parallel_loop3A_549 = vector.shape_cast %parallel_loop3A_541 : vector<16xf32> to vector<1x1x16xf32>
        tpu.vector_store %arg10[%parallel_loop3A_544, %parallel_loop3A_545, %parallel_loop3A_546], %parallel_loop3A_549 {strides = array<i32>} : memref<4x8x1024xf32, #tpu.memory_space<vmem>>, vector<1x1x16xf32>,
        %parallel_loop3A_550 = arith.constant 2 : i32
        %parallel_loop3A_551 = arith.constant 4 : i32
        %parallel_loop3A_552 = arith.index_cast %parallel_loop3A_550 : i32 to index
        %parallel_loop3A_553 = arith.index_cast %parallel_loop3A_551 : i32 to index
        %parallel_loop3A_554 = arith.index_cast %parallel_loop3A_236 : i32 to index
        %parallel_loop3A_555 = tpu.vector_load %arg10[%parallel_loop3A_552, %parallel_loop3A_553, %parallel_loop3A_554] {strides = array<i32>} : memref<4x8x1024xf32, #tpu.memory_space<vmem>>, vector<1x1x16xf32>,
        %parallel_loop3A_556 = vector.shape_cast %parallel_loop3A_555 : vector<1x1x16xf32> to vector<16xf32>
        %parallel_loop3A_557 = arith.addf %parallel_loop3A_556, %parallel_loop3A_517 : vector<16xf32>
        %parallel_loop3A_558 = arith.constant 2 : i32
        %parallel_loop3A_559 = arith.constant 4 : i32
        %parallel_loop3A_560 = arith.index_cast %parallel_loop3A_558 : i32 to index
        %parallel_loop3A_561 = arith.index_cast %parallel_loop3A_559 : i32 to index
        %parallel_loop3A_562 = arith.index_cast %parallel_loop3A_236 : i32 to index
        %parallel_loop3A_563 = tpu.vector_load %arg10[%parallel_loop3A_560, %parallel_loop3A_561, %parallel_loop3A_562] {strides = array<i32>} : memref<4x8x1024xf32, #tpu.memory_space<vmem>>, vector<1x1x16xf32>,
        %parallel_loop3A_564 = vector.shape_cast %parallel_loop3A_563 : vector<1x1x16xf32> to vector<16xf32>
        %parallel_loop3A_565 = vector.shape_cast %parallel_loop3A_557 : vector<16xf32> to vector<1x1x16xf32>
        tpu.vector_store %arg10[%parallel_loop3A_560, %parallel_loop3A_561, %parallel_loop3A_562], %parallel_loop3A_565 {strides = array<i32>} : memref<4x8x1024xf32, #tpu.memory_space<vmem>>, vector<1x1x16xf32>,
        %parallel_loop3A_566 = arith.constant 3 : i32
        %parallel_loop3A_567 = arith.constant 4 : i32
        %parallel_loop3A_568 = arith.index_cast %parallel_loop3A_566 : i32 to index
        %parallel_loop3A_569 = arith.index_cast %parallel_loop3A_567 : i32 to index
        %parallel_loop3A_570 = arith.index_cast %parallel_loop3A_236 : i32 to index
        %parallel_loop3A_571 = tpu.vector_load %arg10[%parallel_loop3A_568, %parallel_loop3A_569, %parallel_loop3A_570] {strides = array<i32>} : memref<4x8x1024xf32, #tpu.memory_space<vmem>>, vector<1x1x16xf32>,
        %parallel_loop3A_572 = vector.shape_cast %parallel_loop3A_571 : vector<1x1x16xf32> to vector<16xf32>
        %parallel_loop3A_573 = arith.addf %parallel_loop3A_572, %parallel_loop3A_517 : vector<16xf32>
        %parallel_loop3A_574 = arith.constant 3 : i32
        %parallel_loop3A_575 = arith.constant 4 : i32
        %parallel_loop3A_576 = arith.index_cast %parallel_loop3A_574 : i32 to index
        %parallel_loop3A_577 = arith.index_cast %parallel_loop3A_575 : i32 to index
        %parallel_loop3A_578 = arith.index_cast %parallel_loop3A_236 : i32 to index
        %parallel_loop3A_579 = tpu.vector_load %arg10[%parallel_loop3A_576, %parallel_loop3A_577, %parallel_loop3A_578] {strides = array<i32>} : memref<4x8x1024xf32, #tpu.memory_space<vmem>>, vector<1x1x16xf32>,
        %parallel_loop3A_580 = vector.shape_cast %parallel_loop3A_579 : vector<1x1x16xf32> to vector<16xf32>
        %parallel_loop3A_581 = vector.shape_cast %parallel_loop3A_573 : vector<16xf32> to vector<1x1x16xf32>
        tpu.vector_store %arg10[%parallel_loop3A_576, %parallel_loop3A_577, %parallel_loop3A_578], %parallel_loop3A_581 {strides = array<i32>} : memref<4x8x1024xf32, #tpu.memory_space<vmem>>, vector<1x1x16xf32>,
        %parallel_loop3A_582 = arith.constant 5 : i32
        %parallel_loop3A_583 = arith.index_cast %parallel_loop3A_582 : i32 to index
        %parallel_loop3A_584 = arith.index_cast %parallel_loop3A_236 : i32 to index
        %parallel_loop3A_585 = tpu.vector_load %arg7[%parallel_loop3A_583, %parallel_loop3A_584] {strides = array<i32>} : memref<8x1024xf32, #tpu.memory_space<vmem>>, vector<1x16xf32>,
        %parallel_loop3A_586 = vector.shape_cast %parallel_loop3A_585 : vector<1x16xf32> to vector<16xf32>
        %parallel_loop3A_587 = arith.constant 0 : i32
        %parallel_loop3A_588 = arith.constant 5 : i32
        %parallel_loop3A_589 = arith.index_cast %parallel_loop3A_587 : i32 to index
        %parallel_loop3A_590 = arith.index_cast %parallel_loop3A_588 : i32 to index
        %parallel_loop3A_591 = arith.index_cast %parallel_loop3A_236 : i32 to index
        %parallel_loop3A_592 = tpu.vector_load %arg10[%parallel_loop3A_589, %parallel_loop3A_590, %parallel_loop3A_591] {strides = array<i32>} : memref<4x8x1024xf32, #tpu.memory_space<vmem>>, vector<1x1x16xf32>,
        %parallel_loop3A_593 = vector.shape_cast %parallel_loop3A_592 : vector<1x1x16xf32> to vector<16xf32>
        %parallel_loop3A_594 = arith.addf %parallel_loop3A_593, %parallel_loop3A_586 : vector<16xf32>
        %parallel_loop3A_595 = arith.constant 0 : i32
        %parallel_loop3A_596 = arith.constant 5 : i32
        %parallel_loop3A_597 = arith.index_cast %parallel_loop3A_595 : i32 to index
        %parallel_loop3A_598 = arith.index_cast %parallel_loop3A_596 : i32 to index
        %parallel_loop3A_599 = arith.index_cast %parallel_loop3A_236 : i32 to index
        %parallel_loop3A_600 = tpu.vector_load %arg10[%parallel_loop3A_597, %parallel_loop3A_598, %parallel_loop3A_599] {strides = array<i32>} : memref<4x8x1024xf32, #tpu.memory_space<vmem>>, vector<1x1x16xf32>,
        %parallel_loop3A_601 = vector.shape_cast %parallel_loop3A_600 : vector<1x1x16xf32> to vector<16xf32>
        %parallel_loop3A_602 = vector.shape_cast %parallel_loop3A_594 : vector<16xf32> to vector<1x1x16xf32>
        tpu.vector_store %arg10[%parallel_loop3A_597, %parallel_loop3A_598, %parallel_loop3A_599], %parallel_loop3A_602 {strides = array<i32>} : memref<4x8x1024xf32, #tpu.memory_space<vmem>>, vector<1x1x16xf32>,
        %parallel_loop3A_603 = arith.constant 1 : i32
        %parallel_loop3A_604 = arith.constant 5 : i32
        %parallel_loop3A_605 = arith.index_cast %parallel_loop3A_603 : i32 to index
        %parallel_loop3A_606 = arith.index_cast %parallel_loop3A_604 : i32 to index
        %parallel_loop3A_607 = arith.index_cast %parallel_loop3A_236 : i32 to index
        %parallel_loop3A_608 = tpu.vector_load %arg10[%parallel_loop3A_605, %parallel_loop3A_606, %parallel_loop3A_607] {strides = array<i32>} : memref<4x8x1024xf32, #tpu.memory_space<vmem>>, vector<1x1x16xf32>,
        %parallel_loop3A_609 = vector.shape_cast %parallel_loop3A_608 : vector<1x1x16xf32> to vector<16xf32>
        %parallel_loop3A_610 = arith.addf %parallel_loop3A_609, %parallel_loop3A_586 : vector<16xf32>
        %parallel_loop3A_611 = arith.constant 1 : i32
        %parallel_loop3A_612 = arith.constant 5 : i32
        %parallel_loop3A_613 = arith.index_cast %parallel_loop3A_611 : i32 to index
        %parallel_loop3A_614 = arith.index_cast %parallel_loop3A_612 : i32 to index
        %parallel_loop3A_615 = arith.index_cast %parallel_loop3A_236 : i32 to index
        %parallel_loop3A_616 = tpu.vector_load %arg10[%parallel_loop3A_613, %parallel_loop3A_614, %parallel_loop3A_615] {strides = array<i32>} : memref<4x8x1024xf32, #tpu.memory_space<vmem>>, vector<1x1x16xf32>,
        %parallel_loop3A_617 = vector.shape_cast %parallel_loop3A_616 : vector<1x1x16xf32> to vector<16xf32>
        %parallel_loop3A_618 = vector.shape_cast %parallel_loop3A_610 : vector<16xf32> to vector<1x1x16xf32>
        tpu.vector_store %arg10[%parallel_loop3A_613, %parallel_loop3A_614, %parallel_loop3A_615], %parallel_loop3A_618 {strides = array<i32>} : memref<4x8x1024xf32, #tpu.memory_space<vmem>>, vector<1x1x16xf32>,
        %parallel_loop3A_619 = arith.constant 2 : i32
        %parallel_loop3A_620 = arith.constant 5 : i32
        %parallel_loop3A_621 = arith.index_cast %parallel_loop3A_619 : i32 to index
        %parallel_loop3A_622 = arith.index_cast %parallel_loop3A_620 : i32 to index
        %parallel_loop3A_623 = arith.index_cast %parallel_loop3A_236 : i32 to index
        %parallel_loop3A_624 = tpu.vector_load %arg10[%parallel_loop3A_621, %parallel_loop3A_622, %parallel_loop3A_623] {strides = array<i32>} : memref<4x8x1024xf32, #tpu.memory_space<vmem>>, vector<1x1x16xf32>,
        %parallel_loop3A_625 = vector.shape_cast %parallel_loop3A_624 : vector<1x1x16xf32> to vector<16xf32>
        %parallel_loop3A_626 = arith.addf %parallel_loop3A_625, %parallel_loop3A_586 : vector<16xf32>
        %parallel_loop3A_627 = arith.constant 2 : i32
        %parallel_loop3A_628 = arith.constant 5 : i32
        %parallel_loop3A_629 = arith.index_cast %parallel_loop3A_627 : i32 to index
        %parallel_loop3A_630 = arith.index_cast %parallel_loop3A_628 : i32 to index
        %parallel_loop3A_631 = arith.index_cast %parallel_loop3A_236 : i32 to index
        %parallel_loop3A_632 = tpu.vector_load %arg10[%parallel_loop3A_629, %parallel_loop3A_630, %parallel_loop3A_631] {strides = array<i32>} : memref<4x8x1024xf32, #tpu.memory_space<vmem>>, vector<1x1x16xf32>,
        %parallel_loop3A_633 = vector.shape_cast %parallel_loop3A_632 : vector<1x1x16xf32> to vector<16xf32>
        %parallel_loop3A_634 = vector.shape_cast %parallel_loop3A_626 : vector<16xf32> to vector<1x1x16xf32>
        tpu.vector_store %arg10[%parallel_loop3A_629, %parallel_loop3A_630, %parallel_loop3A_631], %parallel_loop3A_634 {strides = array<i32>} : memref<4x8x1024xf32, #tpu.memory_space<vmem>>, vector<1x1x16xf32>,
        %parallel_loop3A_635 = arith.constant 3 : i32
        %parallel_loop3A_636 = arith.constant 5 : i32
        %parallel_loop3A_637 = arith.index_cast %parallel_loop3A_635 : i32 to index
        %parallel_loop3A_638 = arith.index_cast %parallel_loop3A_636 : i32 to index
        %parallel_loop3A_639 = arith.index_cast %parallel_loop3A_236 : i32 to index
        %parallel_loop3A_640 = tpu.vector_load %arg10[%parallel_loop3A_637, %parallel_loop3A_638, %parallel_loop3A_639] {strides = array<i32>} : memref<4x8x1024xf32, #tpu.memory_space<vmem>>, vector<1x1x16xf32>,
        %parallel_loop3A_641 = vector.shape_cast %parallel_loop3A_640 : vector<1x1x16xf32> to vector<16xf32>
        %parallel_loop3A_642 = arith.addf %parallel_loop3A_641, %parallel_loop3A_586 : vector<16xf32>
        %parallel_loop3A_643 = arith.constant 3 : i32
        %parallel_loop3A_644 = arith.constant 5 : i32
        %parallel_loop3A_645 = arith.index_cast %parallel_loop3A_643 : i32 to index
        %parallel_loop3A_646 = arith.index_cast %parallel_loop3A_644 : i32 to index
        %parallel_loop3A_647 = arith.index_cast %parallel_loop3A_236 : i32 to index
        %parallel_loop3A_648 = tpu.vector_load %arg10[%parallel_loop3A_645, %parallel_loop3A_646, %parallel_loop3A_647] {strides = array<i32>} : memref<4x8x1024xf32, #tpu.memory_space<vmem>>, vector<1x1x16xf32>,
        %parallel_loop3A_649 = vector.shape_cast %parallel_loop3A_648 : vector<1x1x16xf32> to vector<16xf32>
        %parallel_loop3A_650 = vector.shape_cast %parallel_loop3A_642 : vector<16xf32> to vector<1x1x16xf32>
        tpu.vector_store %arg10[%parallel_loop3A_645, %parallel_loop3A_646, %parallel_loop3A_647], %parallel_loop3A_650 {strides = array<i32>} : memref<4x8x1024xf32, #tpu.memory_space<vmem>>, vector<1x1x16xf32>,
        %parallel_loop3A_651 = arith.constant 6 : i32
        %parallel_loop3A_652 = arith.index_cast %parallel_loop3A_651 : i32 to index
        %parallel_loop3A_653 = arith.index_cast %parallel_loop3A_236 : i32 to index
        %parallel_loop3A_654 = tpu.vector_load %arg7[%parallel_loop3A_652, %parallel_loop3A_653] {strides = array<i32>} : memref<8x1024xf32, #tpu.memory_space<vmem>>, vector<1x16xf32>,
        %parallel_loop3A_655 = vector.shape_cast %parallel_loop3A_654 : vector<1x16xf32> to vector<16xf32>
        %parallel_loop3A_656 = arith.constant 0 : i32
        %parallel_loop3A_657 = arith.constant 6 : i32
        %parallel_loop3A_658 = arith.index_cast %parallel_loop3A_656 : i32 to index
        %parallel_loop3A_659 = arith.index_cast %parallel_loop3A_657 : i32 to index
        %parallel_loop3A_660 = arith.index_cast %parallel_loop3A_236 : i32 to index
        %parallel_loop3A_661 = tpu.vector_load %arg10[%parallel_loop3A_658, %parallel_loop3A_659, %parallel_loop3A_660] {strides = array<i32>} : memref<4x8x1024xf32, #tpu.memory_space<vmem>>, vector<1x1x16xf32>,
        %parallel_loop3A_662 = vector.shape_cast %parallel_loop3A_661 : vector<1x1x16xf32> to vector<16xf32>
        %parallel_loop3A_663 = arith.addf %parallel_loop3A_662, %parallel_loop3A_655 : vector<16xf32>
        %parallel_loop3A_664 = arith.constant 0 : i32
        %parallel_loop3A_665 = arith.constant 6 : i32
        %parallel_loop3A_666 = arith.index_cast %parallel_loop3A_664 : i32 to index
        %parallel_loop3A_667 = arith.index_cast %parallel_loop3A_665 : i32 to index
        %parallel_loop3A_668 = arith.index_cast %parallel_loop3A_236 : i32 to index
        %parallel_loop3A_669 = tpu.vector_load %arg10[%parallel_loop3A_666, %parallel_loop3A_667, %parallel_loop3A_668] {strides = array<i32>} : memref<4x8x1024xf32, #tpu.memory_space<vmem>>, vector<1x1x16xf32>,
        %parallel_loop3A_670 = vector.shape_cast %parallel_loop3A_669 : vector<1x1x16xf32> to vector<16xf32>
        %parallel_loop3A_671 = vector.shape_cast %parallel_loop3A_663 : vector<16xf32> to vector<1x1x16xf32>
        tpu.vector_store %arg10[%parallel_loop3A_666, %parallel_loop3A_667, %parallel_loop3A_668], %parallel_loop3A_671 {strides = array<i32>} : memref<4x8x1024xf32, #tpu.memory_space<vmem>>, vector<1x1x16xf32>,
        %parallel_loop3A_672 = arith.constant 1 : i32
        %parallel_loop3A_673 = arith.constant 6 : i32
        %parallel_loop3A_674 = arith.index_cast %parallel_loop3A_672 : i32 to index
        %parallel_loop3A_675 = arith.index_cast %parallel_loop3A_673 : i32 to index
        %parallel_loop3A_676 = arith.index_cast %parallel_loop3A_236 : i32 to index
        %parallel_loop3A_677 = tpu.vector_load %arg10[%parallel_loop3A_674, %parallel_loop3A_675, %parallel_loop3A_676] {strides = array<i32>} : memref<4x8x1024xf32, #tpu.memory_space<vmem>>, vector<1x1x16xf32>,
        %parallel_loop3A_678 = vector.shape_cast %parallel_loop3A_677 : vector<1x1x16xf32> to vector<16xf32>
        %parallel_loop3A_679 = arith.addf %parallel_loop3A_678, %parallel_loop3A_655 : vector<16xf32>
        %parallel_loop3A_680 = arith.constant 1 : i32
        %parallel_loop3A_681 = arith.constant 6 : i32
        %parallel_loop3A_682 = arith.index_cast %parallel_loop3A_680 : i32 to index
        %parallel_loop3A_683 = arith.index_cast %parallel_loop3A_681 : i32 to index
        %parallel_loop3A_684 = arith.index_cast %parallel_loop3A_236 : i32 to index
        %parallel_loop3A_685 = tpu.vector_load %arg10[%parallel_loop3A_682, %parallel_loop3A_683, %parallel_loop3A_684] {strides = array<i32>} : memref<4x8x1024xf32, #tpu.memory_space<vmem>>, vector<1x1x16xf32>,
        %parallel_loop3A_686 = vector.shape_cast %parallel_loop3A_685 : vector<1x1x16xf32> to vector<16xf32>
        %parallel_loop3A_687 = vector.shape_cast %parallel_loop3A_679 : vector<16xf32> to vector<1x1x16xf32>
        tpu.vector_store %arg10[%parallel_loop3A_682, %parallel_loop3A_683, %parallel_loop3A_684], %parallel_loop3A_687 {strides = array<i32>} : memref<4x8x1024xf32, #tpu.memory_space<vmem>>, vector<1x1x16xf32>,
        %parallel_loop3A_688 = arith.constant 2 : i32
        %parallel_loop3A_689 = arith.constant 6 : i32
        %parallel_loop3A_690 = arith.index_cast %parallel_loop3A_688 : i32 to index
        %parallel_loop3A_691 = arith.index_cast %parallel_loop3A_689 : i32 to index
        %parallel_loop3A_692 = arith.index_cast %parallel_loop3A_236 : i32 to index
        %parallel_loop3A_693 = tpu.vector_load %arg10[%parallel_loop3A_690, %parallel_loop3A_691, %parallel_loop3A_692] {strides = array<i32>} : memref<4x8x1024xf32, #tpu.memory_space<vmem>>, vector<1x1x16xf32>,
        %parallel_loop3A_694 = vector.shape_cast %parallel_loop3A_693 : vector<1x1x16xf32> to vector<16xf32>
        %parallel_loop3A_695 = arith.addf %parallel_loop3A_694, %parallel_loop3A_655 : vector<16xf32>
        %parallel_loop3A_696 = arith.constant 2 : i32
        %parallel_loop3A_697 = arith.constant 6 : i32
        %parallel_loop3A_698 = arith.index_cast %parallel_loop3A_696 : i32 to index
        %parallel_loop3A_699 = arith.index_cast %parallel_loop3A_697 : i32 to index
        %parallel_loop3A_700 = arith.index_cast %parallel_loop3A_236 : i32 to index
        %parallel_loop3A_701 = tpu.vector_load %arg10[%parallel_loop3A_698, %parallel_loop3A_699, %parallel_loop3A_700] {strides = array<i32>} : memref<4x8x1024xf32, #tpu.memory_space<vmem>>, vector<1x1x16xf32>,
        %parallel_loop3A_702 = vector.shape_cast %parallel_loop3A_701 : vector<1x1x16xf32> to vector<16xf32>
        %parallel_loop3A_703 = vector.shape_cast %parallel_loop3A_695 : vector<16xf32> to vector<1x1x16xf32>
        tpu.vector_store %arg10[%parallel_loop3A_698, %parallel_loop3A_699, %parallel_loop3A_700], %parallel_loop3A_703 {strides = array<i32>} : memref<4x8x1024xf32, #tpu.memory_space<vmem>>, vector<1x1x16xf32>,
        %parallel_loop3A_704 = arith.constant 3 : i32
        %parallel_loop3A_705 = arith.constant 6 : i32
        %parallel_loop3A_706 = arith.index_cast %parallel_loop3A_704 : i32 to index
        %parallel_loop3A_707 = arith.index_cast %parallel_loop3A_705 : i32 to index
        %parallel_loop3A_708 = arith.index_cast %parallel_loop3A_236 : i32 to index
        %parallel_loop3A_709 = tpu.vector_load %arg10[%parallel_loop3A_706, %parallel_loop3A_707, %parallel_loop3A_708] {strides = array<i32>} : memref<4x8x1024xf32, #tpu.memory_space<vmem>>, vector<1x1x16xf32>,
        %parallel_loop3A_710 = vector.shape_cast %parallel_loop3A_709 : vector<1x1x16xf32> to vector<16xf32>
        %parallel_loop3A_711 = arith.addf %parallel_loop3A_710, %parallel_loop3A_655 : vector<16xf32>
        %parallel_loop3A_712 = arith.constant 3 : i32
        %parallel_loop3A_713 = arith.constant 6 : i32
        %parallel_loop3A_714 = arith.index_cast %parallel_loop3A_712 : i32 to index
        %parallel_loop3A_715 = arith.index_cast %parallel_loop3A_713 : i32 to index
        %parallel_loop3A_716 = arith.index_cast %parallel_loop3A_236 : i32 to index
        %parallel_loop3A_717 = tpu.vector_load %arg10[%parallel_loop3A_714, %parallel_loop3A_715, %parallel_loop3A_716] {strides = array<i32>} : memref<4x8x1024xf32, #tpu.memory_space<vmem>>, vector<1x1x16xf32>,
        %parallel_loop3A_718 = vector.shape_cast %parallel_loop3A_717 : vector<1x1x16xf32> to vector<16xf32>
        %parallel_loop3A_719 = vector.shape_cast %parallel_loop3A_711 : vector<16xf32> to vector<1x1x16xf32>
        tpu.vector_store %arg10[%parallel_loop3A_714, %parallel_loop3A_715, %parallel_loop3A_716], %parallel_loop3A_719 {strides = array<i32>} : memref<4x8x1024xf32, #tpu.memory_space<vmem>>, vector<1x1x16xf32>,
        %parallel_loop3A_720 = arith.constant 7 : i32
        %parallel_loop3A_721 = arith.index_cast %parallel_loop3A_720 : i32 to index
        %parallel_loop3A_722 = arith.index_cast %parallel_loop3A_236 : i32 to index
        %parallel_loop3A_723 = tpu.vector_load %arg7[%parallel_loop3A_721, %parallel_loop3A_722] {strides = array<i32>} : memref<8x1024xf32, #tpu.memory_space<vmem>>, vector<1x16xf32>,
        %parallel_loop3A_724 = vector.shape_cast %parallel_loop3A_723 : vector<1x16xf32> to vector<16xf32>
        %parallel_loop3A_725 = arith.constant 0 : i32
        %parallel_loop3A_726 = arith.constant 7 : i32
        %parallel_loop3A_727 = arith.index_cast %parallel_loop3A_725 : i32 to index
        %parallel_loop3A_728 = arith.index_cast %parallel_loop3A_726 : i32 to index
        %parallel_loop3A_729 = arith.index_cast %parallel_loop3A_236 : i32 to index
        %parallel_loop3A_730 = tpu.vector_load %arg10[%parallel_loop3A_727, %parallel_loop3A_728, %parallel_loop3A_729] {strides = array<i32>} : memref<4x8x1024xf32, #tpu.memory_space<vmem>>, vector<1x1x16xf32>,
        %parallel_loop3A_731 = vector.shape_cast %parallel_loop3A_730 : vector<1x1x16xf32> to vector<16xf32>
        %parallel_loop3A_732 = arith.addf %parallel_loop3A_731, %parallel_loop3A_724 : vector<16xf32>
        %parallel_loop3A_733 = arith.constant 0 : i32
        %parallel_loop3A_734 = arith.constant 7 : i32
        %parallel_loop3A_735 = arith.index_cast %parallel_loop3A_733 : i32 to index
        %parallel_loop3A_736 = arith.index_cast %parallel_loop3A_734 : i32 to index
        %parallel_loop3A_737 = arith.index_cast %parallel_loop3A_236 : i32 to index
        %parallel_loop3A_738 = tpu.vector_load %arg10[%parallel_loop3A_735, %parallel_loop3A_736, %parallel_loop3A_737] {strides = array<i32>} : memref<4x8x1024xf32, #tpu.memory_space<vmem>>, vector<1x1x16xf32>,
        %parallel_loop3A_739 = vector.shape_cast %parallel_loop3A_738 : vector<1x1x16xf32> to vector<16xf32>
        %parallel_loop3A_740 = vector.shape_cast %parallel_loop3A_732 : vector<16xf32> to vector<1x1x16xf32>
        tpu.vector_store %arg10[%parallel_loop3A_735, %parallel_loop3A_736, %parallel_loop3A_737], %parallel_loop3A_740 {strides = array<i32>} : memref<4x8x1024xf32, #tpu.memory_space<vmem>>, vector<1x1x16xf32>,
        %parallel_loop3A_741 = arith.constant 1 : i32
        %parallel_loop3A_742 = arith.constant 7 : i32
        %parallel_loop3A_743 = arith.index_cast %parallel_loop3A_741 : i32 to index
        %parallel_loop3A_744 = arith.index_cast %parallel_loop3A_742 : i32 to index
        %parallel_loop3A_745 = arith.index_cast %parallel_loop3A_236 : i32 to index
        %parallel_loop3A_746 = tpu.vector_load %arg10[%parallel_loop3A_743, %parallel_loop3A_744, %parallel_loop3A_745] {strides = array<i32>} : memref<4x8x1024xf32, #tpu.memory_space<vmem>>, vector<1x1x16xf32>,
        %parallel_loop3A_747 = vector.shape_cast %parallel_loop3A_746 : vector<1x1x16xf32> to vector<16xf32>
        %parallel_loop3A_748 = arith.addf %parallel_loop3A_747, %parallel_loop3A_724 : vector<16xf32>
        %parallel_loop3A_749 = arith.constant 1 : i32
        %parallel_loop3A_750 = arith.constant 7 : i32
        %parallel_loop3A_751 = arith.index_cast %parallel_loop3A_749 : i32 to index
        %parallel_loop3A_752 = arith.index_cast %parallel_loop3A_750 : i32 to index
        %parallel_loop3A_753 = arith.index_cast %parallel_loop3A_236 : i32 to index
        %parallel_loop3A_754 = tpu.vector_load %arg10[%parallel_loop3A_751, %parallel_loop3A_752, %parallel_loop3A_753] {strides = array<i32>} : memref<4x8x1024xf32, #tpu.memory_space<vmem>>, vector<1x1x16xf32>,
        %parallel_loop3A_755 = vector.shape_cast %parallel_loop3A_754 : vector<1x1x16xf32> to vector<16xf32>
        %parallel_loop3A_756 = vector.shape_cast %parallel_loop3A_748 : vector<16xf32> to vector<1x1x16xf32>
        tpu.vector_store %arg10[%parallel_loop3A_751, %parallel_loop3A_752, %parallel_loop3A_753], %parallel_loop3A_756 {strides = array<i32>} : memref<4x8x1024xf32, #tpu.memory_space<vmem>>, vector<1x1x16xf32>,
        %parallel_loop3A_757 = arith.constant 2 : i32
        %parallel_loop3A_758 = arith.constant 7 : i32
        %parallel_loop3A_759 = arith.index_cast %parallel_loop3A_757 : i32 to index
        %parallel_loop3A_760 = arith.index_cast %parallel_loop3A_758 : i32 to index
        %parallel_loop3A_761 = arith.index_cast %parallel_loop3A_236 : i32 to index
        %parallel_loop3A_762 = tpu.vector_load %arg10[%parallel_loop3A_759, %parallel_loop3A_760, %parallel_loop3A_761] {strides = array<i32>} : memref<4x8x1024xf32, #tpu.memory_space<vmem>>, vector<1x1x16xf32>,
        %parallel_loop3A_763 = vector.shape_cast %parallel_loop3A_762 : vector<1x1x16xf32> to vector<16xf32>
        %parallel_loop3A_764 = arith.addf %parallel_loop3A_763, %parallel_loop3A_724 : vector<16xf32>
        %parallel_loop3A_765 = arith.constant 2 : i32
        %parallel_loop3A_766 = arith.constant 7 : i32
        %parallel_loop3A_767 = arith.index_cast %parallel_loop3A_765 : i32 to index
        %parallel_loop3A_768 = arith.index_cast %parallel_loop3A_766 : i32 to index
        %parallel_loop3A_769 = arith.index_cast %parallel_loop3A_236 : i32 to index
        %parallel_loop3A_770 = tpu.vector_load %arg10[%parallel_loop3A_767, %parallel_loop3A_768, %parallel_loop3A_769] {strides = array<i32>} : memref<4x8x1024xf32, #tpu.memory_space<vmem>>, vector<1x1x16xf32>,
        %parallel_loop3A_771 = vector.shape_cast %parallel_loop3A_770 : vector<1x1x16xf32> to vector<16xf32>
        %parallel_loop3A_772 = vector.shape_cast %parallel_loop3A_764 : vector<16xf32> to vector<1x1x16xf32>
        tpu.vector_store %arg10[%parallel_loop3A_767, %parallel_loop3A_768, %parallel_loop3A_769], %parallel_loop3A_772 {strides = array<i32>} : memref<4x8x1024xf32, #tpu.memory_space<vmem>>, vector<1x1x16xf32>,
        %parallel_loop3A_773 = arith.constant 3 : i32
        %parallel_loop3A_774 = arith.constant 7 : i32
        %parallel_loop3A_775 = arith.index_cast %parallel_loop3A_773 : i32 to index
        %parallel_loop3A_776 = arith.index_cast %parallel_loop3A_774 : i32 to index
        %parallel_loop3A_777 = arith.index_cast %parallel_loop3A_236 : i32 to index
        %parallel_loop3A_778 = tpu.vector_load %arg10[%parallel_loop3A_775, %parallel_loop3A_776, %parallel_loop3A_777] {strides = array<i32>} : memref<4x8x1024xf32, #tpu.memory_space<vmem>>, vector<1x1x16xf32>,
        %parallel_loop3A_779 = vector.shape_cast %parallel_loop3A_778 : vector<1x1x16xf32> to vector<16xf32>
        %parallel_loop3A_780 = arith.addf %parallel_loop3A_779, %parallel_loop3A_724 : vector<16xf32>
        %parallel_loop3A_781 = arith.constant 3 : i32
        %parallel_loop3A_782 = arith.constant 7 : i32
        %parallel_loop3A_783 = arith.index_cast %parallel_loop3A_781 : i32 to index
        %parallel_loop3A_784 = arith.index_cast %parallel_loop3A_782 : i32 to index
        %parallel_loop3A_785 = arith.index_cast %parallel_loop3A_236 : i32 to index
        %parallel_loop3A_786 = tpu.vector_load %arg10[%parallel_loop3A_783, %parallel_loop3A_784, %parallel_loop3A_785] {strides = array<i32>} : memref<4x8x1024xf32, #tpu.memory_space<vmem>>, vector<1x1x16xf32>,
        %parallel_loop3A_787 = vector.shape_cast %parallel_loop3A_786 : vector<1x1x16xf32> to vector<16xf32>
        %parallel_loop3A_788 = vector.shape_cast %parallel_loop3A_780 : vector<16xf32> to vector<1x1x16xf32>
        tpu.vector_store %arg10[%parallel_loop3A_783, %parallel_loop3A_784, %parallel_loop3A_785], %parallel_loop3A_788 {strides = array<i32>} : memref<4x8x1024xf32, #tpu.memory_space<vmem>>, vector<1x1x16xf32>,
      } {sc.loop_unroll_factor = 1 : i64, sc.parallel_access}
      %mul3A_225 = arith.constant 8 : i32
      %mul3A_226 = arith.muli %add3A_195, %mul3A_225 : i32
      %add3A_227 = arith.addi %mul3A_2, %mul3A_226 : i32
      %dma_start3A_228 = arith.constant 0 : i32
      %dma_start3A_229 = arith.constant 0 : i32
      %dma_start3A_230 = tpu.memref_slice %arg4[%dma_start3A_228, %add3A_227, %dma_start3A_229] : memref<4x8192x1024xf32, #tpu.memory_space<hbm>> -> memref<4x8x1024xf32, #tpu.memory_space<hbm>>
      %dma_start3A_231 = arith.constant 0 : i32
      %dma_start3A_232 = arith.constant 0 : i32
      %dma_start3A_233 = tpu.memref_slice %arg4[%dma_start3A_231, %add3A_227, %dma_start3A_232] : memref<4x8192x1024xf32, #tpu.memory_space<hbm>> -> memref<4x8x1024xf32, #tpu.memory_space<hbm>>
      tpu.enqueue_dma source(%arg10 : memref<4x8x1024xf32, #tpu.memory_space<vmem>>) target(%dma_start3A_233 : memref<4x8x1024xf32, #tpu.memory_space<hbm>>) target_semaphore(%arg19 : memref<!tpu.dma_semaphore, #tpu.memory_space<semaphore_mem>>)
    }
    %scan3A_18 = arith.constant 10 : i32
    %dma_wait3A = arith.constant 0 : i32
    %dma_wait3A_19 = arith.constant 0 : i32
    %dma_wait3A_20 = arith.constant 0 : i32
    %dma_wait3A_21 = tpu.memref_slice %arg2[%dma_wait3A, %dma_wait3A_19, %dma_wait3A_20] : memref<4x8192x1024xf32, #tpu.memory_space<hbm>> -> memref<4x8x1024xf32, #tpu.memory_space<hbm>>
    %dma_wait3A_22 = arith.constant 0 : i32
    %dma_wait3A_23 = arith.constant 0 : i32
    %dma_wait3A_24 = arith.constant 0 : i32
    %dma_wait3A_25 = tpu.memref_slice %arg2[%dma_wait3A_22, %dma_wait3A_23, %dma_wait3A_24] : memref<4x8192x1024xf32, #tpu.memory_space<hbm>> -> memref<4x8x1024xf32, #tpu.memory_space<hbm>>
    tpu.wait_dma2 semaphore(%arg18 : memref<!tpu.dma_semaphore, #tpu.memory_space<semaphore_mem>>) src(%dma_wait3A_25 : memref<4x8x1024xf32, #tpu.memory_space<hbm>>) dst(%arg9 : memref<4x8x1024xf32, #tpu.memory_space<vmem>>)
    %add3A_26 = arith.constant 248 : i32
    %add3A_27 = arith.addi %mul3A_2, %add3A_26 : i32
    %dma_start3A_28 = arith.constant 0 : i32
    %dma_start3A_29 = tpu.memref_slice %arg3[%add3A_27, %dma_start3A_28] : memref<8192x1024xf32, #tpu.memory_space<hbm>> -> memref<8x1024xf32, #tpu.memory_space<hbm>>
    %dma_start3A_30 = arith.constant 0 : i32
    %dma_start3A_31 = tpu.memref_slice %arg3[%add3A_27, %dma_start3A_30] : memref<8192x1024xf32, #tpu.memory_space<hbm>> -> memref<8x1024xf32, #tpu.memory_space<hbm>>
    tpu.enqueue_dma source(%dma_start3A_31 : memref<8x1024xf32, #tpu.memory_space<hbm>>) target(%arg6 : memref<8x1024xf32, #tpu.memory_space<vmem>>) target_semaphore(%arg12 : memref<!tpu.dma_semaphore, #tpu.memory_space<semaphore_mem>>)
    %dma_start3A_32 = arith.constant 0 : i32
    %dma_start3A_33 = arith.constant 0 : i32
    %dma_start3A_34 = tpu.memref_slice %arg2[%dma_start3A_32, %add3A_27, %dma_start3A_33] : memref<4x8192x1024xf32, #tpu.memory_space<hbm>> -> memref<4x8x1024xf32, #tpu.memory_space<hbm>>
    %dma_start3A_35 = arith.constant 0 : i32
    %dma_start3A_36 = arith.constant 0 : i32
    %dma_start3A_37 = tpu.memref_slice %arg2[%dma_start3A_35, %add3A_27, %dma_start3A_36] : memref<4x8192x1024xf32, #tpu.memory_space<hbm>> -> memref<4x8x1024xf32, #tpu.memory_space<hbm>>
    tpu.enqueue_dma source(%dma_start3A_37 : memref<4x8x1024xf32, #tpu.memory_space<hbm>>) target(%arg9 : memref<4x8x1024xf32, #tpu.memory_space<vmem>>) target_semaphore(%arg15 : memref<!tpu.dma_semaphore, #tpu.memory_space<semaphore_mem>>)
    %dma_wait3A_38 = arith.constant 0 : i32
    %dma_wait3A_39 = arith.constant 0 : i32
    %dma_wait3A_40 = tpu.memref_slice %arg3[%dma_wait3A_38, %dma_wait3A_39] : memref<8192x1024xf32, #tpu.memory_space<hbm>> -> memref<8x1024xf32, #tpu.memory_space<hbm>>
    %dma_wait3A_41 = arith.constant 0 : i32
    %dma_wait3A_42 = arith.constant 0 : i32
    %dma_wait3A_43 = tpu.memref_slice %arg3[%dma_wait3A_41, %dma_wait3A_42] : memref<8192x1024xf32, #tpu.memory_space<hbm>> -> memref<8x1024xf32, #tpu.memory_space<hbm>>
    tpu.wait_dma2 semaphore(%arg11 : memref<!tpu.dma_semaphore, #tpu.memory_space<semaphore_mem>>) src(%dma_wait3A_43 : memref<8x1024xf32, #tpu.memory_space<hbm>>) dst(%arg5 : memref<8x1024xf32, #tpu.memory_space<vmem>>)
    %dma_wait3A_44 = arith.constant 0 : i32
    %dma_wait3A_45 = arith.constant 0 : i32
    %dma_wait3A_46 = arith.constant 0 : i32
    %dma_wait3A_47 = tpu.memref_slice %arg2[%dma_wait3A_44, %dma_wait3A_45, %dma_wait3A_46] : memref<4x8192x1024xf32, #tpu.memory_space<hbm>> -> memref<4x8x1024xf32, #tpu.memory_space<hbm>>
    %dma_wait3A_48 = arith.constant 0 : i32
    %dma_wait3A_49 = arith.constant 0 : i32
    %dma_wait3A_50 = arith.constant 0 : i32
    %dma_wait3A_51 = tpu.memref_slice %arg2[%dma_wait3A_48, %dma_wait3A_49, %dma_wait3A_50] : memref<4x8192x1024xf32, #tpu.memory_space<hbm>> -> memref<4x8x1024xf32, #tpu.memory_space<hbm>>
    tpu.wait_dma2 semaphore(%arg14 : memref<!tpu.dma_semaphore, #tpu.memory_space<semaphore_mem>>) src(%dma_wait3A_51 : memref<4x8x1024xf32, #tpu.memory_space<hbm>>) dst(%arg8 : memref<4x8x1024xf32, #tpu.memory_space<vmem>>)
    %parallel_loop3A = arith.constant 0 : i32
    %parallel_loop3A_52 = arith.constant 64 : i32
    %parallel_loop3A_53 = arith.constant 1 : i32
    scf.for %parallel_loop3A_111 = %parallel_loop3A to %parallel_loop3A_52 step %parallel_loop3A_53  : i32 {
      %parallel_loop3A_112 = arith.constant 16 : i32
      %parallel_loop3A_113 = arith.muli %parallel_loop3A_111, %parallel_loop3A_112 : i32
      %parallel_loop3A_114 = arith.constant 0 : i32
      %parallel_loop3A_115 = arith.index_cast %parallel_loop3A_114 : i32 to index
      %parallel_loop3A_116 = arith.index_cast %parallel_loop3A_113 : i32 to index
      %parallel_loop3A_117 = tpu.vector_load %arg5[%parallel_loop3A_115, %parallel_loop3A_116] {strides = array<i32>} : memref<8x1024xf32, #tpu.memory_space<vmem>>, vector<1x16xf32>,
      %parallel_loop3A_118 = vector.shape_cast %parallel_loop3A_117 : vector<1x16xf32> to vector<16xf32>
      %parallel_loop3A_119 = arith.constant 0 : i32
      %parallel_loop3A_120 = arith.constant 0 : i32
      %parallel_loop3A_121 = arith.index_cast %parallel_loop3A_119 : i32 to index
      %parallel_loop3A_122 = arith.index_cast %parallel_loop3A_120 : i32 to index
      %parallel_loop3A_123 = arith.index_cast %parallel_loop3A_113 : i32 to index
      %parallel_loop3A_124 = tpu.vector_load %arg8[%parallel_loop3A_121, %parallel_loop3A_122, %parallel_loop3A_123] {strides = array<i32>} : memref<4x8x1024xf32, #tpu.memory_space<vmem>>, vector<1x1x16xf32>,
      %parallel_loop3A_125 = vector.shape_cast %parallel_loop3A_124 : vector<1x1x16xf32> to vector<16xf32>
      %parallel_loop3A_126 = arith.addf %parallel_loop3A_125, %parallel_loop3A_118 : vector<16xf32>
      %parallel_loop3A_127 = arith.constant 0 : i32
      %parallel_loop3A_128 = arith.constant 0 : i32
      %parallel_loop3A_129 = arith.index_cast %parallel_loop3A_127 : i32 to index
      %parallel_loop3A_130 = arith.index_cast %parallel_loop3A_128 : i32 to index
      %parallel_loop3A_131 = arith.index_cast %parallel_loop3A_113 : i32 to index
      %parallel_loop3A_132 = tpu.vector_load %arg8[%parallel_loop3A_129, %parallel_loop3A_130, %parallel_loop3A_131] {strides = array<i32>} : memref<4x8x1024xf32, #tpu.memory_space<vmem>>, vector<1x1x16xf32>,
      %parallel_loop3A_133 = vector.shape_cast %parallel_loop3A_132 : vector<1x1x16xf32> to vector<16xf32>
      %parallel_loop3A_134 = vector.shape_cast %parallel_loop3A_126 : vector<16xf32> to vector<1x1x16xf32>
      tpu.vector_store %arg8[%parallel_loop3A_129, %parallel_loop3A_130, %parallel_loop3A_131], %parallel_loop3A_134 {strides = array<i32>} : memref<4x8x1024xf32, #tpu.memory_space<vmem>>, vector<1x1x16xf32>,
      %parallel_loop3A_135 = arith.constant 1 : i32
      %parallel_loop3A_136 = arith.constant 0 : i32
      %parallel_loop3A_137 = arith.index_cast %parallel_loop3A_135 : i32 to index
      %parallel_loop3A_138 = arith.index_cast %parallel_loop3A_136 : i32 to index
      %parallel_loop3A_139 = arith.index_cast %parallel_loop3A_113 : i32 to index
      %parallel_loop3A_140 = tpu.vector_load %arg8[%parallel_loop3A_137, %parallel_loop3A_138, %parallel_loop3A_139] {strides = array<i32>} : memref<4x8x1024xf32, #tpu.memory_space<vmem>>, vector<1x1x16xf32>,
      %parallel_loop3A_141 = vector.shape_cast %parallel_loop3A_140 : vector<1x1x16xf32> to vector<16xf32>
      %parallel_loop3A_142 = arith.addf %parallel_loop3A_141, %parallel_loop3A_118 : vector<16xf32>
      %parallel_loop3A_143 = arith.constant 1 : i32
      %parallel_loop3A_144 = arith.constant 0 : i32
      %parallel_loop3A_145 = arith.index_cast %parallel_loop3A_143 : i32 to index
      %parallel_loop3A_146 = arith.index_cast %parallel_loop3A_144 : i32 to index
      %parallel_loop3A_147 = arith.index_cast %parallel_loop3A_113 : i32 to index
      %parallel_loop3A_148 = tpu.vector_load %arg8[%parallel_loop3A_145, %parallel_loop3A_146, %parallel_loop3A_147] {strides = array<i32>} : memref<4x8x1024xf32, #tpu.memory_space<vmem>>, vector<1x1x16xf32>,
      %parallel_loop3A_149 = vector.shape_cast %parallel_loop3A_148 : vector<1x1x16xf32> to vector<16xf32>
      %parallel_loop3A_150 = vector.shape_cast %parallel_loop3A_142 : vector<16xf32> to vector<1x1x16xf32>
      tpu.vector_store %arg8[%parallel_loop3A_145, %parallel_loop3A_146, %parallel_loop3A_147], %parallel_loop3A_150 {strides = array<i32>} : memref<4x8x1024xf32, #tpu.memory_space<vmem>>, vector<1x1x16xf32>,
      %parallel_loop3A_151 = arith.constant 2 : i32
      %parallel_loop3A_152 = arith.constant 0 : i32
      %parallel_loop3A_153 = arith.index_cast %parallel_loop3A_151 : i32 to index
      %parallel_loop3A_154 = arith.index_cast %parallel_loop3A_152 : i32 to index
      %parallel_loop3A_155 = arith.index_cast %parallel_loop3A_113 : i32 to index
      %parallel_loop3A_156 = tpu.vector_load %arg8[%parallel_loop3A_153, %parallel_loop3A_154, %parallel_loop3A_155] {strides = array<i32>} : memref<4x8x1024xf32, #tpu.memory_space<vmem>>, vector<1x1x16xf32>,
      %parallel_loop3A_157 = vector.shape_cast %parallel_loop3A_156 : vector<1x1x16xf32> to vector<16xf32>
      %parallel_loop3A_158 = arith.addf %parallel_loop3A_157, %parallel_loop3A_118 : vector<16xf32>
      %parallel_loop3A_159 = arith.constant 2 : i32
      %parallel_loop3A_160 = arith.constant 0 : i32
      %parallel_loop3A_161 = arith.index_cast %parallel_loop3A_159 : i32 to index
      %parallel_loop3A_162 = arith.index_cast %parallel_loop3A_160 : i32 to index
      %parallel_loop3A_163 = arith.index_cast %parallel_loop3A_113 : i32 to index
      %parallel_loop3A_164 = tpu.vector_load %arg8[%parallel_loop3A_161, %parallel_loop3A_162, %parallel_loop3A_163] {strides = array<i32>} : memref<4x8x1024xf32, #tpu.memory_space<vmem>>, vector<1x1x16xf32>,
      %parallel_loop3A_165 = vector.shape_cast %parallel_loop3A_164 : vector<1x1x16xf32> to vector<16xf32>
      %parallel_loop3A_166 = vector.shape_cast %parallel_loop3A_158 : vector<16xf32> to vector<1x1x16xf32>
      tpu.vector_store %arg8[%parallel_loop3A_161, %parallel_loop3A_162, %parallel_loop3A_163], %parallel_loop3A_166 {strides = array<i32>} : memref<4x8x1024xf32, #tpu.memory_space<vmem>>, vector<1x1x16xf32>,
      %parallel_loop3A_167 = arith.constant 3 : i32
      %parallel_loop3A_168 = arith.constant 0 : i32
      %parallel_loop3A_169 = arith.index_cast %parallel_loop3A_167 : i32 to index
      %parallel_loop3A_170 = arith.index_cast %parallel_loop3A_168 : i32 to index
      %parallel_loop3A_171 = arith.index_cast %parallel_loop3A_113 : i32 to index
      %parallel_loop3A_172 = tpu.vector_load %arg8[%parallel_loop3A_169, %parallel_loop3A_170, %parallel_loop3A_171] {strides = array<i32>} : memref<4x8x1024xf32, #tpu.memory_space<vmem>>, vector<1x1x16xf32>,
      %parallel_loop3A_173 = vector.shape_cast %parallel_loop3A_172 : vector<1x1x16xf32> to vector<16xf32>
      %parallel_loop3A_174 = arith.addf %parallel_loop3A_173, %parallel_loop3A_118 : vector<16xf32>
      %parallel_loop3A_175 = arith.constant 3 : i32
      %parallel_loop3A_176 = arith.constant 0 : i32
      %parallel_loop3A_177 = arith.index_cast %parallel_loop3A_175 : i32 to index
      %parallel_loop3A_178 = arith.index_cast %parallel_loop3A_176 : i32 to index
      %parallel_loop3A_179 = arith.index_cast %parallel_loop3A_113 : i32 to index
      %parallel_loop3A_180 = tpu.vector_load %arg8[%parallel_loop3A_177, %parallel_loop3A_178, %parallel_loop3A_179] {strides = array<i32>} : memref<4x8x1024xf32, #tpu.memory_space<vmem>>, vector<1x1x16xf32>,
      %parallel_loop3A_181 = vector.shape_cast %parallel_loop3A_180 : vector<1x1x16xf32> to vector<16xf32>
      %parallel_loop3A_182 = vector.shape_cast %parallel_loop3A_174 : vector<16xf32> to vector<1x1x16xf32>
      tpu.vector_store %arg8[%parallel_loop3A_177, %parallel_loop3A_178, %parallel_loop3A_179], %parallel_loop3A_182 {strides = array<i32>} : memref<4x8x1024xf32, #tpu.memory_space<vmem>>, vector<1x1x16xf32>,
      %parallel_loop3A_183 = arith.constant 1 : i32
      %parallel_loop3A_184 = arith.index_cast %parallel_loop3A_183 : i32 to index
      %parallel_loop3A_185 = arith.index_cast %parallel_loop3A_113 : i32 to index
      %parallel_loop3A_186 = tpu.vector_load %arg5[%parallel_loop3A_184, %parallel_loop3A_185] {strides = array<i32>} : memref<8x1024xf32, #tpu.memory_space<vmem>>, vector<1x16xf32>,
      %parallel_loop3A_187 = vector.shape_cast %parallel_loop3A_186 : vector<1x16xf32> to vector<16xf32>
      %parallel_loop3A_188 = arith.constant 0 : i32
      %parallel_loop3A_189 = arith.constant 1 : i32
      %parallel_loop3A_190 = arith.index_cast %parallel_loop3A_188 : i32 to index
      %parallel_loop3A_191 = arith.index_cast %parallel_loop3A_189 : i32 to index
      %parallel_loop3A_192 = arith.index_cast %parallel_loop3A_113 : i32 to index
      %parallel_loop3A_193 = tpu.vector_load %arg8[%parallel_loop3A_190, %parallel_loop3A_191, %parallel_loop3A_192] {strides = array<i32>} : memref<4x8x1024xf32, #tpu.memory_space<vmem>>, vector<1x1x16xf32>,
      %parallel_loop3A_194 = vector.shape_cast %parallel_loop3A_193 : vector<1x1x16xf32> to vector<16xf32>
      %parallel_loop3A_195 = arith.addf %parallel_loop3A_194, %parallel_loop3A_187 : vector<16xf32>
      %parallel_loop3A_196 = arith.constant 0 : i32
      %parallel_loop3A_197 = arith.constant 1 : i32
      %parallel_loop3A_198 = arith.index_cast %parallel_loop3A_196 : i32 to index
      %parallel_loop3A_199 = arith.index_cast %parallel_loop3A_197 : i32 to index
      %parallel_loop3A_200 = arith.index_cast %parallel_loop3A_113 : i32 to index
      %parallel_loop3A_201 = tpu.vector_load %arg8[%parallel_loop3A_198, %parallel_loop3A_199, %parallel_loop3A_200] {strides = array<i32>} : memref<4x8x1024xf32, #tpu.memory_space<vmem>>, vector<1x1x16xf32>,
      %parallel_loop3A_202 = vector.shape_cast %parallel_loop3A_201 : vector<1x1x16xf32> to vector<16xf32>
      %parallel_loop3A_203 = vector.shape_cast %parallel_loop3A_195 : vector<16xf32> to vector<1x1x16xf32>
      tpu.vector_store %arg8[%parallel_loop3A_198, %parallel_loop3A_199, %parallel_loop3A_200], %parallel_loop3A_203 {strides = array<i32>} : memref<4x8x1024xf32, #tpu.memory_space<vmem>>, vector<1x1x16xf32>,
      %parallel_loop3A_204 = arith.constant 1 : i32
      %parallel_loop3A_205 = arith.constant 1 : i32
      %parallel_loop3A_206 = arith.index_cast %parallel_loop3A_204 : i32 to index
      %parallel_loop3A_207 = arith.index_cast %parallel_loop3A_205 : i32 to index
      %parallel_loop3A_208 = arith.index_cast %parallel_loop3A_113 : i32 to index
      %parallel_loop3A_209 = tpu.vector_load %arg8[%parallel_loop3A_206, %parallel_loop3A_207, %parallel_loop3A_208] {strides = array<i32>} : memref<4x8x1024xf32, #tpu.memory_space<vmem>>, vector<1x1x16xf32>,
      %parallel_loop3A_210 = vector.shape_cast %parallel_loop3A_209 : vector<1x1x16xf32> to vector<16xf32>
      %parallel_loop3A_211 = arith.addf %parallel_loop3A_210, %parallel_loop3A_187 : vector<16xf32>
      %parallel_loop3A_212 = arith.constant 1 : i32
      %parallel_loop3A_213 = arith.constant 1 : i32
      %parallel_loop3A_214 = arith.index_cast %parallel_loop3A_212 : i32 to index
      %parallel_loop3A_215 = arith.index_cast %parallel_loop3A_213 : i32 to index
      %parallel_loop3A_216 = arith.index_cast %parallel_loop3A_113 : i32 to index
      %parallel_loop3A_217 = tpu.vector_load %arg8[%parallel_loop3A_214, %parallel_loop3A_215, %parallel_loop3A_216] {strides = array<i32>} : memref<4x8x1024xf32, #tpu.memory_space<vmem>>, vector<1x1x16xf32>,
      %parallel_loop3A_218 = vector.shape_cast %parallel_loop3A_217 : vector<1x1x16xf32> to vector<16xf32>
      %parallel_loop3A_219 = vector.shape_cast %parallel_loop3A_211 : vector<16xf32> to vector<1x1x16xf32>
      tpu.vector_store %arg8[%parallel_loop3A_214, %parallel_loop3A_215, %parallel_loop3A_216], %parallel_loop3A_219 {strides = array<i32>} : memref<4x8x1024xf32, #tpu.memory_space<vmem>>, vector<1x1x16xf32>,
      %parallel_loop3A_220 = arith.constant 2 : i32
      %parallel_loop3A_221 = arith.constant 1 : i32
      %parallel_loop3A_222 = arith.index_cast %parallel_loop3A_220 : i32 to index
      %parallel_loop3A_223 = arith.index_cast %parallel_loop3A_221 : i32 to index
      %parallel_loop3A_224 = arith.index_cast %parallel_loop3A_113 : i32 to index
      %parallel_loop3A_225 = tpu.vector_load %arg8[%parallel_loop3A_222, %parallel_loop3A_223, %parallel_loop3A_224] {strides = array<i32>} : memref<4x8x1024xf32, #tpu.memory_space<vmem>>, vector<1x1x16xf32>,
      %parallel_loop3A_226 = vector.shape_cast %parallel_loop3A_225 : vector<1x1x16xf32> to vector<16xf32>
      %parallel_loop3A_227 = arith.addf %parallel_loop3A_226, %parallel_loop3A_187 : vector<16xf32>
      %parallel_loop3A_228 = arith.constant 2 : i32
      %parallel_loop3A_229 = arith.constant 1 : i32
      %parallel_loop3A_230 = arith.index_cast %parallel_loop3A_228 : i32 to index
      %parallel_loop3A_231 = arith.index_cast %parallel_loop3A_229 : i32 to index
      %parallel_loop3A_232 = arith.index_cast %parallel_loop3A_113 : i32 to index
      %parallel_loop3A_233 = tpu.vector_load %arg8[%parallel_loop3A_230, %parallel_loop3A_231, %parallel_loop3A_232] {strides = array<i32>} : memref<4x8x1024xf32, #tpu.memory_space<vmem>>, vector<1x1x16xf32>,
      %parallel_loop3A_234 = vector.shape_cast %parallel_loop3A_233 : vector<1x1x16xf32> to vector<16xf32>
      %parallel_loop3A_235 = vector.shape_cast %parallel_loop3A_227 : vector<16xf32> to vector<1x1x16xf32>
      tpu.vector_store %arg8[%parallel_loop3A_230, %parallel_loop3A_231, %parallel_loop3A_232], %parallel_loop3A_235 {strides = array<i32>} : memref<4x8x1024xf32, #tpu.memory_space<vmem>>, vector<1x1x16xf32>,
      %parallel_loop3A_236 = arith.constant 3 : i32
      %parallel_loop3A_237 = arith.constant 1 : i32
      %parallel_loop3A_238 = arith.index_cast %parallel_loop3A_236 : i32 to index
      %parallel_loop3A_239 = arith.index_cast %parallel_loop3A_237 : i32 to index
      %parallel_loop3A_240 = arith.index_cast %parallel_loop3A_113 : i32 to index
      %parallel_loop3A_241 = tpu.vector_load %arg8[%parallel_loop3A_238, %parallel_loop3A_239, %parallel_loop3A_240] {strides = array<i32>} : memref<4x8x1024xf32, #tpu.memory_space<vmem>>, vector<1x1x16xf32>,
      %parallel_loop3A_242 = vector.shape_cast %parallel_loop3A_241 : vector<1x1x16xf32> to vector<16xf32>
      %parallel_loop3A_243 = arith.addf %parallel_loop3A_242, %parallel_loop3A_187 : vector<16xf32>
      %parallel_loop3A_244 = arith.constant 3 : i32
      %parallel_loop3A_245 = arith.constant 1 : i32
      %parallel_loop3A_246 = arith.index_cast %parallel_loop3A_244 : i32 to index
      %parallel_loop3A_247 = arith.index_cast %parallel_loop3A_245 : i32 to index
      %parallel_loop3A_248 = arith.index_cast %parallel_loop3A_113 : i32 to index
      %parallel_loop3A_249 = tpu.vector_load %arg8[%parallel_loop3A_246, %parallel_loop3A_247, %parallel_loop3A_248] {strides = array<i32>} : memref<4x8x1024xf32, #tpu.memory_space<vmem>>, vector<1x1x16xf32>,
      %parallel_loop3A_250 = vector.shape_cast %parallel_loop3A_249 : vector<1x1x16xf32> to vector<16xf32>
      %parallel_loop3A_251 = vector.shape_cast %parallel_loop3A_243 : vector<16xf32> to vector<1x1x16xf32>
      tpu.vector_store %arg8[%parallel_loop3A_246, %parallel_loop3A_247, %parallel_loop3A_248], %parallel_loop3A_251 {strides = array<i32>} : memref<4x8x1024xf32, #tpu.memory_space<vmem>>, vector<1x1x16xf32>,
      %parallel_loop3A_252 = arith.constant 2 : i32
      %parallel_loop3A_253 = arith.index_cast %parallel_loop3A_252 : i32 to index
      %parallel_loop3A_254 = arith.index_cast %parallel_loop3A_113 : i32 to index
      %parallel_loop3A_255 = tpu.vector_load %arg5[%parallel_loop3A_253, %parallel_loop3A_254] {strides = array<i32>} : memref<8x1024xf32, #tpu.memory_space<vmem>>, vector<1x16xf32>,
      %parallel_loop3A_256 = vector.shape_cast %parallel_loop3A_255 : vector<1x16xf32> to vector<16xf32>
      %parallel_loop3A_257 = arith.constant 0 : i32
      %parallel_loop3A_258 = arith.constant 2 : i32
      %parallel_loop3A_259 = arith.index_cast %parallel_loop3A_257 : i32 to index
      %parallel_loop3A_260 = arith.index_cast %parallel_loop3A_258 : i32 to index
      %parallel_loop3A_261 = arith.index_cast %parallel_loop3A_113 : i32 to index
      %parallel_loop3A_262 = tpu.vector_load %arg8[%parallel_loop3A_259, %parallel_loop3A_260, %parallel_loop3A_261] {strides = array<i32>} : memref<4x8x1024xf32, #tpu.memory_space<vmem>>, vector<1x1x16xf32>,
      %parallel_loop3A_263 = vector.shape_cast %parallel_loop3A_262 : vector<1x1x16xf32> to vector<16xf32>
      %parallel_loop3A_264 = arith.addf %parallel_loop3A_263, %parallel_loop3A_256 : vector<16xf32>
      %parallel_loop3A_265 = arith.constant 0 : i32
      %parallel_loop3A_266 = arith.constant 2 : i32
      %parallel_loop3A_267 = arith.index_cast %parallel_loop3A_265 : i32 to index
      %parallel_loop3A_268 = arith.index_cast %parallel_loop3A_266 : i32 to index
      %parallel_loop3A_269 = arith.index_cast %parallel_loop3A_113 : i32 to index
      %parallel_loop3A_270 = tpu.vector_load %arg8[%parallel_loop3A_267, %parallel_loop3A_268, %parallel_loop3A_269] {strides = array<i32>} : memref<4x8x1024xf32, #tpu.memory_space<vmem>>, vector<1x1x16xf32>,
      %parallel_loop3A_271 = vector.shape_cast %parallel_loop3A_270 : vector<1x1x16xf32> to vector<16xf32>
      %parallel_loop3A_272 = vector.shape_cast %parallel_loop3A_264 : vector<16xf32> to vector<1x1x16xf32>
      tpu.vector_store %arg8[%parallel_loop3A_267, %parallel_loop3A_268, %parallel_loop3A_269], %parallel_loop3A_272 {strides = array<i32>} : memref<4x8x1024xf32, #tpu.memory_space<vmem>>, vector<1x1x16xf32>,
      %parallel_loop3A_273 = arith.constant 1 : i32
      %parallel_loop3A_274 = arith.constant 2 : i32
      %parallel_loop3A_275 = arith.index_cast %parallel_loop3A_273 : i32 to index
      %parallel_loop3A_276 = arith.index_cast %parallel_loop3A_274 : i32 to index
      %parallel_loop3A_277 = arith.index_cast %parallel_loop3A_113 : i32 to index
      %parallel_loop3A_278 = tpu.vector_load %arg8[%parallel_loop3A_275, %parallel_loop3A_276, %parallel_loop3A_277] {strides = array<i32>} : memref<4x8x1024xf32, #tpu.memory_space<vmem>>, vector<1x1x16xf32>,
      %parallel_loop3A_279 = vector.shape_cast %parallel_loop3A_278 : vector<1x1x16xf32> to vector<16xf32>
      %parallel_loop3A_280 = arith.addf %parallel_loop3A_279, %parallel_loop3A_256 : vector<16xf32>
      %parallel_loop3A_281 = arith.constant 1 : i32
      %parallel_loop3A_282 = arith.constant 2 : i32
      %parallel_loop3A_283 = arith.index_cast %parallel_loop3A_281 : i32 to index
      %parallel_loop3A_284 = arith.index_cast %parallel_loop3A_282 : i32 to index
      %parallel_loop3A_285 = arith.index_cast %parallel_loop3A_113 : i32 to index
      %parallel_loop3A_286 = tpu.vector_load %arg8[%parallel_loop3A_283, %parallel_loop3A_284, %parallel_loop3A_285] {strides = array<i32>} : memref<4x8x1024xf32, #tpu.memory_space<vmem>>, vector<1x1x16xf32>,
      %parallel_loop3A_287 = vector.shape_cast %parallel_loop3A_286 : vector<1x1x16xf32> to vector<16xf32>
      %parallel_loop3A_288 = vector.shape_cast %parallel_loop3A_280 : vector<16xf32> to vector<1x1x16xf32>
      tpu.vector_store %arg8[%parallel_loop3A_283, %parallel_loop3A_284, %parallel_loop3A_285], %parallel_loop3A_288 {strides = array<i32>} : memref<4x8x1024xf32, #tpu.memory_space<vmem>>, vector<1x1x16xf32>,
      %parallel_loop3A_289 = arith.constant 2 : i32
      %parallel_loop3A_290 = arith.constant 2 : i32
      %parallel_loop3A_291 = arith.index_cast %parallel_loop3A_289 : i32 to index
      %parallel_loop3A_292 = arith.index_cast %parallel_loop3A_290 : i32 to index
      %parallel_loop3A_293 = arith.index_cast %parallel_loop3A_113 : i32 to index
      %parallel_loop3A_294 = tpu.vector_load %arg8[%parallel_loop3A_291, %parallel_loop3A_292, %parallel_loop3A_293] {strides = array<i32>} : memref<4x8x1024xf32, #tpu.memory_space<vmem>>, vector<1x1x16xf32>,
      %parallel_loop3A_295 = vector.shape_cast %parallel_loop3A_294 : vector<1x1x16xf32> to vector<16xf32>
      %parallel_loop3A_296 = arith.addf %parallel_loop3A_295, %parallel_loop3A_256 : vector<16xf32>
      %parallel_loop3A_297 = arith.constant 2 : i32
      %parallel_loop3A_298 = arith.constant 2 : i32
      %parallel_loop3A_299 = arith.index_cast %parallel_loop3A_297 : i32 to index
      %parallel_loop3A_300 = arith.index_cast %parallel_loop3A_298 : i32 to index
      %parallel_loop3A_301 = arith.index_cast %parallel_loop3A_113 : i32 to index
      %parallel_loop3A_302 = tpu.vector_load %arg8[%parallel_loop3A_299, %parallel_loop3A_300, %parallel_loop3A_301] {strides = array<i32>} : memref<4x8x1024xf32, #tpu.memory_space<vmem>>, vector<1x1x16xf32>,
      %parallel_loop3A_303 = vector.shape_cast %parallel_loop3A_302 : vector<1x1x16xf32> to vector<16xf32>
      %parallel_loop3A_304 = vector.shape_cast %parallel_loop3A_296 : vector<16xf32> to vector<1x1x16xf32>
      tpu.vector_store %arg8[%parallel_loop3A_299, %parallel_loop3A_300, %parallel_loop3A_301], %parallel_loop3A_304 {strides = array<i32>} : memref<4x8x1024xf32, #tpu.memory_space<vmem>>, vector<1x1x16xf32>,
      %parallel_loop3A_305 = arith.constant 3 : i32
      %parallel_loop3A_306 = arith.constant 2 : i32
      %parallel_loop3A_307 = arith.index_cast %parallel_loop3A_305 : i32 to index
      %parallel_loop3A_308 = arith.index_cast %parallel_loop3A_306 : i32 to index
      %parallel_loop3A_309 = arith.index_cast %parallel_loop3A_113 : i32 to index
      %parallel_loop3A_310 = tpu.vector_load %arg8[%parallel_loop3A_307, %parallel_loop3A_308, %parallel_loop3A_309] {strides = array<i32>} : memref<4x8x1024xf32, #tpu.memory_space<vmem>>, vector<1x1x16xf32>,
      %parallel_loop3A_311 = vector.shape_cast %parallel_loop3A_310 : vector<1x1x16xf32> to vector<16xf32>
      %parallel_loop3A_312 = arith.addf %parallel_loop3A_311, %parallel_loop3A_256 : vector<16xf32>
      %parallel_loop3A_313 = arith.constant 3 : i32
      %parallel_loop3A_314 = arith.constant 2 : i32
      %parallel_loop3A_315 = arith.index_cast %parallel_loop3A_313 : i32 to index
      %parallel_loop3A_316 = arith.index_cast %parallel_loop3A_314 : i32 to index
      %parallel_loop3A_317 = arith.index_cast %parallel_loop3A_113 : i32 to index
      %parallel_loop3A_318 = tpu.vector_load %arg8[%parallel_loop3A_315, %parallel_loop3A_316, %parallel_loop3A_317] {strides = array<i32>} : memref<4x8x1024xf32, #tpu.memory_space<vmem>>, vector<1x1x16xf32>,
      %parallel_loop3A_319 = vector.shape_cast %parallel_loop3A_318 : vector<1x1x16xf32> to vector<16xf32>
      %parallel_loop3A_320 = vector.shape_cast %parallel_loop3A_312 : vector<16xf32> to vector<1x1x16xf32>
      tpu.vector_store %arg8[%parallel_loop3A_315, %parallel_loop3A_316, %parallel_loop3A_317], %parallel_loop3A_320 {strides = array<i32>} : memref<4x8x1024xf32, #tpu.memory_space<vmem>>, vector<1x1x16xf32>,
      %parallel_loop3A_321 = arith.constant 3 : i32
      %parallel_loop3A_322 = arith.index_cast %parallel_loop3A_321 : i32 to index
      %parallel_loop3A_323 = arith.index_cast %parallel_loop3A_113 : i32 to index
      %parallel_loop3A_324 = tpu.vector_load %arg5[%parallel_loop3A_322, %parallel_loop3A_323] {strides = array<i32>} : memref<8x1024xf32, #tpu.memory_space<vmem>>, vector<1x16xf32>,
      %parallel_loop3A_325 = vector.shape_cast %parallel_loop3A_324 : vector<1x16xf32> to vector<16xf32>
      %parallel_loop3A_326 = arith.constant 0 : i32
      %parallel_loop3A_327 = arith.constant 3 : i32
      %parallel_loop3A_328 = arith.index_cast %parallel_loop3A_326 : i32 to index
      %parallel_loop3A_329 = arith.index_cast %parallel_loop3A_327 : i32 to index
      %parallel_loop3A_330 = arith.index_cast %parallel_loop3A_113 : i32 to index
      %parallel_loop3A_331 = tpu.vector_load %arg8[%parallel_loop3A_328, %parallel_loop3A_329, %parallel_loop3A_330] {strides = array<i32>} : memref<4x8x1024xf32, #tpu.memory_space<vmem>>, vector<1x1x16xf32>,
      %parallel_loop3A_332 = vector.shape_cast %parallel_loop3A_331 : vector<1x1x16xf32> to vector<16xf32>
      %parallel_loop3A_333 = arith.addf %parallel_loop3A_332, %parallel_loop3A_325 : vector<16xf32>
      %parallel_loop3A_334 = arith.constant 0 : i32
      %parallel_loop3A_335 = arith.constant 3 : i32
      %parallel_loop3A_336 = arith.index_cast %parallel_loop3A_334 : i32 to index
      %parallel_loop3A_337 = arith.index_cast %parallel_loop3A_335 : i32 to index
      %parallel_loop3A_338 = arith.index_cast %parallel_loop3A_113 : i32 to index
      %parallel_loop3A_339 = tpu.vector_load %arg8[%parallel_loop3A_336, %parallel_loop3A_337, %parallel_loop3A_338] {strides = array<i32>} : memref<4x8x1024xf32, #tpu.memory_space<vmem>>, vector<1x1x16xf32>,
      %parallel_loop3A_340 = vector.shape_cast %parallel_loop3A_339 : vector<1x1x16xf32> to vector<16xf32>
      %parallel_loop3A_341 = vector.shape_cast %parallel_loop3A_333 : vector<16xf32> to vector<1x1x16xf32>
      tpu.vector_store %arg8[%parallel_loop3A_336, %parallel_loop3A_337, %parallel_loop3A_338], %parallel_loop3A_341 {strides = array<i32>} : memref<4x8x1024xf32, #tpu.memory_space<vmem>>, vector<1x1x16xf32>,
      %parallel_loop3A_342 = arith.constant 1 : i32
      %parallel_loop3A_343 = arith.constant 3 : i32
      %parallel_loop3A_344 = arith.index_cast %parallel_loop3A_342 : i32 to index
      %parallel_loop3A_345 = arith.index_cast %parallel_loop3A_343 : i32 to index
      %parallel_loop3A_346 = arith.index_cast %parallel_loop3A_113 : i32 to index
      %parallel_loop3A_347 = tpu.vector_load %arg8[%parallel_loop3A_344, %parallel_loop3A_345, %parallel_loop3A_346] {strides = array<i32>} : memref<4x8x1024xf32, #tpu.memory_space<vmem>>, vector<1x1x16xf32>,
      %parallel_loop3A_348 = vector.shape_cast %parallel_loop3A_347 : vector<1x1x16xf32> to vector<16xf32>
      %parallel_loop3A_349 = arith.addf %parallel_loop3A_348, %parallel_loop3A_325 : vector<16xf32>
      %parallel_loop3A_350 = arith.constant 1 : i32
      %parallel_loop3A_351 = arith.constant 3 : i32
      %parallel_loop3A_352 = arith.index_cast %parallel_loop3A_350 : i32 to index
      %parallel_loop3A_353 = arith.index_cast %parallel_loop3A_351 : i32 to index
      %parallel_loop3A_354 = arith.index_cast %parallel_loop3A_113 : i32 to index
      %parallel_loop3A_355 = tpu.vector_load %arg8[%parallel_loop3A_352, %parallel_loop3A_353, %parallel_loop3A_354] {strides = array<i32>} : memref<4x8x1024xf32, #tpu.memory_space<vmem>>, vector<1x1x16xf32>,
      %parallel_loop3A_356 = vector.shape_cast %parallel_loop3A_355 : vector<1x1x16xf32> to vector<16xf32>
      %parallel_loop3A_357 = vector.shape_cast %parallel_loop3A_349 : vector<16xf32> to vector<1x1x16xf32>
      tpu.vector_store %arg8[%parallel_loop3A_352, %parallel_loop3A_353, %parallel_loop3A_354], %parallel_loop3A_357 {strides = array<i32>} : memref<4x8x1024xf32, #tpu.memory_space<vmem>>, vector<1x1x16xf32>,
      %parallel_loop3A_358 = arith.constant 2 : i32
      %parallel_loop3A_359 = arith.constant 3 : i32
      %parallel_loop3A_360 = arith.index_cast %parallel_loop3A_358 : i32 to index
      %parallel_loop3A_361 = arith.index_cast %parallel_loop3A_359 : i32 to index
      %parallel_loop3A_362 = arith.index_cast %parallel_loop3A_113 : i32 to index
      %parallel_loop3A_363 = tpu.vector_load %arg8[%parallel_loop3A_360, %parallel_loop3A_361, %parallel_loop3A_362] {strides = array<i32>} : memref<4x8x1024xf32, #tpu.memory_space<vmem>>, vector<1x1x16xf32>,
      %parallel_loop3A_364 = vector.shape_cast %parallel_loop3A_363 : vector<1x1x16xf32> to vector<16xf32>
      %parallel_loop3A_365 = arith.addf %parallel_loop3A_364, %parallel_loop3A_325 : vector<16xf32>
      %parallel_loop3A_366 = arith.constant 2 : i32
      %parallel_loop3A_367 = arith.constant 3 : i32
      %parallel_loop3A_368 = arith.index_cast %parallel_loop3A_366 : i32 to index
      %parallel_loop3A_369 = arith.index_cast %parallel_loop3A_367 : i32 to index
      %parallel_loop3A_370 = arith.index_cast %parallel_loop3A_113 : i32 to index
      %parallel_loop3A_371 = tpu.vector_load %arg8[%parallel_loop3A_368, %parallel_loop3A_369, %parallel_loop3A_370] {strides = array<i32>} : memref<4x8x1024xf32, #tpu.memory_space<vmem>>, vector<1x1x16xf32>,
      %parallel_loop3A_372 = vector.shape_cast %parallel_loop3A_371 : vector<1x1x16xf32> to vector<16xf32>
      %parallel_loop3A_373 = vector.shape_cast %parallel_loop3A_365 : vector<16xf32> to vector<1x1x16xf32>
      tpu.vector_store %arg8[%parallel_loop3A_368, %parallel_loop3A_369, %parallel_loop3A_370], %parallel_loop3A_373 {strides = array<i32>} : memref<4x8x1024xf32, #tpu.memory_space<vmem>>, vector<1x1x16xf32>,
      %parallel_loop3A_374 = arith.constant 3 : i32
      %parallel_loop3A_375 = arith.constant 3 : i32
      %parallel_loop3A_376 = arith.index_cast %parallel_loop3A_374 : i32 to index
      %parallel_loop3A_377 = arith.index_cast %parallel_loop3A_375 : i32 to index
      %parallel_loop3A_378 = arith.index_cast %parallel_loop3A_113 : i32 to index
      %parallel_loop3A_379 = tpu.vector_load %arg8[%parallel_loop3A_376, %parallel_loop3A_377, %parallel_loop3A_378] {strides = array<i32>} : memref<4x8x1024xf32, #tpu.memory_space<vmem>>, vector<1x1x16xf32>,
      %parallel_loop3A_380 = vector.shape_cast %parallel_loop3A_379 : vector<1x1x16xf32> to vector<16xf32>
      %parallel_loop3A_381 = arith.addf %parallel_loop3A_380, %parallel_loop3A_325 : vector<16xf32>
      %parallel_loop3A_382 = arith.constant 3 : i32
      %parallel_loop3A_383 = arith.constant 3 : i32
      %parallel_loop3A_384 = arith.index_cast %parallel_loop3A_382 : i32 to index
      %parallel_loop3A_385 = arith.index_cast %parallel_loop3A_383 : i32 to index
      %parallel_loop3A_386 = arith.index_cast %parallel_loop3A_113 : i32 to index
      %parallel_loop3A_387 = tpu.vector_load %arg8[%parallel_loop3A_384, %parallel_loop3A_385, %parallel_loop3A_386] {strides = array<i32>} : memref<4x8x1024xf32, #tpu.memory_space<vmem>>, vector<1x1x16xf32>,
      %parallel_loop3A_388 = vector.shape_cast %parallel_loop3A_387 : vector<1x1x16xf32> to vector<16xf32>
      %parallel_loop3A_389 = vector.shape_cast %parallel_loop3A_381 : vector<16xf32> to vector<1x1x16xf32>
      tpu.vector_store %arg8[%parallel_loop3A_384, %parallel_loop3A_385, %parallel_loop3A_386], %parallel_loop3A_389 {strides = array<i32>} : memref<4x8x1024xf32, #tpu.memory_space<vmem>>, vector<1x1x16xf32>,
      %parallel_loop3A_390 = arith.constant 4 : i32
      %parallel_loop3A_391 = arith.index_cast %parallel_loop3A_390 : i32 to index
      %parallel_loop3A_392 = arith.index_cast %parallel_loop3A_113 : i32 to index
      %parallel_loop3A_393 = tpu.vector_load %arg5[%parallel_loop3A_391, %parallel_loop3A_392] {strides = array<i32>} : memref<8x1024xf32, #tpu.memory_space<vmem>>, vector<1x16xf32>,
      %parallel_loop3A_394 = vector.shape_cast %parallel_loop3A_393 : vector<1x16xf32> to vector<16xf32>
      %parallel_loop3A_395 = arith.constant 0 : i32
      %parallel_loop3A_396 = arith.constant 4 : i32
      %parallel_loop3A_397 = arith.index_cast %parallel_loop3A_395 : i32 to index
      %parallel_loop3A_398 = arith.index_cast %parallel_loop3A_396 : i32 to index
      %parallel_loop3A_399 = arith.index_cast %parallel_loop3A_113 : i32 to index
      %parallel_loop3A_400 = tpu.vector_load %arg8[%parallel_loop3A_397, %parallel_loop3A_398, %parallel_loop3A_399] {strides = array<i32>} : memref<4x8x1024xf32, #tpu.memory_space<vmem>>, vector<1x1x16xf32>,
      %parallel_loop3A_401 = vector.shape_cast %parallel_loop3A_400 : vector<1x1x16xf32> to vector<16xf32>
      %parallel_loop3A_402 = arith.addf %parallel_loop3A_401, %parallel_loop3A_394 : vector<16xf32>
      %parallel_loop3A_403 = arith.constant 0 : i32
      %parallel_loop3A_404 = arith.constant 4 : i32
      %parallel_loop3A_405 = arith.index_cast %parallel_loop3A_403 : i32 to index
      %parallel_loop3A_406 = arith.index_cast %parallel_loop3A_404 : i32 to index
      %parallel_loop3A_407 = arith.index_cast %parallel_loop3A_113 : i32 to index
      %parallel_loop3A_408 = tpu.vector_load %arg8[%parallel_loop3A_405, %parallel_loop3A_406, %parallel_loop3A_407] {strides = array<i32>} : memref<4x8x1024xf32, #tpu.memory_space<vmem>>, vector<1x1x16xf32>,
      %parallel_loop3A_409 = vector.shape_cast %parallel_loop3A_408 : vector<1x1x16xf32> to vector<16xf32>
      %parallel_loop3A_410 = vector.shape_cast %parallel_loop3A_402 : vector<16xf32> to vector<1x1x16xf32>
      tpu.vector_store %arg8[%parallel_loop3A_405, %parallel_loop3A_406, %parallel_loop3A_407], %parallel_loop3A_410 {strides = array<i32>} : memref<4x8x1024xf32, #tpu.memory_space<vmem>>, vector<1x1x16xf32>,
      %parallel_loop3A_411 = arith.constant 1 : i32
      %parallel_loop3A_412 = arith.constant 4 : i32
      %parallel_loop3A_413 = arith.index_cast %parallel_loop3A_411 : i32 to index
      %parallel_loop3A_414 = arith.index_cast %parallel_loop3A_412 : i32 to index
      %parallel_loop3A_415 = arith.index_cast %parallel_loop3A_113 : i32 to index
      %parallel_loop3A_416 = tpu.vector_load %arg8[%parallel_loop3A_413, %parallel_loop3A_414, %parallel_loop3A_415] {strides = array<i32>} : memref<4x8x1024xf32, #tpu.memory_space<vmem>>, vector<1x1x16xf32>,
      %parallel_loop3A_417 = vector.shape_cast %parallel_loop3A_416 : vector<1x1x16xf32> to vector<16xf32>
      %parallel_loop3A_418 = arith.addf %parallel_loop3A_417, %parallel_loop3A_394 : vector<16xf32>
      %parallel_loop3A_419 = arith.constant 1 : i32
      %parallel_loop3A_420 = arith.constant 4 : i32
      %parallel_loop3A_421 = arith.index_cast %parallel_loop3A_419 : i32 to index
      %parallel_loop3A_422 = arith.index_cast %parallel_loop3A_420 : i32 to index
      %parallel_loop3A_423 = arith.index_cast %parallel_loop3A_113 : i32 to index
      %parallel_loop3A_424 = tpu.vector_load %arg8[%parallel_loop3A_421, %parallel_loop3A_422, %parallel_loop3A_423] {strides = array<i32>} : memref<4x8x1024xf32, #tpu.memory_space<vmem>>, vector<1x1x16xf32>,
      %parallel_loop3A_425 = vector.shape_cast %parallel_loop3A_424 : vector<1x1x16xf32> to vector<16xf32>
      %parallel_loop3A_426 = vector.shape_cast %parallel_loop3A_418 : vector<16xf32> to vector<1x1x16xf32>
      tpu.vector_store %arg8[%parallel_loop3A_421, %parallel_loop3A_422, %parallel_loop3A_423], %parallel_loop3A_426 {strides = array<i32>} : memref<4x8x1024xf32, #tpu.memory_space<vmem>>, vector<1x1x16xf32>,
      %parallel_loop3A_427 = arith.constant 2 : i32
      %parallel_loop3A_428 = arith.constant 4 : i32
      %parallel_loop3A_429 = arith.index_cast %parallel_loop3A_427 : i32 to index
      %parallel_loop3A_430 = arith.index_cast %parallel_loop3A_428 : i32 to index
      %parallel_loop3A_431 = arith.index_cast %parallel_loop3A_113 : i32 to index
      %parallel_loop3A_432 = tpu.vector_load %arg8[%parallel_loop3A_429, %parallel_loop3A_430, %parallel_loop3A_431] {strides = array<i32>} : memref<4x8x1024xf32, #tpu.memory_space<vmem>>, vector<1x1x16xf32>,
      %parallel_loop3A_433 = vector.shape_cast %parallel_loop3A_432 : vector<1x1x16xf32> to vector<16xf32>
      %parallel_loop3A_434 = arith.addf %parallel_loop3A_433, %parallel_loop3A_394 : vector<16xf32>
      %parallel_loop3A_435 = arith.constant 2 : i32
      %parallel_loop3A_436 = arith.constant 4 : i32
      %parallel_loop3A_437 = arith.index_cast %parallel_loop3A_435 : i32 to index
      %parallel_loop3A_438 = arith.index_cast %parallel_loop3A_436 : i32 to index
      %parallel_loop3A_439 = arith.index_cast %parallel_loop3A_113 : i32 to index
      %parallel_loop3A_440 = tpu.vector_load %arg8[%parallel_loop3A_437, %parallel_loop3A_438, %parallel_loop3A_439] {strides = array<i32>} : memref<4x8x1024xf32, #tpu.memory_space<vmem>>, vector<1x1x16xf32>,
      %parallel_loop3A_441 = vector.shape_cast %parallel_loop3A_440 : vector<1x1x16xf32> to vector<16xf32>
      %parallel_loop3A_442 = vector.shape_cast %parallel_loop3A_434 : vector<16xf32> to vector<1x1x16xf32>
      tpu.vector_store %arg8[%parallel_loop3A_437, %parallel_loop3A_438, %parallel_loop3A_439], %parallel_loop3A_442 {strides = array<i32>} : memref<4x8x1024xf32, #tpu.memory_space<vmem>>, vector<1x1x16xf32>,
      %parallel_loop3A_443 = arith.constant 3 : i32
      %parallel_loop3A_444 = arith.constant 4 : i32
      %parallel_loop3A_445 = arith.index_cast %parallel_loop3A_443 : i32 to index
      %parallel_loop3A_446 = arith.index_cast %parallel_loop3A_444 : i32 to index
      %parallel_loop3A_447 = arith.index_cast %parallel_loop3A_113 : i32 to index
      %parallel_loop3A_448 = tpu.vector_load %arg8[%parallel_loop3A_445, %parallel_loop3A_446, %parallel_loop3A_447] {strides = array<i32>} : memref<4x8x1024xf32, #tpu.memory_space<vmem>>, vector<1x1x16xf32>,
      %parallel_loop3A_449 = vector.shape_cast %parallel_loop3A_448 : vector<1x1x16xf32> to vector<16xf32>
      %parallel_loop3A_450 = arith.addf %parallel_loop3A_449, %parallel_loop3A_394 : vector<16xf32>
      %parallel_loop3A_451 = arith.constant 3 : i32
      %parallel_loop3A_452 = arith.constant 4 : i32
      %parallel_loop3A_453 = arith.index_cast %parallel_loop3A_451 : i32 to index
      %parallel_loop3A_454 = arith.index_cast %parallel_loop3A_452 : i32 to index
      %parallel_loop3A_455 = arith.index_cast %parallel_loop3A_113 : i32 to index
      %parallel_loop3A_456 = tpu.vector_load %arg8[%parallel_loop3A_453, %parallel_loop3A_454, %parallel_loop3A_455] {strides = array<i32>} : memref<4x8x1024xf32, #tpu.memory_space<vmem>>, vector<1x1x16xf32>,
      %parallel_loop3A_457 = vector.shape_cast %parallel_loop3A_456 : vector<1x1x16xf32> to vector<16xf32>
      %parallel_loop3A_458 = vector.shape_cast %parallel_loop3A_450 : vector<16xf32> to vector<1x1x16xf32>
      tpu.vector_store %arg8[%parallel_loop3A_453, %parallel_loop3A_454, %parallel_loop3A_455], %parallel_loop3A_458 {strides = array<i32>} : memref<4x8x1024xf32, #tpu.memory_space<vmem>>, vector<1x1x16xf32>,
      %parallel_loop3A_459 = arith.constant 5 : i32
      %parallel_loop3A_460 = arith.index_cast %parallel_loop3A_459 : i32 to index
      %parallel_loop3A_461 = arith.index_cast %parallel_loop3A_113 : i32 to index
      %parallel_loop3A_462 = tpu.vector_load %arg5[%parallel_loop3A_460, %parallel_loop3A_461] {strides = array<i32>} : memref<8x1024xf32, #tpu.memory_space<vmem>>, vector<1x16xf32>,
      %parallel_loop3A_463 = vector.shape_cast %parallel_loop3A_462 : vector<1x16xf32> to vector<16xf32>
      %parallel_loop3A_464 = arith.constant 0 : i32
      %parallel_loop3A_465 = arith.constant 5 : i32
      %parallel_loop3A_466 = arith.index_cast %parallel_loop3A_464 : i32 to index
      %parallel_loop3A_467 = arith.index_cast %parallel_loop3A_465 : i32 to index
      %parallel_loop3A_468 = arith.index_cast %parallel_loop3A_113 : i32 to index
      %parallel_loop3A_469 = tpu.vector_load %arg8[%parallel_loop3A_466, %parallel_loop3A_467, %parallel_loop3A_468] {strides = array<i32>} : memref<4x8x1024xf32, #tpu.memory_space<vmem>>, vector<1x1x16xf32>,
      %parallel_loop3A_470 = vector.shape_cast %parallel_loop3A_469 : vector<1x1x16xf32> to vector<16xf32>
      %parallel_loop3A_471 = arith.addf %parallel_loop3A_470, %parallel_loop3A_463 : vector<16xf32>
      %parallel_loop3A_472 = arith.constant 0 : i32
      %parallel_loop3A_473 = arith.constant 5 : i32
      %parallel_loop3A_474 = arith.index_cast %parallel_loop3A_472 : i32 to index
      %parallel_loop3A_475 = arith.index_cast %parallel_loop3A_473 : i32 to index
      %parallel_loop3A_476 = arith.index_cast %parallel_loop3A_113 : i32 to index
      %parallel_loop3A_477 = tpu.vector_load %arg8[%parallel_loop3A_474, %parallel_loop3A_475, %parallel_loop3A_476] {strides = array<i32>} : memref<4x8x1024xf32, #tpu.memory_space<vmem>>, vector<1x1x16xf32>,
      %parallel_loop3A_478 = vector.shape_cast %parallel_loop3A_477 : vector<1x1x16xf32> to vector<16xf32>
      %parallel_loop3A_479 = vector.shape_cast %parallel_loop3A_471 : vector<16xf32> to vector<1x1x16xf32>
      tpu.vector_store %arg8[%parallel_loop3A_474, %parallel_loop3A_475, %parallel_loop3A_476], %parallel_loop3A_479 {strides = array<i32>} : memref<4x8x1024xf32, #tpu.memory_space<vmem>>, vector<1x1x16xf32>,
      %parallel_loop3A_480 = arith.constant 1 : i32
      %parallel_loop3A_481 = arith.constant 5 : i32
      %parallel_loop3A_482 = arith.index_cast %parallel_loop3A_480 : i32 to index
      %parallel_loop3A_483 = arith.index_cast %parallel_loop3A_481 : i32 to index
      %parallel_loop3A_484 = arith.index_cast %parallel_loop3A_113 : i32 to index
      %parallel_loop3A_485 = tpu.vector_load %arg8[%parallel_loop3A_482, %parallel_loop3A_483, %parallel_loop3A_484] {strides = array<i32>} : memref<4x8x1024xf32, #tpu.memory_space<vmem>>, vector<1x1x16xf32>,
      %parallel_loop3A_486 = vector.shape_cast %parallel_loop3A_485 : vector<1x1x16xf32> to vector<16xf32>
      %parallel_loop3A_487 = arith.addf %parallel_loop3A_486, %parallel_loop3A_463 : vector<16xf32>
      %parallel_loop3A_488 = arith.constant 1 : i32
      %parallel_loop3A_489 = arith.constant 5 : i32
      %parallel_loop3A_490 = arith.index_cast %parallel_loop3A_488 : i32 to index
      %parallel_loop3A_491 = arith.index_cast %parallel_loop3A_489 : i32 to index
      %parallel_loop3A_492 = arith.index_cast %parallel_loop3A_113 : i32 to index
      %parallel_loop3A_493 = tpu.vector_load %arg8[%parallel_loop3A_490, %parallel_loop3A_491, %parallel_loop3A_492] {strides = array<i32>} : memref<4x8x1024xf32, #tpu.memory_space<vmem>>, vector<1x1x16xf32>,
      %parallel_loop3A_494 = vector.shape_cast %parallel_loop3A_493 : vector<1x1x16xf32> to vector<16xf32>
      %parallel_loop3A_495 = vector.shape_cast %parallel_loop3A_487 : vector<16xf32> to vector<1x1x16xf32>
      tpu.vector_store %arg8[%parallel_loop3A_490, %parallel_loop3A_491, %parallel_loop3A_492], %parallel_loop3A_495 {strides = array<i32>} : memref<4x8x1024xf32, #tpu.memory_space<vmem>>, vector<1x1x16xf32>,
      %parallel_loop3A_496 = arith.constant 2 : i32
      %parallel_loop3A_497 = arith.constant 5 : i32
      %parallel_loop3A_498 = arith.index_cast %parallel_loop3A_496 : i32 to index
      %parallel_loop3A_499 = arith.index_cast %parallel_loop3A_497 : i32 to index
      %parallel_loop3A_500 = arith.index_cast %parallel_loop3A_113 : i32 to index
      %parallel_loop3A_501 = tpu.vector_load %arg8[%parallel_loop3A_498, %parallel_loop3A_499, %parallel_loop3A_500] {strides = array<i32>} : memref<4x8x1024xf32, #tpu.memory_space<vmem>>, vector<1x1x16xf32>,
      %parallel_loop3A_502 = vector.shape_cast %parallel_loop3A_501 : vector<1x1x16xf32> to vector<16xf32>
      %parallel_loop3A_503 = arith.addf %parallel_loop3A_502, %parallel_loop3A_463 : vector<16xf32>
      %parallel_loop3A_504 = arith.constant 2 : i32
      %parallel_loop3A_505 = arith.constant 5 : i32
      %parallel_loop3A_506 = arith.index_cast %parallel_loop3A_504 : i32 to index
      %parallel_loop3A_507 = arith.index_cast %parallel_loop3A_505 : i32 to index
      %parallel_loop3A_508 = arith.index_cast %parallel_loop3A_113 : i32 to index
      %parallel_loop3A_509 = tpu.vector_load %arg8[%parallel_loop3A_506, %parallel_loop3A_507, %parallel_loop3A_508] {strides = array<i32>} : memref<4x8x1024xf32, #tpu.memory_space<vmem>>, vector<1x1x16xf32>,
      %parallel_loop3A_510 = vector.shape_cast %parallel_loop3A_509 : vector<1x1x16xf32> to vector<16xf32>
      %parallel_loop3A_511 = vector.shape_cast %parallel_loop3A_503 : vector<16xf32> to vector<1x1x16xf32>
      tpu.vector_store %arg8[%parallel_loop3A_506, %parallel_loop3A_507, %parallel_loop3A_508], %parallel_loop3A_511 {strides = array<i32>} : memref<4x8x1024xf32, #tpu.memory_space<vmem>>, vector<1x1x16xf32>,
      %parallel_loop3A_512 = arith.constant 3 : i32
      %parallel_loop3A_513 = arith.constant 5 : i32
      %parallel_loop3A_514 = arith.index_cast %parallel_loop3A_512 : i32 to index
      %parallel_loop3A_515 = arith.index_cast %parallel_loop3A_513 : i32 to index
      %parallel_loop3A_516 = arith.index_cast %parallel_loop3A_113 : i32 to index
      %parallel_loop3A_517 = tpu.vector_load %arg8[%parallel_loop3A_514, %parallel_loop3A_515, %parallel_loop3A_516] {strides = array<i32>} : memref<4x8x1024xf32, #tpu.memory_space<vmem>>, vector<1x1x16xf32>,
      %parallel_loop3A_518 = vector.shape_cast %parallel_loop3A_517 : vector<1x1x16xf32> to vector<16xf32>
      %parallel_loop3A_519 = arith.addf %parallel_loop3A_518, %parallel_loop3A_463 : vector<16xf32>
      %parallel_loop3A_520 = arith.constant 3 : i32
      %parallel_loop3A_521 = arith.constant 5 : i32
      %parallel_loop3A_522 = arith.index_cast %parallel_loop3A_520 : i32 to index
      %parallel_loop3A_523 = arith.index_cast %parallel_loop3A_521 : i32 to index
      %parallel_loop3A_524 = arith.index_cast %parallel_loop3A_113 : i32 to index
      %parallel_loop3A_525 = tpu.vector_load %arg8[%parallel_loop3A_522, %parallel_loop3A_523, %parallel_loop3A_524] {strides = array<i32>} : memref<4x8x1024xf32, #tpu.memory_space<vmem>>, vector<1x1x16xf32>,
      %parallel_loop3A_526 = vector.shape_cast %parallel_loop3A_525 : vector<1x1x16xf32> to vector<16xf32>
      %parallel_loop3A_527 = vector.shape_cast %parallel_loop3A_519 : vector<16xf32> to vector<1x1x16xf32>
      tpu.vector_store %arg8[%parallel_loop3A_522, %parallel_loop3A_523, %parallel_loop3A_524], %parallel_loop3A_527 {strides = array<i32>} : memref<4x8x1024xf32, #tpu.memory_space<vmem>>, vector<1x1x16xf32>,
      %parallel_loop3A_528 = arith.constant 6 : i32
      %parallel_loop3A_529 = arith.index_cast %parallel_loop3A_528 : i32 to index
      %parallel_loop3A_530 = arith.index_cast %parallel_loop3A_113 : i32 to index
      %parallel_loop3A_531 = tpu.vector_load %arg5[%parallel_loop3A_529, %parallel_loop3A_530] {strides = array<i32>} : memref<8x1024xf32, #tpu.memory_space<vmem>>, vector<1x16xf32>,
      %parallel_loop3A_532 = vector.shape_cast %parallel_loop3A_531 : vector<1x16xf32> to vector<16xf32>
      %parallel_loop3A_533 = arith.constant 0 : i32
      %parallel_loop3A_534 = arith.constant 6 : i32
      %parallel_loop3A_535 = arith.index_cast %parallel_loop3A_533 : i32 to index
      %parallel_loop3A_536 = arith.index_cast %parallel_loop3A_534 : i32 to index
      %parallel_loop3A_537 = arith.index_cast %parallel_loop3A_113 : i32 to index
      %parallel_loop3A_538 = tpu.vector_load %arg8[%parallel_loop3A_535, %parallel_loop3A_536, %parallel_loop3A_537] {strides = array<i32>} : memref<4x8x1024xf32, #tpu.memory_space<vmem>>, vector<1x1x16xf32>,
      %parallel_loop3A_539 = vector.shape_cast %parallel_loop3A_538 : vector<1x1x16xf32> to vector<16xf32>
      %parallel_loop3A_540 = arith.addf %parallel_loop3A_539, %parallel_loop3A_532 : vector<16xf32>
      %parallel_loop3A_541 = arith.constant 0 : i32
      %parallel_loop3A_542 = arith.constant 6 : i32
      %parallel_loop3A_543 = arith.index_cast %parallel_loop3A_541 : i32 to index
      %parallel_loop3A_544 = arith.index_cast %parallel_loop3A_542 : i32 to index
      %parallel_loop3A_545 = arith.index_cast %parallel_loop3A_113 : i32 to index
      %parallel_loop3A_546 = tpu.vector_load %arg8[%parallel_loop3A_543, %parallel_loop3A_544, %parallel_loop3A_545] {strides = array<i32>} : memref<4x8x1024xf32, #tpu.memory_space<vmem>>, vector<1x1x16xf32>,
      %parallel_loop3A_547 = vector.shape_cast %parallel_loop3A_546 : vector<1x1x16xf32> to vector<16xf32>
      %parallel_loop3A_548 = vector.shape_cast %parallel_loop3A_540 : vector<16xf32> to vector<1x1x16xf32>
      tpu.vector_store %arg8[%parallel_loop3A_543, %parallel_loop3A_544, %parallel_loop3A_545], %parallel_loop3A_548 {strides = array<i32>} : memref<4x8x1024xf32, #tpu.memory_space<vmem>>, vector<1x1x16xf32>,
      %parallel_loop3A_549 = arith.constant 1 : i32
      %parallel_loop3A_550 = arith.constant 6 : i32
      %parallel_loop3A_551 = arith.index_cast %parallel_loop3A_549 : i32 to index
      %parallel_loop3A_552 = arith.index_cast %parallel_loop3A_550 : i32 to index
      %parallel_loop3A_553 = arith.index_cast %parallel_loop3A_113 : i32 to index
      %parallel_loop3A_554 = tpu.vector_load %arg8[%parallel_loop3A_551, %parallel_loop3A_552, %parallel_loop3A_553] {strides = array<i32>} : memref<4x8x1024xf32, #tpu.memory_space<vmem>>, vector<1x1x16xf32>,
      %parallel_loop3A_555 = vector.shape_cast %parallel_loop3A_554 : vector<1x1x16xf32> to vector<16xf32>
      %parallel_loop3A_556 = arith.addf %parallel_loop3A_555, %parallel_loop3A_532 : vector<16xf32>
      %parallel_loop3A_557 = arith.constant 1 : i32
      %parallel_loop3A_558 = arith.constant 6 : i32
      %parallel_loop3A_559 = arith.index_cast %parallel_loop3A_557 : i32 to index
      %parallel_loop3A_560 = arith.index_cast %parallel_loop3A_558 : i32 to index
      %parallel_loop3A_561 = arith.index_cast %parallel_loop3A_113 : i32 to index
      %parallel_loop3A_562 = tpu.vector_load %arg8[%parallel_loop3A_559, %parallel_loop3A_560, %parallel_loop3A_561] {strides = array<i32>} : memref<4x8x1024xf32, #tpu.memory_space<vmem>>, vector<1x1x16xf32>,
      %parallel_loop3A_563 = vector.shape_cast %parallel_loop3A_562 : vector<1x1x16xf32> to vector<16xf32>
      %parallel_loop3A_564 = vector.shape_cast %parallel_loop3A_556 : vector<16xf32> to vector<1x1x16xf32>
      tpu.vector_store %arg8[%parallel_loop3A_559, %parallel_loop3A_560, %parallel_loop3A_561], %parallel_loop3A_564 {strides = array<i32>} : memref<4x8x1024xf32, #tpu.memory_space<vmem>>, vector<1x1x16xf32>,
      %parallel_loop3A_565 = arith.constant 2 : i32
      %parallel_loop3A_566 = arith.constant 6 : i32
      %parallel_loop3A_567 = arith.index_cast %parallel_loop3A_565 : i32 to index
      %parallel_loop3A_568 = arith.index_cast %parallel_loop3A_566 : i32 to index
      %parallel_loop3A_569 = arith.index_cast %parallel_loop3A_113 : i32 to index
      %parallel_loop3A_570 = tpu.vector_load %arg8[%parallel_loop3A_567, %parallel_loop3A_568, %parallel_loop3A_569] {strides = array<i32>} : memref<4x8x1024xf32, #tpu.memory_space<vmem>>, vector<1x1x16xf32>,
      %parallel_loop3A_571 = vector.shape_cast %parallel_loop3A_570 : vector<1x1x16xf32> to vector<16xf32>
      %parallel_loop3A_572 = arith.addf %parallel_loop3A_571, %parallel_loop3A_532 : vector<16xf32>
      %parallel_loop3A_573 = arith.constant 2 : i32
      %parallel_loop3A_574 = arith.constant 6 : i32
      %parallel_loop3A_575 = arith.index_cast %parallel_loop3A_573 : i32 to index
      %parallel_loop3A_576 = arith.index_cast %parallel_loop3A_574 : i32 to index
      %parallel_loop3A_577 = arith.index_cast %parallel_loop3A_113 : i32 to index
      %parallel_loop3A_578 = tpu.vector_load %arg8[%parallel_loop3A_575, %parallel_loop3A_576, %parallel_loop3A_577] {strides = array<i32>} : memref<4x8x1024xf32, #tpu.memory_space<vmem>>, vector<1x1x16xf32>,
      %parallel_loop3A_579 = vector.shape_cast %parallel_loop3A_578 : vector<1x1x16xf32> to vector<16xf32>
      %parallel_loop3A_580 = vector.shape_cast %parallel_loop3A_572 : vector<16xf32> to vector<1x1x16xf32>
      tpu.vector_store %arg8[%parallel_loop3A_575, %parallel_loop3A_576, %parallel_loop3A_577], %parallel_loop3A_580 {strides = array<i32>} : memref<4x8x1024xf32, #tpu.memory_space<vmem>>, vector<1x1x16xf32>,
      %parallel_loop3A_581 = arith.constant 3 : i32
      %parallel_loop3A_582 = arith.constant 6 : i32
      %parallel_loop3A_583 = arith.index_cast %parallel_loop3A_581 : i32 to index
      %parallel_loop3A_584 = arith.index_cast %parallel_loop3A_582 : i32 to index
      %parallel_loop3A_585 = arith.index_cast %parallel_loop3A_113 : i32 to index
      %parallel_loop3A_586 = tpu.vector_load %arg8[%parallel_loop3A_583, %parallel_loop3A_584, %parallel_loop3A_585] {strides = array<i32>} : memref<4x8x1024xf32, #tpu.memory_space<vmem>>, vector<1x1x16xf32>,
      %parallel_loop3A_587 = vector.shape_cast %parallel_loop3A_586 : vector<1x1x16xf32> to vector<16xf32>
      %parallel_loop3A_588 = arith.addf %parallel_loop3A_587, %parallel_loop3A_532 : vector<16xf32>
      %parallel_loop3A_589 = arith.constant 3 : i32
      %parallel_loop3A_590 = arith.constant 6 : i32
      %parallel_loop3A_591 = arith.index_cast %parallel_loop3A_589 : i32 to index
      %parallel_loop3A_592 = arith.index_cast %parallel_loop3A_590 : i32 to index
      %parallel_loop3A_593 = arith.index_cast %parallel_loop3A_113 : i32 to index
      %parallel_loop3A_594 = tpu.vector_load %arg8[%parallel_loop3A_591, %parallel_loop3A_592, %parallel_loop3A_593] {strides = array<i32>} : memref<4x8x1024xf32, #tpu.memory_space<vmem>>, vector<1x1x16xf32>,
      %parallel_loop3A_595 = vector.shape_cast %parallel_loop3A_594 : vector<1x1x16xf32> to vector<16xf32>
      %parallel_loop3A_596 = vector.shape_cast %parallel_loop3A_588 : vector<16xf32> to vector<1x1x16xf32>
      tpu.vector_store %arg8[%parallel_loop3A_591, %parallel_loop3A_592, %parallel_loop3A_593], %parallel_loop3A_596 {strides = array<i32>} : memref<4x8x1024xf32, #tpu.memory_space<vmem>>, vector<1x1x16xf32>,
      %parallel_loop3A_597 = arith.constant 7 : i32
      %parallel_loop3A_598 = arith.index_cast %parallel_loop3A_597 : i32 to index
      %parallel_loop3A_599 = arith.index_cast %parallel_loop3A_113 : i32 to index
      %parallel_loop3A_600 = tpu.vector_load %arg5[%parallel_loop3A_598, %parallel_loop3A_599] {strides = array<i32>} : memref<8x1024xf32, #tpu.memory_space<vmem>>, vector<1x16xf32>,
      %parallel_loop3A_601 = vector.shape_cast %parallel_loop3A_600 : vector<1x16xf32> to vector<16xf32>
      %parallel_loop3A_602 = arith.constant 0 : i32
      %parallel_loop3A_603 = arith.constant 7 : i32
      %parallel_loop3A_604 = arith.index_cast %parallel_loop3A_602 : i32 to index
      %parallel_loop3A_605 = arith.index_cast %parallel_loop3A_603 : i32 to index
      %parallel_loop3A_606 = arith.index_cast %parallel_loop3A_113 : i32 to index
      %parallel_loop3A_607 = tpu.vector_load %arg8[%parallel_loop3A_604, %parallel_loop3A_605, %parallel_loop3A_606] {strides = array<i32>} : memref<4x8x1024xf32, #tpu.memory_space<vmem>>, vector<1x1x16xf32>,
      %parallel_loop3A_608 = vector.shape_cast %parallel_loop3A_607 : vector<1x1x16xf32> to vector<16xf32>
      %parallel_loop3A_609 = arith.addf %parallel_loop3A_608, %parallel_loop3A_601 : vector<16xf32>
      %parallel_loop3A_610 = arith.constant 0 : i32
      %parallel_loop3A_611 = arith.constant 7 : i32
      %parallel_loop3A_612 = arith.index_cast %parallel_loop3A_610 : i32 to index
      %parallel_loop3A_613 = arith.index_cast %parallel_loop3A_611 : i32 to index
      %parallel_loop3A_614 = arith.index_cast %parallel_loop3A_113 : i32 to index
      %parallel_loop3A_615 = tpu.vector_load %arg8[%parallel_loop3A_612, %parallel_loop3A_613, %parallel_loop3A_614] {strides = array<i32>} : memref<4x8x1024xf32, #tpu.memory_space<vmem>>, vector<1x1x16xf32>,
      %parallel_loop3A_616 = vector.shape_cast %parallel_loop3A_615 : vector<1x1x16xf32> to vector<16xf32>
      %parallel_loop3A_617 = vector.shape_cast %parallel_loop3A_609 : vector<16xf32> to vector<1x1x16xf32>
      tpu.vector_store %arg8[%parallel_loop3A_612, %parallel_loop3A_613, %parallel_loop3A_614], %parallel_loop3A_617 {strides = array<i32>} : memref<4x8x1024xf32, #tpu.memory_space<vmem>>, vector<1x1x16xf32>,
      %parallel_loop3A_618 = arith.constant 1 : i32
      %parallel_loop3A_619 = arith.constant 7 : i32
      %parallel_loop3A_620 = arith.index_cast %parallel_loop3A_618 : i32 to index
      %parallel_loop3A_621 = arith.index_cast %parallel_loop3A_619 : i32 to index
      %parallel_loop3A_622 = arith.index_cast %parallel_loop3A_113 : i32 to index
      %parallel_loop3A_623 = tpu.vector_load %arg8[%parallel_loop3A_620, %parallel_loop3A_621, %parallel_loop3A_622] {strides = array<i32>} : memref<4x8x1024xf32, #tpu.memory_space<vmem>>, vector<1x1x16xf32>,
      %parallel_loop3A_624 = vector.shape_cast %parallel_loop3A_623 : vector<1x1x16xf32> to vector<16xf32>
      %parallel_loop3A_625 = arith.addf %parallel_loop3A_624, %parallel_loop3A_601 : vector<16xf32>
      %parallel_loop3A_626 = arith.constant 1 : i32
      %parallel_loop3A_627 = arith.constant 7 : i32
      %parallel_loop3A_628 = arith.index_cast %parallel_loop3A_626 : i32 to index
      %parallel_loop3A_629 = arith.index_cast %parallel_loop3A_627 : i32 to index
      %parallel_loop3A_630 = arith.index_cast %parallel_loop3A_113 : i32 to index
      %parallel_loop3A_631 = tpu.vector_load %arg8[%parallel_loop3A_628, %parallel_loop3A_629, %parallel_loop3A_630] {strides = array<i32>} : memref<4x8x1024xf32, #tpu.memory_space<vmem>>, vector<1x1x16xf32>,
      %parallel_loop3A_632 = vector.shape_cast %parallel_loop3A_631 : vector<1x1x16xf32> to vector<16xf32>
      %parallel_loop3A_633 = vector.shape_cast %parallel_loop3A_625 : vector<16xf32> to vector<1x1x16xf32>
      tpu.vector_store %arg8[%parallel_loop3A_628, %parallel_loop3A_629, %parallel_loop3A_630], %parallel_loop3A_633 {strides = array<i32>} : memref<4x8x1024xf32, #tpu.memory_space<vmem>>, vector<1x1x16xf32>,
      %parallel_loop3A_634 = arith.constant 2 : i32
      %parallel_loop3A_635 = arith.constant 7 : i32
      %parallel_loop3A_636 = arith.index_cast %parallel_loop3A_634 : i32 to index
      %parallel_loop3A_637 = arith.index_cast %parallel_loop3A_635 : i32 to index
      %parallel_loop3A_638 = arith.index_cast %parallel_loop3A_113 : i32 to index
      %parallel_loop3A_639 = tpu.vector_load %arg8[%parallel_loop3A_636, %parallel_loop3A_637, %parallel_loop3A_638] {strides = array<i32>} : memref<4x8x1024xf32, #tpu.memory_space<vmem>>, vector<1x1x16xf32>,
      %parallel_loop3A_640 = vector.shape_cast %parallel_loop3A_639 : vector<1x1x16xf32> to vector<16xf32>
      %parallel_loop3A_641 = arith.addf %parallel_loop3A_640, %parallel_loop3A_601 : vector<16xf32>
      %parallel_loop3A_642 = arith.constant 2 : i32
      %parallel_loop3A_643 = arith.constant 7 : i32
      %parallel_loop3A_644 = arith.index_cast %parallel_loop3A_642 : i32 to index
      %parallel_loop3A_645 = arith.index_cast %parallel_loop3A_643 : i32 to index
      %parallel_loop3A_646 = arith.index_cast %parallel_loop3A_113 : i32 to index
      %parallel_loop3A_647 = tpu.vector_load %arg8[%parallel_loop3A_644, %parallel_loop3A_645, %parallel_loop3A_646] {strides = array<i32>} : memref<4x8x1024xf32, #tpu.memory_space<vmem>>, vector<1x1x16xf32>,
      %parallel_loop3A_648 = vector.shape_cast %parallel_loop3A_647 : vector<1x1x16xf32> to vector<16xf32>
      %parallel_loop3A_649 = vector.shape_cast %parallel_loop3A_641 : vector<16xf32> to vector<1x1x16xf32>
      tpu.vector_store %arg8[%parallel_loop3A_644, %parallel_loop3A_645, %parallel_loop3A_646], %parallel_loop3A_649 {strides = array<i32>} : memref<4x8x1024xf32, #tpu.memory_space<vmem>>, vector<1x1x16xf32>,
      %parallel_loop3A_650 = arith.constant 3 : i32
      %parallel_loop3A_651 = arith.constant 7 : i32
      %parallel_loop3A_652 = arith.index_cast %parallel_loop3A_650 : i32 to index
      %parallel_loop3A_653 = arith.index_cast %parallel_loop3A_651 : i32 to index
      %parallel_loop3A_654 = arith.index_cast %parallel_loop3A_113 : i32 to index
      %parallel_loop3A_655 = tpu.vector_load %arg8[%parallel_loop3A_652, %parallel_loop3A_653, %parallel_loop3A_654] {strides = array<i32>} : memref<4x8x1024xf32, #tpu.memory_space<vmem>>, vector<1x1x16xf32>,
      %parallel_loop3A_656 = vector.shape_cast %parallel_loop3A_655 : vector<1x1x16xf32> to vector<16xf32>
      %parallel_loop3A_657 = arith.addf %parallel_loop3A_656, %parallel_loop3A_601 : vector<16xf32>
      %parallel_loop3A_658 = arith.constant 3 : i32
      %parallel_loop3A_659 = arith.constant 7 : i32
      %parallel_loop3A_660 = arith.index_cast %parallel_loop3A_658 : i32 to index
      %parallel_loop3A_661 = arith.index_cast %parallel_loop3A_659 : i32 to index
      %parallel_loop3A_662 = arith.index_cast %parallel_loop3A_113 : i32 to index
      %parallel_loop3A_663 = tpu.vector_load %arg8[%parallel_loop3A_660, %parallel_loop3A_661, %parallel_loop3A_662] {strides = array<i32>} : memref<4x8x1024xf32, #tpu.memory_space<vmem>>, vector<1x1x16xf32>,
      %parallel_loop3A_664 = vector.shape_cast %parallel_loop3A_663 : vector<1x1x16xf32> to vector<16xf32>
      %parallel_loop3A_665 = vector.shape_cast %parallel_loop3A_657 : vector<16xf32> to vector<1x1x16xf32>
      tpu.vector_store %arg8[%parallel_loop3A_660, %parallel_loop3A_661, %parallel_loop3A_662], %parallel_loop3A_665 {strides = array<i32>} : memref<4x8x1024xf32, #tpu.memory_space<vmem>>, vector<1x1x16xf32>,
    } {sc.loop_unroll_factor = 1 : i64, sc.parallel_access}
    %add3A_54 = arith.constant 240 : i32
    %add3A_55 = arith.addi %mul3A_2, %add3A_54 : i32
    %dma_start3A_56 = arith.constant 0 : i32
    %dma_start3A_57 = arith.constant 0 : i32
    %dma_start3A_58 = tpu.memref_slice %arg4[%dma_start3A_56, %add3A_55, %dma_start3A_57] : memref<4x8192x1024xf32, #tpu.memory_space<hbm>> -> memref<4x8x1024xf32, #tpu.memory_space<hbm>>
    %dma_start3A_59 = arith.constant 0 : i32
    %dma_start3A_60 = arith.constant 0 : i32
    %dma_start3A_61 = tpu.memref_slice %arg4[%dma_start3A_59, %add3A_55, %dma_start3A_60] : memref<4x8192x1024xf32, #tpu.memory_space<hbm>> -> memref<4x8x1024xf32, #tpu.memory_space<hbm>>
    tpu.enqueue_dma source(%arg8 : memref<4x8x1024xf32, #tpu.memory_space<vmem>>) target(%dma_start3A_61 : memref<4x8x1024xf32, #tpu.memory_space<hbm>>) target_semaphore(%arg17 : memref<!tpu.dma_semaphore, #tpu.memory_space<semaphore_mem>>)
    %dma_wait3A_62 = arith.constant 0 : i32
    %dma_wait3A_63 = arith.constant 0 : i32
    %dma_wait3A_64 = arith.constant 0 : i32
    %dma_wait3A_65 = tpu.memref_slice %arg2[%dma_wait3A_62, %dma_wait3A_63, %dma_wait3A_64] : memref<4x8192x1024xf32, #tpu.memory_space<hbm>> -> memref<4x8x1024xf32, #tpu.memory_space<hbm>>
    %dma_wait3A_66 = arith.constant 0 : i32
    %dma_wait3A_67 = arith.constant 0 : i32
    %dma_wait3A_68 = arith.constant 0 : i32
    %dma_wait3A_69 = tpu.memref_slice %arg2[%dma_wait3A_66, %dma_wait3A_67, %dma_wait3A_68] : memref<4x8192x1024xf32, #tpu.memory_space<hbm>> -> memref<4x8x1024xf32, #tpu.memory_space<hbm>>
    tpu.wait_dma2 semaphore(%arg19 : memref<!tpu.dma_semaphore, #tpu.memory_space<semaphore_mem>>) src(%dma_wait3A_69 : memref<4x8x1024xf32, #tpu.memory_space<hbm>>) dst(%arg10 : memref<4x8x1024xf32, #tpu.memory_space<vmem>>)
    %dma_wait3A_70 = arith.constant 0 : i32
    %dma_wait3A_71 = arith.constant 0 : i32
    %dma_wait3A_72 = tpu.memref_slice %arg3[%dma_wait3A_70, %dma_wait3A_71] : memref<8192x1024xf32, #tpu.memory_space<hbm>> -> memref<8x1024xf32, #tpu.memory_space<hbm>>
    %dma_wait3A_73 = arith.constant 0 : i32
    %dma_wait3A_74 = arith.constant 0 : i32
    %dma_wait3A_75 = tpu.memref_slice %arg3[%dma_wait3A_73, %dma_wait3A_74] : memref<8192x1024xf32, #tpu.memory_space<hbm>> -> memref<8x1024xf32, #tpu.memory_space<hbm>>
    tpu.wait_dma2 semaphore(%arg12 : memref<!tpu.dma_semaphore, #tpu.memory_space<semaphore_mem>>) src(%dma_wait3A_75 : memref<8x1024xf32, #tpu.memory_space<hbm>>) dst(%arg6 : memref<8x1024xf32, #tpu.memory_space<vmem>>)
    %dma_wait3A_76 = arith.constant 0 : i32
    %dma_wait3A_77 = arith.constant 0 : i32
    %dma_wait3A_78 = arith.constant 0 : i32
    %dma_wait3A_79 = tpu.memref_slice %arg2[%dma_wait3A_76, %dma_wait3A_77, %dma_wait3A_78] : memref<4x8192x1024xf32, #tpu.memory_space<hbm>> -> memref<4x8x1024xf32, #tpu.memory_space<hbm>>
    %dma_wait3A_80 = arith.constant 0 : i32
    %dma_wait3A_81 = arith.constant 0 : i32
    %dma_wait3A_82 = arith.constant 0 : i32
    %dma_wait3A_83 = tpu.memref_slice %arg2[%dma_wait3A_80, %dma_wait3A_81, %dma_wait3A_82] : memref<4x8192x1024xf32, #tpu.memory_space<hbm>> -> memref<4x8x1024xf32, #tpu.memory_space<hbm>>
    tpu.wait_dma2 semaphore(%arg15 : memref<!tpu.dma_semaphore, #tpu.memory_space<semaphore_mem>>) src(%dma_wait3A_83 : memref<4x8x1024xf32, #tpu.memory_space<hbm>>) dst(%arg9 : memref<4x8x1024xf32, #tpu.memory_space<vmem>>)
    %parallel_loop3A_84 = arith.constant 0 : i32
    %parallel_loop3A_85 = arith.constant 64 : i32
    %parallel_loop3A_86 = arith.constant 1 : i32
    scf.for %parallel_loop3A_111 = %parallel_loop3A_84 to %parallel_loop3A_85 step %parallel_loop3A_86  : i32 {
      %parallel_loop3A_112 = arith.constant 16 : i32
      %parallel_loop3A_113 = arith.muli %parallel_loop3A_111, %parallel_loop3A_112 : i32
      %parallel_loop3A_114 = arith.constant 0 : i32
      %parallel_loop3A_115 = arith.index_cast %parallel_loop3A_114 : i32 to index
      %parallel_loop3A_116 = arith.index_cast %parallel_loop3A_113 : i32 to index
      %parallel_loop3A_117 = tpu.vector_load %arg6[%parallel_loop3A_115, %parallel_loop3A_116] {strides = array<i32>} : memref<8x1024xf32, #tpu.memory_space<vmem>>, vector<1x16xf32>,
      %parallel_loop3A_118 = vector.shape_cast %parallel_loop3A_117 : vector<1x16xf32> to vector<16xf32>
      %parallel_loop3A_119 = arith.constant 0 : i32
      %parallel_loop3A_120 = arith.constant 0 : i32
      %parallel_loop3A_121 = arith.index_cast %parallel_loop3A_119 : i32 to index
      %parallel_loop3A_122 = arith.index_cast %parallel_loop3A_120 : i32 to index
      %parallel_loop3A_123 = arith.index_cast %parallel_loop3A_113 : i32 to index
      %parallel_loop3A_124 = tpu.vector_load %arg9[%parallel_loop3A_121, %parallel_loop3A_122, %parallel_loop3A_123] {strides = array<i32>} : memref<4x8x1024xf32, #tpu.memory_space<vmem>>, vector<1x1x16xf32>,
      %parallel_loop3A_125 = vector.shape_cast %parallel_loop3A_124 : vector<1x1x16xf32> to vector<16xf32>
      %parallel_loop3A_126 = arith.addf %parallel_loop3A_125, %parallel_loop3A_118 : vector<16xf32>
      %parallel_loop3A_127 = arith.constant 0 : i32
      %parallel_loop3A_128 = arith.constant 0 : i32
      %parallel_loop3A_129 = arith.index_cast %parallel_loop3A_127 : i32 to index
      %parallel_loop3A_130 = arith.index_cast %parallel_loop3A_128 : i32 to index
      %parallel_loop3A_131 = arith.index_cast %parallel_loop3A_113 : i32 to index
      %parallel_loop3A_132 = tpu.vector_load %arg9[%parallel_loop3A_129, %parallel_loop3A_130, %parallel_loop3A_131] {strides = array<i32>} : memref<4x8x1024xf32, #tpu.memory_space<vmem>>, vector<1x1x16xf32>,
      %parallel_loop3A_133 = vector.shape_cast %parallel_loop3A_132 : vector<1x1x16xf32> to vector<16xf32>
      %parallel_loop3A_134 = vector.shape_cast %parallel_loop3A_126 : vector<16xf32> to vector<1x1x16xf32>
      tpu.vector_store %arg9[%parallel_loop3A_129, %parallel_loop3A_130, %parallel_loop3A_131], %parallel_loop3A_134 {strides = array<i32>} : memref<4x8x1024xf32, #tpu.memory_space<vmem>>, vector<1x1x16xf32>,
      %parallel_loop3A_135 = arith.constant 1 : i32
      %parallel_loop3A_136 = arith.constant 0 : i32
      %parallel_loop3A_137 = arith.index_cast %parallel_loop3A_135 : i32 to index
      %parallel_loop3A_138 = arith.index_cast %parallel_loop3A_136 : i32 to index
      %parallel_loop3A_139 = arith.index_cast %parallel_loop3A_113 : i32 to index
      %parallel_loop3A_140 = tpu.vector_load %arg9[%parallel_loop3A_137, %parallel_loop3A_138, %parallel_loop3A_139] {strides = array<i32>} : memref<4x8x1024xf32, #tpu.memory_space<vmem>>, vector<1x1x16xf32>,
      %parallel_loop3A_141 = vector.shape_cast %parallel_loop3A_140 : vector<1x1x16xf32> to vector<16xf32>
      %parallel_loop3A_142 = arith.addf %parallel_loop3A_141, %parallel_loop3A_118 : vector<16xf32>
      %parallel_loop3A_143 = arith.constant 1 : i32
      %parallel_loop3A_144 = arith.constant 0 : i32
      %parallel_loop3A_145 = arith.index_cast %parallel_loop3A_143 : i32 to index
      %parallel_loop3A_146 = arith.index_cast %parallel_loop3A_144 : i32 to index
      %parallel_loop3A_147 = arith.index_cast %parallel_loop3A_113 : i32 to index
      %parallel_loop3A_148 = tpu.vector_load %arg9[%parallel_loop3A_145, %parallel_loop3A_146, %parallel_loop3A_147] {strides = array<i32>} : memref<4x8x1024xf32, #tpu.memory_space<vmem>>, vector<1x1x16xf32>,
      %parallel_loop3A_149 = vector.shape_cast %parallel_loop3A_148 : vector<1x1x16xf32> to vector<16xf32>
      %parallel_loop3A_150 = vector.shape_cast %parallel_loop3A_142 : vector<16xf32> to vector<1x1x16xf32>
      tpu.vector_store %arg9[%parallel_loop3A_145, %parallel_loop3A_146, %parallel_loop3A_147], %parallel_loop3A_150 {strides = array<i32>} : memref<4x8x1024xf32, #tpu.memory_space<vmem>>, vector<1x1x16xf32>,
      %parallel_loop3A_151 = arith.constant 2 : i32
      %parallel_loop3A_152 = arith.constant 0 : i32
      %parallel_loop3A_153 = arith.index_cast %parallel_loop3A_151 : i32 to index
      %parallel_loop3A_154 = arith.index_cast %parallel_loop3A_152 : i32 to index
      %parallel_loop3A_155 = arith.index_cast %parallel_loop3A_113 : i32 to index
      %parallel_loop3A_156 = tpu.vector_load %arg9[%parallel_loop3A_153, %parallel_loop3A_154, %parallel_loop3A_155] {strides = array<i32>} : memref<4x8x1024xf32, #tpu.memory_space<vmem>>, vector<1x1x16xf32>,
      %parallel_loop3A_157 = vector.shape_cast %parallel_loop3A_156 : vector<1x1x16xf32> to vector<16xf32>
      %parallel_loop3A_158 = arith.addf %parallel_loop3A_157, %parallel_loop3A_118 : vector<16xf32>
      %parallel_loop3A_159 = arith.constant 2 : i32
      %parallel_loop3A_160 = arith.constant 0 : i32
      %parallel_loop3A_161 = arith.index_cast %parallel_loop3A_159 : i32 to index
      %parallel_loop3A_162 = arith.index_cast %parallel_loop3A_160 : i32 to index
      %parallel_loop3A_163 = arith.index_cast %parallel_loop3A_113 : i32 to index
      %parallel_loop3A_164 = tpu.vector_load %arg9[%parallel_loop3A_161, %parallel_loop3A_162, %parallel_loop3A_163] {strides = array<i32>} : memref<4x8x1024xf32, #tpu.memory_space<vmem>>, vector<1x1x16xf32>,
      %parallel_loop3A_165 = vector.shape_cast %parallel_loop3A_164 : vector<1x1x16xf32> to vector<16xf32>
      %parallel_loop3A_166 = vector.shape_cast %parallel_loop3A_158 : vector<16xf32> to vector<1x1x16xf32>
      tpu.vector_store %arg9[%parallel_loop3A_161, %parallel_loop3A_162, %parallel_loop3A_163], %parallel_loop3A_166 {strides = array<i32>} : memref<4x8x1024xf32, #tpu.memory_space<vmem>>, vector<1x1x16xf32>,
      %parallel_loop3A_167 = arith.constant 3 : i32
      %parallel_loop3A_168 = arith.constant 0 : i32
      %parallel_loop3A_169 = arith.index_cast %parallel_loop3A_167 : i32 to index
      %parallel_loop3A_170 = arith.index_cast %parallel_loop3A_168 : i32 to index
      %parallel_loop3A_171 = arith.index_cast %parallel_loop3A_113 : i32 to index
      %parallel_loop3A_172 = tpu.vector_load %arg9[%parallel_loop3A_169, %parallel_loop3A_170, %parallel_loop3A_171] {strides = array<i32>} : memref<4x8x1024xf32, #tpu.memory_space<vmem>>, vector<1x1x16xf32>,
      %parallel_loop3A_173 = vector.shape_cast %parallel_loop3A_172 : vector<1x1x16xf32> to vector<16xf32>
      %parallel_loop3A_174 = arith.addf %parallel_loop3A_173, %parallel_loop3A_118 : vector<16xf32>
      %parallel_loop3A_175 = arith.constant 3 : i32
      %parallel_loop3A_176 = arith.constant 0 : i32
      %parallel_loop3A_177 = arith.index_cast %parallel_loop3A_175 : i32 to index
      %parallel_loop3A_178 = arith.index_cast %parallel_loop3A_176 : i32 to index
      %parallel_loop3A_179 = arith.index_cast %parallel_loop3A_113 : i32 to index
      %parallel_loop3A_180 = tpu.vector_load %arg9[%parallel_loop3A_177, %parallel_loop3A_178, %parallel_loop3A_179] {strides = array<i32>} : memref<4x8x1024xf32, #tpu.memory_space<vmem>>, vector<1x1x16xf32>,
      %parallel_loop3A_181 = vector.shape_cast %parallel_loop3A_180 : vector<1x1x16xf32> to vector<16xf32>
      %parallel_loop3A_182 = vector.shape_cast %parallel_loop3A_174 : vector<16xf32> to vector<1x1x16xf32>
      tpu.vector_store %arg9[%parallel_loop3A_177, %parallel_loop3A_178, %parallel_loop3A_179], %parallel_loop3A_182 {strides = array<i32>} : memref<4x8x1024xf32, #tpu.memory_space<vmem>>, vector<1x1x16xf32>,
      %parallel_loop3A_183 = arith.constant 1 : i32
      %parallel_loop3A_184 = arith.index_cast %parallel_loop3A_183 : i32 to index
      %parallel_loop3A_185 = arith.index_cast %parallel_loop3A_113 : i32 to index
      %parallel_loop3A_186 = tpu.vector_load %arg6[%parallel_loop3A_184, %parallel_loop3A_185] {strides = array<i32>} : memref<8x1024xf32, #tpu.memory_space<vmem>>, vector<1x16xf32>,
      %parallel_loop3A_187 = vector.shape_cast %parallel_loop3A_186 : vector<1x16xf32> to vector<16xf32>
      %parallel_loop3A_188 = arith.constant 0 : i32
      %parallel_loop3A_189 = arith.constant 1 : i32
      %parallel_loop3A_190 = arith.index_cast %parallel_loop3A_188 : i32 to index
      %parallel_loop3A_191 = arith.index_cast %parallel_loop3A_189 : i32 to index
      %parallel_loop3A_192 = arith.index_cast %parallel_loop3A_113 : i32 to index
      %parallel_loop3A_193 = tpu.vector_load %arg9[%parallel_loop3A_190, %parallel_loop3A_191, %parallel_loop3A_192] {strides = array<i32>} : memref<4x8x1024xf32, #tpu.memory_space<vmem>>, vector<1x1x16xf32>,
      %parallel_loop3A_194 = vector.shape_cast %parallel_loop3A_193 : vector<1x1x16xf32> to vector<16xf32>
      %parallel_loop3A_195 = arith.addf %parallel_loop3A_194, %parallel_loop3A_187 : vector<16xf32>
      %parallel_loop3A_196 = arith.constant 0 : i32
      %parallel_loop3A_197 = arith.constant 1 : i32
      %parallel_loop3A_198 = arith.index_cast %parallel_loop3A_196 : i32 to index
      %parallel_loop3A_199 = arith.index_cast %parallel_loop3A_197 : i32 to index
      %parallel_loop3A_200 = arith.index_cast %parallel_loop3A_113 : i32 to index
      %parallel_loop3A_201 = tpu.vector_load %arg9[%parallel_loop3A_198, %parallel_loop3A_199, %parallel_loop3A_200] {strides = array<i32>} : memref<4x8x1024xf32, #tpu.memory_space<vmem>>, vector<1x1x16xf32>,
      %parallel_loop3A_202 = vector.shape_cast %parallel_loop3A_201 : vector<1x1x16xf32> to vector<16xf32>
      %parallel_loop3A_203 = vector.shape_cast %parallel_loop3A_195 : vector<16xf32> to vector<1x1x16xf32>
      tpu.vector_store %arg9[%parallel_loop3A_198, %parallel_loop3A_199, %parallel_loop3A_200], %parallel_loop3A_203 {strides = array<i32>} : memref<4x8x1024xf32, #tpu.memory_space<vmem>>, vector<1x1x16xf32>,
      %parallel_loop3A_204 = arith.constant 1 : i32
      %parallel_loop3A_205 = arith.constant 1 : i32
      %parallel_loop3A_206 = arith.index_cast %parallel_loop3A_204 : i32 to index
      %parallel_loop3A_207 = arith.index_cast %parallel_loop3A_205 : i32 to index
      %parallel_loop3A_208 = arith.index_cast %parallel_loop3A_113 : i32 to index
      %parallel_loop3A_209 = tpu.vector_load %arg9[%parallel_loop3A_206, %parallel_loop3A_207, %parallel_loop3A_208] {strides = array<i32>} : memref<4x8x1024xf32, #tpu.memory_space<vmem>>, vector<1x1x16xf32>,
      %parallel_loop3A_210 = vector.shape_cast %parallel_loop3A_209 : vector<1x1x16xf32> to vector<16xf32>
      %parallel_loop3A_211 = arith.addf %parallel_loop3A_210, %parallel_loop3A_187 : vector<16xf32>
      %parallel_loop3A_212 = arith.constant 1 : i32
      %parallel_loop3A_213 = arith.constant 1 : i32
      %parallel_loop3A_214 = arith.index_cast %parallel_loop3A_212 : i32 to index
      %parallel_loop3A_215 = arith.index_cast %parallel_loop3A_213 : i32 to index
      %parallel_loop3A_216 = arith.index_cast %parallel_loop3A_113 : i32 to index
      %parallel_loop3A_217 = tpu.vector_load %arg9[%parallel_loop3A_214, %parallel_loop3A_215, %parallel_loop3A_216] {strides = array<i32>} : memref<4x8x1024xf32, #tpu.memory_space<vmem>>, vector<1x1x16xf32>,
      %parallel_loop3A_218 = vector.shape_cast %parallel_loop3A_217 : vector<1x1x16xf32> to vector<16xf32>
      %parallel_loop3A_219 = vector.shape_cast %parallel_loop3A_211 : vector<16xf32> to vector<1x1x16xf32>
      tpu.vector_store %arg9[%parallel_loop3A_214, %parallel_loop3A_215, %parallel_loop3A_216], %parallel_loop3A_219 {strides = array<i32>} : memref<4x8x1024xf32, #tpu.memory_space<vmem>>, vector<1x1x16xf32>,
      %parallel_loop3A_220 = arith.constant 2 : i32
      %parallel_loop3A_221 = arith.constant 1 : i32
      %parallel_loop3A_222 = arith.index_cast %parallel_loop3A_220 : i32 to index
      %parallel_loop3A_223 = arith.index_cast %parallel_loop3A_221 : i32 to index
      %parallel_loop3A_224 = arith.index_cast %parallel_loop3A_113 : i32 to index
      %parallel_loop3A_225 = tpu.vector_load %arg9[%parallel_loop3A_222, %parallel_loop3A_223, %parallel_loop3A_224] {strides = array<i32>} : memref<4x8x1024xf32, #tpu.memory_space<vmem>>, vector<1x1x16xf32>,
      %parallel_loop3A_226 = vector.shape_cast %parallel_loop3A_225 : vector<1x1x16xf32> to vector<16xf32>
      %parallel_loop3A_227 = arith.addf %parallel_loop3A_226, %parallel_loop3A_187 : vector<16xf32>
      %parallel_loop3A_228 = arith.constant 2 : i32
      %parallel_loop3A_229 = arith.constant 1 : i32
      %parallel_loop3A_230 = arith.index_cast %parallel_loop3A_228 : i32 to index
      %parallel_loop3A_231 = arith.index_cast %parallel_loop3A_229 : i32 to index
      %parallel_loop3A_232 = arith.index_cast %parallel_loop3A_113 : i32 to index
      %parallel_loop3A_233 = tpu.vector_load %arg9[%parallel_loop3A_230, %parallel_loop3A_231, %parallel_loop3A_232] {strides = array<i32>} : memref<4x8x1024xf32, #tpu.memory_space<vmem>>, vector<1x1x16xf32>,
      %parallel_loop3A_234 = vector.shape_cast %parallel_loop3A_233 : vector<1x1x16xf32> to vector<16xf32>
      %parallel_loop3A_235 = vector.shape_cast %parallel_loop3A_227 : vector<16xf32> to vector<1x1x16xf32>
      tpu.vector_store %arg9[%parallel_loop3A_230, %parallel_loop3A_231, %parallel_loop3A_232], %parallel_loop3A_235 {strides = array<i32>} : memref<4x8x1024xf32, #tpu.memory_space<vmem>>, vector<1x1x16xf32>,
      %parallel_loop3A_236 = arith.constant 3 : i32
      %parallel_loop3A_237 = arith.constant 1 : i32
      %parallel_loop3A_238 = arith.index_cast %parallel_loop3A_236 : i32 to index
      %parallel_loop3A_239 = arith.index_cast %parallel_loop3A_237 : i32 to index
      %parallel_loop3A_240 = arith.index_cast %parallel_loop3A_113 : i32 to index
      %parallel_loop3A_241 = tpu.vector_load %arg9[%parallel_loop3A_238, %parallel_loop3A_239, %parallel_loop3A_240] {strides = array<i32>} : memref<4x8x1024xf32, #tpu.memory_space<vmem>>, vector<1x1x16xf32>,
      %parallel_loop3A_242 = vector.shape_cast %parallel_loop3A_241 : vector<1x1x16xf32> to vector<16xf32>
      %parallel_loop3A_243 = arith.addf %parallel_loop3A_242, %parallel_loop3A_187 : vector<16xf32>
      %parallel_loop3A_244 = arith.constant 3 : i32
      %parallel_loop3A_245 = arith.constant 1 : i32
      %parallel_loop3A_246 = arith.index_cast %parallel_loop3A_244 : i32 to index
      %parallel_loop3A_247 = arith.index_cast %parallel_loop3A_245 : i32 to index
      %parallel_loop3A_248 = arith.index_cast %parallel_loop3A_113 : i32 to index
      %parallel_loop3A_249 = tpu.vector_load %arg9[%parallel_loop3A_246, %parallel_loop3A_247, %parallel_loop3A_248] {strides = array<i32>} : memref<4x8x1024xf32, #tpu.memory_space<vmem>>, vector<1x1x16xf32>,
      %parallel_loop3A_250 = vector.shape_cast %parallel_loop3A_249 : vector<1x1x16xf32> to vector<16xf32>
      %parallel_loop3A_251 = vector.shape_cast %parallel_loop3A_243 : vector<16xf32> to vector<1x1x16xf32>
      tpu.vector_store %arg9[%parallel_loop3A_246, %parallel_loop3A_247, %parallel_loop3A_248], %parallel_loop3A_251 {strides = array<i32>} : memref<4x8x1024xf32, #tpu.memory_space<vmem>>, vector<1x1x16xf32>,
      %parallel_loop3A_252 = arith.constant 2 : i32
      %parallel_loop3A_253 = arith.index_cast %parallel_loop3A_252 : i32 to index
      %parallel_loop3A_254 = arith.index_cast %parallel_loop3A_113 : i32 to index
      %parallel_loop3A_255 = tpu.vector_load %arg6[%parallel_loop3A_253, %parallel_loop3A_254] {strides = array<i32>} : memref<8x1024xf32, #tpu.memory_space<vmem>>, vector<1x16xf32>,
      %parallel_loop3A_256 = vector.shape_cast %parallel_loop3A_255 : vector<1x16xf32> to vector<16xf32>
      %parallel_loop3A_257 = arith.constant 0 : i32
      %parallel_loop3A_258 = arith.constant 2 : i32
      %parallel_loop3A_259 = arith.index_cast %parallel_loop3A_257 : i32 to index
      %parallel_loop3A_260 = arith.index_cast %parallel_loop3A_258 : i32 to index
      %parallel_loop3A_261 = arith.index_cast %parallel_loop3A_113 : i32 to index
      %parallel_loop3A_262 = tpu.vector_load %arg9[%parallel_loop3A_259, %parallel_loop3A_260, %parallel_loop3A_261] {strides = array<i32>} : memref<4x8x1024xf32, #tpu.memory_space<vmem>>, vector<1x1x16xf32>,
      %parallel_loop3A_263 = vector.shape_cast %parallel_loop3A_262 : vector<1x1x16xf32> to vector<16xf32>
      %parallel_loop3A_264 = arith.addf %parallel_loop3A_263, %parallel_loop3A_256 : vector<16xf32>
      %parallel_loop3A_265 = arith.constant 0 : i32
      %parallel_loop3A_266 = arith.constant 2 : i32
      %parallel_loop3A_267 = arith.index_cast %parallel_loop3A_265 : i32 to index
      %parallel_loop3A_268 = arith.index_cast %parallel_loop3A_266 : i32 to index
      %parallel_loop3A_269 = arith.index_cast %parallel_loop3A_113 : i32 to index
      %parallel_loop3A_270 = tpu.vector_load %arg9[%parallel_loop3A_267, %parallel_loop3A_268, %parallel_loop3A_269] {strides = array<i32>} : memref<4x8x1024xf32, #tpu.memory_space<vmem>>, vector<1x1x16xf32>,
      %parallel_loop3A_271 = vector.shape_cast %parallel_loop3A_270 : vector<1x1x16xf32> to vector<16xf32>
      %parallel_loop3A_272 = vector.shape_cast %parallel_loop3A_264 : vector<16xf32> to vector<1x1x16xf32>
      tpu.vector_store %arg9[%parallel_loop3A_267, %parallel_loop3A_268, %parallel_loop3A_269], %parallel_loop3A_272 {strides = array<i32>} : memref<4x8x1024xf32, #tpu.memory_space<vmem>>, vector<1x1x16xf32>,
      %parallel_loop3A_273 = arith.constant 1 : i32
      %parallel_loop3A_274 = arith.constant 2 : i32
      %parallel_loop3A_275 = arith.index_cast %parallel_loop3A_273 : i32 to index
      %parallel_loop3A_276 = arith.index_cast %parallel_loop3A_274 : i32 to index
      %parallel_loop3A_277 = arith.index_cast %parallel_loop3A_113 : i32 to index
      %parallel_loop3A_278 = tpu.vector_load %arg9[%parallel_loop3A_275, %parallel_loop3A_276, %parallel_loop3A_277] {strides = array<i32>} : memref<4x8x1024xf32, #tpu.memory_space<vmem>>, vector<1x1x16xf32>,
      %parallel_loop3A_279 = vector.shape_cast %parallel_loop3A_278 : vector<1x1x16xf32> to vector<16xf32>
      %parallel_loop3A_280 = arith.addf %parallel_loop3A_279, %parallel_loop3A_256 : vector<16xf32>
      %parallel_loop3A_281 = arith.constant 1 : i32
      %parallel_loop3A_282 = arith.constant 2 : i32
      %parallel_loop3A_283 = arith.index_cast %parallel_loop3A_281 : i32 to index
      %parallel_loop3A_284 = arith.index_cast %parallel_loop3A_282 : i32 to index
      %parallel_loop3A_285 = arith.index_cast %parallel_loop3A_113 : i32 to index
      %parallel_loop3A_286 = tpu.vector_load %arg9[%parallel_loop3A_283, %parallel_loop3A_284, %parallel_loop3A_285] {strides = array<i32>} : memref<4x8x1024xf32, #tpu.memory_space<vmem>>, vector<1x1x16xf32>,
      %parallel_loop3A_287 = vector.shape_cast %parallel_loop3A_286 : vector<1x1x16xf32> to vector<16xf32>
      %parallel_loop3A_288 = vector.shape_cast %parallel_loop3A_280 : vector<16xf32> to vector<1x1x16xf32>
      tpu.vector_store %arg9[%parallel_loop3A_283, %parallel_loop3A_284, %parallel_loop3A_285], %parallel_loop3A_288 {strides = array<i32>} : memref<4x8x1024xf32, #tpu.memory_space<vmem>>, vector<1x1x16xf32>,
      %parallel_loop3A_289 = arith.constant 2 : i32
      %parallel_loop3A_290 = arith.constant 2 : i32
      %parallel_loop3A_291 = arith.index_cast %parallel_loop3A_289 : i32 to index
      %parallel_loop3A_292 = arith.index_cast %parallel_loop3A_290 : i32 to index
      %parallel_loop3A_293 = arith.index_cast %parallel_loop3A_113 : i32 to index
      %parallel_loop3A_294 = tpu.vector_load %arg9[%parallel_loop3A_291, %parallel_loop3A_292, %parallel_loop3A_293] {strides = array<i32>} : memref<4x8x1024xf32, #tpu.memory_space<vmem>>, vector<1x1x16xf32>,
      %parallel_loop3A_295 = vector.shape_cast %parallel_loop3A_294 : vector<1x1x16xf32> to vector<16xf32>
      %parallel_loop3A_296 = arith.addf %parallel_loop3A_295, %parallel_loop3A_256 : vector<16xf32>
      %parallel_loop3A_297 = arith.constant 2 : i32
      %parallel_loop3A_298 = arith.constant 2 : i32
      %parallel_loop3A_299 = arith.index_cast %parallel_loop3A_297 : i32 to index
      %parallel_loop3A_300 = arith.index_cast %parallel_loop3A_298 : i32 to index
      %parallel_loop3A_301 = arith.index_cast %parallel_loop3A_113 : i32 to index
      %parallel_loop3A_302 = tpu.vector_load %arg9[%parallel_loop3A_299, %parallel_loop3A_300, %parallel_loop3A_301] {strides = array<i32>} : memref<4x8x1024xf32, #tpu.memory_space<vmem>>, vector<1x1x16xf32>,
      %parallel_loop3A_303 = vector.shape_cast %parallel_loop3A_302 : vector<1x1x16xf32> to vector<16xf32>
      %parallel_loop3A_304 = vector.shape_cast %parallel_loop3A_296 : vector<16xf32> to vector<1x1x16xf32>
      tpu.vector_store %arg9[%parallel_loop3A_299, %parallel_loop3A_300, %parallel_loop3A_301], %parallel_loop3A_304 {strides = array<i32>} : memref<4x8x1024xf32, #tpu.memory_space<vmem>>, vector<1x1x16xf32>,
      %parallel_loop3A_305 = arith.constant 3 : i32
      %parallel_loop3A_306 = arith.constant 2 : i32
      %parallel_loop3A_307 = arith.index_cast %parallel_loop3A_305 : i32 to index
      %parallel_loop3A_308 = arith.index_cast %parallel_loop3A_306 : i32 to index
      %parallel_loop3A_309 = arith.index_cast %parallel_loop3A_113 : i32 to index
      %parallel_loop3A_310 = tpu.vector_load %arg9[%parallel_loop3A_307, %parallel_loop3A_308, %parallel_loop3A_309] {strides = array<i32>} : memref<4x8x1024xf32, #tpu.memory_space<vmem>>, vector<1x1x16xf32>,
      %parallel_loop3A_311 = vector.shape_cast %parallel_loop3A_310 : vector<1x1x16xf32> to vector<16xf32>
      %parallel_loop3A_312 = arith.addf %parallel_loop3A_311, %parallel_loop3A_256 : vector<16xf32>
      %parallel_loop3A_313 = arith.constant 3 : i32
      %parallel_loop3A_314 = arith.constant 2 : i32
      %parallel_loop3A_315 = arith.index_cast %parallel_loop3A_313 : i32 to index
      %parallel_loop3A_316 = arith.index_cast %parallel_loop3A_314 : i32 to index
      %parallel_loop3A_317 = arith.index_cast %parallel_loop3A_113 : i32 to index
      %parallel_loop3A_318 = tpu.vector_load %arg9[%parallel_loop3A_315, %parallel_loop3A_316, %parallel_loop3A_317] {strides = array<i32>} : memref<4x8x1024xf32, #tpu.memory_space<vmem>>, vector<1x1x16xf32>,
      %parallel_loop3A_319 = vector.shape_cast %parallel_loop3A_318 : vector<1x1x16xf32> to vector<16xf32>
      %parallel_loop3A_320 = vector.shape_cast %parallel_loop3A_312 : vector<16xf32> to vector<1x1x16xf32>
      tpu.vector_store %arg9[%parallel_loop3A_315, %parallel_loop3A_316, %parallel_loop3A_317], %parallel_loop3A_320 {strides = array<i32>} : memref<4x8x1024xf32, #tpu.memory_space<vmem>>, vector<1x1x16xf32>,
      %parallel_loop3A_321 = arith.constant 3 : i32
      %parallel_loop3A_322 = arith.index_cast %parallel_loop3A_321 : i32 to index
      %parallel_loop3A_323 = arith.index_cast %parallel_loop3A_113 : i32 to index
      %parallel_loop3A_324 = tpu.vector_load %arg6[%parallel_loop3A_322, %parallel_loop3A_323] {strides = array<i32>} : memref<8x1024xf32, #tpu.memory_space<vmem>>, vector<1x16xf32>,
      %parallel_loop3A_325 = vector.shape_cast %parallel_loop3A_324 : vector<1x16xf32> to vector<16xf32>
      %parallel_loop3A_326 = arith.constant 0 : i32
      %parallel_loop3A_327 = arith.constant 3 : i32
      %parallel_loop3A_328 = arith.index_cast %parallel_loop3A_326 : i32 to index
      %parallel_loop3A_329 = arith.index_cast %parallel_loop3A_327 : i32 to index
      %parallel_loop3A_330 = arith.index_cast %parallel_loop3A_113 : i32 to index
      %parallel_loop3A_331 = tpu.vector_load %arg9[%parallel_loop3A_328, %parallel_loop3A_329, %parallel_loop3A_330] {strides = array<i32>} : memref<4x8x1024xf32, #tpu.memory_space<vmem>>, vector<1x1x16xf32>,
      %parallel_loop3A_332 = vector.shape_cast %parallel_loop3A_331 : vector<1x1x16xf32> to vector<16xf32>
      %parallel_loop3A_333 = arith.addf %parallel_loop3A_332, %parallel_loop3A_325 : vector<16xf32>
      %parallel_loop3A_334 = arith.constant 0 : i32
      %parallel_loop3A_335 = arith.constant 3 : i32
      %parallel_loop3A_336 = arith.index_cast %parallel_loop3A_334 : i32 to index
      %parallel_loop3A_337 = arith.index_cast %parallel_loop3A_335 : i32 to index
      %parallel_loop3A_338 = arith.index_cast %parallel_loop3A_113 : i32 to index
      %parallel_loop3A_339 = tpu.vector_load %arg9[%parallel_loop3A_336, %parallel_loop3A_337, %parallel_loop3A_338] {strides = array<i32>} : memref<4x8x1024xf32, #tpu.memory_space<vmem>>, vector<1x1x16xf32>,
      %parallel_loop3A_340 = vector.shape_cast %parallel_loop3A_339 : vector<1x1x16xf32> to vector<16xf32>
      %parallel_loop3A_341 = vector.shape_cast %parallel_loop3A_333 : vector<16xf32> to vector<1x1x16xf32>
      tpu.vector_store %arg9[%parallel_loop3A_336, %parallel_loop3A_337, %parallel_loop3A_338], %parallel_loop3A_341 {strides = array<i32>} : memref<4x8x1024xf32, #tpu.memory_space<vmem>>, vector<1x1x16xf32>,
      %parallel_loop3A_342 = arith.constant 1 : i32
      %parallel_loop3A_343 = arith.constant 3 : i32
      %parallel_loop3A_344 = arith.index_cast %parallel_loop3A_342 : i32 to index
      %parallel_loop3A_345 = arith.index_cast %parallel_loop3A_343 : i32 to index
      %parallel_loop3A_346 = arith.index_cast %parallel_loop3A_113 : i32 to index
      %parallel_loop3A_347 = tpu.vector_load %arg9[%parallel_loop3A_344, %parallel_loop3A_345, %parallel_loop3A_346] {strides = array<i32>} : memref<4x8x1024xf32, #tpu.memory_space<vmem>>, vector<1x1x16xf32>,
      %parallel_loop3A_348 = vector.shape_cast %parallel_loop3A_347 : vector<1x1x16xf32> to vector<16xf32>
      %parallel_loop3A_349 = arith.addf %parallel_loop3A_348, %parallel_loop3A_325 : vector<16xf32>
      %parallel_loop3A_350 = arith.constant 1 : i32
      %parallel_loop3A_351 = arith.constant 3 : i32
      %parallel_loop3A_352 = arith.index_cast %parallel_loop3A_350 : i32 to index
      %parallel_loop3A_353 = arith.index_cast %parallel_loop3A_351 : i32 to index
      %parallel_loop3A_354 = arith.index_cast %parallel_loop3A_113 : i32 to index
      %parallel_loop3A_355 = tpu.vector_load %arg9[%parallel_loop3A_352, %parallel_loop3A_353, %parallel_loop3A_354] {strides = array<i32>} : memref<4x8x1024xf32, #tpu.memory_space<vmem>>, vector<1x1x16xf32>,
      %parallel_loop3A_356 = vector.shape_cast %parallel_loop3A_355 : vector<1x1x16xf32> to vector<16xf32>
      %parallel_loop3A_357 = vector.shape_cast %parallel_loop3A_349 : vector<16xf32> to vector<1x1x16xf32>
      tpu.vector_store %arg9[%parallel_loop3A_352, %parallel_loop3A_353, %parallel_loop3A_354], %parallel_loop3A_357 {strides = array<i32>} : memref<4x8x1024xf32, #tpu.memory_space<vmem>>, vector<1x1x16xf32>,
      %parallel_loop3A_358 = arith.constant 2 : i32
      %parallel_loop3A_359 = arith.constant 3 : i32
      %parallel_loop3A_360 = arith.index_cast %parallel_loop3A_358 : i32 to index
      %parallel_loop3A_361 = arith.index_cast %parallel_loop3A_359 : i32 to index
      %parallel_loop3A_362 = arith.index_cast %parallel_loop3A_113 : i32 to index
      %parallel_loop3A_363 = tpu.vector_load %arg9[%parallel_loop3A_360, %parallel_loop3A_361, %parallel_loop3A_362] {strides = array<i32>} : memref<4x8x1024xf32, #tpu.memory_space<vmem>>, vector<1x1x16xf32>,
      %parallel_loop3A_364 = vector.shape_cast %parallel_loop3A_363 : vector<1x1x16xf32> to vector<16xf32>
      %parallel_loop3A_365 = arith.addf %parallel_loop3A_364, %parallel_loop3A_325 : vector<16xf32>
      %parallel_loop3A_366 = arith.constant 2 : i32
      %parallel_loop3A_367 = arith.constant 3 : i32
      %parallel_loop3A_368 = arith.index_cast %parallel_loop3A_366 : i32 to index
      %parallel_loop3A_369 = arith.index_cast %parallel_loop3A_367 : i32 to index
      %parallel_loop3A_370 = arith.index_cast %parallel_loop3A_113 : i32 to index
      %parallel_loop3A_371 = tpu.vector_load %arg9[%parallel_loop3A_368, %parallel_loop3A_369, %parallel_loop3A_370] {strides = array<i32>} : memref<4x8x1024xf32, #tpu.memory_space<vmem>>, vector<1x1x16xf32>,
      %parallel_loop3A_372 = vector.shape_cast %parallel_loop3A_371 : vector<1x1x16xf32> to vector<16xf32>
      %parallel_loop3A_373 = vector.shape_cast %parallel_loop3A_365 : vector<16xf32> to vector<1x1x16xf32>
      tpu.vector_store %arg9[%parallel_loop3A_368, %parallel_loop3A_369, %parallel_loop3A_370], %parallel_loop3A_373 {strides = array<i32>} : memref<4x8x1024xf32, #tpu.memory_space<vmem>>, vector<1x1x16xf32>,
      %parallel_loop3A_374 = arith.constant 3 : i32
      %parallel_loop3A_375 = arith.constant 3 : i32
      %parallel_loop3A_376 = arith.index_cast %parallel_loop3A_374 : i32 to index
      %parallel_loop3A_377 = arith.index_cast %parallel_loop3A_375 : i32 to index
      %parallel_loop3A_378 = arith.index_cast %parallel_loop3A_113 : i32 to index
      %parallel_loop3A_379 = tpu.vector_load %arg9[%parallel_loop3A_376, %parallel_loop3A_377, %parallel_loop3A_378] {strides = array<i32>} : memref<4x8x1024xf32, #tpu.memory_space<vmem>>, vector<1x1x16xf32>,
      %parallel_loop3A_380 = vector.shape_cast %parallel_loop3A_379 : vector<1x1x16xf32> to vector<16xf32>
      %parallel_loop3A_381 = arith.addf %parallel_loop3A_380, %parallel_loop3A_325 : vector<16xf32>
      %parallel_loop3A_382 = arith.constant 3 : i32
      %parallel_loop3A_383 = arith.constant 3 : i32
      %parallel_loop3A_384 = arith.index_cast %parallel_loop3A_382 : i32 to index
      %parallel_loop3A_385 = arith.index_cast %parallel_loop3A_383 : i32 to index
      %parallel_loop3A_386 = arith.index_cast %parallel_loop3A_113 : i32 to index
      %parallel_loop3A_387 = tpu.vector_load %arg9[%parallel_loop3A_384, %parallel_loop3A_385, %parallel_loop3A_386] {strides = array<i32>} : memref<4x8x1024xf32, #tpu.memory_space<vmem>>, vector<1x1x16xf32>,
      %parallel_loop3A_388 = vector.shape_cast %parallel_loop3A_387 : vector<1x1x16xf32> to vector<16xf32>
      %parallel_loop3A_389 = vector.shape_cast %parallel_loop3A_381 : vector<16xf32> to vector<1x1x16xf32>
      tpu.vector_store %arg9[%parallel_loop3A_384, %parallel_loop3A_385, %parallel_loop3A_386], %parallel_loop3A_389 {strides = array<i32>} : memref<4x8x1024xf32, #tpu.memory_space<vmem>>, vector<1x1x16xf32>,
      %parallel_loop3A_390 = arith.constant 4 : i32
      %parallel_loop3A_391 = arith.index_cast %parallel_loop3A_390 : i32 to index
      %parallel_loop3A_392 = arith.index_cast %parallel_loop3A_113 : i32 to index
      %parallel_loop3A_393 = tpu.vector_load %arg6[%parallel_loop3A_391, %parallel_loop3A_392] {strides = array<i32>} : memref<8x1024xf32, #tpu.memory_space<vmem>>, vector<1x16xf32>,
      %parallel_loop3A_394 = vector.shape_cast %parallel_loop3A_393 : vector<1x16xf32> to vector<16xf32>
      %parallel_loop3A_395 = arith.constant 0 : i32
      %parallel_loop3A_396 = arith.constant 4 : i32
      %parallel_loop3A_397 = arith.index_cast %parallel_loop3A_395 : i32 to index
      %parallel_loop3A_398 = arith.index_cast %parallel_loop3A_396 : i32 to index
      %parallel_loop3A_399 = arith.index_cast %parallel_loop3A_113 : i32 to index
      %parallel_loop3A_400 = tpu.vector_load %arg9[%parallel_loop3A_397, %parallel_loop3A_398, %parallel_loop3A_399] {strides = array<i32>} : memref<4x8x1024xf32, #tpu.memory_space<vmem>>, vector<1x1x16xf32>,
      %parallel_loop3A_401 = vector.shape_cast %parallel_loop3A_400 : vector<1x1x16xf32> to vector<16xf32>
      %parallel_loop3A_402 = arith.addf %parallel_loop3A_401, %parallel_loop3A_394 : vector<16xf32>
      %parallel_loop3A_403 = arith.constant 0 : i32
      %parallel_loop3A_404 = arith.constant 4 : i32
      %parallel_loop3A_405 = arith.index_cast %parallel_loop3A_403 : i32 to index
      %parallel_loop3A_406 = arith.index_cast %parallel_loop3A_404 : i32 to index
      %parallel_loop3A_407 = arith.index_cast %parallel_loop3A_113 : i32 to index
      %parallel_loop3A_408 = tpu.vector_load %arg9[%parallel_loop3A_405, %parallel_loop3A_406, %parallel_loop3A_407] {strides = array<i32>} : memref<4x8x1024xf32, #tpu.memory_space<vmem>>, vector<1x1x16xf32>,
      %parallel_loop3A_409 = vector.shape_cast %parallel_loop3A_408 : vector<1x1x16xf32> to vector<16xf32>
      %parallel_loop3A_410 = vector.shape_cast %parallel_loop3A_402 : vector<16xf32> to vector<1x1x16xf32>
      tpu.vector_store %arg9[%parallel_loop3A_405, %parallel_loop3A_406, %parallel_loop3A_407], %parallel_loop3A_410 {strides = array<i32>} : memref<4x8x1024xf32, #tpu.memory_space<vmem>>, vector<1x1x16xf32>,
      %parallel_loop3A_411 = arith.constant 1 : i32
      %parallel_loop3A_412 = arith.constant 4 : i32
      %parallel_loop3A_413 = arith.index_cast %parallel_loop3A_411 : i32 to index
      %parallel_loop3A_414 = arith.index_cast %parallel_loop3A_412 : i32 to index
      %parallel_loop3A_415 = arith.index_cast %parallel_loop3A_113 : i32 to index
      %parallel_loop3A_416 = tpu.vector_load %arg9[%parallel_loop3A_413, %parallel_loop3A_414, %parallel_loop3A_415] {strides = array<i32>} : memref<4x8x1024xf32, #tpu.memory_space<vmem>>, vector<1x1x16xf32>,
      %parallel_loop3A_417 = vector.shape_cast %parallel_loop3A_416 : vector<1x1x16xf32> to vector<16xf32>
      %parallel_loop3A_418 = arith.addf %parallel_loop3A_417, %parallel_loop3A_394 : vector<16xf32>
      %parallel_loop3A_419 = arith.constant 1 : i32
      %parallel_loop3A_420 = arith.constant 4 : i32
      %parallel_loop3A_421 = arith.index_cast %parallel_loop3A_419 : i32 to index
      %parallel_loop3A_422 = arith.index_cast %parallel_loop3A_420 : i32 to index
      %parallel_loop3A_423 = arith.index_cast %parallel_loop3A_113 : i32 to index
      %parallel_loop3A_424 = tpu.vector_load %arg9[%parallel_loop3A_421, %parallel_loop3A_422, %parallel_loop3A_423] {strides = array<i32>} : memref<4x8x1024xf32, #tpu.memory_space<vmem>>, vector<1x1x16xf32>,
      %parallel_loop3A_425 = vector.shape_cast %parallel_loop3A_424 : vector<1x1x16xf32> to vector<16xf32>
      %parallel_loop3A_426 = vector.shape_cast %parallel_loop3A_418 : vector<16xf32> to vector<1x1x16xf32>
      tpu.vector_store %arg9[%parallel_loop3A_421, %parallel_loop3A_422, %parallel_loop3A_423], %parallel_loop3A_426 {strides = array<i32>} : memref<4x8x1024xf32, #tpu.memory_space<vmem>>, vector<1x1x16xf32>,
      %parallel_loop3A_427 = arith.constant 2 : i32
      %parallel_loop3A_428 = arith.constant 4 : i32
      %parallel_loop3A_429 = arith.index_cast %parallel_loop3A_427 : i32 to index
      %parallel_loop3A_430 = arith.index_cast %parallel_loop3A_428 : i32 to index
      %parallel_loop3A_431 = arith.index_cast %parallel_loop3A_113 : i32 to index
      %parallel_loop3A_432 = tpu.vector_load %arg9[%parallel_loop3A_429, %parallel_loop3A_430, %parallel_loop3A_431] {strides = array<i32>} : memref<4x8x1024xf32, #tpu.memory_space<vmem>>, vector<1x1x16xf32>,
      %parallel_loop3A_433 = vector.shape_cast %parallel_loop3A_432 : vector<1x1x16xf32> to vector<16xf32>
      %parallel_loop3A_434 = arith.addf %parallel_loop3A_433, %parallel_loop3A_394 : vector<16xf32>
      %parallel_loop3A_435 = arith.constant 2 : i32
      %parallel_loop3A_436 = arith.constant 4 : i32
      %parallel_loop3A_437 = arith.index_cast %parallel_loop3A_435 : i32 to index
      %parallel_loop3A_438 = arith.index_cast %parallel_loop3A_436 : i32 to index
      %parallel_loop3A_439 = arith.index_cast %parallel_loop3A_113 : i32 to index
      %parallel_loop3A_440 = tpu.vector_load %arg9[%parallel_loop3A_437, %parallel_loop3A_438, %parallel_loop3A_439] {strides = array<i32>} : memref<4x8x1024xf32, #tpu.memory_space<vmem>>, vector<1x1x16xf32>,
      %parallel_loop3A_441 = vector.shape_cast %parallel_loop3A_440 : vector<1x1x16xf32> to vector<16xf32>
      %parallel_loop3A_442 = vector.shape_cast %parallel_loop3A_434 : vector<16xf32> to vector<1x1x16xf32>
      tpu.vector_store %arg9[%parallel_loop3A_437, %parallel_loop3A_438, %parallel_loop3A_439], %parallel_loop3A_442 {strides = array<i32>} : memref<4x8x1024xf32, #tpu.memory_space<vmem>>, vector<1x1x16xf32>,
      %parallel_loop3A_443 = arith.constant 3 : i32
      %parallel_loop3A_444 = arith.constant 4 : i32
      %parallel_loop3A_445 = arith.index_cast %parallel_loop3A_443 : i32 to index
      %parallel_loop3A_446 = arith.index_cast %parallel_loop3A_444 : i32 to index
      %parallel_loop3A_447 = arith.index_cast %parallel_loop3A_113 : i32 to index
      %parallel_loop3A_448 = tpu.vector_load %arg9[%parallel_loop3A_445, %parallel_loop3A_446, %parallel_loop3A_447] {strides = array<i32>} : memref<4x8x1024xf32, #tpu.memory_space<vmem>>, vector<1x1x16xf32>,
      %parallel_loop3A_449 = vector.shape_cast %parallel_loop3A_448 : vector<1x1x16xf32> to vector<16xf32>
      %parallel_loop3A_450 = arith.addf %parallel_loop3A_449, %parallel_loop3A_394 : vector<16xf32>
      %parallel_loop3A_451 = arith.constant 3 : i32
      %parallel_loop3A_452 = arith.constant 4 : i32
      %parallel_loop3A_453 = arith.index_cast %parallel_loop3A_451 : i32 to index
      %parallel_loop3A_454 = arith.index_cast %parallel_loop3A_452 : i32 to index
      %parallel_loop3A_455 = arith.index_cast %parallel_loop3A_113 : i32 to index
      %parallel_loop3A_456 = tpu.vector_load %arg9[%parallel_loop3A_453, %parallel_loop3A_454, %parallel_loop3A_455] {strides = array<i32>} : memref<4x8x1024xf32, #tpu.memory_space<vmem>>, vector<1x1x16xf32>,
      %parallel_loop3A_457 = vector.shape_cast %parallel_loop3A_456 : vector<1x1x16xf32> to vector<16xf32>
      %parallel_loop3A_458 = vector.shape_cast %parallel_loop3A_450 : vector<16xf32> to vector<1x1x16xf32>
      tpu.vector_store %arg9[%parallel_loop3A_453, %parallel_loop3A_454, %parallel_loop3A_455], %parallel_loop3A_458 {strides = array<i32>} : memref<4x8x1024xf32, #tpu.memory_space<vmem>>, vector<1x1x16xf32>,
      %parallel_loop3A_459 = arith.constant 5 : i32
      %parallel_loop3A_460 = arith.index_cast %parallel_loop3A_459 : i32 to index
      %parallel_loop3A_461 = arith.index_cast %parallel_loop3A_113 : i32 to index
      %parallel_loop3A_462 = tpu.vector_load %arg6[%parallel_loop3A_460, %parallel_loop3A_461] {strides = array<i32>} : memref<8x1024xf32, #tpu.memory_space<vmem>>, vector<1x16xf32>,
      %parallel_loop3A_463 = vector.shape_cast %parallel_loop3A_462 : vector<1x16xf32> to vector<16xf32>
      %parallel_loop3A_464 = arith.constant 0 : i32
      %parallel_loop3A_465 = arith.constant 5 : i32
      %parallel_loop3A_466 = arith.index_cast %parallel_loop3A_464 : i32 to index
      %parallel_loop3A_467 = arith.index_cast %parallel_loop3A_465 : i32 to index
      %parallel_loop3A_468 = arith.index_cast %parallel_loop3A_113 : i32 to index
      %parallel_loop3A_469 = tpu.vector_load %arg9[%parallel_loop3A_466, %parallel_loop3A_467, %parallel_loop3A_468] {strides = array<i32>} : memref<4x8x1024xf32, #tpu.memory_space<vmem>>, vector<1x1x16xf32>,
      %parallel_loop3A_470 = vector.shape_cast %parallel_loop3A_469 : vector<1x1x16xf32> to vector<16xf32>
      %parallel_loop3A_471 = arith.addf %parallel_loop3A_470, %parallel_loop3A_463 : vector<16xf32>
      %parallel_loop3A_472 = arith.constant 0 : i32
      %parallel_loop3A_473 = arith.constant 5 : i32
      %parallel_loop3A_474 = arith.index_cast %parallel_loop3A_472 : i32 to index
      %parallel_loop3A_475 = arith.index_cast %parallel_loop3A_473 : i32 to index
      %parallel_loop3A_476 = arith.index_cast %parallel_loop3A_113 : i32 to index
      %parallel_loop3A_477 = tpu.vector_load %arg9[%parallel_loop3A_474, %parallel_loop3A_475, %parallel_loop3A_476] {strides = array<i32>} : memref<4x8x1024xf32, #tpu.memory_space<vmem>>, vector<1x1x16xf32>,
      %parallel_loop3A_478 = vector.shape_cast %parallel_loop3A_477 : vector<1x1x16xf32> to vector<16xf32>
      %parallel_loop3A_479 = vector.shape_cast %parallel_loop3A_471 : vector<16xf32> to vector<1x1x16xf32>
      tpu.vector_store %arg9[%parallel_loop3A_474, %parallel_loop3A_475, %parallel_loop3A_476], %parallel_loop3A_479 {strides = array<i32>} : memref<4x8x1024xf32, #tpu.memory_space<vmem>>, vector<1x1x16xf32>,
      %parallel_loop3A_480 = arith.constant 1 : i32
      %parallel_loop3A_481 = arith.constant 5 : i32
      %parallel_loop3A_482 = arith.index_cast %parallel_loop3A_480 : i32 to index
      %parallel_loop3A_483 = arith.index_cast %parallel_loop3A_481 : i32 to index
      %parallel_loop3A_484 = arith.index_cast %parallel_loop3A_113 : i32 to index
      %parallel_loop3A_485 = tpu.vector_load %arg9[%parallel_loop3A_482, %parallel_loop3A_483, %parallel_loop3A_484] {strides = array<i32>} : memref<4x8x1024xf32, #tpu.memory_space<vmem>>, vector<1x1x16xf32>,
      %parallel_loop3A_486 = vector.shape_cast %parallel_loop3A_485 : vector<1x1x16xf32> to vector<16xf32>
      %parallel_loop3A_487 = arith.addf %parallel_loop3A_486, %parallel_loop3A_463 : vector<16xf32>
      %parallel_loop3A_488 = arith.constant 1 : i32
      %parallel_loop3A_489 = arith.constant 5 : i32
      %parallel_loop3A_490 = arith.index_cast %parallel_loop3A_488 : i32 to index
      %parallel_loop3A_491 = arith.index_cast %parallel_loop3A_489 : i32 to index
      %parallel_loop3A_492 = arith.index_cast %parallel_loop3A_113 : i32 to index
      %parallel_loop3A_493 = tpu.vector_load %arg9[%parallel_loop3A_490, %parallel_loop3A_491, %parallel_loop3A_492] {strides = array<i32>} : memref<4x8x1024xf32, #tpu.memory_space<vmem>>, vector<1x1x16xf32>,
      %parallel_loop3A_494 = vector.shape_cast %parallel_loop3A_493 : vector<1x1x16xf32> to vector<16xf32>
      %parallel_loop3A_495 = vector.shape_cast %parallel_loop3A_487 : vector<16xf32> to vector<1x1x16xf32>
      tpu.vector_store %arg9[%parallel_loop3A_490, %parallel_loop3A_491, %parallel_loop3A_492], %parallel_loop3A_495 {strides = array<i32>} : memref<4x8x1024xf32, #tpu.memory_space<vmem>>, vector<1x1x16xf32>,
      %parallel_loop3A_496 = arith.constant 2 : i32
      %parallel_loop3A_497 = arith.constant 5 : i32
      %parallel_loop3A_498 = arith.index_cast %parallel_loop3A_496 : i32 to index
      %parallel_loop3A_499 = arith.index_cast %parallel_loop3A_497 : i32 to index
      %parallel_loop3A_500 = arith.index_cast %parallel_loop3A_113 : i32 to index
      %parallel_loop3A_501 = tpu.vector_load %arg9[%parallel_loop3A_498, %parallel_loop3A_499, %parallel_loop3A_500] {strides = array<i32>} : memref<4x8x1024xf32, #tpu.memory_space<vmem>>, vector<1x1x16xf32>,
      %parallel_loop3A_502 = vector.shape_cast %parallel_loop3A_501 : vector<1x1x16xf32> to vector<16xf32>
      %parallel_loop3A_503 = arith.addf %parallel_loop3A_502, %parallel_loop3A_463 : vector<16xf32>
      %parallel_loop3A_504 = arith.constant 2 : i32
      %parallel_loop3A_505 = arith.constant 5 : i32
      %parallel_loop3A_506 = arith.index_cast %parallel_loop3A_504 : i32 to index
      %parallel_loop3A_507 = arith.index_cast %parallel_loop3A_505 : i32 to index
      %parallel_loop3A_508 = arith.index_cast %parallel_loop3A_113 : i32 to index
      %parallel_loop3A_509 = tpu.vector_load %arg9[%parallel_loop3A_506, %parallel_loop3A_507, %parallel_loop3A_508] {strides = array<i32>} : memref<4x8x1024xf32, #tpu.memory_space<vmem>>, vector<1x1x16xf32>,
      %parallel_loop3A_510 = vector.shape_cast %parallel_loop3A_509 : vector<1x1x16xf32> to vector<16xf32>
      %parallel_loop3A_511 = vector.shape_cast %parallel_loop3A_503 : vector<16xf32> to vector<1x1x16xf32>
      tpu.vector_store %arg9[%parallel_loop3A_506, %parallel_loop3A_507, %parallel_loop3A_508], %parallel_loop3A_511 {strides = array<i32>} : memref<4x8x1024xf32, #tpu.memory_space<vmem>>, vector<1x1x16xf32>,
      %parallel_loop3A_512 = arith.constant 3 : i32
      %parallel_loop3A_513 = arith.constant 5 : i32
      %parallel_loop3A_514 = arith.index_cast %parallel_loop3A_512 : i32 to index
      %parallel_loop3A_515 = arith.index_cast %parallel_loop3A_513 : i32 to index
      %parallel_loop3A_516 = arith.index_cast %parallel_loop3A_113 : i32 to index
      %parallel_loop3A_517 = tpu.vector_load %arg9[%parallel_loop3A_514, %parallel_loop3A_515, %parallel_loop3A_516] {strides = array<i32>} : memref<4x8x1024xf32, #tpu.memory_space<vmem>>, vector<1x1x16xf32>,
      %parallel_loop3A_518 = vector.shape_cast %parallel_loop3A_517 : vector<1x1x16xf32> to vector<16xf32>
      %parallel_loop3A_519 = arith.addf %parallel_loop3A_518, %parallel_loop3A_463 : vector<16xf32>
      %parallel_loop3A_520 = arith.constant 3 : i32
      %parallel_loop3A_521 = arith.constant 5 : i32
      %parallel_loop3A_522 = arith.index_cast %parallel_loop3A_520 : i32 to index
      %parallel_loop3A_523 = arith.index_cast %parallel_loop3A_521 : i32 to index
      %parallel_loop3A_524 = arith.index_cast %parallel_loop3A_113 : i32 to index
      %parallel_loop3A_525 = tpu.vector_load %arg9[%parallel_loop3A_522, %parallel_loop3A_523, %parallel_loop3A_524] {strides = array<i32>} : memref<4x8x1024xf32, #tpu.memory_space<vmem>>, vector<1x1x16xf32>,
      %parallel_loop3A_526 = vector.shape_cast %parallel_loop3A_525 : vector<1x1x16xf32> to vector<16xf32>
      %parallel_loop3A_527 = vector.shape_cast %parallel_loop3A_519 : vector<16xf32> to vector<1x1x16xf32>
      tpu.vector_store %arg9[%parallel_loop3A_522, %parallel_loop3A_523, %parallel_loop3A_524], %parallel_loop3A_527 {strides = array<i32>} : memref<4x8x1024xf32, #tpu.memory_space<vmem>>, vector<1x1x16xf32>,
      %parallel_loop3A_528 = arith.constant 6 : i32
      %parallel_loop3A_529 = arith.index_cast %parallel_loop3A_528 : i32 to index
      %parallel_loop3A_530 = arith.index_cast %parallel_loop3A_113 : i32 to index
      %parallel_loop3A_531 = tpu.vector_load %arg6[%parallel_loop3A_529, %parallel_loop3A_530] {strides = array<i32>} : memref<8x1024xf32, #tpu.memory_space<vmem>>, vector<1x16xf32>,
      %parallel_loop3A_532 = vector.shape_cast %parallel_loop3A_531 : vector<1x16xf32> to vector<16xf32>
      %parallel_loop3A_533 = arith.constant 0 : i32
      %parallel_loop3A_534 = arith.constant 6 : i32
      %parallel_loop3A_535 = arith.index_cast %parallel_loop3A_533 : i32 to index
      %parallel_loop3A_536 = arith.index_cast %parallel_loop3A_534 : i32 to index
      %parallel_loop3A_537 = arith.index_cast %parallel_loop3A_113 : i32 to index
      %parallel_loop3A_538 = tpu.vector_load %arg9[%parallel_loop3A_535, %parallel_loop3A_536, %parallel_loop3A_537] {strides = array<i32>} : memref<4x8x1024xf32, #tpu.memory_space<vmem>>, vector<1x1x16xf32>,
      %parallel_loop3A_539 = vector.shape_cast %parallel_loop3A_538 : vector<1x1x16xf32> to vector<16xf32>
      %parallel_loop3A_540 = arith.addf %parallel_loop3A_539, %parallel_loop3A_532 : vector<16xf32>
      %parallel_loop3A_541 = arith.constant 0 : i32
      %parallel_loop3A_542 = arith.constant 6 : i32
      %parallel_loop3A_543 = arith.index_cast %parallel_loop3A_541 : i32 to index
      %parallel_loop3A_544 = arith.index_cast %parallel_loop3A_542 : i32 to index
      %parallel_loop3A_545 = arith.index_cast %parallel_loop3A_113 : i32 to index
      %parallel_loop3A_546 = tpu.vector_load %arg9[%parallel_loop3A_543, %parallel_loop3A_544, %parallel_loop3A_545] {strides = array<i32>} : memref<4x8x1024xf32, #tpu.memory_space<vmem>>, vector<1x1x16xf32>,
      %parallel_loop3A_547 = vector.shape_cast %parallel_loop3A_546 : vector<1x1x16xf32> to vector<16xf32>
      %parallel_loop3A_548 = vector.shape_cast %parallel_loop3A_540 : vector<16xf32> to vector<1x1x16xf32>
      tpu.vector_store %arg9[%parallel_loop3A_543, %parallel_loop3A_544, %parallel_loop3A_545], %parallel_loop3A_548 {strides = array<i32>} : memref<4x8x1024xf32, #tpu.memory_space<vmem>>, vector<1x1x16xf32>,
      %parallel_loop3A_549 = arith.constant 1 : i32
      %parallel_loop3A_550 = arith.constant 6 : i32
      %parallel_loop3A_551 = arith.index_cast %parallel_loop3A_549 : i32 to index
      %parallel_loop3A_552 = arith.index_cast %parallel_loop3A_550 : i32 to index
      %parallel_loop3A_553 = arith.index_cast %parallel_loop3A_113 : i32 to index
      %parallel_loop3A_554 = tpu.vector_load %arg9[%parallel_loop3A_551, %parallel_loop3A_552, %parallel_loop3A_553] {strides = array<i32>} : memref<4x8x1024xf32, #tpu.memory_space<vmem>>, vector<1x1x16xf32>,
      %parallel_loop3A_555 = vector.shape_cast %parallel_loop3A_554 : vector<1x1x16xf32> to vector<16xf32>
      %parallel_loop3A_556 = arith.addf %parallel_loop3A_555, %parallel_loop3A_532 : vector<16xf32>
      %parallel_loop3A_557 = arith.constant 1 : i32
      %parallel_loop3A_558 = arith.constant 6 : i32
      %parallel_loop3A_559 = arith.index_cast %parallel_loop3A_557 : i32 to index
      %parallel_loop3A_560 = arith.index_cast %parallel_loop3A_558 : i32 to index
      %parallel_loop3A_561 = arith.index_cast %parallel_loop3A_113 : i32 to index
      %parallel_loop3A_562 = tpu.vector_load %arg9[%parallel_loop3A_559, %parallel_loop3A_560, %parallel_loop3A_561] {strides = array<i32>} : memref<4x8x1024xf32, #tpu.memory_space<vmem>>, vector<1x1x16xf32>,
      %parallel_loop3A_563 = vector.shape_cast %parallel_loop3A_562 : vector<1x1x16xf32> to vector<16xf32>
      %parallel_loop3A_564 = vector.shape_cast %parallel_loop3A_556 : vector<16xf32> to vector<1x1x16xf32>
      tpu.vector_store %arg9[%parallel_loop3A_559, %parallel_loop3A_560, %parallel_loop3A_561], %parallel_loop3A_564 {strides = array<i32>} : memref<4x8x1024xf32, #tpu.memory_space<vmem>>, vector<1x1x16xf32>,
      %parallel_loop3A_565 = arith.constant 2 : i32
      %parallel_loop3A_566 = arith.constant 6 : i32
      %parallel_loop3A_567 = arith.index_cast %parallel_loop3A_565 : i32 to index
      %parallel_loop3A_568 = arith.index_cast %parallel_loop3A_566 : i32 to index
      %parallel_loop3A_569 = arith.index_cast %parallel_loop3A_113 : i32 to index
      %parallel_loop3A_570 = tpu.vector_load %arg9[%parallel_loop3A_567, %parallel_loop3A_568, %parallel_loop3A_569] {strides = array<i32>} : memref<4x8x1024xf32, #tpu.memory_space<vmem>>, vector<1x1x16xf32>,
      %parallel_loop3A_571 = vector.shape_cast %parallel_loop3A_570 : vector<1x1x16xf32> to vector<16xf32>
      %parallel_loop3A_572 = arith.addf %parallel_loop3A_571, %parallel_loop3A_532 : vector<16xf32>
      %parallel_loop3A_573 = arith.constant 2 : i32
      %parallel_loop3A_574 = arith.constant 6 : i32
      %parallel_loop3A_575 = arith.index_cast %parallel_loop3A_573 : i32 to index
      %parallel_loop3A_576 = arith.index_cast %parallel_loop3A_574 : i32 to index
      %parallel_loop3A_577 = arith.index_cast %parallel_loop3A_113 : i32 to index
      %parallel_loop3A_578 = tpu.vector_load %arg9[%parallel_loop3A_575, %parallel_loop3A_576, %parallel_loop3A_577] {strides = array<i32>} : memref<4x8x1024xf32, #tpu.memory_space<vmem>>, vector<1x1x16xf32>,
      %parallel_loop3A_579 = vector.shape_cast %parallel_loop3A_578 : vector<1x1x16xf32> to vector<16xf32>
      %parallel_loop3A_580 = vector.shape_cast %parallel_loop3A_572 : vector<16xf32> to vector<1x1x16xf32>
      tpu.vector_store %arg9[%parallel_loop3A_575, %parallel_loop3A_576, %parallel_loop3A_577], %parallel_loop3A_580 {strides = array<i32>} : memref<4x8x1024xf32, #tpu.memory_space<vmem>>, vector<1x1x16xf32>,
      %parallel_loop3A_581 = arith.constant 3 : i32
      %parallel_loop3A_582 = arith.constant 6 : i32
      %parallel_loop3A_583 = arith.index_cast %parallel_loop3A_581 : i32 to index
      %parallel_loop3A_584 = arith.index_cast %parallel_loop3A_582 : i32 to index
      %parallel_loop3A_585 = arith.index_cast %parallel_loop3A_113 : i32 to index
      %parallel_loop3A_586 = tpu.vector_load %arg9[%parallel_loop3A_583, %parallel_loop3A_584, %parallel_loop3A_585] {strides = array<i32>} : memref<4x8x1024xf32, #tpu.memory_space<vmem>>, vector<1x1x16xf32>,
      %parallel_loop3A_587 = vector.shape_cast %parallel_loop3A_586 : vector<1x1x16xf32> to vector<16xf32>
      %parallel_loop3A_588 = arith.addf %parallel_loop3A_587, %parallel_loop3A_532 : vector<16xf32>
      %parallel_loop3A_589 = arith.constant 3 : i32
      %parallel_loop3A_590 = arith.constant 6 : i32
      %parallel_loop3A_591 = arith.index_cast %parallel_loop3A_589 : i32 to index
      %parallel_loop3A_592 = arith.index_cast %parallel_loop3A_590 : i32 to index
      %parallel_loop3A_593 = arith.index_cast %parallel_loop3A_113 : i32 to index
      %parallel_loop3A_594 = tpu.vector_load %arg9[%parallel_loop3A_591, %parallel_loop3A_592, %parallel_loop3A_593] {strides = array<i32>} : memref<4x8x1024xf32, #tpu.memory_space<vmem>>, vector<1x1x16xf32>,
      %parallel_loop3A_595 = vector.shape_cast %parallel_loop3A_594 : vector<1x1x16xf32> to vector<16xf32>
      %parallel_loop3A_596 = vector.shape_cast %parallel_loop3A_588 : vector<16xf32> to vector<1x1x16xf32>
      tpu.vector_store %arg9[%parallel_loop3A_591, %parallel_loop3A_592, %parallel_loop3A_593], %parallel_loop3A_596 {strides = array<i32>} : memref<4x8x1024xf32, #tpu.memory_space<vmem>>, vector<1x1x16xf32>,
      %parallel_loop3A_597 = arith.constant 7 : i32
      %parallel_loop3A_598 = arith.index_cast %parallel_loop3A_597 : i32 to index
      %parallel_loop3A_599 = arith.index_cast %parallel_loop3A_113 : i32 to index
      %parallel_loop3A_600 = tpu.vector_load %arg6[%parallel_loop3A_598, %parallel_loop3A_599] {strides = array<i32>} : memref<8x1024xf32, #tpu.memory_space<vmem>>, vector<1x16xf32>,
      %parallel_loop3A_601 = vector.shape_cast %parallel_loop3A_600 : vector<1x16xf32> to vector<16xf32>
      %parallel_loop3A_602 = arith.constant 0 : i32
      %parallel_loop3A_603 = arith.constant 7 : i32
      %parallel_loop3A_604 = arith.index_cast %parallel_loop3A_602 : i32 to index
      %parallel_loop3A_605 = arith.index_cast %parallel_loop3A_603 : i32 to index
      %parallel_loop3A_606 = arith.index_cast %parallel_loop3A_113 : i32 to index
      %parallel_loop3A_607 = tpu.vector_load %arg9[%parallel_loop3A_604, %parallel_loop3A_605, %parallel_loop3A_606] {strides = array<i32>} : memref<4x8x1024xf32, #tpu.memory_space<vmem>>, vector<1x1x16xf32>,
      %parallel_loop3A_608 = vector.shape_cast %parallel_loop3A_607 : vector<1x1x16xf32> to vector<16xf32>
      %parallel_loop3A_609 = arith.addf %parallel_loop3A_608, %parallel_loop3A_601 : vector<16xf32>
      %parallel_loop3A_610 = arith.constant 0 : i32
      %parallel_loop3A_611 = arith.constant 7 : i32
      %parallel_loop3A_612 = arith.index_cast %parallel_loop3A_610 : i32 to index
      %parallel_loop3A_613 = arith.index_cast %parallel_loop3A_611 : i32 to index
      %parallel_loop3A_614 = arith.index_cast %parallel_loop3A_113 : i32 to index
      %parallel_loop3A_615 = tpu.vector_load %arg9[%parallel_loop3A_612, %parallel_loop3A_613, %parallel_loop3A_614] {strides = array<i32>} : memref<4x8x1024xf32, #tpu.memory_space<vmem>>, vector<1x1x16xf32>,
      %parallel_loop3A_616 = vector.shape_cast %parallel_loop3A_615 : vector<1x1x16xf32> to vector<16xf32>
      %parallel_loop3A_617 = vector.shape_cast %parallel_loop3A_609 : vector<16xf32> to vector<1x1x16xf32>
      tpu.vector_store %arg9[%parallel_loop3A_612, %parallel_loop3A_613, %parallel_loop3A_614], %parallel_loop3A_617 {strides = array<i32>} : memref<4x8x1024xf32, #tpu.memory_space<vmem>>, vector<1x1x16xf32>,
      %parallel_loop3A_618 = arith.constant 1 : i32
      %parallel_loop3A_619 = arith.constant 7 : i32
      %parallel_loop3A_620 = arith.index_cast %parallel_loop3A_618 : i32 to index
      %parallel_loop3A_621 = arith.index_cast %parallel_loop3A_619 : i32 to index
      %parallel_loop3A_622 = arith.index_cast %parallel_loop3A_113 : i32 to index
      %parallel_loop3A_623 = tpu.vector_load %arg9[%parallel_loop3A_620, %parallel_loop3A_621, %parallel_loop3A_622] {strides = array<i32>} : memref<4x8x1024xf32, #tpu.memory_space<vmem>>, vector<1x1x16xf32>,
      %parallel_loop3A_624 = vector.shape_cast %parallel_loop3A_623 : vector<1x1x16xf32> to vector<16xf32>
      %parallel_loop3A_625 = arith.addf %parallel_loop3A_624, %parallel_loop3A_601 : vector<16xf32>
      %parallel_loop3A_626 = arith.constant 1 : i32
      %parallel_loop3A_627 = arith.constant 7 : i32
      %parallel_loop3A_628 = arith.index_cast %parallel_loop3A_626 : i32 to index
      %parallel_loop3A_629 = arith.index_cast %parallel_loop3A_627 : i32 to index
      %parallel_loop3A_630 = arith.index_cast %parallel_loop3A_113 : i32 to index
      %parallel_loop3A_631 = tpu.vector_load %arg9[%parallel_loop3A_628, %parallel_loop3A_629, %parallel_loop3A_630] {strides = array<i32>} : memref<4x8x1024xf32, #tpu.memory_space<vmem>>, vector<1x1x16xf32>,
      %parallel_loop3A_632 = vector.shape_cast %parallel_loop3A_631 : vector<1x1x16xf32> to vector<16xf32>
      %parallel_loop3A_633 = vector.shape_cast %parallel_loop3A_625 : vector<16xf32> to vector<1x1x16xf32>
      tpu.vector_store %arg9[%parallel_loop3A_628, %parallel_loop3A_629, %parallel_loop3A_630], %parallel_loop3A_633 {strides = array<i32>} : memref<4x8x1024xf32, #tpu.memory_space<vmem>>, vector<1x1x16xf32>,
      %parallel_loop3A_634 = arith.constant 2 : i32
      %parallel_loop3A_635 = arith.constant 7 : i32
      %parallel_loop3A_636 = arith.index_cast %parallel_loop3A_634 : i32 to index
      %parallel_loop3A_637 = arith.index_cast %parallel_loop3A_635 : i32 to index
      %parallel_loop3A_638 = arith.index_cast %parallel_loop3A_113 : i32 to index
      %parallel_loop3A_639 = tpu.vector_load %arg9[%parallel_loop3A_636, %parallel_loop3A_637, %parallel_loop3A_638] {strides = array<i32>} : memref<4x8x1024xf32, #tpu.memory_space<vmem>>, vector<1x1x16xf32>,
      %parallel_loop3A_640 = vector.shape_cast %parallel_loop3A_639 : vector<1x1x16xf32> to vector<16xf32>
      %parallel_loop3A_641 = arith.addf %parallel_loop3A_640, %parallel_loop3A_601 : vector<16xf32>
      %parallel_loop3A_642 = arith.constant 2 : i32
      %parallel_loop3A_643 = arith.constant 7 : i32
      %parallel_loop3A_644 = arith.index_cast %parallel_loop3A_642 : i32 to index
      %parallel_loop3A_645 = arith.index_cast %parallel_loop3A_643 : i32 to index
      %parallel_loop3A_646 = arith.index_cast %parallel_loop3A_113 : i32 to index
      %parallel_loop3A_647 = tpu.vector_load %arg9[%parallel_loop3A_644, %parallel_loop3A_645, %parallel_loop3A_646] {strides = array<i32>} : memref<4x8x1024xf32, #tpu.memory_space<vmem>>, vector<1x1x16xf32>,
      %parallel_loop3A_648 = vector.shape_cast %parallel_loop3A_647 : vector<1x1x16xf32> to vector<16xf32>
      %parallel_loop3A_649 = vector.shape_cast %parallel_loop3A_641 : vector<16xf32> to vector<1x1x16xf32>
      tpu.vector_store %arg9[%parallel_loop3A_644, %parallel_loop3A_645, %parallel_loop3A_646], %parallel_loop3A_649 {strides = array<i32>} : memref<4x8x1024xf32, #tpu.memory_space<vmem>>, vector<1x1x16xf32>,
      %parallel_loop3A_650 = arith.constant 3 : i32
      %parallel_loop3A_651 = arith.constant 7 : i32
      %parallel_loop3A_652 = arith.index_cast %parallel_loop3A_650 : i32 to index
      %parallel_loop3A_653 = arith.index_cast %parallel_loop3A_651 : i32 to index
      %parallel_loop3A_654 = arith.index_cast %parallel_loop3A_113 : i32 to index
      %parallel_loop3A_655 = tpu.vector_load %arg9[%parallel_loop3A_652, %parallel_loop3A_653, %parallel_loop3A_654] {strides = array<i32>} : memref<4x8x1024xf32, #tpu.memory_space<vmem>>, vector<1x1x16xf32>,
      %parallel_loop3A_656 = vector.shape_cast %parallel_loop3A_655 : vector<1x1x16xf32> to vector<16xf32>
      %parallel_loop3A_657 = arith.addf %parallel_loop3A_656, %parallel_loop3A_601 : vector<16xf32>
      %parallel_loop3A_658 = arith.constant 3 : i32
      %parallel_loop3A_659 = arith.constant 7 : i32
      %parallel_loop3A_660 = arith.index_cast %parallel_loop3A_658 : i32 to index
      %parallel_loop3A_661 = arith.index_cast %parallel_loop3A_659 : i32 to index
      %parallel_loop3A_662 = arith.index_cast %parallel_loop3A_113 : i32 to index
      %parallel_loop3A_663 = tpu.vector_load %arg9[%parallel_loop3A_660, %parallel_loop3A_661, %parallel_loop3A_662] {strides = array<i32>} : memref<4x8x1024xf32, #tpu.memory_space<vmem>>, vector<1x1x16xf32>,
      %parallel_loop3A_664 = vector.shape_cast %parallel_loop3A_663 : vector<1x1x16xf32> to vector<16xf32>
      %parallel_loop3A_665 = vector.shape_cast %parallel_loop3A_657 : vector<16xf32> to vector<1x1x16xf32>
      tpu.vector_store %arg9[%parallel_loop3A_660, %parallel_loop3A_661, %parallel_loop3A_662], %parallel_loop3A_665 {strides = array<i32>} : memref<4x8x1024xf32, #tpu.memory_space<vmem>>, vector<1x1x16xf32>,
    } {sc.loop_unroll_factor = 1 : i64, sc.parallel_access}
    %add3A_87 = arith.constant 248 : i32
    %add3A_88 = arith.addi %mul3A_2, %add3A_87 : i32
    %dma_start3A_89 = arith.constant 0 : i32
    %dma_start3A_90 = arith.constant 0 : i32
    %dma_start3A_91 = tpu.memref_slice %arg4[%dma_start3A_89, %add3A_88, %dma_start3A_90] : memref<4x8192x1024xf32, #tpu.memory_space<hbm>> -> memref<4x8x1024xf32, #tpu.memory_space<hbm>>
    %dma_start3A_92 = arith.constant 0 : i32
    %dma_start3A_93 = arith.constant 0 : i32
    %dma_start3A_94 = tpu.memref_slice %arg4[%dma_start3A_92, %add3A_88, %dma_start3A_93] : memref<4x8192x1024xf32, #tpu.memory_space<hbm>> -> memref<4x8x1024xf32, #tpu.memory_space<hbm>>
    tpu.enqueue_dma source(%arg9 : memref<4x8x1024xf32, #tpu.memory_space<vmem>>) target(%dma_start3A_94 : memref<4x8x1024xf32, #tpu.memory_space<hbm>>) target_semaphore(%arg18 : memref<!tpu.dma_semaphore, #tpu.memory_space<semaphore_mem>>)
    %dma_wait3A_95 = arith.constant 0 : i32
    %dma_wait3A_96 = arith.constant 0 : i32
    %dma_wait3A_97 = arith.constant 0 : i32
    %dma_wait3A_98 = tpu.memref_slice %arg2[%dma_wait3A_95, %dma_wait3A_96, %dma_wait3A_97] : memref<4x8192x1024xf32, #tpu.memory_space<hbm>> -> memref<4x8x1024xf32, #tpu.memory_space<hbm>>
    %dma_wait3A_99 = arith.constant 0 : i32
    %dma_wait3A_100 = arith.constant 0 : i32
    %dma_wait3A_101 = arith.constant 0 : i32
    %dma_wait3A_102 = tpu.memref_slice %arg2[%dma_wait3A_99, %dma_wait3A_100, %dma_wait3A_101] : memref<4x8192x1024xf32, #tpu.memory_space<hbm>> -> memref<4x8x1024xf32, #tpu.memory_space<hbm>>
    tpu.wait_dma2 semaphore(%arg17 : memref<!tpu.dma_semaphore, #tpu.memory_space<semaphore_mem>>) src(%dma_wait3A_102 : memref<4x8x1024xf32, #tpu.memory_space<hbm>>) dst(%arg8 : memref<4x8x1024xf32, #tpu.memory_space<vmem>>)
    %dma_wait3A_103 = arith.constant 0 : i32
    %dma_wait3A_104 = arith.constant 0 : i32
    %dma_wait3A_105 = arith.constant 0 : i32
    %dma_wait3A_106 = tpu.memref_slice %arg2[%dma_wait3A_103, %dma_wait3A_104, %dma_wait3A_105] : memref<4x8192x1024xf32, #tpu.memory_space<hbm>> -> memref<4x8x1024xf32, #tpu.memory_space<hbm>>
    %dma_wait3A_107 = arith.constant 0 : i32
    %dma_wait3A_108 = arith.constant 0 : i32
    %dma_wait3A_109 = arith.constant 0 : i32
    %dma_wait3A_110 = tpu.memref_slice %arg2[%dma_wait3A_107, %dma_wait3A_108, %dma_wait3A_109] : memref<4x8192x1024xf32, #tpu.memory_space<hbm>> -> memref<4x8x1024xf32, #tpu.memory_space<hbm>>
    tpu.wait_dma2 semaphore(%arg18 : memref<!tpu.dma_semaphore, #tpu.memory_space<semaphore_mem>>) src(%dma_wait3A_110 : memref<4x8x1024xf32, #tpu.memory_space<hbm>>) dst(%arg9 : memref<4x8x1024xf32, #tpu.memory_space<vmem>>)
    return
  }
}

</mosaic_0001>

<sc_bundles>
// kernel: kernel.3.cloned.1.call-start
scs
__scs_entry_jumppad:
0x0: {  	(pc) =	sbr.rel $0x88, $3  }
0x1: {  	(tag) =	ssettag $0x0;
	lr =	simm.s32 $0x1  }
0x2: {  	[smem:$0x3F9F] =	sst lr;
	_ =	strace $0xD0000000  }
0x3: {  	_ = 	snop  }
0x4: {  	_ = 	snop  }
0x5: {  	_ = 	snop  }
0x6: {  	_ = 	snop  }
0x7: {  	_ = 	snop  }
__scs_overlays_trampoline_lowered:
0x8: {  	[smem:$0x3FAE] =	sst s0  }
0x9: {  	[smem:$0x3FAF] =	sst s1  }
0xa: {  	[smem:$0x3FB0] =	sst s2  }
0xb: {  	[smem:$0x3FB1] =	sst s3  }
0xc: {  	[smem:$0x3FB2] =	sst s4  }
0xd: {  	[smem:$0x3FB3] =	sst s5  }
0xe: {  	[smem:$0x3FB4] =	sst s6  }
0xf: {  	[smem:$0x3FB5] =	sst s7  }
0x10: {  	[smem:$0x3FB6] =	sst s8  }
0x11: {  	[smem:$0x3FB7] =	sst s9;
	s0 =	simm.s32 @!p0 $0x0  }
0x12: {  	s1 =	sld [smem:$0x3F9D];
	s0 =	simm.s32 @p0 $0x1  }
0x13: {  	[smem:$0x3FB8] =	sst s0;
	s0 =	simm.s32 @!p1 $0x0  }
0x14: {  	s2 =	sld [smem:$0x3F9C];
	s0 =	simm.s32 @p1 $0x1  }
0x15: {  	[smem:$0x3FB9] =	sst s0;
	s0 =	simm.s32 @!p2 $0x0  }
0x16: {  	s3 =	sld [smem:$0x3FDB];
	s0 =	simm.s32 @p2 $0x1  }
0x17: {  	s4 =	simm.s32 $0x1BF5;
	[smem:$0x3FBB] =	sst s0  }
0x18: {  	s0 =	sld [smem:$0x3F9E];
	_ =	swait.ge [sflag:s4], $0x0  }
0x19: {  	s7 =	sld [smem:$0x3F9F]  }
0x1a: {  	s8 =	sadd.s32 $0xFFFFE003, lr  }
0x1b: {  	s9 =	sadd.s32 $0xFFFFFEF7, lr;
	s5 =	simm.s32 $0xFFFFFFFF;
	p2 =	slt.u32 s8, $0xFFFFF086  }
0x1c: {  	p1 =	slt.u32 s9, $0xF7A;
	s5 =	simm.s32 @!p2 $0x0  }
0x1d: {  	s5 =	simm.s32 @p1 $0x1;
	p0 =	seq.s32 s7, s2  }
0x1e: {  	s7 =	smul.u32 @!p0 $0xF7A, s2;
	p2 =	seq.s32 @!p0 s5, $0x0  }
0x1f: {  	s9 =	smul.u32 $0xF7A, s1;
	s8 =	simm.s32 @!p0 $0x1BF5;
	p2 =	por !p2, p0  }
0x20: {  	[sflag:s8] =	ssyncset.s32 @!p0 $0xFFFFF086;
	s6 =	sadd.s32 @!p0 s3, s7;
	s7 =	simm.s32 @!p0 $0x108  }
0x21: {  	s3 =	sadd.s32 s3, s9;
	s6 =	sadd.s32 @!p0 $0x88, s6;
	s7 =	simm.s32 @p2 $0x1082  }
0x22: {  	[simem:s7], [sflag:s8] =	dma.local @!p0 [hbm:s6], $0xF7A  }
0x23: {  	s9 =	sor.u32 $0xD0000000, s2;
	s6 =	simm.s32 $0x108;
	_ =	swait.ge @!p0 [sflag:s8], $0x0  }
0x24: {  	s3 =	sadd.s32 $0x88, s3;
	s6 =	simm.s32 @!p1 $0x1082;
	[sflag:s4] =	ssyncset.s32 $0xFFFFF086  }
0x25: {  	[simem:s6], [sflag:s4] =	dma.local [hbm:s3], $0xF7A  }
0x26: {  	[smem:$0x3F9F] =	sst s1;
	(tag) =	ssettag s2;
	_ =	strace s9  }
0x27: {  	s1 =	sld [smem:$0x3FAF]  }
0x28: {  	s2 =	sld [smem:$0x3FB0]  }
0x29: {  	s4 =	sld [smem:$0x3FB2]  }
0x2a: {  	p0 =	seq.s32 s5, $0x0;
	s5 =	sld [smem:$0x3FB3]  }
0x2b: {  	s6 =	sld [smem:$0x3FB4]  }
0x2c: {  	s7 =	sld [smem:$0x3FB5]  }
0x2d: {  	s3 =	simm.s32 $0x108;
	s8 =	sld [smem:$0x3FB6]  }
0x2e: {  	s3 =	simm.s32 @!p0 $0x1082;
	s9 =	sld [smem:$0x3FB7]  }
0x2f: {  	lr =	sadd.s32 s0, s3;
	s0 =	sld [smem:$0x3FAE]  }
0x30: {  	s3 =	sld [smem:$0x3FB1]  }
0x31: {  	[smem:$0x3FBA] =	sst s10  }
0x32: {  	s10 =	sld [smem:$0x3FB8];
	_ =	sdelay $0x3  }
0x33: {  	p0 =	seq.s32 s10, $0x1;
	s10 =	sld [smem:$0x3FBA];
	_ =	sdelay $0x3  }
0x34: {  	[smem:$0x3FBA] =	sst s10  }
0x35: {  	s10 =	sld [smem:$0x3FB9];
	_ =	sdelay $0x3  }
0x36: {  	p1 =	seq.s32 s10, $0x1;
	s10 =	sld [smem:$0x3FBA];
	_ =	sdelay $0x3  }
0x37: {  	[smem:$0x3FBA] =	sst s10  }
0x38: {  	s10 =	sld [smem:$0x3FBB]  }
0x39: {  	_ = 	snop;
	(pc) =	sbr.ind lr, $3  }
0x3a: {  	_ = 	snop  }
0x3b: {  	_ = 	snop  }
0x3c: {  	p2 =	seq.s32 s10, $0x1;
	s10 =	sld [smem:$0x3FBA]  }
0x3d: {  	_ =	shalt  }
0x3e: {  	_ =	shalt  }
0x3f: {  	_ =	shalt  }
0x40: {  	_ =	shalt  }
0x41: {  	_ =	shalt  }
0x42: {  	_ =	shalt  }
0x43: {  	_ =	shalt  }
0x44: {  	_ =	shalt  }
0x45: {  	_ =	shalt  }
0x46: {  	_ =	shalt  }
0x47: {  	_ =	shalt  }
0x48: {  	_ =	shalt  }
0x49: {  	_ =	shalt  }
0x4a: {  	_ =	shalt  }
0x4b: {  	_ =	shalt  }
0x4c: {  	_ =	shalt  }
0x4d: {  	_ =	shalt  }
0x4e: {  	_ =	shalt  }
0x4f: {  	_ =	shalt  }
0x50: {  	_ =	shalt  }
0x51: {  	_ =	shalt  }
0x52: {  	_ =	shalt  }
0x53: {  	_ =	shalt  }
0x54: {  	_ =	shalt  }
0x55: {  	_ =	shalt  }
0x56: {  	_ =	shalt  }
0x57: {  	_ =	shalt  }
0x58: {  	_ =	shalt  }
0x59: {  	_ =	shalt  }
0x5a: {  	_ =	shalt  }
0x5b: {  	_ =	shalt  }
0x5c: {  	_ =	shalt  }
0x5d: {  	_ =	shalt  }
0x5e: {  	_ =	shalt  }
0x5f: {  	_ =	shalt  }
0x60: {  	_ =	shalt  }
0x61: {  	_ =	shalt  }
0x62: {  	_ =	shalt  }
0x63: {  	_ =	shalt  }
0x64: {  	_ =	shalt  }
0x65: {  	_ =	shalt  }
0x66: {  	_ =	shalt  }
0x67: {  	_ =	shalt  }
0x68: {  	_ =	shalt  }
0x69: {  	_ =	shalt  }
0x6a: {  	_ =	shalt  }
0x6b: {  	_ =	shalt  }
0x6c: {  	_ =	shalt  }
0x6d: {  	_ =	shalt  }
0x6e: {  	_ =	shalt  }
0x6f: {  	_ =	shalt  }
0x70: {  	_ =	shalt  }
0x71: {  	_ =	shalt  }
0x72: {  	_ =	shalt  }
0x73: {  	_ =	shalt  }
0x74: {  	_ =	shalt  }
0x75: {  	_ =	shalt  }
0x76: {  	_ =	shalt  }
0x77: {  	_ =	shalt  }
0x78: {  	_ =	shalt  }
0x79: {  	_ =	shalt  }
0x7a: {  	_ =	shalt  }
0x7b: {  	_ =	shalt  }
0x7c: {  	_ =	shalt  }
0x7d: {  	_ =	shalt  }
0x7e: {  	_ =	shalt  }
0x7f: {  	_ =	shalt  }
0x80: {  	_ =	shalt  }
0x81: {  	_ =	shalt  }
0x82: {  	_ =	shalt  }
0x83: {  	_ =	shalt  }
0x84: {  	_ =	shalt  }
0x85: {  	_ =	shalt  }
0x86: {  	_ =	shalt  }
0x87: {  	_ =	shalt  }
.Lfunc_end0:
.L_simem_size_0:
called_computation_lowered:
.L_overlay_start_0:
0x88: {  	s2 =	sld [smem:$0x3FD9]  }
0x89: {  	s3 =	sld [smem:$0x3FFE];
	_ =	sdelay $0x1  }
0x8a: {  	s1 =	srdreg.scid  }
0x8b: {  	s0 =	sand.u32 $0x1, s1  }
0x8c: {  	s18 =	sshll.u32 s0, $0xA;
	s2 =	sadd.s32 s3, s2  }
0x8d: {  	s2 =	sadd.s32 s2, s18  }
0x8e: {  	[smem:$0x3FC6] =	sst s2  }
0x8f: {  	_ = 	snop  }
0x90: {  	s2 =	sld [smem:$0x3FC9]  }
0x91: {  	s19 =	sld [smem:$0x3FC8]  }
0x92: {  	s4 =	sld [smem:$0x3FD0];
	(tm) =	ssettm $0x1  }
0x93: {  	s5 =	sld [smem:$0x3FFB];
	_ =	sdelay $0x3  }
0x94: {  	_ =	strace s5  }
0x95: {  	s5 =	sld [smem:$0x3FFC];
	_ =	sdelay $0x3  }
0x96: {  	_ =	strace s5  }
0x97: {  	s5 =	sld [smem:$0x3FFD];
	_ =	sdelay $0x3  }
0x98: {  	_ =	strace s5  }
0x99: {  	_ =	strace $0x8FFFFFFF  }
0x9a: {  	s20 =	sld [smem:$0x3FDB];
	_ =	sdelay $0x1  }
0x9b: {  	s6 =	simm.s32 $_scs_section_size  }
0x9c: {  	s7 =	simm.s32 $_size__tile_overlayer_lowered;
	s8 =	simm.s32 $_tile_overlayer_lowered  }
0x9d: {  	s23 =	simm.s32 $0x1BFF;
	s22 =	sshll.u32 s8, $0x1;
	s5 =	sadd.s32 s6, s20  }
0x9e: {  	s9 =	simm.s32 $0x0;
	s21 =	sshll.u32 s7, $0x1;
	s7 =	sadd.s32 s22, s5  }
0x9f: {  	[timem:s9], [sflag:s23] =	dma.local [hbm:s7], s21  }
0xa0: {  	_ =	swait.ge [sflag:s23], s21  }
0xa1: {  	s6 =	ssub.s32 $0x0, s21;
	[sflag:s23] =	ssyncset.done $0x0  }
0xa2: {  	[sflag:s23] =	ssyncadd.s32 s6;
	_ =	sdelay $0x1  }
0xa3: {  	s24 =	simm.s32 $0x1B8B  }
0xa4: {  	_ =	swait.ge [sflag:s24], $0x1  }
0xa5: {  	[sflag:s24] =	ssyncset.done $0x0  }
0xa6: {  	s25 =	simm.s32 $0x1B8E;
	[sflag:s24] =	ssyncadd.s32 $0xFFFFFFFF  }
0xa7: {  	s26 =	simm.s32 $execute0_lowered;
	[smem:$0x3FD2] =	sst s25  }
0xa8: {  	s6 =	sshll.u32 s26, $0x1;
	_ =	strace $0x80000046;
	[dreg:$0x1] =	wrdreg $0xFFFFFFFF  }
0xa9: {  	s28 =	simm.s32 $_size_execute0_lowered;
	s5 =	sadd.s32 s5, s6;
	[dreg:$0x0] =	wrdreg $0x0  }
0xaa: {  	s6 =	sshll.u32 s28, $0x1;
	[dreg:$0x2] =	wrdreg s5  }
0xab: {  	[dreg:$0x3] =	wrdreg s6  }
0xac: {  	[dreg:$0x4] =	wrdreg $0xC0  }
0xad: {  	_ =	task [dreg:s9], $0x5FFFF  }
0xae: {  	[dreg:$0x1] =	wrdreg $0xFFFFFFFF  }
0xaf: {  	[dreg:$0x0] =	wrdreg $0x60  }
0xb0: {  	[dreg:$0x2] =	wrdreg s2  }
0xb1: {  	[dreg:$0x3] =	wrdreg s19  }
0xb2: {  	[dreg:$0x4] =	wrdreg s4  }
0xb3: {  	[dreg:$0x5] =	wrdreg $0x9  }
0xb4: {  	_ =	task.clear_ibuf [dreg:s9], $0x6FFFF;
	_ =	strace $0x90000046  }
0xb5: {  	s29 =	simm.s32 $0x9;
	_ =	strace $0x80000048  }
0xb6: {  	_ =	swait.ge [sflag:s29], $0x1  }
0xb7: {  	[sflag:s29] =	ssyncadd.s32 $0xFFFFFFFF  }
0xb8: {  	_ =	strace $0x90000048  }
0xb9: {  	_ =	sfence  }
0xba: {  	s30 =	sld [smem:$0x0];
	_ =	sdelay $0x2  }
0xbb: {  	s31 =	sshll.u32 s1, $0xD;
	s1 =	sshrl.u32 s1, $0x2  }
0xbc: {  	s3 =	sand.u32 $0x4000, s31;
	s1 =	sadd.s32 s1, s30  }
0xbd: {  	s0 =	sor.u32 s3, s0;
	s1 =	sshll.u32 s1, $0x11  }
0xbe: {  	s0 =	sor.u32 s1, s0  }
0xbf: {  	s0 =	sadd.s32 $0x8F2B, s0  }
0xc0: {  	[sflag:s0] =	ssyncadd.remote.s32 $0x1  }
0xc1: {  	_ =	sfence.sel $0xFFFF  }
0xc2: {  	[dreg:$0x0] =	wrdreg $0xFFFFFFFF;
	(pc) =	sbr.abs _section_cstart, $3  }
0xc3: {  	[dreg:$0x1] =	wrdreg $0xFFFFFFFF  }
0xc4: {  	_ =	task.clear_ibuf [dreg:s9], $0x2FFFF;
	_ =	strace $0x9FFFFFFF  }
0xc5: {  	(tm) =	ssettm $0x7FFFFFFF  }
tec
execute0_lowered:
.L_overlay_start_1:
0x0: {  	(tag) =	ssettag $0x1  }
0x1: {  	s1 =	rddreg [dreg:$0x0]  }
0x2: {  	s3 =	rddreg [dreg:$0x1]  }
0x3: {  	s4 =	rddreg [dreg:$0x2];
	s0 =	srdreg.scid  }
0x4: {  	s2 =	stileid.u32;
	s6 =	simm.s32 $0x0;
	s17 =	simm.s32 $0x2000  }
0x5: {  	s18 =	simm.s32 $0x800000;
	s19 =	simm.s32 $0x6000;
	s20 =	simm.s32 $0xE000  }
0x6: {  	s21 =	simm.s32 $0x1;
	s28 =	simm.s32 $0x7;
	s29 =	simm.s32 $0x3  }
0x7: {  	s30 =	simm.s32 $0x6;
	s0 =	sand.u32 $0x1, s0;
	s2 =	sshll.u32 s2, $0x9  }
0x8: {  	[smem:$0x7FF] =	sst s6;
	s5 =	sshll.u32 s0, $0x8;
	s0 =	ssub.s32 $0x2, s0  }
0x9: {  	_ =	strace $0x80000047;
	s6 =	sor.u32 s5, s2;
	s22 =	sshrl.u32 s0, $0x1  }
0xa: {  	s5 =	sshll.u32 s6, $0x7;
	s0 =	ssub.s32 s0, s22;
	s24 =	sshrl.u32 s6, $0x3  }
0xb: {  	s22 =	simm.s32 $0x4;
	s23 =	sadd.s32 s3, s5;
	s7 =	sadd.s32 s1, s5  }
0xc: {  	s9 =	sor.u32 $0x1, s24;
	s10 =	sor.u32 $0x2, s24;
	[dreg:$0x4] =	wrdreg s23  }
0xd: {  	s25 =	sor.u32 $0x7C00, s5;
	s0 =	smax.u32 s0, $0x1;
	[dreg:$0x5] =	wrdreg s7  }
0xe: {  	s11 =	sor.u32 $0x3, s24;
	s26 =	sadd.s32 s3, s25;
	[dreg:$0xa] =	wrdreg s0  }
0xf: {  	s5 =	sadd.s32 s5, s4;
	s31 =	sadd.s32 s1, s25;
	[dreg:$0x6] =	wrdreg s26  }
0x10: {  	s24 =	simm.s32 $0x16000;
	s5 =	sadd.s32 $0x7800, s5;
	[dreg:$0x7] =	wrdreg s31  }
0x11: {  	s2 =	sadd.s32 s4, s25;
	s25 =	simm.s32 $0x2;
	[dreg:$0x8] =	wrdreg s5  }
0x12: {  	[dreg:$0x9] =	wrdreg s2;
	s26 =	simm.s32 $0x5;
	s2 =	simm.s32 $0x0  }
.LBB2_1:
0x13: {  	[dreg:$0xb] =	wrdreg s2  }
0x14: {  	s0 =	simm.s32 $0x0;
	s23 =	rddreg [dreg:$0x4]  }
0x15: {  	[tilespmem:s0], [sflag:$0x1] =	stream.linear.gather [hbm4b:s23+s0], $0x2000, $0x38;
	[tilespmem:$0x1E000] =	vst v63  }
0x16: {  	s31 =	rddreg [dreg:$0x5];
	s5 =	simm.s32 $0x0  }
0x17: {  	[tilespmem:s19], [sflag:$0x4] =	stream.strided.gather [hbm4b:s31+s17], $0x8000, s18, s17, $0x38;
	[tilespmem:$0x1E000] =	vst v63  }
.LBB2_2:
0x18: {  	s7 =	smul.u32 $0x3, s5;
	p0 =	seq.s32 s5, $0x0  }
0x19: {  	s0 =	simm.s32 @!p0 $0x8  }
0x1a: {  	_ =	swait.ge @!p0 [sflag:s0], $0x8000;
	s8 =	sadd.s32 s7, s9  }
0x1b: {  	[sflag:s0] =	ssyncset.done @!p0 $0x0;
	s8 =	sshll.u32 s8, $0xA  }
0x1c: {  	s2 =	simm.s32 $0x0;
	[sflag:s0] =	ssyncadd.s32 @!p0 $0xFFFF8000;
	s12 =	sadd.s32 s3, s8  }
0x1d: {  	[tilespmem:s17], [sflag:$0x2] =	stream.linear.gather [hbm4b:s12+s2], $0x2000, $0x38;
	[tilespmem:$0x1E000] =	vst v63  }
0x1e: {  	s16 =	sadd.s32 s1, s8  }
0x1f: {  	[tilespmem:s20], [sflag:$0x5] =	stream.strided.gather [hbm4b:s16+s17], $0x8000, s18, s17, $0x38;
	[tilespmem:$0x1E000] =	vst v63  }
0x20: {  	_ =	swait.ge [sflag:s21], $0x2000  }
0x21: {  	[sflag:s21] =	ssyncset.done $0x0  }
0x22: {  	[sflag:s21] =	ssyncadd.s32 $0xFFFFE000  }
0x23: {  	_ =	swait.ge [sflag:s22], $0x8000  }
0x24: {  	s23 =	sand.u32 $0x70, s2;
	s13 =	sand.u32 $0x1C00, s2;
	[sflag:s22] =	ssyncset.done $0x0  }
0x25: {  	s12 =	sor.u32 s23, s13;
	[sflag:s22] =	ssyncadd.s32 $0xFFFF8000  }
0x26: {  	v0 =	vld [tilespmem:s12+$0x0]  }
0x27: {  	v1 =	vld [tilespmem:s12+$0x6000]  }
0x28: {  	v2 =	vld [tilespmem:s12+$0x8000]  }
0x29: {  	v3 =	vld [tilespmem:s12+$0xA000]  }
0x2a: {  	v4 =	vld [tilespmem:s12+$0xC000]  }
0x2b: {  	v5 =	vld [tilespmem:s12+$0x80]  }
0x2c: {  	v6 =	vld [tilespmem:s12+$0x6080]  }
0x2d: {  	v7 =	vld [tilespmem:s12+$0x8080]  }
0x2e: {  	v8 =	vld [tilespmem:s12+$0xA080]  }
0x2f: {  	v9 =	vld [tilespmem:s12+$0xC080]  }
0x30: {  	s14 =	simm.s32 $0x10;
	s15 =	simm.s32 $0x80;
	v10 =	vld [tilespmem:s12+$0x100]  }
0x31: {  	s31 =	sand.u32 $0x70, s14;
	s16 =	sand.u32 $0x1C00, s15;
	v11 =	vld [tilespmem:s12+$0x6100]  }
0x32: {  	s13 =	sor.u32 s31, s16;
	v12 =	vld [tilespmem:s12+$0x8100]  }
0x33: {  	v56 =	vld [tilespmem:s13+$0x8000]  }
0x34: {  	v13 =	vld [tilespmem:s13+$0xA000]  }
0x35: {  	v14 =	vld [tilespmem:s13+$0xC000]  }
0x36: {  	v15 =	vld [tilespmem:s13+$0x80]  }
0x37: {  	v16 =	vld [tilespmem:s13+$0x6080]  }
0x38: {  	v17 =	vld [tilespmem:s13+$0x8080]  }
0x39: {  	v18 =	vld [tilespmem:s13+$0xA080]  }
0x3a: {  	v19 =	vld [tilespmem:s13+$0xC080];
	v1 =	vadd.f32 v1, v0  }
0x3b: {  	v20 =	vld [tilespmem:s13+$0x100];
	v2 =	vadd.f32 v2, v0;
	v3 =	vadd.f32 v3, v0  }
0x3c: {  	v0 =	vadd.f32 v4, v0;
	v4 =	vadd.f32 v6, v5;
	v6 =	vld [tilespmem:s12+$0x8180];
	[tilespmem:s12+$0x6000] =	vst v1  }
0x3d: {  	v1 =	vld [tilespmem:s12+$0xA100];
	[tilespmem:s12+$0x8000] =	vst v2  }
0x3e: {  	v2 =	vld [tilespmem:s12+$0xC100];
	[tilespmem:s12+$0xA000] =	vst v3  }
0x3f: {  	v8 =	vadd.f32 v8, v5;
	v3 =	vld [tilespmem:s12+$0x180];
	[tilespmem:s12+$0xC000] =	vst v0  }
0x40: {  	v0 =	vld [tilespmem:s12+$0x6180];
	[tilespmem:s12+$0x6080] =	vst v4;
	v4 =	vadd.f32 v7, v5  }
0x41: {  	v7 =	vld [tilespmem:s12+$0xA180];
	v5 =	vadd.f32 v9, v5;
	[tilespmem:s12+$0xA080] =	vst v8  }
0x42: {  	v8 =	vld [tilespmem:s12+$0x200];
	v9 =	vadd.f32 v11, v10;
	[tilespmem:s12+$0x8080] =	vst v4  }
0x43: {  	v11 =	vadd.f32 v12, v10;
	v4 =	vld [tilespmem:s12+$0xC180];
	[tilespmem:s12+$0xC080] =	vst v5  }
0x44: {  	v5 =	vld [tilespmem:s12+$0x6200];
	[tilespmem:s12+$0x6100] =	vst v9;
	v1 =	vadd.f32 v1, v10  }
0x45: {  	v9 =	vld [tilespmem:s12+$0x8200];
	[tilespmem:s12+$0x8100] =	vst v11;
	v2 =	vadd.f32 v2, v10  }
0x46: {  	v11 =	vld [tilespmem:s12+$0xA200];
	v7 =	vadd.f32 v7, v3;
	[tilespmem:s12+$0xA100] =	vst v1  }
0x47: {  	v0 =	vadd.f32 v0, v3;
	v10 =	vld [tilespmem:s13+$0x6000];
	[tilespmem:s12+$0xC100] =	vst v2  }
0x48: {  	v6 =	vadd.f32 v6, v3;
	[tilespmem:s12+$0xA180] =	vst v7;
	v7 =	vld [tilespmem:s13+$0x0]  }
0x49: {  	v1 =	vld [tilespmem:s12+$0xC200];
	[tilespmem:s12+$0x6180] =	vst v0;
	v3 =	vadd.f32 v4, v3  }
0x4a: {  	v2 =	vld [tilespmem:s12+$0x280];
	[tilespmem:s12+$0x8180] =	vst v6;
	v5 =	vadd.f32 v5, v8  }
0x4b: {  	v0 =	vld [tilespmem:s12+$0x6280];
	v9 =	vadd.f32 v9, v8;
	[tilespmem:s12+$0xC180] =	vst v3  }
0x4c: {  	v4 =	vld [tilespmem:s12+$0xA280];
	v11 =	vadd.f32 v11, v8;
	[tilespmem:s12+$0x6200] =	vst v5  }
0x4d: {  	v6 =	vld [tilespmem:s12+$0x8280];
	[tilespmem:s12+$0x8200] =	vst v9;
	v10 =	vadd.f32 v10, v7  }
0x4e: {  	v3 =	vld [tilespmem:s12+$0xC280];
	[tilespmem:s12+$0xA200] =	vst v11;
	v12 =	vadd.f32 v56, v7;
	v1 =	vadd.f32 v1, v8  }
0x4f: {  	v21 =	vld [tilespmem:s13+$0x6100];
	v13 =	vadd.f32 v13, v7;
	v7 =	vadd.f32 v14, v7;
	[tilespmem:s13+$0x6000] =	vst v10  }
0x50: {  	v57 =	vld [tilespmem:s12+$0x6300];
	v0 =	vadd.f32 v0, v2;
	[tilespmem:s12+$0xC200] =	vst v1  }
0x51: {  	v4 =	vadd.f32 v4, v2;
	v10 =	vld [tilespmem:s12+$0x300];
	[tilespmem:s13+$0xC000] =	vst v7  }
0x52: {  	v11 =	vld [tilespmem:s12+$0x8300];
	[tilespmem:s12+$0x6280] =	vst v0;
	v0 =	vadd.f32 v6, v2  }
0x53: {  	v5 =	vld [tilespmem:s13+$0x8100];
	v2 =	vadd.f32 v3, v2;
	[tilespmem:s12+$0xA280] =	vst v4  }
0x54: {  	v1 =	vld [tilespmem:s12+$0xA300];
	[tilespmem:s12+$0x8280] =	vst v0;
	v0 =	vadd.f32 v18, v15  }
0x55: {  	v6 =	vld [tilespmem:s12+$0xC300];
	v4 =	vadd.f32 v19, v15;
	[tilespmem:s12+$0xC280] =	vst v2  }
0x56: {  	v58 =	vld [tilespmem:s13+$0x180];
	[tilespmem:s13+$0xA080] =	vst v0;
	v0 =	vadd.f32 v57, v10  }
0x57: {  	v9 =	vld [tilespmem:s13+$0xA100];
	[tilespmem:s13+$0xC080] =	vst v4;
	v4 =	vadd.f32 v11, v10  }
0x58: {  	v61 =	vld [tilespmem:s13+$0x8180];
	[tilespmem:s12+$0x6300] =	vst v0;
	v0 =	vadd.f32 v5, v20  }
0x59: {  	v7 =	vld [tilespmem:s13+$0x6180];
	v1 =	vadd.f32 v1, v10;
	[tilespmem:s12+$0x8300] =	vst v4  }
0x5a: {  	v62 =	vld [tilespmem:s13+$0xA180];
	[tilespmem:s13+$0x8100] =	vst v0;
	v0 =	vadd.f32 v6, v10  }
0x5b: {  	s0 =	sor.u32 s2, s2;
	v59 =	vadd.f32 v16, v15;
	v8 =	vld [tilespmem:s13+$0xC100];
	[tilespmem:s12+$0xA300] =	vst v1  }
0x5c: {  	s0 =	sor.u32 $0x380, s0;
	v3 =	vld [tilespmem:s13+$0xC180];
	v4 =	vadd.f32 v9, v20;
	[tilespmem:s12+$0xC300] =	vst v0  }
0x5d: {  	v60 =	vadd.f32 v17, v15;
	[tilespmem:s13+$0x6080] =	vst v59;
	v0 =	vld [tilespmem:s0+$0x0]  }
0x5e: {  	v2 =	vadd.f32 v21, v20;
	[tilespmem:s13+$0xA100] =	vst v4;
	v4 =	vadd.f32 v7, v58;
	v7 =	vld [tilespmem:s0+$0x6000]  }
0x5f: {  	v63 =	vld [tilespmem:s13+$0x200];
	[tilespmem:s13+$0x8080] =	vst v60  }
0x60: {  	[tilespmem:s13+$0x6100] =	vst v2;
	v2 =	vld [tilespmem:s13+$0x8200]  }
0x61: {  	[tilespmem:s13+$0x8000] =	vst v12;
	v11 =	vld [tilespmem:s13+$0x6200];
	v3 =	vadd.f32 v3, v58  }
0x62: {  	[tilespmem:s13+$0xA000] =	vst v13;
	v5 =	vld [tilespmem:s13+$0xA200];
	v1 =	vadd.f32 v8, v20  }
0x63: {  	v9 =	vld [tilespmem:s13+$0x6280];
	[tilespmem:s13+$0xC180] =	vst v3;
	v7 =	vadd.f32 v7, v0  }
0x64: {  	v8 =	vadd.f32 v61, v58;
	v3 =	vld [tilespmem:s13+$0xC280];
	[tilespmem:s13+$0xC100] =	vst v1  }
0x65: {  	v6 =	vld [tilespmem:s13+$0xC200];
	[tilespmem:s0+$0x6000] =	vst v7  }
0x66: {  	[tilespmem:s13+$0x8180] =	vst v8;
	v10 =	vadd.f32 v11, v63;
	v7 =	vld [tilespmem:s12+$0xC380]  }
0x67: {  	v1 =	vld [tilespmem:s13+$0x280];
	[tilespmem:s13+$0x6180] =	vst v4;
	v4 =	vadd.f32 v62, v58  }
0x68: {  	v8 =	vld [tilespmem:s13+$0x8280];
	v11 =	vadd.f32 v2, v63;
	[tilespmem:s13+$0x6200] =	vst v10  }
0x69: {  	v10 =	vadd.f32 v5, v63;
	[tilespmem:s13+$0xA180] =	vst v4;
	v4 =	vld [tilespmem:s13+$0xA280]  }
0x6a: {  	v2 =	vld [tilespmem:s13+$0x300];
	[tilespmem:s13+$0x8200] =	vst v11;
	v11 =	vadd.f32 v6, v63  }
0x6b: {  	v5 =	vld [tilespmem:s13+$0x6300];
	[tilespmem:s13+$0xA200] =	vst v10;
	v7 =	vadd.f32 v7, v0  }
0x6c: {  	v6 =	vld [tilespmem:s13+$0x8300];
	v9 =	vadd.f32 v9, v1;
	[tilespmem:s13+$0xC200] =	vst v11  }
0x6d: {  	s16 =	simm.s32 $0x80;
	v8 =	vadd.f32 v8, v1;
	s0 =	simm.s32 $0x20;
	[tilespmem:s12+$0xC380] =	vst v7;
	v7 =	vld [tilespmem:s13+$0xA300]  }
.LBB2_3:
0x6e: {  	p1 =	sne.s32 s0, $0x3F0;
	[tilespmem:s13+$0x6280] =	vst v9;
	v4 =	vadd.f32 v4, v1;
	v9 =	vld [tilespmem:s13+$0xC300];
	s15 =	sadd.s32 $0x80, s15  }
0x6f: {  	s31 =	sand.u32 $0x70, s0;
	v1 =	vadd.f32 v3, v1;
	s2 =	sand.u32 $0x1C00, s15;
	[tilespmem:s13+$0x8280] =	vst v8;
	v3 =	vld [tilespmem:s12+$0x8380]  }
0x70: {  	s2 =	sor.u32 s31, s2;
	[tilespmem:s13+$0xA280] =	vst v4;
	v4 =	vadd.f32 v5, v2;
	v5 =	vld [tilespmem:s12+$0xA380]  }
0x71: {  	v8 =	vld [tilespmem:s2+$0x0];
	[tilespmem:s13+$0xC280] =	vst v1;
	v1 =	vadd.f32 v6, v2  }
0x72: {  	v6 =	vld [tilespmem:s2+$0x6000];
	[tilespmem:s13+$0x6300] =	vst v4;
	v4 =	vadd.f32 v7, v2  }
0x73: {  	v7 =	vld [tilespmem:s2+$0x8000];
	[tilespmem:s13+$0x8300] =	vst v1;
	v1 =	vadd.f32 v9, v2  }
0x74: {  	s31 =	sor.u32 s16, s14;
	s16 =	smov.u32 s15;
	s14 =	smov.u32 s0;
	v2 =	vld [tilespmem:s2+$0xA000];
	[tilespmem:s13+$0xA300] =	vst v4;
	v3 =	vadd.f32 v3, v0  }
0x75: {  	s31 =	sor.u32 $0x380, s31;
	v4 =	vld [tilespmem:s2+$0xC000];
	[tilespmem:s13+$0xC300] =	vst v1;
	v1 =	vadd.f32 v5, v0  }
0x76: {  	v0 =	vld [tilespmem:s31+$0x0];
	[tilespmem:s12+$0x8380] =	vst v3  }
0x77: {  	v3 =	vld [tilespmem:s31+$0x6000];
	[tilespmem:s12+$0xA380] =	vst v1;
	s12 =	smov.u32 s13;
	s13 =	smov.u32 s2  }
0x78: {  	v1 =	vld [tilespmem:s13+$0x80]  }
0x79: {  	v5 =	vld [tilespmem:s13+$0x6080]  }
0x7a: {  	v9 =	vld [tilespmem:s13+$0x8080]  }
0x7b: {  	v10 =	vld [tilespmem:s13+$0xA080]  }
0x7c: {  	v11 =	vld [tilespmem:s13+$0xC080];
	v3 =	vadd.f32 v3, v0  }
0x7d: {  	v12 =	vld [tilespmem:s13+$0x100]  }
0x7e: {  	v13 =	vld [tilespmem:s13+$0x6100];
	[tilespmem:s31+$0x6000] =	vst v3  }
0x7f: {  	v3 =	vadd.f32 v6, v8;
	v6 =	vld [tilespmem:s12+$0xC380]  }
0x80: {  	v7 =	vadd.f32 v7, v8;
	v14 =	vld [tilespmem:s13+$0x8100]  }
0x81: {  	v2 =	vadd.f32 v2, v8;
	[tilespmem:s13+$0x6000] =	vst v3;
	v3 =	vld [tilespmem:s13+$0xA100]  }
0x82: {  	v4 =	vadd.f32 v4, v8;
	[tilespmem:s13+$0x8000] =	vst v7;
	v7 =	vld [tilespmem:s13+$0xC100]  }
0x83: {  	[tilespmem:s13+$0xA000] =	vst v2;
	v2 =	vadd.f32 v5, v1;
	v5 =	vld [tilespmem:s13+$0x180]  }
0x84: {  	[tilespmem:s13+$0xC000] =	vst v4;
	v4 =	vld [tilespmem:s13+$0x6180];
	v6 =	vadd.f32 v6, v0  }
0x85: {  	[tilespmem:s13+$0x6080] =	vst v2;
	v2 =	vadd.f32 v9, v1;
	v8 =	vld [tilespmem:s13+$0x8180]  }
0x86: {  	v9 =	vadd.f32 v10, v1;
	v10 =	vld [tilespmem:s13+$0xA180];
	[tilespmem:s12+$0xC380] =	vst v6  }
0x87: {  	v1 =	vadd.f32 v11, v1;
	[tilespmem:s13+$0x8080] =	vst v2;
	v2 =	vld [tilespmem:s13+$0xC180]  }
0x88: {  	v6 =	vadd.f32 v13, v12;
	[tilespmem:s13+$0xA080] =	vst v9;
	v9 =	vld [tilespmem:s13+$0x200]  }
0x89: {  	[tilespmem:s13+$0xC080] =	vst v1;
	v1 =	vadd.f32 v14, v12;
	v11 =	vld [tilespmem:s13+$0x6200]  }
0x8a: {  	v3 =	vadd.f32 v3, v12;
	[tilespmem:s13+$0x6100] =	vst v6;
	v6 =	vld [tilespmem:s13+$0x8200]  }
0x8b: {  	[tilespmem:s13+$0x8100] =	vst v1;
	v1 =	vadd.f32 v7, v12;
	v7 =	vld [tilespmem:s13+$0xA200]  }
0x8c: {  	[tilespmem:s13+$0xA100] =	vst v3;
	v3 =	vadd.f32 v4, v5;
	v12 =	vld [tilespmem:s13+$0xC200]  }
0x8d: {  	v4 =	vadd.f32 v8, v5;
	[tilespmem:s13+$0xC100] =	vst v1;
	v1 =	vld [tilespmem:s13+$0x280]  }
0x8e: {  	[tilespmem:s13+$0x6180] =	vst v3;
	v3 =	vadd.f32 v10, v5;
	v8 =	vld [tilespmem:s13+$0x6280]  }
0x8f: {  	v2 =	vadd.f32 v2, v5;
	[tilespmem:s13+$0x8180] =	vst v4;
	v10 =	vld [tilespmem:s13+$0x8280]  }
0x90: {  	v5 =	vadd.f32 v11, v9;
	[tilespmem:s13+$0xA180] =	vst v3;
	v4 =	vld [tilespmem:s13+$0xA280]  }
.Ltmp0:
0x91: {  	v6 =	vadd.f32 v6, v9;
	[tilespmem:s13+$0xC180] =	vst v2;
	v3 =	vld [tilespmem:s13+$0xC280];
	(pc) =	sbr.rel @p1 .LBB2_3-.Ltmp0, $4  }
0x92: {  	v7 =	vadd.f32 v7, v9;
	[tilespmem:s13+$0x6200] =	vst v5;
	v2 =	vld [tilespmem:s13+$0x300]  }
0x93: {  	v11 =	vadd.f32 v12, v9;
	[tilespmem:s13+$0x8200] =	vst v6;
	v5 =	vld [tilespmem:s13+$0x6300]  }
0x94: {  	v9 =	vadd.f32 v8, v1;
	[tilespmem:s13+$0xA200] =	vst v7;
	v6 =	vld [tilespmem:s13+$0x8300]  }
0x95: {  	s0 =	sadd.s32 $0x10, s0;
	v8 =	vadd.f32 v10, v1;
	[tilespmem:s13+$0xC200] =	vst v11;
	v7 =	vld [tilespmem:s13+$0xA300]  }
0x96: {  	[tilespmem:s13+$0x6280] =	vst v9;
	v4 =	vadd.f32 v4, v1;
	v9 =	vld [tilespmem:s13+$0xC300]  }
0x97: {  	v1 =	vadd.f32 v3, v1;
	[tilespmem:s13+$0x8280] =	vst v8  }
0x98: {  	[tilespmem:s13+$0xA280] =	vst v4;
	v3 =	vadd.f32 v5, v2  }
0x99: {  	[tilespmem:s13+$0xC280] =	vst v1;
	v1 =	vadd.f32 v6, v2  }
0x9a: {  	[tilespmem:s13+$0x6300] =	vst v3;
	v3 =	vadd.f32 v7, v2  }
0x9b: {  	[tilespmem:s13+$0x8300] =	vst v1;
	v1 =	vadd.f32 v9, v2  }
0x9c: {  	s0 =	sor.u32 s16, s14;
	[tilespmem:s13+$0xA300] =	vst v3  }
0x9d: {  	s0 =	sor.u32 $0x380, s0;
	[tilespmem:s13+$0xC300] =	vst v1  }
0x9e: {  	v1 =	vld [tilespmem:s0+$0x0]  }
0x9f: {  	v2 =	vld [tilespmem:s0+$0x6000];
	_ =	sdelay $0x4  }
0xa0: {  	v2 =	vadd.f32 v2, v1;
	_ =	sdelay $0x1  }
0xa1: {  	[tilespmem:s0+$0x6000] =	vst v2  }
0xa2: {  	v2 =	vld [tilespmem:s13+$0xC380];
	_ =	sdelay $0x2  }
0xa3: {  	v4 =	vld [tilespmem:s12+$0xA380]  }
0xa4: {  	v3 =	vld [tilespmem:s12+$0x8380]  }
0xa5: {  	v2 =	vadd.f32 v2, v1  }
0xa6: {  	v5 =	vld [tilespmem:s13+$0xA380]  }
0xa7: {  	[tilespmem:s13+$0xC380] =	vst v2;
	v2 =	vld [tilespmem:s13+$0x8380];
	_ =	sdelay $0x1  }
0xa8: {  	v3 =	vadd.f32 v3, v0;
	v0 =	vadd.f32 v4, v0  }
0xa9: {  	s2 =	smul.u32 $0x18, s5  }
0xaa: {  	[tilespmem:s12+$0xA380] =	vst v0;
	v0 =	vadd.f32 v5, v1  }
0xab: {  	[tilespmem:s12+$0x8380] =	vst v3;
	s0 =	sadd.s32 s6, s2;
	v2 =	vadd.f32 v2, v1  }
0xac: {  	s0 =	sshll.u32 s0, $0x7;
	[tilespmem:s13+$0xA380] =	vst v0  }
0xad: {  	s0 =	sadd.s32 s4, s0;
	[tilespmem:s13+$0x8380] =	vst v2  }
0xae: {  	[hbm4b:s0+s17] =	stream.strided.scatter [tilespmem:s19], [sflag:$0x7], $0x8000, s18, s17, $0x38;
	[tilespmem:$0x1E000] =	vst v63  }
0xaf: {  	s0 =	simm.s32 @!p0 $0x9  }
0xb0: {  	s2 =	sadd.s32 s7, s10;
	_ =	swait.ge @!p0 [sflag:s0], $0x8000  }
0xb1: {  	s14 =	simm.s32 $0x4000;
	s12 =	sshll.u32 s2, $0xA;
	[sflag:s0] =	ssyncset.done @!p0 $0x0  }
0xb2: {  	s2 =	sadd.s32 s3, s12;
	[sflag:s0] =	ssyncadd.s32 @!p0 $0xFFFF8000;
	s0 =	simm.s32 $0x0  }
0xb3: {  	[tilespmem:s14], [sflag:$0x3] =	stream.linear.gather [hbm4b:s2+s0], $0x2000, $0x38;
	[tilespmem:$0x1E000] =	vst v63  }
0xb4: {  	s15 =	sadd.s32 s1, s12  }
0xb5: {  	[tilespmem:s24], [sflag:$0x6] =	stream.strided.gather [hbm4b:s15+s17], $0x8000, s18, s17, $0x38;
	[tilespmem:$0x1E000] =	vst v63  }
0xb6: {  	_ =	swait.ge [sflag:s25], $0x2000  }
0xb7: {  	[sflag:s25] =	ssyncset.done $0x0  }
0xb8: {  	[sflag:s25] =	ssyncadd.s32 $0xFFFFE000  }
0xb9: {  	_ =	swait.ge [sflag:s26], $0x8000  }
0xba: {  	s16 =	sand.u32 $0x70, s0;
	s23 =	sand.u32 $0x1C00, s0;
	[sflag:s26] =	ssyncset.done $0x0  }
0xbb: {  	s13 =	sor.u32 s16, s23;
	[sflag:s26] =	ssyncadd.s32 $0xFFFF8000  }
0xbc: {  	v0 =	vld [tilespmem:s13+$0x2000]  }
0xbd: {  	v1 =	vld [tilespmem:s13+$0xE000]  }
0xbe: {  	v2 =	vld [tilespmem:s13+$0x10000]  }
0xbf: {  	v3 =	vld [tilespmem:s13+$0x12000]  }
0xc0: {  	v4 =	vld [tilespmem:s13+$0x14000]  }
0xc1: {  	v5 =	vld [tilespmem:s13+$0x2080]  }
0xc2: {  	v6 =	vld [tilespmem:s13+$0xE080]  }
0xc3: {  	v7 =	vld [tilespmem:s13+$0x10080]  }
0xc4: {  	v8 =	vld [tilespmem:s13+$0x12080]  }
0xc5: {  	v9 =	vld [tilespmem:s13+$0x14080]  }
0xc6: {  	s16 =	simm.s32 $0x80;
	s15 =	simm.s32 $0x10;
	v10 =	vld [tilespmem:s13+$0x2100]  }
0xc7: {  	s23 =	sand.u32 $0x1C00, s16;
	s14 =	sand.u32 $0x70, s15;
	v11 =	vld [tilespmem:s13+$0xE100]  }
0xc8: {  	s14 =	sor.u32 s14, s23;
	v12 =	vld [tilespmem:s13+$0x10100]  }
0xc9: {  	v56 =	vld [tilespmem:s14+$0x10000]  }
0xca: {  	v13 =	vld [tilespmem:s14+$0x12000]  }
0xcb: {  	v14 =	vld [tilespmem:s14+$0x14000]  }
0xcc: {  	v15 =	vld [tilespmem:s14+$0x2080]  }
0xcd: {  	v16 =	vld [tilespmem:s14+$0xE080]  }
0xce: {  	v17 =	vld [tilespmem:s14+$0x10080]  }
0xcf: {  	v18 =	vld [tilespmem:s14+$0x12080]  }
0xd0: {  	v19 =	vld [tilespmem:s14+$0x14080];
	v1 =	vadd.f32 v1, v0  }
0xd1: {  	v20 =	vld [tilespmem:s14+$0x2100];
	v2 =	vadd.f32 v2, v0;
	v3 =	vadd.f32 v3, v0  }
0xd2: {  	v0 =	vadd.f32 v4, v0;
	v4 =	vadd.f32 v6, v5;
	v6 =	vld [tilespmem:s13+$0x10180];
	[tilespmem:s13+$0xE000] =	vst v1  }
0xd3: {  	v1 =	vld [tilespmem:s13+$0x12100];
	[tilespmem:s13+$0x10000] =	vst v2  }
0xd4: {  	v2 =	vld [tilespmem:s13+$0x14100];
	[tilespmem:s13+$0x12000] =	vst v3  }
0xd5: {  	v8 =	vadd.f32 v8, v5;
	v3 =	vld [tilespmem:s13+$0x2180];
	[tilespmem:s13+$0x14000] =	vst v0  }
0xd6: {  	v0 =	vld [tilespmem:s13+$0xE180];
	[tilespmem:s13+$0xE080] =	vst v4;
	v4 =	vadd.f32 v7, v5  }
0xd7: {  	v7 =	vld [tilespmem:s13+$0x12180];
	v5 =	vadd.f32 v9, v5;
	[tilespmem:s13+$0x12080] =	vst v8  }
0xd8: {  	v8 =	vld [tilespmem:s13+$0x2200];
	v9 =	vadd.f32 v11, v10;
	[tilespmem:s13+$0x10080] =	vst v4  }
0xd9: {  	v11 =	vadd.f32 v12, v10;
	v4 =	vld [tilespmem:s13+$0x14180];
	[tilespmem:s13+$0x14080] =	vst v5  }
0xda: {  	v5 =	vld [tilespmem:s13+$0xE200];
	[tilespmem:s13+$0xE100] =	vst v9;
	v1 =	vadd.f32 v1, v10  }
0xdb: {  	v9 =	vld [tilespmem:s13+$0x10200];
	[tilespmem:s13+$0x10100] =	vst v11;
	v2 =	vadd.f32 v2, v10  }
0xdc: {  	v11 =	vld [tilespmem:s13+$0x12200];
	v7 =	vadd.f32 v7, v3;
	[tilespmem:s13+$0x12100] =	vst v1  }
0xdd: {  	v0 =	vadd.f32 v0, v3;
	v10 =	vld [tilespmem:s14+$0xE000];
	[tilespmem:s13+$0x14100] =	vst v2  }
0xde: {  	v6 =	vadd.f32 v6, v3;
	[tilespmem:s13+$0x12180] =	vst v7;
	v7 =	vld [tilespmem:s14+$0x2000]  }
0xdf: {  	v1 =	vld [tilespmem:s13+$0x14200];
	[tilespmem:s13+$0xE180] =	vst v0;
	v3 =	vadd.f32 v4, v3  }
0xe0: {  	v2 =	vld [tilespmem:s13+$0x2280];
	[tilespmem:s13+$0x10180] =	vst v6;
	v5 =	vadd.f32 v5, v8  }
0xe1: {  	v0 =	vld [tilespmem:s13+$0xE280];
	v9 =	vadd.f32 v9, v8;
	[tilespmem:s13+$0x14180] =	vst v3  }
0xe2: {  	v4 =	vld [tilespmem:s13+$0x12280];
	v11 =	vadd.f32 v11, v8;
	[tilespmem:s13+$0xE200] =	vst v5  }
0xe3: {  	v6 =	vld [tilespmem:s13+$0x10280];
	[tilespmem:s13+$0x10200] =	vst v9;
	v10 =	vadd.f32 v10, v7  }
0xe4: {  	v3 =	vld [tilespmem:s13+$0x14280];
	[tilespmem:s13+$0x12200] =	vst v11;
	v12 =	vadd.f32 v56, v7;
	v1 =	vadd.f32 v1, v8  }
0xe5: {  	v21 =	vld [tilespmem:s14+$0xE100];
	v13 =	vadd.f32 v13, v7;
	v7 =	vadd.f32 v14, v7;
	[tilespmem:s14+$0xE000] =	vst v10  }
0xe6: {  	v57 =	vld [tilespmem:s13+$0xE300];
	v0 =	vadd.f32 v0, v2;
	[tilespmem:s13+$0x14200] =	vst v1  }
0xe7: {  	v4 =	vadd.f32 v4, v2;
	v10 =	vld [tilespmem:s13+$0x2300];
	[tilespmem:s14+$0x14000] =	vst v7  }
0xe8: {  	v11 =	vld [tilespmem:s13+$0x10300];
	[tilespmem:s13+$0xE280] =	vst v0;
	v0 =	vadd.f32 v6, v2  }
0xe9: {  	v5 =	vld [tilespmem:s14+$0x10100];
	v2 =	vadd.f32 v3, v2;
	[tilespmem:s13+$0x12280] =	vst v4  }
0xea: {  	v1 =	vld [tilespmem:s13+$0x12300];
	[tilespmem:s13+$0x10280] =	vst v0;
	v0 =	vadd.f32 v18, v15  }
0xeb: {  	v6 =	vld [tilespmem:s13+$0x14300];
	v4 =	vadd.f32 v19, v15;
	[tilespmem:s13+$0x14280] =	vst v2  }
0xec: {  	v58 =	vld [tilespmem:s14+$0x2180];
	[tilespmem:s14+$0x12080] =	vst v0;
	v0 =	vadd.f32 v57, v10  }
0xed: {  	v9 =	vld [tilespmem:s14+$0x12100];
	[tilespmem:s14+$0x14080] =	vst v4;
	v4 =	vadd.f32 v11, v10  }
0xee: {  	v61 =	vld [tilespmem:s14+$0x10180];
	[tilespmem:s13+$0xE300] =	vst v0;
	v0 =	vadd.f32 v5, v20  }
0xef: {  	v7 =	vld [tilespmem:s14+$0xE180];
	v1 =	vadd.f32 v1, v10;
	[tilespmem:s13+$0x10300] =	vst v4  }
0xf0: {  	v62 =	vld [tilespmem:s14+$0x12180];
	[tilespmem:s14+$0x10100] =	vst v0;
	v0 =	vadd.f32 v6, v10  }
0xf1: {  	s0 =	sor.u32 s0, s0;
	v59 =	vadd.f32 v16, v15;
	v8 =	vld [tilespmem:s14+$0x14100];
	[tilespmem:s13+$0x12300] =	vst v1  }
0xf2: {  	s0 =	sor.u32 $0x380, s0;
	v3 =	vld [tilespmem:s14+$0x14180];
	v4 =	vadd.f32 v9, v20;
	[tilespmem:s13+$0x14300] =	vst v0  }
0xf3: {  	v60 =	vadd.f32 v17, v15;
	[tilespmem:s14+$0xE080] =	vst v59;
	v0 =	vld [tilespmem:s0+$0x2000]  }
0xf4: {  	v2 =	vadd.f32 v21, v20;
	[tilespmem:s14+$0x12100] =	vst v4;
	v4 =	vadd.f32 v7, v58;
	v7 =	vld [tilespmem:s0+$0xE000]  }
0xf5: {  	v63 =	vld [tilespmem:s14+$0x2200];
	[tilespmem:s14+$0x10080] =	vst v60  }
0xf6: {  	[tilespmem:s14+$0xE100] =	vst v2;
	v2 =	vld [tilespmem:s14+$0x10200]  }
0xf7: {  	[tilespmem:s14+$0x10000] =	vst v12;
	v11 =	vld [tilespmem:s14+$0xE200];
	v3 =	vadd.f32 v3, v58  }
0xf8: {  	[tilespmem:s14+$0x12000] =	vst v13;
	v5 =	vld [tilespmem:s14+$0x12200];
	v1 =	vadd.f32 v8, v20  }
0xf9: {  	v9 =	vld [tilespmem:s14+$0xE280];
	[tilespmem:s14+$0x14180] =	vst v3;
	v7 =	vadd.f32 v7, v0  }
0xfa: {  	v8 =	vadd.f32 v61, v58;
	v3 =	vld [tilespmem:s14+$0x14280];
	[tilespmem:s14+$0x14100] =	vst v1  }
0xfb: {  	v6 =	vld [tilespmem:s14+$0x14200];
	[tilespmem:s0+$0xE000] =	vst v7  }
0xfc: {  	[tilespmem:s14+$0x10180] =	vst v8;
	v10 =	vadd.f32 v11, v63;
	v7 =	vld [tilespmem:s13+$0x14380]  }
0xfd: {  	v1 =	vld [tilespmem:s14+$0x2280];
	[tilespmem:s14+$0xE180] =	vst v4;
	v4 =	vadd.f32 v62, v58  }
0xfe: {  	v8 =	vld [tilespmem:s14+$0x10280];
	v11 =	vadd.f32 v2, v63;
	[tilespmem:s14+$0xE200] =	vst v10  }
0xff: {  	v10 =	vadd.f32 v5, v63;
	[tilespmem:s14+$0x12180] =	vst v4;
	v4 =	vld [tilespmem:s14+$0x12280]  }
0x100: {  	v2 =	vld [tilespmem:s14+$0x2300];
	[tilespmem:s14+$0x10200] =	vst v11;
	v11 =	vadd.f32 v6, v63  }
0x101: {  	v5 =	vld [tilespmem:s14+$0xE300];
	[tilespmem:s14+$0x12200] =	vst v10;
	v7 =	vadd.f32 v7, v0  }
0x102: {  	v6 =	vld [tilespmem:s14+$0x10300];
	v9 =	vadd.f32 v9, v1;
	[tilespmem:s14+$0x14200] =	vst v11  }
0x103: {  	s31 =	simm.s32 $0x20;
	v8 =	vadd.f32 v8, v1;
	s0 =	simm.s32 $0x80;
	[tilespmem:s13+$0x14380] =	vst v7;
	v7 =	vld [tilespmem:s14+$0x12300]  }
.LBB2_5:
0x104: {  	p0 =	sne.s32 s31, $0x3F0;
	[tilespmem:s14+$0xE280] =	vst v9;
	v4 =	vadd.f32 v4, v1;
	v9 =	vld [tilespmem:s14+$0x14300];
	s16 =	sadd.s32 $0x80, s16  }
0x105: {  	s2 =	sand.u32 $0x70, s31;
	v1 =	vadd.f32 v3, v1;
	s23 =	sand.u32 $0x1C00, s16;
	[tilespmem:s14+$0x10280] =	vst v8;
	v3 =	vld [tilespmem:s13+$0x10380]  }
0x106: {  	s2 =	sor.u32 s2, s23;
	[tilespmem:s14+$0x12280] =	vst v4;
	v4 =	vadd.f32 v5, v2;
	v5 =	vld [tilespmem:s13+$0x12380]  }
0x107: {  	v8 =	vld [tilespmem:s2+$0x2000];
	[tilespmem:s14+$0x14280] =	vst v1;
	v1 =	vadd.f32 v6, v2  }
0x108: {  	v6 =	vld [tilespmem:s2+$0xE000];
	[tilespmem:s14+$0xE300] =	vst v4;
	v4 =	vadd.f32 v7, v2  }
0x109: {  	v7 =	vld [tilespmem:s2+$0x10000];
	[tilespmem:s14+$0x10300] =	vst v1;
	v1 =	vadd.f32 v9, v2  }
0x10a: {  	s23 =	sor.u32 s0, s15;
	s0 =	smov.u32 s16;
	s15 =	smov.u32 s31;
	v2 =	vld [tilespmem:s2+$0x12000];
	[tilespmem:s14+$0x12300] =	vst v4;
	v3 =	vadd.f32 v3, v0  }
0x10b: {  	s23 =	sor.u32 $0x380, s23;
	v4 =	vld [tilespmem:s2+$0x14000];
	[tilespmem:s14+$0x14300] =	vst v1;
	v1 =	vadd.f32 v5, v0  }
0x10c: {  	v0 =	vld [tilespmem:s23+$0x2000];
	[tilespmem:s13+$0x10380] =	vst v3  }
0x10d: {  	v3 =	vld [tilespmem:s23+$0xE000];
	[tilespmem:s13+$0x12380] =	vst v1;
	s13 =	smov.u32 s14;
	s14 =	smov.u32 s2  }
0x10e: {  	v1 =	vld [tilespmem:s14+$0x2080]  }
0x10f: {  	v5 =	vld [tilespmem:s14+$0xE080]  }
0x110: {  	v9 =	vld [tilespmem:s14+$0x10080]  }
0x111: {  	v10 =	vld [tilespmem:s14+$0x12080]  }
0x112: {  	v11 =	vld [tilespmem:s14+$0x14080];
	v3 =	vadd.f32 v3, v0  }
0x113: {  	v12 =	vld [tilespmem:s14+$0x2100]  }
0x114: {  	v13 =	vld [tilespmem:s14+$0xE100];
	[tilespmem:s23+$0xE000] =	vst v3  }
0x115: {  	v3 =	vadd.f32 v6, v8;
	v6 =	vld [tilespmem:s13+$0x14380]  }
0x116: {  	v7 =	vadd.f32 v7, v8;
	v14 =	vld [tilespmem:s14+$0x10100]  }
0x117: {  	v2 =	vadd.f32 v2, v8;
	[tilespmem:s14+$0xE000] =	vst v3;
	v3 =	vld [tilespmem:s14+$0x12100]  }
0x118: {  	v4 =	vadd.f32 v4, v8;
	[tilespmem:s14+$0x10000] =	vst v7;
	v7 =	vld [tilespmem:s14+$0x14100]  }
0x119: {  	[tilespmem:s14+$0x12000] =	vst v2;
	v2 =	vadd.f32 v5, v1;
	v5 =	vld [tilespmem:s14+$0x2180]  }
0x11a: {  	[tilespmem:s14+$0x14000] =	vst v4;
	v4 =	vld [tilespmem:s14+$0xE180];
	v6 =	vadd.f32 v6, v0  }
0x11b: {  	[tilespmem:s14+$0xE080] =	vst v2;
	v2 =	vadd.f32 v9, v1;
	v8 =	vld [tilespmem:s14+$0x10180]  }
0x11c: {  	v9 =	vadd.f32 v10, v1;
	v10 =	vld [tilespmem:s14+$0x12180];
	[tilespmem:s13+$0x14380] =	vst v6  }
0x11d: {  	v1 =	vadd.f32 v11, v1;
	[tilespmem:s14+$0x10080] =	vst v2;
	v2 =	vld [tilespmem:s14+$0x14180]  }
0x11e: {  	v6 =	vadd.f32 v13, v12;
	[tilespmem:s14+$0x12080] =	vst v9;
	v9 =	vld [tilespmem:s14+$0x2200]  }
0x11f: {  	[tilespmem:s14+$0x14080] =	vst v1;
	v1 =	vadd.f32 v14, v12;
	v11 =	vld [tilespmem:s14+$0xE200]  }
0x120: {  	v3 =	vadd.f32 v3, v12;
	[tilespmem:s14+$0xE100] =	vst v6;
	v6 =	vld [tilespmem:s14+$0x10200]  }
0x121: {  	[tilespmem:s14+$0x10100] =	vst v1;
	v1 =	vadd.f32 v7, v12;
	v7 =	vld [tilespmem:s14+$0x12200]  }
0x122: {  	[tilespmem:s14+$0x12100] =	vst v3;
	v3 =	vadd.f32 v4, v5;
	v12 =	vld [tilespmem:s14+$0x14200]  }
0x123: {  	v4 =	vadd.f32 v8, v5;
	[tilespmem:s14+$0x14100] =	vst v1;
	v1 =	vld [tilespmem:s14+$0x2280]  }
0x124: {  	[tilespmem:s14+$0xE180] =	vst v3;
	v3 =	vadd.f32 v10, v5;
	v8 =	vld [tilespmem:s14+$0xE280]  }
0x125: {  	v2 =	vadd.f32 v2, v5;
	[tilespmem:s14+$0x10180] =	vst v4;
	v10 =	vld [tilespmem:s14+$0x10280]  }
0x126: {  	v5 =	vadd.f32 v11, v9;
	[tilespmem:s14+$0x12180] =	vst v3;
	v4 =	vld [tilespmem:s14+$0x12280]  }
.Ltmp1:
0x127: {  	v6 =	vadd.f32 v6, v9;
	[tilespmem:s14+$0x14180] =	vst v2;
	v3 =	vld [tilespmem:s14+$0x14280];
	(pc) =	sbr.rel @p0 .LBB2_5-.Ltmp1, $4  }
0x128: {  	v7 =	vadd.f32 v7, v9;
	[tilespmem:s14+$0xE200] =	vst v5;
	v2 =	vld [tilespmem:s14+$0x2300]  }
0x129: {  	v11 =	vadd.f32 v12, v9;
	[tilespmem:s14+$0x10200] =	vst v6;
	v5 =	vld [tilespmem:s14+$0xE300]  }
0x12a: {  	v9 =	vadd.f32 v8, v1;
	[tilespmem:s14+$0x12200] =	vst v7;
	v6 =	vld [tilespmem:s14+$0x10300]  }
0x12b: {  	s31 =	sadd.s32 $0x10, s31;
	v8 =	vadd.f32 v10, v1;
	[tilespmem:s14+$0x14200] =	vst v11;
	v7 =	vld [tilespmem:s14+$0x12300]  }
0x12c: {  	[tilespmem:s14+$0xE280] =	vst v9;
	v4 =	vadd.f32 v4, v1;
	v9 =	vld [tilespmem:s14+$0x14300]  }
0x12d: {  	v1 =	vadd.f32 v3, v1;
	[tilespmem:s14+$0x10280] =	vst v8  }
0x12e: {  	[tilespmem:s14+$0x12280] =	vst v4;
	v3 =	vadd.f32 v5, v2  }
0x12f: {  	[tilespmem:s14+$0x14280] =	vst v1;
	v1 =	vadd.f32 v6, v2  }
0x130: {  	[tilespmem:s14+$0xE300] =	vst v3;
	v3 =	vadd.f32 v7, v2  }
0x131: {  	[tilespmem:s14+$0x10300] =	vst v1;
	v1 =	vadd.f32 v9, v2  }
0x132: {  	s0 =	sor.u32 s0, s15;
	[tilespmem:s14+$0x12300] =	vst v3  }
0x133: {  	s0 =	sor.u32 $0x380, s0;
	[tilespmem:s14+$0x14300] =	vst v1  }
0x134: {  	v1 =	vld [tilespmem:s0+$0x2000]  }
0x135: {  	v2 =	vld [tilespmem:s0+$0xE000];
	_ =	sdelay $0x4  }
0x136: {  	v2 =	vadd.f32 v2, v1;
	_ =	sdelay $0x1  }
0x137: {  	[tilespmem:s0+$0xE000] =	vst v2  }
0x138: {  	v2 =	vld [tilespmem:s14+$0x14380];
	_ =	sdelay $0x2  }
0x139: {  	v4 =	vld [tilespmem:s13+$0x12380]  }
0x13a: {  	v3 =	vld [tilespmem:s13+$0x10380]  }
0x13b: {  	v2 =	vadd.f32 v2, v1  }
0x13c: {  	v5 =	vld [tilespmem:s14+$0x12380]  }
0x13d: {  	[tilespmem:s14+$0x14380] =	vst v2;
	v2 =	vld [tilespmem:s14+$0x10380];
	_ =	sdelay $0x1  }
0x13e: {  	v3 =	vadd.f32 v3, v0;
	v0 =	vadd.f32 v4, v0;
	_ =	sdelay $0x1  }
0x13f: {  	[tilespmem:s13+$0x12380] =	vst v0;
	v0 =	vadd.f32 v5, v1  }
0x140: {  	[tilespmem:s13+$0x10380] =	vst v3;
	v2 =	vadd.f32 v2, v1  }
0x141: {  	[tilespmem:s14+$0x12380] =	vst v0  }
0x142: {  	s8 =	sadd.s32 s4, s8;
	[tilespmem:s14+$0x10380] =	vst v2  }
0x143: {  	[hbm4b:s8+s17] =	stream.strided.scatter [tilespmem:s20], [sflag:$0x8], $0x8000, s18, s17, $0x38;
	[tilespmem:$0x1E000] =	vst v63  }
0x144: {  	s13 =	sadd.s32 s7, s11;
	_ =	swait.ge [sflag:s28], $0x8000  }
0x145: {  	s2 =	sshll.u32 s13, $0xA;
	[sflag:s28] =	ssyncset.done $0x0  }
0x146: {  	s0 =	simm.s32 $0x0;
	s14 =	sadd.s32 s3, s2;
	[sflag:s28] =	ssyncadd.s32 $0xFFFF8000  }
0x147: {  	[tilespmem:s0], [sflag:$0x1] =	stream.linear.gather [hbm4b:s14+s0], $0x2000, $0x38;
	[tilespmem:$0x1E000] =	vst v63  }
0x148: {  	s2 =	sadd.s32 s1, s2  }
0x149: {  	[tilespmem:s19], [sflag:$0x4] =	stream.strided.gather [hbm4b:s2+s17], $0x8000, s18, s17, $0x38;
	[tilespmem:$0x1E000] =	vst v63  }
0x14a: {  	_ =	swait.ge [sflag:s29], $0x2000  }
0x14b: {  	[sflag:s29] =	ssyncset.done $0x0  }
0x14c: {  	[sflag:s29] =	ssyncadd.s32 $0xFFFFE000  }
0x14d: {  	_ =	swait.ge [sflag:s30], $0x8000  }
0x14e: {  	s15 =	sand.u32 $0x70, s0;
	s16 =	sand.u32 $0x1C00, s0;
	[sflag:s30] =	ssyncset.done $0x0  }
0x14f: {  	s7 =	sor.u32 s15, s16;
	[sflag:s30] =	ssyncadd.s32 $0xFFFF8000  }
0x150: {  	v0 =	vld [tilespmem:s7+$0x4000]  }
0x151: {  	v1 =	vld [tilespmem:s7+$0x16000]  }
0x152: {  	v2 =	vld [tilespmem:s7+$0x18000]  }
0x153: {  	v3 =	vld [tilespmem:s7+$0x1A000]  }
0x154: {  	v4 =	vld [tilespmem:s7+$0x1C000]  }
0x155: {  	v5 =	vld [tilespmem:s7+$0x4080]  }
0x156: {  	v6 =	vld [tilespmem:s7+$0x16080]  }
0x157: {  	v7 =	vld [tilespmem:s7+$0x18080]  }
0x158: {  	v8 =	vld [tilespmem:s7+$0x1A080]  }
0x159: {  	v9 =	vld [tilespmem:s7+$0x1C080]  }
0x15a: {  	s13 =	simm.s32 $0x10;
	s14 =	simm.s32 $0x80;
	v10 =	vld [tilespmem:s7+$0x4100]  }
0x15b: {  	s23 =	sand.u32 $0x70, s13;
	s31 =	sand.u32 $0x1C00, s14;
	v11 =	vld [tilespmem:s7+$0x16100]  }
0x15c: {  	s8 =	sor.u32 s23, s31;
	v12 =	vld [tilespmem:s7+$0x18100]  }
0x15d: {  	v56 =	vld [tilespmem:s8+$0x18000]  }
0x15e: {  	v13 =	vld [tilespmem:s8+$0x1A000]  }
0x15f: {  	v14 =	vld [tilespmem:s8+$0x1C000]  }
0x160: {  	v15 =	vld [tilespmem:s8+$0x4080]  }
0x161: {  	v16 =	vld [tilespmem:s8+$0x16080]  }
0x162: {  	v17 =	vld [tilespmem:s8+$0x18080]  }
0x163: {  	v18 =	vld [tilespmem:s8+$0x1A080]  }
0x164: {  	v19 =	vld [tilespmem:s8+$0x1C080];
	v1 =	vadd.f32 v1, v0  }
0x165: {  	v20 =	vld [tilespmem:s8+$0x4100];
	v2 =	vadd.f32 v2, v0;
	v3 =	vadd.f32 v3, v0  }
0x166: {  	v0 =	vadd.f32 v4, v0;
	v4 =	vadd.f32 v6, v5;
	v6 =	vld [tilespmem:s7+$0x18180];
	[tilespmem:s7+$0x16000] =	vst v1  }
0x167: {  	v1 =	vld [tilespmem:s7+$0x1A100];
	[tilespmem:s7+$0x18000] =	vst v2  }
0x168: {  	v2 =	vld [tilespmem:s7+$0x1C100];
	[tilespmem:s7+$0x1A000] =	vst v3  }
0x169: {  	v8 =	vadd.f32 v8, v5;
	v3 =	vld [tilespmem:s7+$0x4180];
	[tilespmem:s7+$0x1C000] =	vst v0  }
0x16a: {  	v0 =	vld [tilespmem:s7+$0x16180];
	[tilespmem:s7+$0x16080] =	vst v4;
	v4 =	vadd.f32 v7, v5  }
0x16b: {  	v7 =	vld [tilespmem:s7+$0x1A180];
	v5 =	vadd.f32 v9, v5;
	[tilespmem:s7+$0x1A080] =	vst v8  }
0x16c: {  	v8 =	vld [tilespmem:s7+$0x4200];
	v9 =	vadd.f32 v11, v10;
	[tilespmem:s7+$0x18080] =	vst v4  }
0x16d: {  	v11 =	vadd.f32 v12, v10;
	v4 =	vld [tilespmem:s7+$0x1C180];
	[tilespmem:s7+$0x1C080] =	vst v5  }
0x16e: {  	v5 =	vld [tilespmem:s7+$0x16200];
	[tilespmem:s7+$0x16100] =	vst v9;
	v1 =	vadd.f32 v1, v10  }
0x16f: {  	v9 =	vld [tilespmem:s7+$0x18200];
	[tilespmem:s7+$0x18100] =	vst v11;
	v2 =	vadd.f32 v2, v10  }
0x170: {  	v11 =	vld [tilespmem:s7+$0x1A200];
	v7 =	vadd.f32 v7, v3;
	[tilespmem:s7+$0x1A100] =	vst v1  }
0x171: {  	v0 =	vadd.f32 v0, v3;
	v10 =	vld [tilespmem:s8+$0x16000];
	[tilespmem:s7+$0x1C100] =	vst v2  }
0x172: {  	v6 =	vadd.f32 v6, v3;
	[tilespmem:s7+$0x1A180] =	vst v7;
	v7 =	vld [tilespmem:s8+$0x4000]  }
0x173: {  	v1 =	vld [tilespmem:s7+$0x1C200];
	[tilespmem:s7+$0x16180] =	vst v0;
	v3 =	vadd.f32 v4, v3  }
0x174: {  	v2 =	vld [tilespmem:s7+$0x4280];
	[tilespmem:s7+$0x18180] =	vst v6;
	v5 =	vadd.f32 v5, v8  }
0x175: {  	v0 =	vld [tilespmem:s7+$0x16280];
	v9 =	vadd.f32 v9, v8;
	[tilespmem:s7+$0x1C180] =	vst v3  }
0x176: {  	v4 =	vld [tilespmem:s7+$0x1A280];
	v11 =	vadd.f32 v11, v8;
	[tilespmem:s7+$0x16200] =	vst v5  }
0x177: {  	v6 =	vld [tilespmem:s7+$0x18280];
	[tilespmem:s7+$0x18200] =	vst v9;
	v10 =	vadd.f32 v10, v7  }
0x178: {  	v3 =	vld [tilespmem:s7+$0x1C280];
	[tilespmem:s7+$0x1A200] =	vst v11;
	v12 =	vadd.f32 v56, v7;
	v1 =	vadd.f32 v1, v8  }
0x179: {  	v21 =	vld [tilespmem:s8+$0x16100];
	v13 =	vadd.f32 v13, v7;
	v7 =	vadd.f32 v14, v7;
	[tilespmem:s8+$0x16000] =	vst v10  }
0x17a: {  	v57 =	vld [tilespmem:s7+$0x16300];
	v0 =	vadd.f32 v0, v2;
	[tilespmem:s7+$0x1C200] =	vst v1  }
0x17b: {  	v4 =	vadd.f32 v4, v2;
	v10 =	vld [tilespmem:s7+$0x4300];
	[tilespmem:s8+$0x1C000] =	vst v7  }
0x17c: {  	v11 =	vld [tilespmem:s7+$0x18300];
	[tilespmem:s7+$0x16280] =	vst v0;
	v0 =	vadd.f32 v6, v2  }
0x17d: {  	v5 =	vld [tilespmem:s8+$0x18100];
	v2 =	vadd.f32 v3, v2;
	[tilespmem:s7+$0x1A280] =	vst v4  }
0x17e: {  	v1 =	vld [tilespmem:s7+$0x1A300];
	[tilespmem:s7+$0x18280] =	vst v0;
	v0 =	vadd.f32 v18, v15  }
0x17f: {  	v6 =	vld [tilespmem:s7+$0x1C300];
	v4 =	vadd.f32 v19, v15;
	[tilespmem:s7+$0x1C280] =	vst v2  }
0x180: {  	v58 =	vld [tilespmem:s8+$0x4180];
	[tilespmem:s8+$0x1A080] =	vst v0;
	v0 =	vadd.f32 v57, v10  }
0x181: {  	v9 =	vld [tilespmem:s8+$0x1A100];
	[tilespmem:s8+$0x1C080] =	vst v4;
	v4 =	vadd.f32 v11, v10  }
0x182: {  	v61 =	vld [tilespmem:s8+$0x18180];
	[tilespmem:s7+$0x16300] =	vst v0;
	v0 =	vadd.f32 v5, v20  }
0x183: {  	v7 =	vld [tilespmem:s8+$0x16180];
	v1 =	vadd.f32 v1, v10;
	[tilespmem:s7+$0x18300] =	vst v4  }
0x184: {  	v62 =	vld [tilespmem:s8+$0x1A180];
	[tilespmem:s8+$0x18100] =	vst v0;
	v0 =	vadd.f32 v6, v10  }
0x185: {  	s0 =	sor.u32 s0, s0;
	v59 =	vadd.f32 v16, v15;
	v8 =	vld [tilespmem:s8+$0x1C100];
	[tilespmem:s7+$0x1A300] =	vst v1  }
0x186: {  	s0 =	sor.u32 $0x380, s0;
	v3 =	vld [tilespmem:s8+$0x1C180];
	v4 =	vadd.f32 v9, v20;
	[tilespmem:s7+$0x1C300] =	vst v0  }
0x187: {  	v60 =	vadd.f32 v17, v15;
	[tilespmem:s8+$0x16080] =	vst v59;
	v0 =	vld [tilespmem:s0+$0x4000]  }
0x188: {  	v2 =	vadd.f32 v21, v20;
	[tilespmem:s8+$0x1A100] =	vst v4;
	v4 =	vadd.f32 v7, v58;
	v7 =	vld [tilespmem:s0+$0x16000]  }
0x189: {  	v63 =	vld [tilespmem:s8+$0x4200];
	[tilespmem:s8+$0x18080] =	vst v60  }
0x18a: {  	[tilespmem:s8+$0x16100] =	vst v2;
	v2 =	vld [tilespmem:s8+$0x18200]  }
0x18b: {  	[tilespmem:s8+$0x18000] =	vst v12;
	v11 =	vld [tilespmem:s8+$0x16200];
	v3 =	vadd.f32 v3, v58  }
0x18c: {  	[tilespmem:s8+$0x1A000] =	vst v13;
	v5 =	vld [tilespmem:s8+$0x1A200];
	v1 =	vadd.f32 v8, v20  }
0x18d: {  	v9 =	vld [tilespmem:s8+$0x16280];
	[tilespmem:s8+$0x1C180] =	vst v3;
	v7 =	vadd.f32 v7, v0  }
0x18e: {  	v8 =	vadd.f32 v61, v58;
	v3 =	vld [tilespmem:s8+$0x1C280];
	[tilespmem:s8+$0x1C100] =	vst v1  }
0x18f: {  	v6 =	vld [tilespmem:s8+$0x1C200];
	[tilespmem:s0+$0x16000] =	vst v7  }
0x190: {  	[tilespmem:s8+$0x18180] =	vst v8;
	v10 =	vadd.f32 v11, v63;
	v7 =	vld [tilespmem:s7+$0x1C380]  }
0x191: {  	v1 =	vld [tilespmem:s8+$0x4280];
	[tilespmem:s8+$0x16180] =	vst v4;
	v4 =	vadd.f32 v62, v58  }
0x192: {  	v8 =	vld [tilespmem:s8+$0x18280];
	v11 =	vadd.f32 v2, v63;
	[tilespmem:s8+$0x16200] =	vst v10  }
0x193: {  	v10 =	vadd.f32 v5, v63;
	[tilespmem:s8+$0x1A180] =	vst v4;
	v4 =	vld [tilespmem:s8+$0x1A280]  }
0x194: {  	v2 =	vld [tilespmem:s8+$0x4300];
	[tilespmem:s8+$0x18200] =	vst v11;
	v11 =	vadd.f32 v6, v63  }
0x195: {  	v5 =	vld [tilespmem:s8+$0x16300];
	[tilespmem:s8+$0x1A200] =	vst v10;
	v7 =	vadd.f32 v7, v0  }
0x196: {  	v6 =	vld [tilespmem:s8+$0x18300];
	v9 =	vadd.f32 v9, v1;
	[tilespmem:s8+$0x1C200] =	vst v11  }
0x197: {  	s15 =	simm.s32 $0x20;
	v8 =	vadd.f32 v8, v1;
	s0 =	simm.s32 $0x80;
	[tilespmem:s7+$0x1C380] =	vst v7;
	v7 =	vld [tilespmem:s8+$0x1A300]  }
.LBB2_7:
0x198: {  	p0 =	sne.s32 s15, $0x3F0;
	[tilespmem:s8+$0x16280] =	vst v9;
	v4 =	vadd.f32 v4, v1;
	v9 =	vld [tilespmem:s8+$0x1C300];
	s14 =	sadd.s32 $0x80, s14  }
0x199: {  	s2 =	sand.u32 $0x70, s15;
	v1 =	vadd.f32 v3, v1;
	s16 =	sand.u32 $0x1C00, s14;
	[tilespmem:s8+$0x18280] =	vst v8;
	v3 =	vld [tilespmem:s7+$0x18380]  }
0x19a: {  	s2 =	sor.u32 s2, s16;
	[tilespmem:s8+$0x1A280] =	vst v4;
	v4 =	vadd.f32 v5, v2;
	v5 =	vld [tilespmem:s7+$0x1A380]  }
0x19b: {  	v8 =	vld [tilespmem:s2+$0x4000];
	[tilespmem:s8+$0x1C280] =	vst v1;
	v1 =	vadd.f32 v6, v2  }
0x19c: {  	v6 =	vld [tilespmem:s2+$0x16000];
	[tilespmem:s8+$0x16300] =	vst v4;
	v4 =	vadd.f32 v7, v2  }
0x19d: {  	v7 =	vld [tilespmem:s2+$0x18000];
	[tilespmem:s8+$0x18300] =	vst v1;
	v1 =	vadd.f32 v9, v2  }
0x19e: {  	s16 =	sor.u32 s0, s13;
	s0 =	smov.u32 s14;
	s13 =	smov.u32 s15;
	v2 =	vld [tilespmem:s2+$0x1A000];
	[tilespmem:s8+$0x1A300] =	vst v4;
	v3 =	vadd.f32 v3, v0  }
0x19f: {  	s16 =	sor.u32 $0x380, s16;
	v4 =	vld [tilespmem:s2+$0x1C000];
	[tilespmem:s8+$0x1C300] =	vst v1;
	v1 =	vadd.f32 v5, v0  }
0x1a0: {  	v0 =	vld [tilespmem:s16+$0x4000];
	[tilespmem:s7+$0x18380] =	vst v3  }
0x1a1: {  	v3 =	vld [tilespmem:s16+$0x16000];
	[tilespmem:s7+$0x1A380] =	vst v1;
	s7 =	smov.u32 s8;
	s8 =	smov.u32 s2  }
0x1a2: {  	v1 =	vld [tilespmem:s8+$0x4080]  }
0x1a3: {  	v5 =	vld [tilespmem:s8+$0x16080]  }
0x1a4: {  	v9 =	vld [tilespmem:s8+$0x18080]  }
0x1a5: {  	v10 =	vld [tilespmem:s8+$0x1A080]  }
0x1a6: {  	v11 =	vld [tilespmem:s8+$0x1C080];
	v3 =	vadd.f32 v3, v0  }
0x1a7: {  	v12 =	vld [tilespmem:s8+$0x4100]  }
0x1a8: {  	v13 =	vld [tilespmem:s8+$0x16100];
	[tilespmem:s16+$0x16000] =	vst v3  }
0x1a9: {  	v3 =	vadd.f32 v6, v8;
	v6 =	vld [tilespmem:s7+$0x1C380]  }
0x1aa: {  	v7 =	vadd.f32 v7, v8;
	v14 =	vld [tilespmem:s8+$0x18100]  }
0x1ab: {  	v2 =	vadd.f32 v2, v8;
	[tilespmem:s8+$0x16000] =	vst v3;
	v3 =	vld [tilespmem:s8+$0x1A100]  }
0x1ac: {  	v4 =	vadd.f32 v4, v8;
	[tilespmem:s8+$0x18000] =	vst v7;
	v7 =	vld [tilespmem:s8+$0x1C100]  }
0x1ad: {  	[tilespmem:s8+$0x1A000] =	vst v2;
	v2 =	vadd.f32 v5, v1;
	v5 =	vld [tilespmem:s8+$0x4180]  }
0x1ae: {  	[tilespmem:s8+$0x1C000] =	vst v4;
	v4 =	vld [tilespmem:s8+$0x16180];
	v6 =	vadd.f32 v6, v0  }
0x1af: {  	[tilespmem:s8+$0x16080] =	vst v2;
	v2 =	vadd.f32 v9, v1;
	v8 =	vld [tilespmem:s8+$0x18180]  }
0x1b0: {  	v9 =	vadd.f32 v10, v1;
	v10 =	vld [tilespmem:s8+$0x1A180];
	[tilespmem:s7+$0x1C380] =	vst v6  }
0x1b1: {  	v1 =	vadd.f32 v11, v1;
	[tilespmem:s8+$0x18080] =	vst v2;
	v2 =	vld [tilespmem:s8+$0x1C180]  }
0x1b2: {  	v6 =	vadd.f32 v13, v12;
	[tilespmem:s8+$0x1A080] =	vst v9;
	v9 =	vld [tilespmem:s8+$0x4200]  }
0x1b3: {  	[tilespmem:s8+$0x1C080] =	vst v1;
	v1 =	vadd.f32 v14, v12;
	v11 =	vld [tilespmem:s8+$0x16200]  }
0x1b4: {  	v3 =	vadd.f32 v3, v12;
	[tilespmem:s8+$0x16100] =	vst v6;
	v6 =	vld [tilespmem:s8+$0x18200]  }
0x1b5: {  	[tilespmem:s8+$0x18100] =	vst v1;
	v1 =	vadd.f32 v7, v12;
	v7 =	vld [tilespmem:s8+$0x1A200]  }
0x1b6: {  	[tilespmem:s8+$0x1A100] =	vst v3;
	v3 =	vadd.f32 v4, v5;
	v12 =	vld [tilespmem:s8+$0x1C200]  }
0x1b7: {  	v4 =	vadd.f32 v8, v5;
	[tilespmem:s8+$0x1C100] =	vst v1;
	v1 =	vld [tilespmem:s8+$0x4280]  }
0x1b8: {  	[tilespmem:s8+$0x16180] =	vst v3;
	v3 =	vadd.f32 v10, v5;
	v8 =	vld [tilespmem:s8+$0x16280]  }
0x1b9: {  	v2 =	vadd.f32 v2, v5;
	[tilespmem:s8+$0x18180] =	vst v4;
	v10 =	vld [tilespmem:s8+$0x18280]  }
0x1ba: {  	v5 =	vadd.f32 v11, v9;
	[tilespmem:s8+$0x1A180] =	vst v3;
	v4 =	vld [tilespmem:s8+$0x1A280]  }
.Ltmp2:
0x1bb: {  	v6 =	vadd.f32 v6, v9;
	[tilespmem:s8+$0x1C180] =	vst v2;
	v3 =	vld [tilespmem:s8+$0x1C280];
	(pc) =	sbr.rel @p0 .LBB2_7-.Ltmp2, $4  }
0x1bc: {  	v7 =	vadd.f32 v7, v9;
	[tilespmem:s8+$0x16200] =	vst v5;
	v2 =	vld [tilespmem:s8+$0x4300]  }
0x1bd: {  	v11 =	vadd.f32 v12, v9;
	[tilespmem:s8+$0x18200] =	vst v6;
	v5 =	vld [tilespmem:s8+$0x16300]  }
0x1be: {  	v9 =	vadd.f32 v8, v1;
	[tilespmem:s8+$0x1A200] =	vst v7;
	v6 =	vld [tilespmem:s8+$0x18300]  }
0x1bf: {  	s15 =	sadd.s32 $0x10, s15;
	v8 =	vadd.f32 v10, v1;
	[tilespmem:s8+$0x1C200] =	vst v11;
	v7 =	vld [tilespmem:s8+$0x1A300]  }
0x1c0: {  	[tilespmem:s8+$0x16280] =	vst v9;
	v4 =	vadd.f32 v4, v1;
	v51 =	vld [tilespmem:s8+$0x1C300]  }
0x1c1: {  	v52 =	vadd.f32 v3, v1;
	[tilespmem:s8+$0x18280] =	vst v8  }
0x1c2: {  	[tilespmem:s8+$0x1A280] =	vst v4;
	v53 =	vadd.f32 v5, v2  }
0x1c3: {  	[tilespmem:s8+$0x1C280] =	vst v52;
	v54 =	vadd.f32 v6, v2  }
0x1c4: {  	[tilespmem:s8+$0x16300] =	vst v53;
	v55 =	vadd.f32 v7, v2  }
0x1c5: {  	[tilespmem:s8+$0x18300] =	vst v54;
	v56 =	vadd.f32 v51, v2  }
0x1c6: {  	s0 =	sor.u32 s0, s13;
	[tilespmem:s8+$0x1A300] =	vst v55  }
0x1c7: {  	s0 =	sor.u32 $0x380, s0;
	[tilespmem:s8+$0x1C300] =	vst v56  }
0x1c8: {  	v1 =	vld [tilespmem:s0+$0x4000]  }
0x1c9: {  	v57 =	vld [tilespmem:s0+$0x16000];
	_ =	sdelay $0x4  }
0x1ca: {  	v2 =	vadd.f32 v57, v1  }
0x1cb: {  	v58 =	vld [tilespmem:s7+$0x18380]  }
0x1cc: {  	v59 =	vld [tilespmem:s7+$0x1A380];
	[tilespmem:s0+$0x16000] =	vst v2  }
0x1cd: {  	v2 =	vld [tilespmem:s8+$0x1C380]  }
0x1ce: {  	v61 =	vld [tilespmem:s8+$0x1A380]  }
0x1cf: {  	v60 =	vld [tilespmem:s8+$0x18380]  }
0x1d0: {  	v3 =	vadd.f32 v58, v0  }
0x1d1: {  	s5 =	sadd.s32 $0x1, s5;
	v62 =	vadd.f32 v59, v0  }
0x1d2: {  	p0 =	sne.s32 s5, $0xA;
	[tilespmem:s7+$0x18380] =	vst v3;
	v2 =	vadd.f32 v2, v1  }
.Ltmp3:
0x1d3: {  	[tilespmem:s7+$0x1A380] =	vst v62;
	v63 =	vadd.f32 v61, v1;
	(pc) =	sbr.rel @p0 .LBB2_2-.Ltmp3, $4  }
0x1d4: {  	[tilespmem:s8+$0x1C380] =	vst v2;
	v2 =	vadd.f32 v60, v1  }
0x1d5: {  	[tilespmem:s8+$0x1A380] =	vst v63  }
0x1d6: {  	s31 =	sadd.s32 s4, s12;
	[tilespmem:s8+$0x18380] =	vst v2  }
0x1d7: {  	[hbm4b:s31+s17] =	stream.strided.scatter [tilespmem:s24], [sflag:$0x9], $0x8000, s18, s17, $0x38;
	[tilespmem:$0x1E000] =	vst v63  }
0x1d8: {  	s15 =	simm.s32 $0x8  }
0x1d9: {  	_ =	swait.ge [sflag:s15], $0x8000  }
0x1da: {  	[sflag:s15] =	ssyncset.done $0x0  }
0x1db: {  	s0 =	simm.s32 $0x0;
	s2 =	rddreg [dreg:$0x6];
	[sflag:s15] =	ssyncadd.s32 $0xFFFF8000  }
0x1dc: {  	[tilespmem:s17], [sflag:$0x2] =	stream.linear.gather [hbm4b:s2+s0], $0x2000, $0x38;
	[tilespmem:$0x1E000] =	vst v63  }
0x1dd: {  	s16 =	rddreg [dreg:$0x7]  }
0x1de: {  	[tilespmem:s20], [sflag:$0x5] =	stream.strided.gather [hbm4b:s16+s17], $0x8000, s18, s17, $0x38;
	[tilespmem:$0x1E000] =	vst v63  }
0x1df: {  	_ =	swait.ge [sflag:s21], $0x2000  }
0x1e0: {  	[sflag:s21] =	ssyncset.done $0x0  }
0x1e1: {  	[sflag:s21] =	ssyncadd.s32 $0xFFFFE000  }
0x1e2: {  	_ =	swait.ge [sflag:s22], $0x8000  }
0x1e3: {  	s23 =	sand.u32 $0x70, s0;
	s5 =	sand.u32 $0x1C00, s0;
	[sflag:s22] =	ssyncset.done $0x0  }
0x1e4: {  	s5 =	sor.u32 s23, s5;
	[sflag:s22] =	ssyncadd.s32 $0xFFFF8000  }
0x1e5: {  	v0 =	vld [tilespmem:s5+$0x0]  }
0x1e6: {  	v1 =	vld [tilespmem:s5+$0x6000]  }
0x1e7: {  	v2 =	vld [tilespmem:s5+$0x8000]  }
0x1e8: {  	v3 =	vld [tilespmem:s5+$0xA000]  }
0x1e9: {  	v4 =	vld [tilespmem:s5+$0xC000]  }
0x1ea: {  	v5 =	vld [tilespmem:s5+$0x80]  }
0x1eb: {  	v6 =	vld [tilespmem:s5+$0x6080]  }
0x1ec: {  	v7 =	vld [tilespmem:s5+$0x8080]  }
0x1ed: {  	v8 =	vld [tilespmem:s5+$0xA080]  }
0x1ee: {  	v9 =	vld [tilespmem:s5+$0xC080]  }
0x1ef: {  	s8 =	simm.s32 $0x10;
	s12 =	simm.s32 $0x80;
	v10 =	vld [tilespmem:s5+$0x100]  }
0x1f0: {  	s31 =	sand.u32 $0x70, s8;
	s7 =	sand.u32 $0x1C00, s12;
	v11 =	vld [tilespmem:s5+$0x6100]  }
0x1f1: {  	s7 =	sor.u32 s31, s7;
	v12 =	vld [tilespmem:s5+$0x8100]  }
0x1f2: {  	v56 =	vld [tilespmem:s7+$0x8000]  }
0x1f3: {  	v13 =	vld [tilespmem:s7+$0xA000]  }
0x1f4: {  	v14 =	vld [tilespmem:s7+$0xC000]  }
0x1f5: {  	v15 =	vld [tilespmem:s7+$0x80]  }
0x1f6: {  	v16 =	vld [tilespmem:s7+$0x6080]  }
0x1f7: {  	v17 =	vld [tilespmem:s7+$0x8080]  }
0x1f8: {  	v18 =	vld [tilespmem:s7+$0xA080]  }
0x1f9: {  	v19 =	vld [tilespmem:s7+$0xC080];
	v1 =	vadd.f32 v1, v0  }
0x1fa: {  	v20 =	vld [tilespmem:s7+$0x100];
	v2 =	vadd.f32 v2, v0;
	v3 =	vadd.f32 v3, v0  }
0x1fb: {  	v0 =	vadd.f32 v4, v0;
	v4 =	vadd.f32 v6, v5;
	v6 =	vld [tilespmem:s5+$0x8180];
	[tilespmem:s5+$0x6000] =	vst v1  }
0x1fc: {  	v1 =	vld [tilespmem:s5+$0xA100];
	[tilespmem:s5+$0x8000] =	vst v2  }
0x1fd: {  	v2 =	vld [tilespmem:s5+$0xC100];
	[tilespmem:s5+$0xA000] =	vst v3  }
0x1fe: {  	v8 =	vadd.f32 v8, v5;
	v3 =	vld [tilespmem:s5+$0x180];
	[tilespmem:s5+$0xC000] =	vst v0  }
0x1ff: {  	v0 =	vld [tilespmem:s5+$0x6180];
	[tilespmem:s5+$0x6080] =	vst v4;
	v4 =	vadd.f32 v7, v5  }
0x200: {  	v7 =	vld [tilespmem:s5+$0xA180];
	v5 =	vadd.f32 v9, v5;
	[tilespmem:s5+$0xA080] =	vst v8  }
0x201: {  	v8 =	vld [tilespmem:s5+$0x200];
	v9 =	vadd.f32 v11, v10;
	[tilespmem:s5+$0x8080] =	vst v4  }
0x202: {  	v11 =	vadd.f32 v12, v10;
	v4 =	vld [tilespmem:s5+$0xC180];
	[tilespmem:s5+$0xC080] =	vst v5  }
0x203: {  	v5 =	vld [tilespmem:s5+$0x6200];
	[tilespmem:s5+$0x6100] =	vst v9;
	v1 =	vadd.f32 v1, v10  }
0x204: {  	v9 =	vld [tilespmem:s5+$0x8200];
	[tilespmem:s5+$0x8100] =	vst v11;
	v2 =	vadd.f32 v2, v10  }
0x205: {  	v11 =	vld [tilespmem:s5+$0xA200];
	v7 =	vadd.f32 v7, v3;
	[tilespmem:s5+$0xA100] =	vst v1  }
0x206: {  	v0 =	vadd.f32 v0, v3;
	v10 =	vld [tilespmem:s7+$0x6000];
	[tilespmem:s5+$0xC100] =	vst v2  }
0x207: {  	v6 =	vadd.f32 v6, v3;
	[tilespmem:s5+$0xA180] =	vst v7;
	v7 =	vld [tilespmem:s7+$0x0]  }
0x208: {  	v1 =	vld [tilespmem:s5+$0xC200];
	[tilespmem:s5+$0x6180] =	vst v0;
	v3 =	vadd.f32 v4, v3  }
0x209: {  	v2 =	vld [tilespmem:s5+$0x280];
	[tilespmem:s5+$0x8180] =	vst v6;
	v5 =	vadd.f32 v5, v8  }
0x20a: {  	v0 =	vld [tilespmem:s5+$0x6280];
	v9 =	vadd.f32 v9, v8;
	[tilespmem:s5+$0xC180] =	vst v3  }
0x20b: {  	v4 =	vld [tilespmem:s5+$0xA280];
	v11 =	vadd.f32 v11, v8;
	[tilespmem:s5+$0x6200] =	vst v5  }
0x20c: {  	v6 =	vld [tilespmem:s5+$0x8280];
	[tilespmem:s5+$0x8200] =	vst v9;
	v10 =	vadd.f32 v10, v7  }
0x20d: {  	v3 =	vld [tilespmem:s5+$0xC280];
	[tilespmem:s5+$0xA200] =	vst v11;
	v12 =	vadd.f32 v56, v7;
	v1 =	vadd.f32 v1, v8  }
0x20e: {  	v21 =	vld [tilespmem:s7+$0x6100];
	v13 =	vadd.f32 v13, v7;
	v7 =	vadd.f32 v14, v7;
	[tilespmem:s7+$0x6000] =	vst v10  }
0x20f: {  	v57 =	vld [tilespmem:s5+$0x6300];
	v0 =	vadd.f32 v0, v2;
	[tilespmem:s5+$0xC200] =	vst v1  }
0x210: {  	v4 =	vadd.f32 v4, v2;
	v10 =	vld [tilespmem:s5+$0x300];
	[tilespmem:s7+$0xC000] =	vst v7  }
0x211: {  	v11 =	vld [tilespmem:s5+$0x8300];
	[tilespmem:s5+$0x6280] =	vst v0;
	v0 =	vadd.f32 v6, v2  }
0x212: {  	v5 =	vld [tilespmem:s7+$0x8100];
	v2 =	vadd.f32 v3, v2;
	[tilespmem:s5+$0xA280] =	vst v4  }
0x213: {  	v1 =	vld [tilespmem:s5+$0xA300];
	[tilespmem:s5+$0x8280] =	vst v0;
	v0 =	vadd.f32 v18, v15  }
0x214: {  	v6 =	vld [tilespmem:s5+$0xC300];
	v4 =	vadd.f32 v19, v15;
	[tilespmem:s5+$0xC280] =	vst v2  }
0x215: {  	v58 =	vld [tilespmem:s7+$0x180];
	[tilespmem:s7+$0xA080] =	vst v0;
	v0 =	vadd.f32 v57, v10  }
0x216: {  	v9 =	vld [tilespmem:s7+$0xA100];
	[tilespmem:s7+$0xC080] =	vst v4;
	v4 =	vadd.f32 v11, v10  }
0x217: {  	v61 =	vld [tilespmem:s7+$0x8180];
	[tilespmem:s5+$0x6300] =	vst v0;
	v0 =	vadd.f32 v5, v20  }
0x218: {  	v7 =	vld [tilespmem:s7+$0x6180];
	v1 =	vadd.f32 v1, v10;
	[tilespmem:s5+$0x8300] =	vst v4  }
0x219: {  	v62 =	vld [tilespmem:s7+$0xA180];
	[tilespmem:s7+$0x8100] =	vst v0;
	v0 =	vadd.f32 v6, v10  }
0x21a: {  	s0 =	sor.u32 s0, s0;
	v59 =	vadd.f32 v16, v15;
	v8 =	vld [tilespmem:s7+$0xC100];
	[tilespmem:s5+$0xA300] =	vst v1  }
0x21b: {  	s0 =	sor.u32 $0x380, s0;
	v3 =	vld [tilespmem:s7+$0xC180];
	v4 =	vadd.f32 v9, v20;
	[tilespmem:s5+$0xC300] =	vst v0  }
0x21c: {  	v60 =	vadd.f32 v17, v15;
	[tilespmem:s7+$0x6080] =	vst v59;
	v0 =	vld [tilespmem:s0+$0x0]  }
0x21d: {  	v2 =	vadd.f32 v21, v20;
	[tilespmem:s7+$0xA100] =	vst v4;
	v4 =	vadd.f32 v7, v58;
	v7 =	vld [tilespmem:s0+$0x6000]  }
0x21e: {  	v63 =	vld [tilespmem:s7+$0x200];
	[tilespmem:s7+$0x8080] =	vst v60  }
0x21f: {  	[tilespmem:s7+$0x6100] =	vst v2;
	v2 =	vld [tilespmem:s7+$0x8200]  }
0x220: {  	[tilespmem:s7+$0x8000] =	vst v12;
	v11 =	vld [tilespmem:s7+$0x6200];
	v3 =	vadd.f32 v3, v58  }
0x221: {  	[tilespmem:s7+$0xA000] =	vst v13;
	v5 =	vld [tilespmem:s7+$0xA200];
	v1 =	vadd.f32 v8, v20  }
0x222: {  	v9 =	vld [tilespmem:s7+$0x6280];
	[tilespmem:s7+$0xC180] =	vst v3;
	v7 =	vadd.f32 v7, v0  }
0x223: {  	v8 =	vadd.f32 v61, v58;
	v3 =	vld [tilespmem:s7+$0xC280];
	[tilespmem:s7+$0xC100] =	vst v1  }
0x224: {  	v6 =	vld [tilespmem:s7+$0xC200];
	[tilespmem:s0+$0x6000] =	vst v7  }
0x225: {  	[tilespmem:s7+$0x8180] =	vst v8;
	v10 =	vadd.f32 v11, v63;
	v7 =	vld [tilespmem:s5+$0xC380]  }
0x226: {  	v1 =	vld [tilespmem:s7+$0x280];
	[tilespmem:s7+$0x6180] =	vst v4;
	v4 =	vadd.f32 v62, v58  }
0x227: {  	v8 =	vld [tilespmem:s7+$0x8280];
	v11 =	vadd.f32 v2, v63;
	[tilespmem:s7+$0x6200] =	vst v10  }
0x228: {  	v10 =	vadd.f32 v5, v63;
	[tilespmem:s7+$0xA180] =	vst v4;
	v4 =	vld [tilespmem:s7+$0xA280]  }
0x229: {  	v2 =	vld [tilespmem:s7+$0x300];
	[tilespmem:s7+$0x8200] =	vst v11;
	v11 =	vadd.f32 v6, v63  }
0x22a: {  	v5 =	vld [tilespmem:s7+$0x6300];
	[tilespmem:s7+$0xA200] =	vst v10;
	v7 =	vadd.f32 v7, v0  }
0x22b: {  	v6 =	vld [tilespmem:s7+$0x8300];
	v9 =	vadd.f32 v9, v1;
	[tilespmem:s7+$0xC200] =	vst v11  }
0x22c: {  	s13 =	simm.s32 $0x20;
	v8 =	vadd.f32 v8, v1;
	s0 =	simm.s32 $0x80;
	[tilespmem:s5+$0xC380] =	vst v7;
	v7 =	vld [tilespmem:s7+$0xA300]  }
.LBB2_10:
0x22d: {  	p0 =	sne.s32 s13, $0x3F0;
	[tilespmem:s7+$0x6280] =	vst v9;
	v4 =	vadd.f32 v4, v1;
	v9 =	vld [tilespmem:s7+$0xC300];
	s12 =	sadd.s32 $0x80, s12  }
0x22e: {  	s2 =	sand.u32 $0x70, s13;
	v1 =	vadd.f32 v3, v1;
	s14 =	sand.u32 $0x1C00, s12;
	[tilespmem:s7+$0x8280] =	vst v8;
	v3 =	vld [tilespmem:s5+$0x8380]  }
0x22f: {  	s2 =	sor.u32 s2, s14;
	[tilespmem:s7+$0xA280] =	vst v4;
	v4 =	vadd.f32 v5, v2;
	v5 =	vld [tilespmem:s5+$0xA380]  }
0x230: {  	v8 =	vld [tilespmem:s2+$0x0];
	[tilespmem:s7+$0xC280] =	vst v1;
	v1 =	vadd.f32 v6, v2  }
0x231: {  	v6 =	vld [tilespmem:s2+$0x6000];
	[tilespmem:s7+$0x6300] =	vst v4;
	v4 =	vadd.f32 v7, v2  }
0x232: {  	v7 =	vld [tilespmem:s2+$0x8000];
	[tilespmem:s7+$0x8300] =	vst v1;
	v1 =	vadd.f32 v9, v2  }
0x233: {  	s14 =	sor.u32 s0, s8;
	s0 =	smov.u32 s12;
	s8 =	smov.u32 s13;
	v2 =	vld [tilespmem:s2+$0xA000];
	[tilespmem:s7+$0xA300] =	vst v4;
	v3 =	vadd.f32 v3, v0  }
0x234: {  	s14 =	sor.u32 $0x380, s14;
	v4 =	vld [tilespmem:s2+$0xC000];
	[tilespmem:s7+$0xC300] =	vst v1;
	v1 =	vadd.f32 v5, v0  }
0x235: {  	v0 =	vld [tilespmem:s14+$0x0];
	[tilespmem:s5+$0x8380] =	vst v3  }
0x236: {  	v3 =	vld [tilespmem:s14+$0x6000];
	[tilespmem:s5+$0xA380] =	vst v1;
	s5 =	smov.u32 s7;
	s7 =	smov.u32 s2  }
0x237: {  	v1 =	vld [tilespmem:s7+$0x80]  }
0x238: {  	v5 =	vld [tilespmem:s7+$0x6080]  }
0x239: {  	v9 =	vld [tilespmem:s7+$0x8080]  }
0x23a: {  	v10 =	vld [tilespmem:s7+$0xA080]  }
0x23b: {  	v11 =	vld [tilespmem:s7+$0xC080];
	v3 =	vadd.f32 v3, v0  }
0x23c: {  	v12 =	vld [tilespmem:s7+$0x100]  }
0x23d: {  	v13 =	vld [tilespmem:s7+$0x6100];
	[tilespmem:s14+$0x6000] =	vst v3  }
0x23e: {  	v3 =	vadd.f32 v6, v8;
	v6 =	vld [tilespmem:s5+$0xC380]  }
0x23f: {  	v7 =	vadd.f32 v7, v8;
	v14 =	vld [tilespmem:s7+$0x8100]  }
0x240: {  	v2 =	vadd.f32 v2, v8;
	[tilespmem:s7+$0x6000] =	vst v3;
	v3 =	vld [tilespmem:s7+$0xA100]  }
0x241: {  	v4 =	vadd.f32 v4, v8;
	[tilespmem:s7+$0x8000] =	vst v7;
	v7 =	vld [tilespmem:s7+$0xC100]  }
0x242: {  	[tilespmem:s7+$0xA000] =	vst v2;
	v2 =	vadd.f32 v5, v1;
	v5 =	vld [tilespmem:s7+$0x180]  }
0x243: {  	[tilespmem:s7+$0xC000] =	vst v4;
	v4 =	vld [tilespmem:s7+$0x6180];
	v6 =	vadd.f32 v6, v0  }
0x244: {  	[tilespmem:s7+$0x6080] =	vst v2;
	v2 =	vadd.f32 v9, v1;
	v8 =	vld [tilespmem:s7+$0x8180]  }
0x245: {  	v9 =	vadd.f32 v10, v1;
	v10 =	vld [tilespmem:s7+$0xA180];
	[tilespmem:s5+$0xC380] =	vst v6  }
0x246: {  	v1 =	vadd.f32 v11, v1;
	[tilespmem:s7+$0x8080] =	vst v2;
	v2 =	vld [tilespmem:s7+$0xC180]  }
0x247: {  	v6 =	vadd.f32 v13, v12;
	[tilespmem:s7+$0xA080] =	vst v9;
	v9 =	vld [tilespmem:s7+$0x200]  }
0x248: {  	[tilespmem:s7+$0xC080] =	vst v1;
	v1 =	vadd.f32 v14, v12;
	v11 =	vld [tilespmem:s7+$0x6200]  }
0x249: {  	v3 =	vadd.f32 v3, v12;
	[tilespmem:s7+$0x6100] =	vst v6;
	v6 =	vld [tilespmem:s7+$0x8200]  }
0x24a: {  	[tilespmem:s7+$0x8100] =	vst v1;
	v1 =	vadd.f32 v7, v12;
	v7 =	vld [tilespmem:s7+$0xA200]  }
0x24b: {  	[tilespmem:s7+$0xA100] =	vst v3;
	v3 =	vadd.f32 v4, v5;
	v12 =	vld [tilespmem:s7+$0xC200]  }
0x24c: {  	v4 =	vadd.f32 v8, v5;
	[tilespmem:s7+$0xC100] =	vst v1;
	v1 =	vld [tilespmem:s7+$0x280]  }
0x24d: {  	[tilespmem:s7+$0x6180] =	vst v3;
	v3 =	vadd.f32 v10, v5;
	v8 =	vld [tilespmem:s7+$0x6280]  }
0x24e: {  	v2 =	vadd.f32 v2, v5;
	[tilespmem:s7+$0x8180] =	vst v4;
	v10 =	vld [tilespmem:s7+$0x8280]  }
0x24f: {  	v5 =	vadd.f32 v11, v9;
	[tilespmem:s7+$0xA180] =	vst v3;
	v4 =	vld [tilespmem:s7+$0xA280]  }
.Ltmp4:
0x250: {  	v6 =	vadd.f32 v6, v9;
	[tilespmem:s7+$0xC180] =	vst v2;
	v3 =	vld [tilespmem:s7+$0xC280];
	(pc) =	sbr.rel @p0 .LBB2_10-.Ltmp4, $4  }
0x251: {  	v7 =	vadd.f32 v7, v9;
	[tilespmem:s7+$0x6200] =	vst v5;
	v2 =	vld [tilespmem:s7+$0x300]  }
0x252: {  	v11 =	vadd.f32 v12, v9;
	[tilespmem:s7+$0x8200] =	vst v6;
	v5 =	vld [tilespmem:s7+$0x6300]  }
0x253: {  	v9 =	vadd.f32 v8, v1;
	[tilespmem:s7+$0xA200] =	vst v7;
	v6 =	vld [tilespmem:s7+$0x8300]  }
0x254: {  	s13 =	sadd.s32 $0x10, s13;
	v8 =	vadd.f32 v10, v1;
	[tilespmem:s7+$0xC200] =	vst v11;
	v7 =	vld [tilespmem:s7+$0xA300]  }
0x255: {  	[tilespmem:s7+$0x6280] =	vst v9;
	v4 =	vadd.f32 v4, v1;
	v9 =	vld [tilespmem:s7+$0xC300]  }
0x256: {  	v1 =	vadd.f32 v3, v1;
	[tilespmem:s7+$0x8280] =	vst v8  }
0x257: {  	[tilespmem:s7+$0xA280] =	vst v4;
	v3 =	vadd.f32 v5, v2  }
0x258: {  	[tilespmem:s7+$0xC280] =	vst v1;
	v1 =	vadd.f32 v6, v2  }
0x259: {  	[tilespmem:s7+$0x6300] =	vst v3;
	v3 =	vadd.f32 v7, v2  }
0x25a: {  	[tilespmem:s7+$0x8300] =	vst v1;
	v1 =	vadd.f32 v9, v2  }
0x25b: {  	s0 =	sor.u32 s0, s8;
	[tilespmem:s7+$0xA300] =	vst v3  }
0x25c: {  	s0 =	sor.u32 $0x380, s0;
	[tilespmem:s7+$0xC300] =	vst v1  }
0x25d: {  	v1 =	vld [tilespmem:s0+$0x0]  }
0x25e: {  	v2 =	vld [tilespmem:s0+$0x6000];
	_ =	sdelay $0x4  }
0x25f: {  	v2 =	vadd.f32 v2, v1;
	_ =	sdelay $0x1  }
0x260: {  	[tilespmem:s0+$0x6000] =	vst v2  }
0x261: {  	v2 =	vld [tilespmem:s7+$0xC380];
	_ =	sdelay $0x2  }
0x262: {  	v4 =	vld [tilespmem:s5+$0xA380]  }
0x263: {  	v3 =	vld [tilespmem:s5+$0x8380]  }
0x264: {  	v2 =	vadd.f32 v2, v1  }
0x265: {  	v5 =	vld [tilespmem:s7+$0xA380]  }
0x266: {  	[tilespmem:s7+$0xC380] =	vst v2;
	v2 =	vld [tilespmem:s7+$0x8380];
	_ =	sdelay $0x1  }
0x267: {  	v3 =	vadd.f32 v3, v0;
	v0 =	vadd.f32 v4, v0;
	_ =	sdelay $0x1  }
0x268: {  	[tilespmem:s5+$0xA380] =	vst v0;
	v0 =	vadd.f32 v5, v1  }
0x269: {  	[tilespmem:s5+$0x8380] =	vst v3;
	v2 =	vadd.f32 v2, v1  }
0x26a: {  	[tilespmem:s7+$0xA380] =	vst v0  }
0x26b: {  	[tilespmem:s7+$0x8380] =	vst v2  }
0x26c: {  	s13 =	simm.s32 $0x9;
	s0 =	rddreg [dreg:$0x8]  }
0x26d: {  	[hbm4b:s0+s17] =	stream.strided.scatter [tilespmem:s19], [sflag:$0x7], $0x8000, s18, s17, $0x38;
	[tilespmem:$0x1E000] =	vst v63  }
0x26e: {  	_ =	swait.ge [sflag:s13], $0x8000  }
0x26f: {  	[sflag:s13] =	ssyncset.done $0x0  }
0x270: {  	[sflag:s13] =	ssyncadd.s32 $0xFFFF8000  }
0x271: {  	_ =	swait.ge [sflag:s25], $0x2000  }
0x272: {  	[sflag:s25] =	ssyncset.done $0x0  }
0x273: {  	[sflag:s25] =	ssyncadd.s32 $0xFFFFE000  }
0x274: {  	s14 =	simm.s32 $0x0;
	_ =	swait.ge [sflag:s26], $0x8000  }
0x275: {  	s2 =	sand.u32 $0x70, s14;
	s16 =	sand.u32 $0x1C00, s14;
	[sflag:s26] =	ssyncset.done $0x0  }
0x276: {  	s5 =	sor.u32 s2, s16;
	[sflag:s26] =	ssyncadd.s32 $0xFFFF8000  }
0x277: {  	v0 =	vld [tilespmem:s5+$0x2000]  }
0x278: {  	v1 =	vld [tilespmem:s5+$0xE000]  }
0x279: {  	v2 =	vld [tilespmem:s5+$0x10000]  }
0x27a: {  	v3 =	vld [tilespmem:s5+$0x12000]  }
0x27b: {  	v4 =	vld [tilespmem:s5+$0x14000]  }
0x27c: {  	v5 =	vld [tilespmem:s5+$0x2080]  }
0x27d: {  	v6 =	vld [tilespmem:s5+$0xE080]  }
0x27e: {  	v7 =	vld [tilespmem:s5+$0x10080]  }
0x27f: {  	v8 =	vld [tilespmem:s5+$0x12080]  }
0x280: {  	v9 =	vld [tilespmem:s5+$0x14080]  }
0x281: {  	s8 =	simm.s32 $0x10;
	s12 =	simm.s32 $0x80;
	v10 =	vld [tilespmem:s5+$0x2100]  }
0x282: {  	s23 =	sand.u32 $0x70, s8;
	s31 =	sand.u32 $0x1C00, s12;
	v11 =	vld [tilespmem:s5+$0xE100]  }
0x283: {  	s7 =	sor.u32 s23, s31;
	v12 =	vld [tilespmem:s5+$0x10100]  }
0x284: {  	v56 =	vld [tilespmem:s7+$0x10000]  }
0x285: {  	v13 =	vld [tilespmem:s7+$0x12000]  }
0x286: {  	v14 =	vld [tilespmem:s7+$0x14000]  }
0x287: {  	v15 =	vld [tilespmem:s7+$0x2080]  }
0x288: {  	v16 =	vld [tilespmem:s7+$0xE080]  }
0x289: {  	v17 =	vld [tilespmem:s7+$0x10080]  }
0x28a: {  	v18 =	vld [tilespmem:s7+$0x12080]  }
0x28b: {  	v19 =	vld [tilespmem:s7+$0x14080];
	v1 =	vadd.f32 v1, v0  }
0x28c: {  	v20 =	vld [tilespmem:s7+$0x2100];
	v2 =	vadd.f32 v2, v0;
	v3 =	vadd.f32 v3, v0  }
0x28d: {  	v0 =	vadd.f32 v4, v0;
	v4 =	vadd.f32 v6, v5;
	v6 =	vld [tilespmem:s5+$0x10180];
	[tilespmem:s5+$0xE000] =	vst v1  }
0x28e: {  	v1 =	vld [tilespmem:s5+$0x12100];
	[tilespmem:s5+$0x10000] =	vst v2  }
0x28f: {  	v2 =	vld [tilespmem:s5+$0x14100];
	[tilespmem:s5+$0x12000] =	vst v3  }
0x290: {  	v8 =	vadd.f32 v8, v5;
	v3 =	vld [tilespmem:s5+$0x2180];
	[tilespmem:s5+$0x14000] =	vst v0  }
0x291: {  	v0 =	vld [tilespmem:s5+$0xE180];
	[tilespmem:s5+$0xE080] =	vst v4;
	v4 =	vadd.f32 v7, v5  }
0x292: {  	v7 =	vld [tilespmem:s5+$0x12180];
	v5 =	vadd.f32 v9, v5;
	[tilespmem:s5+$0x12080] =	vst v8  }
0x293: {  	v8 =	vld [tilespmem:s5+$0x2200];
	v9 =	vadd.f32 v11, v10;
	[tilespmem:s5+$0x10080] =	vst v4  }
0x294: {  	v11 =	vadd.f32 v12, v10;
	v4 =	vld [tilespmem:s5+$0x14180];
	[tilespmem:s5+$0x14080] =	vst v5  }
0x295: {  	v5 =	vld [tilespmem:s5+$0xE200];
	[tilespmem:s5+$0xE100] =	vst v9;
	v1 =	vadd.f32 v1, v10  }
0x296: {  	v9 =	vld [tilespmem:s5+$0x10200];
	[tilespmem:s5+$0x10100] =	vst v11;
	v2 =	vadd.f32 v2, v10  }
0x297: {  	v11 =	vld [tilespmem:s5+$0x12200];
	v7 =	vadd.f32 v7, v3;
	[tilespmem:s5+$0x12100] =	vst v1  }
0x298: {  	v0 =	vadd.f32 v0, v3;
	v10 =	vld [tilespmem:s7+$0xE000];
	[tilespmem:s5+$0x14100] =	vst v2  }
0x299: {  	v6 =	vadd.f32 v6, v3;
	[tilespmem:s5+$0x12180] =	vst v7;
	v7 =	vld [tilespmem:s7+$0x2000]  }
0x29a: {  	v1 =	vld [tilespmem:s5+$0x14200];
	[tilespmem:s5+$0xE180] =	vst v0;
	v3 =	vadd.f32 v4, v3  }
0x29b: {  	v2 =	vld [tilespmem:s5+$0x2280];
	[tilespmem:s5+$0x10180] =	vst v6;
	v5 =	vadd.f32 v5, v8  }
0x29c: {  	v0 =	vld [tilespmem:s5+$0xE280];
	v9 =	vadd.f32 v9, v8;
	[tilespmem:s5+$0x14180] =	vst v3  }
0x29d: {  	v4 =	vld [tilespmem:s5+$0x12280];
	v11 =	vadd.f32 v11, v8;
	[tilespmem:s5+$0xE200] =	vst v5  }
0x29e: {  	v6 =	vld [tilespmem:s5+$0x10280];
	[tilespmem:s5+$0x10200] =	vst v9;
	v10 =	vadd.f32 v10, v7  }
0x29f: {  	v3 =	vld [tilespmem:s5+$0x14280];
	[tilespmem:s5+$0x12200] =	vst v11;
	v12 =	vadd.f32 v56, v7;
	v1 =	vadd.f32 v1, v8  }
0x2a0: {  	v21 =	vld [tilespmem:s7+$0xE100];
	v13 =	vadd.f32 v13, v7;
	v7 =	vadd.f32 v14, v7;
	[tilespmem:s7+$0xE000] =	vst v10  }
0x2a1: {  	v57 =	vld [tilespmem:s5+$0xE300];
	v0 =	vadd.f32 v0, v2;
	[tilespmem:s5+$0x14200] =	vst v1  }
0x2a2: {  	v4 =	vadd.f32 v4, v2;
	v10 =	vld [tilespmem:s5+$0x2300];
	[tilespmem:s7+$0x14000] =	vst v7  }
0x2a3: {  	v11 =	vld [tilespmem:s5+$0x10300];
	[tilespmem:s5+$0xE280] =	vst v0;
	v0 =	vadd.f32 v6, v2  }
0x2a4: {  	v5 =	vld [tilespmem:s7+$0x10100];
	v2 =	vadd.f32 v3, v2;
	[tilespmem:s5+$0x12280] =	vst v4  }
0x2a5: {  	v1 =	vld [tilespmem:s5+$0x12300];
	[tilespmem:s5+$0x10280] =	vst v0;
	v0 =	vadd.f32 v18, v15  }
0x2a6: {  	v6 =	vld [tilespmem:s5+$0x14300];
	v4 =	vadd.f32 v19, v15;
	[tilespmem:s5+$0x14280] =	vst v2  }
0x2a7: {  	v58 =	vld [tilespmem:s7+$0x2180];
	[tilespmem:s7+$0x12080] =	vst v0;
	v0 =	vadd.f32 v57, v10  }
0x2a8: {  	v9 =	vld [tilespmem:s7+$0x12100];
	[tilespmem:s7+$0x14080] =	vst v4;
	v4 =	vadd.f32 v11, v10  }
0x2a9: {  	v61 =	vld [tilespmem:s7+$0x10180];
	[tilespmem:s5+$0xE300] =	vst v0;
	v0 =	vadd.f32 v5, v20  }
0x2aa: {  	v7 =	vld [tilespmem:s7+$0xE180];
	v1 =	vadd.f32 v1, v10;
	[tilespmem:s5+$0x10300] =	vst v4  }
0x2ab: {  	v62 =	vld [tilespmem:s7+$0x12180];
	[tilespmem:s7+$0x10100] =	vst v0;
	v0 =	vadd.f32 v6, v10  }
0x2ac: {  	s0 =	sor.u32 s14, s14;
	v59 =	vadd.f32 v16, v15;
	v8 =	vld [tilespmem:s7+$0x14100];
	[tilespmem:s5+$0x12300] =	vst v1  }
0x2ad: {  	s0 =	sor.u32 $0x380, s0;
	v3 =	vld [tilespmem:s7+$0x14180];
	v4 =	vadd.f32 v9, v20;
	[tilespmem:s5+$0x14300] =	vst v0  }
0x2ae: {  	v60 =	vadd.f32 v17, v15;
	[tilespmem:s7+$0xE080] =	vst v59;
	v0 =	vld [tilespmem:s0+$0x2000]  }
0x2af: {  	v2 =	vadd.f32 v21, v20;
	[tilespmem:s7+$0x12100] =	vst v4;
	v4 =	vadd.f32 v7, v58;
	v7 =	vld [tilespmem:s0+$0xE000]  }
0x2b0: {  	v63 =	vld [tilespmem:s7+$0x2200];
	[tilespmem:s7+$0x10080] =	vst v60  }
0x2b1: {  	[tilespmem:s7+$0xE100] =	vst v2;
	v2 =	vld [tilespmem:s7+$0x10200]  }
0x2b2: {  	[tilespmem:s7+$0x10000] =	vst v12;
	v11 =	vld [tilespmem:s7+$0xE200];
	v3 =	vadd.f32 v3, v58  }
0x2b3: {  	[tilespmem:s7+$0x12000] =	vst v13;
	v5 =	vld [tilespmem:s7+$0x12200];
	v1 =	vadd.f32 v8, v20  }
0x2b4: {  	v9 =	vld [tilespmem:s7+$0xE280];
	[tilespmem:s7+$0x14180] =	vst v3;
	v7 =	vadd.f32 v7, v0  }
0x2b5: {  	v8 =	vadd.f32 v61, v58;
	v3 =	vld [tilespmem:s7+$0x14280];
	[tilespmem:s7+$0x14100] =	vst v1  }
0x2b6: {  	v6 =	vld [tilespmem:s7+$0x14200];
	[tilespmem:s0+$0xE000] =	vst v7  }
0x2b7: {  	[tilespmem:s7+$0x10180] =	vst v8;
	v10 =	vadd.f32 v11, v63;
	v7 =	vld [tilespmem:s5+$0x14380]  }
0x2b8: {  	v1 =	vld [tilespmem:s7+$0x2280];
	[tilespmem:s7+$0xE180] =	vst v4;
	v4 =	vadd.f32 v62, v58  }
0x2b9: {  	v8 =	vld [tilespmem:s7+$0x10280];
	v11 =	vadd.f32 v2, v63;
	[tilespmem:s7+$0xE200] =	vst v10  }
0x2ba: {  	v10 =	vadd.f32 v5, v63;
	[tilespmem:s7+$0x12180] =	vst v4;
	v4 =	vld [tilespmem:s7+$0x12280]  }
0x2bb: {  	v2 =	vld [tilespmem:s7+$0x2300];
	[tilespmem:s7+$0x10200] =	vst v11;
	v11 =	vadd.f32 v6, v63  }
0x2bc: {  	v5 =	vld [tilespmem:s7+$0xE300];
	[tilespmem:s7+$0x12200] =	vst v10;
	v7 =	vadd.f32 v7, v0  }
0x2bd: {  	v6 =	vld [tilespmem:s7+$0x10300];
	v9 =	vadd.f32 v9, v1;
	[tilespmem:s7+$0x14200] =	vst v11  }
0x2be: {  	s13 =	simm.s32 $0x20;
	v8 =	vadd.f32 v8, v1;
	s0 =	simm.s32 $0x80;
	[tilespmem:s5+$0x14380] =	vst v7;
	v7 =	vld [tilespmem:s7+$0x12300]  }
.LBB2_12:
0x2bf: {  	p0 =	sne.s32 s13, $0x3F0;
	[tilespmem:s7+$0xE280] =	vst v9;
	v4 =	vadd.f32 v4, v1;
	v9 =	vld [tilespmem:s7+$0x14300];
	s12 =	sadd.s32 $0x80, s12  }
0x2c0: {  	s2 =	sand.u32 $0x70, s13;
	v1 =	vadd.f32 v3, v1;
	s14 =	sand.u32 $0x1C00, s12;
	[tilespmem:s7+$0x10280] =	vst v8;
	v3 =	vld [tilespmem:s5+$0x10380]  }
0x2c1: {  	s2 =	sor.u32 s2, s14;
	[tilespmem:s7+$0x12280] =	vst v4;
	v4 =	vadd.f32 v5, v2;
	v5 =	vld [tilespmem:s5+$0x12380]  }
0x2c2: {  	v8 =	vld [tilespmem:s2+$0x2000];
	[tilespmem:s7+$0x14280] =	vst v1;
	v1 =	vadd.f32 v6, v2  }
0x2c3: {  	v6 =	vld [tilespmem:s2+$0xE000];
	[tilespmem:s7+$0xE300] =	vst v4;
	v4 =	vadd.f32 v7, v2  }
0x2c4: {  	v7 =	vld [tilespmem:s2+$0x10000];
	[tilespmem:s7+$0x10300] =	vst v1;
	v1 =	vadd.f32 v9, v2  }
0x2c5: {  	s14 =	sor.u32 s0, s8;
	s0 =	smov.u32 s12;
	s8 =	smov.u32 s13;
	v2 =	vld [tilespmem:s2+$0x12000];
	[tilespmem:s7+$0x12300] =	vst v4;
	v3 =	vadd.f32 v3, v0  }
0x2c6: {  	s14 =	sor.u32 $0x380, s14;
	v4 =	vld [tilespmem:s2+$0x14000];
	[tilespmem:s7+$0x14300] =	vst v1;
	v1 =	vadd.f32 v5, v0  }
0x2c7: {  	v0 =	vld [tilespmem:s14+$0x2000];
	[tilespmem:s5+$0x10380] =	vst v3  }
0x2c8: {  	v3 =	vld [tilespmem:s14+$0xE000];
	[tilespmem:s5+$0x12380] =	vst v1;
	s5 =	smov.u32 s7;
	s7 =	smov.u32 s2  }
0x2c9: {  	v1 =	vld [tilespmem:s7+$0x2080]  }
0x2ca: {  	v5 =	vld [tilespmem:s7+$0xE080]  }
0x2cb: {  	v9 =	vld [tilespmem:s7+$0x10080]  }
0x2cc: {  	v10 =	vld [tilespmem:s7+$0x12080]  }
0x2cd: {  	v11 =	vld [tilespmem:s7+$0x14080];
	v3 =	vadd.f32 v3, v0  }
0x2ce: {  	v12 =	vld [tilespmem:s7+$0x2100]  }
0x2cf: {  	v13 =	vld [tilespmem:s7+$0xE100];
	[tilespmem:s14+$0xE000] =	vst v3  }
0x2d0: {  	v3 =	vadd.f32 v6, v8;
	v6 =	vld [tilespmem:s5+$0x14380]  }
0x2d1: {  	v7 =	vadd.f32 v7, v8;
	v14 =	vld [tilespmem:s7+$0x10100]  }
0x2d2: {  	v2 =	vadd.f32 v2, v8;
	[tilespmem:s7+$0xE000] =	vst v3;
	v3 =	vld [tilespmem:s7+$0x12100]  }
0x2d3: {  	v4 =	vadd.f32 v4, v8;
	[tilespmem:s7+$0x10000] =	vst v7;
	v7 =	vld [tilespmem:s7+$0x14100]  }
0x2d4: {  	[tilespmem:s7+$0x12000] =	vst v2;
	v2 =	vadd.f32 v5, v1;
	v5 =	vld [tilespmem:s7+$0x2180]  }
0x2d5: {  	[tilespmem:s7+$0x14000] =	vst v4;
	v4 =	vld [tilespmem:s7+$0xE180];
	v6 =	vadd.f32 v6, v0  }
0x2d6: {  	[tilespmem:s7+$0xE080] =	vst v2;
	v2 =	vadd.f32 v9, v1;
	v8 =	vld [tilespmem:s7+$0x10180]  }
0x2d7: {  	v9 =	vadd.f32 v10, v1;
	v10 =	vld [tilespmem:s7+$0x12180];
	[tilespmem:s5+$0x14380] =	vst v6  }
0x2d8: {  	v1 =	vadd.f32 v11, v1;
	[tilespmem:s7+$0x10080] =	vst v2;
	v2 =	vld [tilespmem:s7+$0x14180]  }
0x2d9: {  	v6 =	vadd.f32 v13, v12;
	[tilespmem:s7+$0x12080] =	vst v9;
	v9 =	vld [tilespmem:s7+$0x2200]  }
0x2da: {  	[tilespmem:s7+$0x14080] =	vst v1;
	v1 =	vadd.f32 v14, v12;
	v11 =	vld [tilespmem:s7+$0xE200]  }
0x2db: {  	v3 =	vadd.f32 v3, v12;
	[tilespmem:s7+$0xE100] =	vst v6;
	v6 =	vld [tilespmem:s7+$0x10200]  }
0x2dc: {  	[tilespmem:s7+$0x10100] =	vst v1;
	v1 =	vadd.f32 v7, v12;
	v7 =	vld [tilespmem:s7+$0x12200]  }
0x2dd: {  	[tilespmem:s7+$0x12100] =	vst v3;
	v3 =	vadd.f32 v4, v5;
	v12 =	vld [tilespmem:s7+$0x14200]  }
0x2de: {  	v4 =	vadd.f32 v8, v5;
	[tilespmem:s7+$0x14100] =	vst v1;
	v1 =	vld [tilespmem:s7+$0x2280]  }
0x2df: {  	[tilespmem:s7+$0xE180] =	vst v3;
	v3 =	vadd.f32 v10, v5;
	v8 =	vld [tilespmem:s7+$0xE280]  }
0x2e0: {  	v2 =	vadd.f32 v2, v5;
	[tilespmem:s7+$0x10180] =	vst v4;
	v10 =	vld [tilespmem:s7+$0x10280]  }
0x2e1: {  	v5 =	vadd.f32 v11, v9;
	[tilespmem:s7+$0x12180] =	vst v3;
	v4 =	vld [tilespmem:s7+$0x12280]  }
.Ltmp5:
0x2e2: {  	v6 =	vadd.f32 v6, v9;
	[tilespmem:s7+$0x14180] =	vst v2;
	v3 =	vld [tilespmem:s7+$0x14280];
	(pc) =	sbr.rel @p0 .LBB2_12-.Ltmp5, $4  }
0x2e3: {  	v7 =	vadd.f32 v7, v9;
	[tilespmem:s7+$0xE200] =	vst v5;
	v2 =	vld [tilespmem:s7+$0x2300]  }
0x2e4: {  	v11 =	vadd.f32 v12, v9;
	[tilespmem:s7+$0x10200] =	vst v6;
	v5 =	vld [tilespmem:s7+$0xE300]  }
0x2e5: {  	v9 =	vadd.f32 v8, v1;
	[tilespmem:s7+$0x12200] =	vst v7;
	v6 =	vld [tilespmem:s7+$0x10300]  }
0x2e6: {  	s13 =	sadd.s32 $0x10, s13;
	v8 =	vadd.f32 v10, v1;
	[tilespmem:s7+$0x14200] =	vst v11;
	v7 =	vld [tilespmem:s7+$0x12300]  }
0x2e7: {  	[tilespmem:s7+$0xE280] =	vst v9;
	v4 =	vadd.f32 v4, v1;
	v51 =	vld [tilespmem:s7+$0x14300]  }
0x2e8: {  	v52 =	vadd.f32 v3, v1;
	[tilespmem:s7+$0x10280] =	vst v8  }
0x2e9: {  	[tilespmem:s7+$0x12280] =	vst v4;
	v53 =	vadd.f32 v5, v2  }
0x2ea: {  	[tilespmem:s7+$0x14280] =	vst v52;
	v54 =	vadd.f32 v6, v2  }
0x2eb: {  	[tilespmem:s7+$0xE300] =	vst v53;
	v55 =	vadd.f32 v7, v2  }
0x2ec: {  	[tilespmem:s7+$0x10300] =	vst v54;
	v56 =	vadd.f32 v51, v2  }
0x2ed: {  	s0 =	sor.u32 s0, s8;
	[tilespmem:s7+$0x12300] =	vst v55  }
0x2ee: {  	s0 =	sor.u32 $0x380, s0;
	[tilespmem:s7+$0x14300] =	vst v56  }
0x2ef: {  	v1 =	vld [tilespmem:s0+$0x2000]  }
0x2f0: {  	v57 =	vld [tilespmem:s0+$0xE000];
	_ =	sdelay $0x4  }
0x2f1: {  	v2 =	vadd.f32 v57, v1  }
0x2f2: {  	v58 =	vld [tilespmem:s5+$0x10380]  }
0x2f3: {  	v59 =	vld [tilespmem:s5+$0x12380];
	[tilespmem:s0+$0xE000] =	vst v2  }
0x2f4: {  	v2 =	vld [tilespmem:s7+$0x14380]  }
0x2f5: {  	v61 =	vld [tilespmem:s7+$0x12380]  }
0x2f6: {  	v60 =	vld [tilespmem:s7+$0x10380]  }
0x2f7: {  	v3 =	vadd.f32 v58, v0  }
0x2f8: {  	v62 =	vadd.f32 v59, v0  }
0x2f9: {  	[tilespmem:s5+$0x10380] =	vst v3;
	v2 =	vadd.f32 v2, v1  }
0x2fa: {  	[tilespmem:s5+$0x12380] =	vst v62;
	v63 =	vadd.f32 v61, v1  }
0x2fb: {  	[tilespmem:s7+$0x14380] =	vst v2;
	v2 =	vadd.f32 v60, v1  }
0x2fc: {  	[tilespmem:s7+$0x12380] =	vst v63  }
0x2fd: {  	[tilespmem:s7+$0x10380] =	vst v2  }
0x2fe: {  	s0 =	rddreg [dreg:$0x9]  }
0x2ff: {  	[hbm4b:s0+s17] =	stream.strided.scatter [tilespmem:s20], [sflag:$0x8], $0x8000, s18, s17, $0x38;
	[tilespmem:$0x1E000] =	vst v63  }
0x300: {  	_ =	swait.ge [sflag:s28], $0x8000  }
0x301: {  	[sflag:s28] =	ssyncset.done $0x0  }
0x302: {  	[sflag:s28] =	ssyncadd.s32 $0xFFFF8000  }
0x303: {  	_ =	swait.ge [sflag:s15], $0x8000  }
0x304: {  	s2 =	rddreg [dreg:$0xb]  }
0x305: {  	s31 =	rddreg [dreg:$0xa];
	s2 =	sadd.s32 $0x1, s2  }
0x306: {  	p0 =	sne.s32 s2, s31  }
.Ltmp6:
0x307: {  	_ = 	snop;
	(pc) =	sbr.rel @p0 .LBB2_1-.Ltmp6, $3  }
0x308: {  	_ =	sdelay $0x1  }
0x309: {  	[sflag:s15] =	ssyncset.done $0x0  }
0x30a: {  	[sflag:s15] =	ssyncadd.s32 $0xFFFF8000  }
0x30b: {  	_ =	sfence.sel $0x180000  }
0x30c: {  	[bflag:$0x0] =	sbarrier.arrive $0xFFFF  }
0x30d: {  	_ =	strace $0x90000047  }
0x30e: {  	s0 =	stileid.u32;
	[bflag:$0x2] =	sbarrier.arrive $0xFFFF  }
0x30f: {  	p0 =	sne.s32 s0, $0x0;
	s0 =	rddreg [dreg:$0x3]  }
0x310: {  	s0 =	sadd.s32 @!p0 $0x100000, s0  }
0x311: {  	[sflag:s0] =	ssyncadd.tile.s32 @!p0 $0x1;
	_ =	shalt  }
.Lfunc_end2:
_tile_overlayer_lowered:
.L_overlay_start_2:
0x312: {  	(tag) =	ssettag $0x2  }
0x313: {  	s0 =	rddreg [dreg:$0x0];
	s2 =	stileid.u32  }
0x314: {  	s1 =	rddreg [dreg:$0x1];
	p0 =	sne.s32 s2, $0x0  }
0x315: {  	s3 =	rddreg [dreg:$0x2];
	[bflag:$0x3] =	sbarrier.arrive $0xFFFF;
	s2 =	simm.s32 @!p0 $0x1C0A  }
0x316: {  	[timem:s3], [sflag:s2] =	dma.local @!p0 [hbm:s0], s1  }
0x317: {  	s0 =	simm.s32 @!p0 $0xA  }
0x318: {  	_ =	swait.ge @!p0 [sflag:s0], s1  }
0x319: {  	s1 =	ssub.s32 @!p0 $0x0, s1;
	[sflag:s0] =	ssyncset.done @!p0 $0x0  }
0x31a: {  	[sflag:s0] =	ssyncadd.s32 @!p0 s1  }
0x31b: {  	[bflag:$0x3] =	sbarrier.arrive $0xFFFF  }
0x31c: {  	_ =	shalt  }

</sc_bundles>
